<compile_context>
chip_gen: v7x
topology: tpu7x:2x2x1
jax: 0.10.2.dev20260603
libtpu: 0.0.44.dev20260713+nightly
codegen_flags: <defaults>
</compile_context>

<pallas_src>
import jax
import jax.numpy as jnp
from jax import lax
from jax.experimental import pallas as pl
from jax.experimental.pallas import tpu as pltpu
from jax.experimental.pallas import tpu_sc as plsc

_N = 10000
_E = 320000
_D = 128
_NC = 2
_NS = 16
_NW = _NC * _NS
_EPT = _E // _NW
_CHUNK = 88
_EPTP = 10032
_NCHUNK = _EPTP // _CHUNK
_NPAD = 10112
_RPT = _NPAD // _NS

_NHIST = 10240
_SPT = _NHIST // _NS

_mesh = plsc.VectorSubcoreMesh(core_axis_name="c", subcore_axis_name="s")

import dataclasses as _dc
_cp = pltpu.CompilerParams()
if "needs_layout_passes" in pltpu.CompilerParams.__dataclass_fields__:
    _cp = _dc.replace(_cp, needs_layout_passes=False)


def _fill_rows(buf, nrows, value_for_lane_block):
    for l in range(8):
        v = jnp.full((16,), value_for_lane_block(l), jnp.float32)

        @pl.loop(0, nrows)
        def _(r):
            buf[r, pl.ds(16 * l, 16)] = v


def _zero_acc_slice(zbuf8, acc_sh, s):
    @pl.loop(0, _RPT // 8)
    def _(j):
        pltpu.sync_copy(zbuf8, acc_sh.at[pl.ds(s * _RPT + 8 * j, 8)])




def _deg_body(idx_hbm, out_hbm, idx_v, ho_v, hi_v, mrg_v, row_v, stage_sh):
    c = lax.axis_index("c")
    s = lax.axis_index("s")
    wid = s * _NC + c
    z16 = jnp.zeros((16,), jnp.float32)
    ones16 = jnp.full((16,), 1.0, jnp.float32)

    @pl.loop(0, _NHIST // 16)
    def _(t):
        ho_v[pl.ds(16 * t, 16)] = z16
        hi_v[pl.ds(16 * t, 16)] = z16

    for k, hv in ((0, ho_v), (1, hi_v)):
        pltpu.sync_copy(idx_hbm.at[k, wid], idx_v)

        @pl.loop(0, _EPT // 16)
        def _(t):
            iv = idx_v[pl.ds(16 * t, 16)]
            plsc.addupdate_scatter(hv, [iv], ones16)

    pltpu.sync_copy(ho_v, stage_sh.at[s, 0])
    pltpu.sync_copy(hi_v, stage_sh.at[s, 1])
    plsc.subcore_barrier()

    for k, hv in ((0, ho_v), (1, hi_v)):
        pltpu.sync_copy(stage_sh.at[:, k, pl.ds(s * _SPT, _SPT)], mrg_v)

        @pl.loop(0, _SPT // 16)
        def _(u):
            acc = mrg_v[0, pl.ds(16 * u, 16)]
            for r in range(1, _NS):
                acc = acc + mrg_v[r, pl.ds(16 * u, 16)]
            hv[pl.ds(16 * u, 16)] = acc

    @pl.loop(0, _SPT // 64)
    def _(g):
        @pl.loop(0, 4)
        def _(q):
            vo = ho_v[pl.ds(64 * g + 16 * q, 16)]
            vi = hi_v[pl.ds(64 * g + 16 * q, 16)]
            for e in range(16):
                r = 16 * q + e
                row_v[r, pl.ds(0, 16)] = jnp.full((16,), 1.0,
                                                  jnp.float32) * vo[e]
                row_v[r, pl.ds(64, 16)] = jnp.full((16,), 1.0,
                                                   jnp.float32) * vi[e]

        pltpu.sync_copy(row_v,
                        out_hbm.at[c, pl.ds(s * _SPT + 64 * g, 64)])


def _sc_degrees(idx3):
    f = pl.kernel(
        _deg_body,
        out_type=jax.ShapeDtypeStruct((_NC, _NHIST, _D), jnp.float32),
        mesh=_mesh,
        compiler_params=_cp,
        scratch_types=[
            pltpu.VMEM((_EPT,), jnp.int32),
            pltpu.VMEM((_NHIST,), jnp.float32),
            pltpu.VMEM((_NHIST,), jnp.float32),
            pltpu.VMEM((_NS, _SPT), jnp.float32),
            pltpu.VMEM((64, _D), jnp.float32),
            pltpu.VMEM_SHARED((_NS, 2, _NHIST), jnp.float32),
        ],
    )
    return f(idx3)


_HLEN = (64, _NCHUNK - 64)


def _agg_phase(h_hbm, acc_sh, srcb, dstb, buf_v, sem, n):
    def gather(j, b):
        return pltpu.async_copy(h_hbm.at[srcb.at[j]], buf_v.at[b], sem)

    def wait(j, b):
        pltpu.make_async_copy(h_hbm.at[srcb.at[j]], buf_v.at[b], sem).wait()

    def scatter(j, b):
        pltpu.sync_copy(buf_v.at[b], acc_sh.at[dstb.at[j]], add=True)

    gather(0, 0)

    @pl.loop(0, n // 2)
    def _(i):
        j = 2 * i
        wait(j, 0)
        gather(j + 1, 1)
        scatter(j, 0)
        wait(j + 1, 1)

        @pl.when(j + 2 < n)
        def _():
            gather(j + 2, 0)

        scatter(j + 1, 1)

    if n % 2:
        wait(n - 1, 0)
        scatter(n - 1, 0)


def _agg_body(h_hbm, src_hbm, dst_hbm, out_hbm,
              src_v, dst_v, buf_v, sem, acc_sh):
    c = lax.axis_index("c")
    s = lax.axis_index("s")
    wid = s * _NC + c
    _fill_rows(buf_v.at[0], 8, lambda l: 0.0)
    _zero_acc_slice(buf_v.at[0].at[pl.ds(0, 8)], acc_sh, s)
    plsc.subcore_barrier()

    for h, n in enumerate(_HLEN):
        base = h * _HLEN[0]
        pltpu.sync_copy(src_hbm.at[wid, pl.ds(base, n)], src_v.at[pl.ds(0, n)])
        pltpu.sync_copy(dst_hbm.at[wid, pl.ds(base, n)], dst_v.at[pl.ds(0, n)])
        _agg_phase(h_hbm, acc_sh, src_v, dst_v, buf_v, sem, n)

    plsc.subcore_barrier()
    pltpu.sync_copy(acc_sh.at[pl.ds(s * _RPT, _RPT)],
                    out_hbm.at[c, pl.ds(s * _RPT, _RPT)])


def _sc_aggregate(h, src3, dst3):
    f = pl.kernel(
        _agg_body,
        out_type=jax.ShapeDtypeStruct((_NC, _NPAD, _D), jnp.float32),
        mesh=_mesh,
        scratch_types=[
            pltpu.VMEM((_HLEN[0], _CHUNK), jnp.int32),
            pltpu.VMEM((_HLEN[0], _CHUNK), jnp.int32),
            pltpu.VMEM((2, _CHUNK, _D), jnp.float32),
            pltpu.SemaphoreType.DMA,
            pltpu.VMEM_SHARED((_NPAD, _D), jnp.float32),
        ],
    )
    return f(h, src3, dst3)



_BLK = 1000
_NBLK = _N // _BLK


def _norm_from(degp_ref, k):
    deg = degp_ref[0, :, 64 * k] + degp_ref[1, :, 64 * k]
    return lax.rsqrt(jnp.maximum(deg, 1.0))


def _scale_body(feat_ref, degp_ref, o_ref):
    o_ref[...] = feat_ref[...] * _norm_from(degp_ref, 0)[:, None]


def _tc_scale_src(features, degp):
    return pl.pallas_call(
        _scale_body,
        grid=(_NBLK,),
        in_specs=[
            pl.BlockSpec((_BLK, _D), lambda i: (i, 0)),
            pl.BlockSpec((_NC, _BLK, _D), lambda i: (0, i, 0)),
        ],
        out_specs=pl.BlockSpec((_BLK, _D), lambda i: (i, 0)),
        out_shape=jax.ShapeDtypeStruct((_NPAD, _D), jnp.float32),
    )(features, degp)


def _mid_body(aggp_ref, degp_ref, w_ref, b_ref, o_ref):
    agg = aggp_ref[0] + aggp_ref[1]
    agg = agg * _norm_from(degp_ref, 1)[:, None]
    x = lax.dot_general(agg, w_ref[...], (((1,), (0,)), ((), ())),
                        precision=lax.Precision.HIGHEST,
                        preferred_element_type=jnp.float32)
    x = jnp.maximum(x + b_ref[...], 0.0)
    o_ref[...] = x * _norm_from(degp_ref, 0)[:, None]


def _tc_mid(aggp, degp, W, b):
    return pl.pallas_call(
        _mid_body,
        grid=(_NBLK,),
        in_specs=[
            pl.BlockSpec((_NC, _BLK, _D), lambda i: (0, i, 0)),
            pl.BlockSpec((_NC, _BLK, _D), lambda i: (0, i, 0)),
            pl.BlockSpec((_D, _D), lambda i: (0, 0)),
            pl.BlockSpec((1, _D), lambda i: (0, 0)),
        ],
        out_specs=pl.BlockSpec((_BLK, _D), lambda i: (i, 0)),
        out_shape=jax.ShapeDtypeStruct((_NPAD, _D), jnp.float32),
    )(aggp, degp, W, b.reshape(1, _D))


def _head_body(aggp_ref, degp_ref, w_ref, b_ref, wc_ref, bc_ref,
               o_ref, acc_ref):
    i = pl.program_id(0)
    agg = aggp_ref[0] + aggp_ref[1]
    agg = agg * _norm_from(degp_ref, 1)[:, None]
    x = lax.dot_general(agg, w_ref[...], (((1,), (0,)), ((), ())),
                        precision=lax.Precision.HIGHEST,
                        preferred_element_type=jnp.float32)
    x = jnp.maximum(x + b_ref[...], 0.0)
    part = jnp.sum(x, axis=0, keepdims=True)

    @pl.when(i == 0)
    def _():
        acc_ref[...] = jnp.zeros_like(acc_ref)

    acc_ref[0:1, :] += part

    @pl.when(i == _NBLK - 1)
    def _():
        hg = acc_ref[0:1, :] * (1.0 / _N)
        o_ref[...] = lax.dot_general(
            hg, wc_ref[...], (((1,), (0,)), ((), ())),
            precision=lax.Precision.HIGHEST,
            preferred_element_type=jnp.float32) + bc_ref[...]


def _tc_head(aggp, degp, W, b, Wc, bc):
    return pl.pallas_call(
        _head_body,
        grid=(_NBLK,),
        in_specs=[
            pl.BlockSpec((_NC, _BLK, _D), lambda i: (0, i, 0)),
            pl.BlockSpec((_NC, _BLK, _D), lambda i: (0, i, 0)),
            pl.BlockSpec((_D, _D), lambda i: (0, 0)),
            pl.BlockSpec((1, _D), lambda i: (0, 0)),
            pl.BlockSpec((_D, 10), lambda i: (0, 0)),
            pl.BlockSpec((1, 10), lambda i: (0, 0)),
        ],
        out_specs=pl.BlockSpec((1, 10), lambda i: (0, 0)),
        out_shape=jax.ShapeDtypeStruct((1, 10), jnp.float32),
        scratch_shapes=[pltpu.VMEM((8, _D), jnp.float32)],
    )(aggp, degp, W, b.reshape(1, _D), Wc, bc.reshape(1, 10))




def kernel(features, edge_index, W1, b1, W2, b2, Wc, bc):
    idx3 = edge_index.reshape(2, _NW, _EPT)
    idxp = jnp.pad(idx3, ((0, 0), (0, 0), (0, _EPTP - _EPT)),
                   constant_values=_NPAD - 1)
    idx4 = idxp.reshape(2, _NW, _NCHUNK, _CHUNK)
    src3 = idx4[0]
    dst3 = idx4[1]

    degp = _sc_degrees(idx3)
    h1 = _tc_scale_src(features, degp)
    agg1 = _sc_aggregate(h1, src3, dst3)
    h2 = _tc_mid(agg1, degp, W1, b1)
    agg2 = _sc_aggregate(h2, src3, dst3)
    return _tc_head(agg2, degp, W2, b2, Wc, bc)

# --- scband reference (transcript-rebuilt; emitter-appended) ---
"""Pipeline reference for scband-gin-24893630447616 (READ-ONLY COPY).

The authoritative reference and input builder live on the scoring server;
editing this copy changes nothing except your own understanding.
"""

import jax, jax.numpy as jnp
import numpy as np

N = 10000
E = 320000
D_IN = 128
D_HID = 128
D_OUT = 10


def setup_inputs(seed: int = 0) -> dict:
    key = jax.random.key(seed)
    ks = jax.random.split(key, 9)
    features = jax.random.normal(ks[0], (N, D_IN), dtype=jnp.float32)
    edge_index = jax.random.randint(ks[1], (2, E), 0, N, dtype=jnp.int32)
    W1 = jax.random.normal(ks[2], (D_IN, D_HID), dtype=jnp.float32) * (1.0 / np.sqrt(D_IN))
    b1 = jnp.zeros((D_HID,), dtype=jnp.float32)
    W2 = jax.random.normal(ks[3], (D_HID, D_HID), dtype=jnp.float32) * (1.0 / np.sqrt(D_HID))
    b2 = jnp.zeros((D_HID,), dtype=jnp.float32)
    Wc = jax.random.normal(ks[4], (D_HID, D_OUT), dtype=jnp.float32) * (1.0 / np.sqrt(D_HID))
    bc = jnp.zeros((D_OUT,), dtype=jnp.float32)
    return {"features": features, "edge_index": edge_index,
            "W1": W1, "b1": b1, "W2": W2, "b2": b2, "Wc": Wc, "bc": bc}


def reference(features, edge_index, W1, b1, W2, b2, Wc, bc):
    src = edge_index[0]
    dst = edge_index[1]
    ones = jnp.ones((E,), dtype=jnp.float32)
    deg_out = jnp.zeros((N,), dtype=jnp.float32).at[src].add(ones)
    deg_in = jnp.zeros((N,), dtype=jnp.float32).at[dst].add(ones)
    norm_src = jax.lax.rsqrt(jnp.clip(deg_out, 1.0, None))
    norm_dst = jax.lax.rsqrt(jnp.clip(deg_in, 1.0, None))

    def graph_conv(x, W, b):
        # DGL GraphConv with norm='both': D^{-1/2} A D^{-1/2} X W + b
        h = x * norm_src[:, None]
        msg = jnp.take(h, src, axis=0)
        agg = jnp.zeros((N, x.shape[1]), dtype=x.dtype).at[dst].add(msg)
        agg = agg * norm_dst[:, None]
        return agg @ W + b

    x = jax.nn.relu(graph_conv(features, W1, b1))
    x = jax.nn.relu(graph_conv(x, W2, b2))
    hg = jnp.mean(x, axis=0, keepdims=True)  # dgl.mean_nodes on a single graph
    return hg @ Wc + bc

if __name__ == "__main__":
    import jax
    _d = setup_inputs()
    print(jax.jit(kernel)(*tuple(_d.values())))

</pallas_src>

<mosaic_0001>
#map = affine_map<(d0, d1) -> (0, 0, 0)>
module attributes {stable_mosaic.version = 14 : i64} {
  func.func @_deg_body(%arg0: i32, %arg1: i32, %arg2: memref<2x32x10000xi32, #tpu.memory_space<hbm>>, %arg3: memref<2x10240x128xf32, #tpu.memory_space<hbm>>, %arg4: memref<10000xi32, #tpu.memory_space<vmem>>, %arg5: memref<10240xf32, #tpu.memory_space<vmem>>, %arg6: memref<10240xf32, #tpu.memory_space<vmem>>, %arg7: memref<16x640xf32, #tpu.memory_space<vmem>>, %arg8: memref<64x128xf32, #tpu.memory_space<vmem>>, %arg9: memref<16x2x10240xf32, #tpu.memory_space<vmem_shared>>) attributes {dimension_semantics = [#tpu.dimension_semantics<core_parallel>, #tpu.dimension_semantics<subcore_parallel>], iteration_bounds = array<i64: 2, 16>, scalar_prefetch = 0 : i64, scratch_operands = 6 : i64, tpu.core_type = #tpu.core_type<sc_vector_subcore>, window_params = [{transform_indices = #map}, {transform_indices = #map}]} {
    %mul3A = arith.constant 2 : i32
    %mul3A_0 = arith.muli %arg1, %mul3A : i32
    %add3A = arith.addi %mul3A_0, %arg0 : i32
    %broadcast_in_dim3A = arith.constant 0.000000e+00 : f32
    %broadcast_in_dim3A_1 = vector.broadcast %broadcast_in_dim3A : f32 to vector<16xf32>
    %broadcast_in_dim3A_2 = arith.constant 1.000000e+00 : f32
    %broadcast_in_dim3A_3 = vector.broadcast %broadcast_in_dim3A_2 : f32 to vector<16xf32>
    %scan3A = arith.constant 0 : i32
    %scan3A_4 = arith.constant 640 : i32
    %scan3A_5 = arith.addi %scan3A, %scan3A_4 : i32
    %scan3A_6 = arith.constant 1 : i32
    scf.for %scan3A_42 = %scan3A to %scan3A_5 step %scan3A_6  : i32 {
      %mul3A_43 = arith.constant 1 : i32
      %mul3A_44 = arith.muli %scan3A_42, %mul3A_43 : i32
      %add3A_45 = arith.constant 0 : i32
      %add3A_46 = arith.addi %add3A_45, %mul3A_44 : i32
      %mul3A_47 = arith.constant 16 : i32
      %mul3A_48 = arith.muli %mul3A_47, %add3A_46 : i32
      %swap3A = arith.index_cast %mul3A_48 : i32 to index
      %swap3A_49 = tpu.vector_load %arg5[%swap3A] {strides = array<i32>} : memref<10240xf32, #tpu.memory_space<vmem>>, vector<16xf32>,
      tpu.vector_store %arg5[%swap3A], %broadcast_in_dim3A_1 {strides = array<i32>} : memref<10240xf32, #tpu.memory_space<vmem>>, vector<16xf32>,
      %mul3A_50 = arith.constant 16 : i32
      %mul3A_51 = arith.muli %mul3A_50, %add3A_46 : i32
      %swap3A_52 = arith.index_cast %mul3A_51 : i32 to index
      %swap3A_53 = tpu.vector_load %arg6[%swap3A_52] {strides = array<i32>} : memref<10240xf32, #tpu.memory_space<vmem>>, vector<16xf32>,
      tpu.vector_store %arg6[%swap3A_52], %broadcast_in_dim3A_1 {strides = array<i32>} : memref<10240xf32, #tpu.memory_space<vmem>>, vector<16xf32>,
    }
    %scan3A_7 = arith.constant 640 : i32
    %run_scoped3A = arith.constant 0 : i32
    "tpu.region"() ({
      %run_scoped3A_42 = tpu.sem_alloc : memref<!tpu.dma_semaphore, #tpu.memory_space<semaphore_mem>>
      %dma_start3A = arith.constant 0 : i32
      %dma_start3A_43 = tpu.memref_slice %arg2[%run_scoped3A, %add3A, %dma_start3A] : memref<2x32x10000xi32, #tpu.memory_space<hbm>> -> memref<1x1x10000xi32, #tpu.memory_space<hbm>>
      %dma_start3A_44 = tpu.memref_squeeze %dma_start3A_43 : memref<1x1x10000xi32, #tpu.memory_space<hbm>> -> memref<10000xi32, #tpu.memory_space<hbm>>
      %dma_start3A_45 = arith.constant 0 : i32
      %dma_start3A_46 = tpu.memref_slice %arg2[%run_scoped3A, %add3A, %dma_start3A_45] : memref<2x32x10000xi32, #tpu.memory_space<hbm>> -> memref<1x1x10000xi32, #tpu.memory_space<hbm>>
      %dma_start3A_47 = tpu.memref_squeeze %dma_start3A_46 : memref<1x1x10000xi32, #tpu.memory_space<hbm>> -> memref<10000xi32, #tpu.memory_space<hbm>>
      tpu.enqueue_dma source(%dma_start3A_47 : memref<10000xi32, #tpu.memory_space<hbm>>) target(%arg4 : memref<10000xi32, #tpu.memory_space<vmem>>) target_semaphore(%run_scoped3A_42 : memref<!tpu.dma_semaphore, #tpu.memory_space<semaphore_mem>>)
      %dma_wait3A = arith.constant 0 : i32
      %dma_wait3A_48 = tpu.memref_slice %arg2[%run_scoped3A, %add3A, %dma_wait3A] : memref<2x32x10000xi32, #tpu.memory_space<hbm>> -> memref<1x1x10000xi32, #tpu.memory_space<hbm>>
      %dma_wait3A_49 = tpu.memref_squeeze %dma_wait3A_48 : memref<1x1x10000xi32, #tpu.memory_space<hbm>> -> memref<10000xi32, #tpu.memory_space<hbm>>
      %dma_wait3A_50 = arith.constant 0 : i32
      %dma_wait3A_51 = tpu.memref_slice %arg2[%run_scoped3A, %add3A, %dma_wait3A_50] : memref<2x32x10000xi32, #tpu.memory_space<hbm>> -> memref<1x1x10000xi32, #tpu.memory_space<hbm>>
      %dma_wait3A_52 = tpu.memref_squeeze %dma_wait3A_51 : memref<1x1x10000xi32, #tpu.memory_space<hbm>> -> memref<10000xi32, #tpu.memory_space<hbm>>
      tpu.wait_dma2 semaphore(%run_scoped3A_42 : memref<!tpu.dma_semaphore, #tpu.memory_space<semaphore_mem>>) src(%dma_wait3A_52 : memref<10000xi32, #tpu.memory_space<hbm>>) dst(%arg4 : memref<10000xi32, #tpu.memory_space<vmem>>)
      tpu.yield
    }) : () -> ()
    %scan3A_8 = arith.constant 0 : i32
    %scan3A_9 = arith.constant 625 : i32
    %scan3A_10 = arith.addi %scan3A_8, %scan3A_9 : i32
    %scan3A_11 = arith.constant 1 : i32
    scf.for %scan3A_42 = %scan3A_8 to %scan3A_10 step %scan3A_11  : i32 {
      %mul3A_43 = arith.constant 1 : i32
      %mul3A_44 = arith.muli %scan3A_42, %mul3A_43 : i32
      %add3A_45 = arith.constant 0 : i32
      %add3A_46 = arith.addi %add3A_45, %mul3A_44 : i32
      %mul3A_47 = arith.constant 16 : i32
      %mul3A_48 = arith.muli %mul3A_47, %add3A_46 : i32
      %get3A = arith.index_cast %mul3A_48 : i32 to index
      %get3A_49 = tpu.vector_load %arg4[%get3A] {strides = array<i32>} : memref<10000xi32, #tpu.memory_space<vmem>>, vector<16xi32>,
      tpu.vector_store_idx %arg5[%get3A_49], %broadcast_in_dim3A_3 {add = true} : memref<10240xf32, #tpu.memory_space<vmem>>[vector<16xi32>], vector<16xf32>,
    }
    %scan3A_12 = arith.constant 625 : i32
    %run_scoped3A_13 = arith.constant 1 : i32
    "tpu.region"() ({
      %run_scoped3A_42 = tpu.sem_alloc : memref<!tpu.dma_semaphore, #tpu.memory_space<semaphore_mem>>
      %dma_start3A = arith.constant 0 : i32
      %dma_start3A_43 = tpu.memref_slice %arg2[%run_scoped3A_13, %add3A, %dma_start3A] : memref<2x32x10000xi32, #tpu.memory_space<hbm>> -> memref<1x1x10000xi32, #tpu.memory_space<hbm>>
      %dma_start3A_44 = tpu.memref_squeeze %dma_start3A_43 : memref<1x1x10000xi32, #tpu.memory_space<hbm>> -> memref<10000xi32, #tpu.memory_space<hbm>>
      %dma_start3A_45 = arith.constant 0 : i32
      %dma_start3A_46 = tpu.memref_slice %arg2[%run_scoped3A_13, %add3A, %dma_start3A_45] : memref<2x32x10000xi32, #tpu.memory_space<hbm>> -> memref<1x1x10000xi32, #tpu.memory_space<hbm>>
      %dma_start3A_47 = tpu.memref_squeeze %dma_start3A_46 : memref<1x1x10000xi32, #tpu.memory_space<hbm>> -> memref<10000xi32, #tpu.memory_space<hbm>>
      tpu.enqueue_dma source(%dma_start3A_47 : memref<10000xi32, #tpu.memory_space<hbm>>) target(%arg4 : memref<10000xi32, #tpu.memory_space<vmem>>) target_semaphore(%run_scoped3A_42 : memref<!tpu.dma_semaphore, #tpu.memory_space<semaphore_mem>>)
      %dma_wait3A = arith.constant 0 : i32
      %dma_wait3A_48 = tpu.memref_slice %arg2[%run_scoped3A_13, %add3A, %dma_wait3A] : memref<2x32x10000xi32, #tpu.memory_space<hbm>> -> memref<1x1x10000xi32, #tpu.memory_space<hbm>>
      %dma_wait3A_49 = tpu.memref_squeeze %dma_wait3A_48 : memref<1x1x10000xi32, #tpu.memory_space<hbm>> -> memref<10000xi32, #tpu.memory_space<hbm>>
      %dma_wait3A_50 = arith.constant 0 : i32
      %dma_wait3A_51 = tpu.memref_slice %arg2[%run_scoped3A_13, %add3A, %dma_wait3A_50] : memref<2x32x10000xi32, #tpu.memory_space<hbm>> -> memref<1x1x10000xi32, #tpu.memory_space<hbm>>
      %dma_wait3A_52 = tpu.memref_squeeze %dma_wait3A_51 : memref<1x1x10000xi32, #tpu.memory_space<hbm>> -> memref<10000xi32, #tpu.memory_space<hbm>>
      tpu.wait_dma2 semaphore(%run_scoped3A_42 : memref<!tpu.dma_semaphore, #tpu.memory_space<semaphore_mem>>) src(%dma_wait3A_52 : memref<10000xi32, #tpu.memory_space<hbm>>) dst(%arg4 : memref<10000xi32, #tpu.memory_space<vmem>>)
      tpu.yield
    }) : () -> ()
    %scan3A_14 = arith.constant 0 : i32
    %scan3A_15 = arith.constant 625 : i32
    %scan3A_16 = arith.addi %scan3A_14, %scan3A_15 : i32
    %scan3A_17 = arith.constant 1 : i32
    scf.for %scan3A_42 = %scan3A_14 to %scan3A_16 step %scan3A_17  : i32 {
      %mul3A_43 = arith.constant 1 : i32
      %mul3A_44 = arith.muli %scan3A_42, %mul3A_43 : i32
      %add3A_45 = arith.constant 0 : i32
      %add3A_46 = arith.addi %add3A_45, %mul3A_44 : i32
      %mul3A_47 = arith.constant 16 : i32
      %mul3A_48 = arith.muli %mul3A_47, %add3A_46 : i32
      %get3A = arith.index_cast %mul3A_48 : i32 to index
      %get3A_49 = tpu.vector_load %arg4[%get3A] {strides = array<i32>} : memref<10000xi32, #tpu.memory_space<vmem>>, vector<16xi32>,
      tpu.vector_store_idx %arg6[%get3A_49], %broadcast_in_dim3A_3 {add = true} : memref<10240xf32, #tpu.memory_space<vmem>>[vector<16xi32>], vector<16xf32>,
    }
    %scan3A_18 = arith.constant 625 : i32
    %run_scoped3A_19 = arith.constant 0 : i32
    "tpu.region"() ({
      %run_scoped3A_42 = tpu.sem_alloc : memref<!tpu.dma_semaphore, #tpu.memory_space<semaphore_mem>>
      %dma_start3A = arith.constant 0 : i32
      %dma_start3A_43 = tpu.memref_slice %arg9[%arg1, %run_scoped3A_19, %dma_start3A] : memref<16x2x10240xf32, #tpu.memory_space<vmem_shared>> -> memref<1x1x10240xf32, #tpu.memory_space<vmem_shared>>
      %dma_start3A_44 = tpu.memref_squeeze %dma_start3A_43 : memref<1x1x10240xf32, #tpu.memory_space<vmem_shared>> -> memref<10240xf32, #tpu.memory_space<vmem_shared>>
      %dma_start3A_45 = arith.constant 0 : i32
      %dma_start3A_46 = tpu.memref_slice %arg9[%arg1, %run_scoped3A_19, %dma_start3A_45] : memref<16x2x10240xf32, #tpu.memory_space<vmem_shared>> -> memref<1x1x10240xf32, #tpu.memory_space<vmem_shared>>
      %dma_start3A_47 = tpu.memref_squeeze %dma_start3A_46 : memref<1x1x10240xf32, #tpu.memory_space<vmem_shared>> -> memref<10240xf32, #tpu.memory_space<vmem_shared>>
      tpu.enqueue_dma source(%arg5 : memref<10240xf32, #tpu.memory_space<vmem>>) target(%dma_start3A_47 : memref<10240xf32, #tpu.memory_space<vmem_shared>>) target_semaphore(%run_scoped3A_42 : memref<!tpu.dma_semaphore, #tpu.memory_space<semaphore_mem>>)
      %dma_wait3A = arith.constant 0 : i32
      %dma_wait3A_48 = tpu.memref_slice %arg9[%arg1, %run_scoped3A_19, %dma_wait3A] : memref<16x2x10240xf32, #tpu.memory_space<vmem_shared>> -> memref<1x1x10240xf32, #tpu.memory_space<vmem_shared>>
      %dma_wait3A_49 = tpu.memref_squeeze %dma_wait3A_48 : memref<1x1x10240xf32, #tpu.memory_space<vmem_shared>> -> memref<10240xf32, #tpu.memory_space<vmem_shared>>
      %dma_wait3A_50 = arith.constant 0 : i32
      %dma_wait3A_51 = tpu.memref_slice %arg9[%arg1, %run_scoped3A_19, %dma_wait3A_50] : memref<16x2x10240xf32, #tpu.memory_space<vmem_shared>> -> memref<1x1x10240xf32, #tpu.memory_space<vmem_shared>>
      %dma_wait3A_52 = tpu.memref_squeeze %dma_wait3A_51 : memref<1x1x10240xf32, #tpu.memory_space<vmem_shared>> -> memref<10240xf32, #tpu.memory_space<vmem_shared>>
      tpu.wait_dma2 semaphore(%run_scoped3A_42 : memref<!tpu.dma_semaphore, #tpu.memory_space<semaphore_mem>>) src(%arg5 : memref<10240xf32, #tpu.memory_space<vmem>>) dst(%dma_wait3A_52 : memref<10240xf32, #tpu.memory_space<vmem_shared>>)
      tpu.yield
    }) : () -> ()
    %run_scoped3A_20 = arith.constant 1 : i32
    "tpu.region"() ({
      %run_scoped3A_42 = tpu.sem_alloc : memref<!tpu.dma_semaphore, #tpu.memory_space<semaphore_mem>>
      %dma_start3A = arith.constant 0 : i32
      %dma_start3A_43 = tpu.memref_slice %arg9[%arg1, %run_scoped3A_20, %dma_start3A] : memref<16x2x10240xf32, #tpu.memory_space<vmem_shared>> -> memref<1x1x10240xf32, #tpu.memory_space<vmem_shared>>
      %dma_start3A_44 = tpu.memref_squeeze %dma_start3A_43 : memref<1x1x10240xf32, #tpu.memory_space<vmem_shared>> -> memref<10240xf32, #tpu.memory_space<vmem_shared>>
      %dma_start3A_45 = arith.constant 0 : i32
      %dma_start3A_46 = tpu.memref_slice %arg9[%arg1, %run_scoped3A_20, %dma_start3A_45] : memref<16x2x10240xf32, #tpu.memory_space<vmem_shared>> -> memref<1x1x10240xf32, #tpu.memory_space<vmem_shared>>
      %dma_start3A_47 = tpu.memref_squeeze %dma_start3A_46 : memref<1x1x10240xf32, #tpu.memory_space<vmem_shared>> -> memref<10240xf32, #tpu.memory_space<vmem_shared>>
      tpu.enqueue_dma source(%arg6 : memref<10240xf32, #tpu.memory_space<vmem>>) target(%dma_start3A_47 : memref<10240xf32, #tpu.memory_space<vmem_shared>>) target_semaphore(%run_scoped3A_42 : memref<!tpu.dma_semaphore, #tpu.memory_space<semaphore_mem>>)
      %dma_wait3A = arith.constant 0 : i32
      %dma_wait3A_48 = tpu.memref_slice %arg9[%arg1, %run_scoped3A_20, %dma_wait3A] : memref<16x2x10240xf32, #tpu.memory_space<vmem_shared>> -> memref<1x1x10240xf32, #tpu.memory_space<vmem_shared>>
      %dma_wait3A_49 = tpu.memref_squeeze %dma_wait3A_48 : memref<1x1x10240xf32, #tpu.memory_space<vmem_shared>> -> memref<10240xf32, #tpu.memory_space<vmem_shared>>
      %dma_wait3A_50 = arith.constant 0 : i32
      %dma_wait3A_51 = tpu.memref_slice %arg9[%arg1, %run_scoped3A_20, %dma_wait3A_50] : memref<16x2x10240xf32, #tpu.memory_space<vmem_shared>> -> memref<1x1x10240xf32, #tpu.memory_space<vmem_shared>>
      %dma_wait3A_52 = tpu.memref_squeeze %dma_wait3A_51 : memref<1x1x10240xf32, #tpu.memory_space<vmem_shared>> -> memref<10240xf32, #tpu.memory_space<vmem_shared>>
      tpu.wait_dma2 semaphore(%run_scoped3A_42 : memref<!tpu.dma_semaphore, #tpu.memory_space<semaphore_mem>>) src(%arg6 : memref<10240xf32, #tpu.memory_space<vmem>>) dst(%dma_wait3A_52 : memref<10240xf32, #tpu.memory_space<vmem_shared>>)
      tpu.yield
    }) : () -> ()
    %barrier3A = arith.constant 0 : index
    tpu.barrier barrier_id(%barrier3A)
    %mul3A_21 = arith.constant 640 : i32
    %mul3A_22 = arith.muli %arg1, %mul3A_21 : i32
    %run_scoped3A_23 = arith.constant 0 : i32
    "tpu.region"() ({
      %run_scoped3A_42 = tpu.sem_alloc : memref<!tpu.dma_semaphore, #tpu.memory_space<semaphore_mem>>
      %dma_start3A = arith.constant 0 : i32
      %dma_start3A_43 = tpu.memref_slice %arg9[%dma_start3A, %run_scoped3A_23, %mul3A_22] : memref<16x2x10240xf32, #tpu.memory_space<vmem_shared>> -> memref<16x1x640xf32, #tpu.memory_space<vmem_shared>>
      %dma_start3A_44 = tpu.memref_squeeze %dma_start3A_43 : memref<16x1x640xf32, #tpu.memory_space<vmem_shared>> -> memref<16x640xf32, #tpu.memory_space<vmem_shared>>
      %dma_start3A_45 = arith.constant 0 : i32
      %dma_start3A_46 = tpu.memref_slice %arg9[%dma_start3A_45, %run_scoped3A_23, %mul3A_22] : memref<16x2x10240xf32, #tpu.memory_space<vmem_shared>> -> memref<16x1x640xf32, #tpu.memory_space<vmem_shared>>
      %dma_start3A_47 = tpu.memref_squeeze %dma_start3A_46 : memref<16x1x640xf32, #tpu.memory_space<vmem_shared>> -> memref<16x640xf32, #tpu.memory_space<vmem_shared>>
      tpu.enqueue_dma source(%dma_start3A_47 : memref<16x640xf32, #tpu.memory_space<vmem_shared>>) target(%arg7 : memref<16x640xf32, #tpu.memory_space<vmem>>) target_semaphore(%run_scoped3A_42 : memref<!tpu.dma_semaphore, #tpu.memory_space<semaphore_mem>>)
      %dma_wait3A = arith.constant 0 : i32
      %dma_wait3A_48 = tpu.memref_slice %arg9[%dma_wait3A, %run_scoped3A_23, %mul3A_22] : memref<16x2x10240xf32, #tpu.memory_space<vmem_shared>> -> memref<16x1x640xf32, #tpu.memory_space<vmem_shared>>
      %dma_wait3A_49 = tpu.memref_squeeze %dma_wait3A_48 : memref<16x1x640xf32, #tpu.memory_space<vmem_shared>> -> memref<16x640xf32, #tpu.memory_space<vmem_shared>>
      %dma_wait3A_50 = arith.constant 0 : i32
      %dma_wait3A_51 = tpu.memref_slice %arg9[%dma_wait3A_50, %run_scoped3A_23, %mul3A_22] : memref<16x2x10240xf32, #tpu.memory_space<vmem_shared>> -> memref<16x1x640xf32, #tpu.memory_space<vmem_shared>>
      %dma_wait3A_52 = tpu.memref_squeeze %dma_wait3A_51 : memref<16x1x640xf32, #tpu.memory_space<vmem_shared>> -> memref<16x640xf32, #tpu.memory_space<vmem_shared>>
      tpu.wait_dma2 semaphore(%run_scoped3A_42 : memref<!tpu.dma_semaphore, #tpu.memory_space<semaphore_mem>>) src(%dma_wait3A_52 : memref<16x640xf32, #tpu.memory_space<vmem_shared>>) dst(%arg7 : memref<16x640xf32, #tpu.memory_space<vmem>>)
      tpu.yield
    }) : () -> ()
    %scan3A_24 = arith.constant 0 : i32
    %scan3A_25 = arith.constant 40 : i32
    %scan3A_26 = arith.addi %scan3A_24, %scan3A_25 : i32
    %scan3A_27 = arith.constant 1 : i32
    scf.for %scan3A_42 = %scan3A_24 to %scan3A_26 step %scan3A_27  : i32 {
      %mul3A_43 = arith.constant 1 : i32
      %mul3A_44 = arith.muli %scan3A_42, %mul3A_43 : i32
      %add3A_45 = arith.constant 0 : i32
      %add3A_46 = arith.addi %add3A_45, %mul3A_44 : i32
      %mul3A_47 = arith.constant 16 : i32
      %mul3A_48 = arith.muli %mul3A_47, %add3A_46 : i32
      %get3A = arith.constant 0 : i32
      %get3A_49 = arith.index_cast %get3A : i32 to index
      %get3A_50 = arith.index_cast %mul3A_48 : i32 to index
      %get3A_51 = tpu.vector_load %arg7[%get3A_49, %get3A_50] {strides = array<i32>} : memref<16x640xf32, #tpu.memory_space<vmem>>, vector<16xf32>,
      %mul3A_52 = arith.constant 16 : i32
      %mul3A_53 = arith.muli %mul3A_52, %add3A_46 : i32
      %get3A_54 = arith.constant 1 : i32
      %get3A_55 = arith.index_cast %get3A_54 : i32 to index
      %get3A_56 = arith.index_cast %mul3A_53 : i32 to index
      %get3A_57 = tpu.vector_load %arg7[%get3A_55, %get3A_56] {strides = array<i32>} : memref<16x640xf32, #tpu.memory_space<vmem>>, vector<16xf32>,
      %add3A_58 = arith.addf %get3A_51, %get3A_57 : vector<16xf32>
      %mul3A_59 = arith.constant 16 : i32
      %mul3A_60 = arith.muli %mul3A_59, %add3A_46 : i32
      %get3A_61 = arith.constant 2 : i32
      %get3A_62 = arith.index_cast %get3A_61 : i32 to index
      %get3A_63 = arith.index_cast %mul3A_60 : i32 to index
      %get3A_64 = tpu.vector_load %arg7[%get3A_62, %get3A_63] {strides = array<i32>} : memref<16x640xf32, #tpu.memory_space<vmem>>, vector<16xf32>,
      %add3A_65 = arith.addf %add3A_58, %get3A_64 : vector<16xf32>
      %mul3A_66 = arith.constant 16 : i32
      %mul3A_67 = arith.muli %mul3A_66, %add3A_46 : i32
      %get3A_68 = arith.constant 3 : i32
      %get3A_69 = arith.index_cast %get3A_68 : i32 to index
      %get3A_70 = arith.index_cast %mul3A_67 : i32 to index
      %get3A_71 = tpu.vector_load %arg7[%get3A_69, %get3A_70] {strides = array<i32>} : memref<16x640xf32, #tpu.memory_space<vmem>>, vector<16xf32>,
      %add3A_72 = arith.addf %add3A_65, %get3A_71 : vector<16xf32>
      %mul3A_73 = arith.constant 16 : i32
      %mul3A_74 = arith.muli %mul3A_73, %add3A_46 : i32
      %get3A_75 = arith.constant 4 : i32
      %get3A_76 = arith.index_cast %get3A_75 : i32 to index
      %get3A_77 = arith.index_cast %mul3A_74 : i32 to index
      %get3A_78 = tpu.vector_load %arg7[%get3A_76, %get3A_77] {strides = array<i32>} : memref<16x640xf32, #tpu.memory_space<vmem>>, vector<16xf32>,
      %add3A_79 = arith.addf %add3A_72, %get3A_78 : vector<16xf32>
      %mul3A_80 = arith.constant 16 : i32
      %mul3A_81 = arith.muli %mul3A_80, %add3A_46 : i32
      %get3A_82 = arith.constant 5 : i32
      %get3A_83 = arith.index_cast %get3A_82 : i32 to index
      %get3A_84 = arith.index_cast %mul3A_81 : i32 to index
      %get3A_85 = tpu.vector_load %arg7[%get3A_83, %get3A_84] {strides = array<i32>} : memref<16x640xf32, #tpu.memory_space<vmem>>, vector<16xf32>,
      %add3A_86 = arith.addf %add3A_79, %get3A_85 : vector<16xf32>
      %mul3A_87 = arith.constant 16 : i32
      %mul3A_88 = arith.muli %mul3A_87, %add3A_46 : i32
      %get3A_89 = arith.constant 6 : i32
      %get3A_90 = arith.index_cast %get3A_89 : i32 to index
      %get3A_91 = arith.index_cast %mul3A_88 : i32 to index
      %get3A_92 = tpu.vector_load %arg7[%get3A_90, %get3A_91] {strides = array<i32>} : memref<16x640xf32, #tpu.memory_space<vmem>>, vector<16xf32>,
      %add3A_93 = arith.addf %add3A_86, %get3A_92 : vector<16xf32>
      %mul3A_94 = arith.constant 16 : i32
      %mul3A_95 = arith.muli %mul3A_94, %add3A_46 : i32
      %get3A_96 = arith.constant 7 : i32
      %get3A_97 = arith.index_cast %get3A_96 : i32 to index
      %get3A_98 = arith.index_cast %mul3A_95 : i32 to index
      %get3A_99 = tpu.vector_load %arg7[%get3A_97, %get3A_98] {strides = array<i32>} : memref<16x640xf32, #tpu.memory_space<vmem>>, vector<16xf32>,
      %add3A_100 = arith.addf %add3A_93, %get3A_99 : vector<16xf32>
      %mul3A_101 = arith.constant 16 : i32
      %mul3A_102 = arith.muli %mul3A_101, %add3A_46 : i32
      %get3A_103 = arith.constant 8 : i32
      %get3A_104 = arith.index_cast %get3A_103 : i32 to index
      %get3A_105 = arith.index_cast %mul3A_102 : i32 to index
      %get3A_106 = tpu.vector_load %arg7[%get3A_104, %get3A_105] {strides = array<i32>} : memref<16x640xf32, #tpu.memory_space<vmem>>, vector<16xf32>,
      %add3A_107 = arith.addf %add3A_100, %get3A_106 : vector<16xf32>
      %mul3A_108 = arith.constant 16 : i32
      %mul3A_109 = arith.muli %mul3A_108, %add3A_46 : i32
      %get3A_110 = arith.constant 9 : i32
      %get3A_111 = arith.index_cast %get3A_110 : i32 to index
      %get3A_112 = arith.index_cast %mul3A_109 : i32 to index
      %get3A_113 = tpu.vector_load %arg7[%get3A_111, %get3A_112] {strides = array<i32>} : memref<16x640xf32, #tpu.memory_space<vmem>>, vector<16xf32>,
      %add3A_114 = arith.addf %add3A_107, %get3A_113 : vector<16xf32>
      %mul3A_115 = arith.constant 16 : i32
      %mul3A_116 = arith.muli %mul3A_115, %add3A_46 : i32
      %get3A_117 = arith.constant 10 : i32
      %get3A_118 = arith.index_cast %get3A_117 : i32 to index
      %get3A_119 = arith.index_cast %mul3A_116 : i32 to index
      %get3A_120 = tpu.vector_load %arg7[%get3A_118, %get3A_119] {strides = array<i32>} : memref<16x640xf32, #tpu.memory_space<vmem>>, vector<16xf32>,
      %add3A_121 = arith.addf %add3A_114, %get3A_120 : vector<16xf32>
      %mul3A_122 = arith.constant 16 : i32
      %mul3A_123 = arith.muli %mul3A_122, %add3A_46 : i32
      %get3A_124 = arith.constant 11 : i32
      %get3A_125 = arith.index_cast %get3A_124 : i32 to index
      %get3A_126 = arith.index_cast %mul3A_123 : i32 to index
      %get3A_127 = tpu.vector_load %arg7[%get3A_125, %get3A_126] {strides = array<i32>} : memref<16x640xf32, #tpu.memory_space<vmem>>, vector<16xf32>,
      %add3A_128 = arith.addf %add3A_121, %get3A_127 : vector<16xf32>
      %mul3A_129 = arith.constant 16 : i32
      %mul3A_130 = arith.muli %mul3A_129, %add3A_46 : i32
      %get3A_131 = arith.constant 12 : i32
      %get3A_132 = arith.index_cast %get3A_131 : i32 to index
      %get3A_133 = arith.index_cast %mul3A_130 : i32 to index
      %get3A_134 = tpu.vector_load %arg7[%get3A_132, %get3A_133] {strides = array<i32>} : memref<16x640xf32, #tpu.memory_space<vmem>>, vector<16xf32>,
      %add3A_135 = arith.addf %add3A_128, %get3A_134 : vector<16xf32>
      %mul3A_136 = arith.constant 16 : i32
      %mul3A_137 = arith.muli %mul3A_136, %add3A_46 : i32
      %get3A_138 = arith.constant 13 : i32
      %get3A_139 = arith.index_cast %get3A_138 : i32 to index
      %get3A_140 = arith.index_cast %mul3A_137 : i32 to index
      %get3A_141 = tpu.vector_load %arg7[%get3A_139, %get3A_140] {strides = array<i32>} : memref<16x640xf32, #tpu.memory_space<vmem>>, vector<16xf32>,
      %add3A_142 = arith.addf %add3A_135, %get3A_141 : vector<16xf32>
      %mul3A_143 = arith.constant 16 : i32
      %mul3A_144 = arith.muli %mul3A_143, %add3A_46 : i32
      %get3A_145 = arith.constant 14 : i32
      %get3A_146 = arith.index_cast %get3A_145 : i32 to index
      %get3A_147 = arith.index_cast %mul3A_144 : i32 to index
      %get3A_148 = tpu.vector_load %arg7[%get3A_146, %get3A_147] {strides = array<i32>} : memref<16x640xf32, #tpu.memory_space<vmem>>, vector<16xf32>,
      %add3A_149 = arith.addf %add3A_142, %get3A_148 : vector<16xf32>
      %mul3A_150 = arith.constant 16 : i32
      %mul3A_151 = arith.muli %mul3A_150, %add3A_46 : i32
      %get3A_152 = arith.constant 15 : i32
      %get3A_153 = arith.index_cast %get3A_152 : i32 to index
      %get3A_154 = arith.index_cast %mul3A_151 : i32 to index
      %get3A_155 = tpu.vector_load %arg7[%get3A_153, %get3A_154] {strides = array<i32>} : memref<16x640xf32, #tpu.memory_space<vmem>>, vector<16xf32>,
      %add3A_156 = arith.addf %add3A_149, %get3A_155 : vector<16xf32>
      %mul3A_157 = arith.constant 16 : i32
      %mul3A_158 = arith.muli %mul3A_157, %add3A_46 : i32
      %swap3A = arith.index_cast %mul3A_158 : i32 to index
      %swap3A_159 = tpu.vector_load %arg5[%swap3A] {strides = array<i32>} : memref<10240xf32, #tpu.memory_space<vmem>>, vector<16xf32>,
      tpu.vector_store %arg5[%swap3A], %add3A_156 {strides = array<i32>} : memref<10240xf32, #tpu.memory_space<vmem>>, vector<16xf32>,
    }
    %scan3A_28 = arith.constant 40 : i32
    %mul3A_29 = arith.constant 640 : i32
    %mul3A_30 = arith.muli %arg1, %mul3A_29 : i32
    %run_scoped3A_31 = arith.constant 1 : i32
    "tpu.region"() ({
      %run_scoped3A_42 = tpu.sem_alloc : memref<!tpu.dma_semaphore, #tpu.memory_space<semaphore_mem>>
      %dma_start3A = arith.constant 0 : i32
      %dma_start3A_43 = tpu.memref_slice %arg9[%dma_start3A, %run_scoped3A_31, %mul3A_30] : memref<16x2x10240xf32, #tpu.memory_space<vmem_shared>> -> memref<16x1x640xf32, #tpu.memory_space<vmem_shared>>
      %dma_start3A_44 = tpu.memref_squeeze %dma_start3A_43 : memref<16x1x640xf32, #tpu.memory_space<vmem_shared>> -> memref<16x640xf32, #tpu.memory_space<vmem_shared>>
      %dma_start3A_45 = arith.constant 0 : i32
      %dma_start3A_46 = tpu.memref_slice %arg9[%dma_start3A_45, %run_scoped3A_31, %mul3A_30] : memref<16x2x10240xf32, #tpu.memory_space<vmem_shared>> -> memref<16x1x640xf32, #tpu.memory_space<vmem_shared>>
      %dma_start3A_47 = tpu.memref_squeeze %dma_start3A_46 : memref<16x1x640xf32, #tpu.memory_space<vmem_shared>> -> memref<16x640xf32, #tpu.memory_space<vmem_shared>>
      tpu.enqueue_dma source(%dma_start3A_47 : memref<16x640xf32, #tpu.memory_space<vmem_shared>>) target(%arg7 : memref<16x640xf32, #tpu.memory_space<vmem>>) target_semaphore(%run_scoped3A_42 : memref<!tpu.dma_semaphore, #tpu.memory_space<semaphore_mem>>)
      %dma_wait3A = arith.constant 0 : i32
      %dma_wait3A_48 = tpu.memref_slice %arg9[%dma_wait3A, %run_scoped3A_31, %mul3A_30] : memref<16x2x10240xf32, #tpu.memory_space<vmem_shared>> -> memref<16x1x640xf32, #tpu.memory_space<vmem_shared>>
      %dma_wait3A_49 = tpu.memref_squeeze %dma_wait3A_48 : memref<16x1x640xf32, #tpu.memory_space<vmem_shared>> -> memref<16x640xf32, #tpu.memory_space<vmem_shared>>
      %dma_wait3A_50 = arith.constant 0 : i32
      %dma_wait3A_51 = tpu.memref_slice %arg9[%dma_wait3A_50, %run_scoped3A_31, %mul3A_30] : memref<16x2x10240xf32, #tpu.memory_space<vmem_shared>> -> memref<16x1x640xf32, #tpu.memory_space<vmem_shared>>
      %dma_wait3A_52 = tpu.memref_squeeze %dma_wait3A_51 : memref<16x1x640xf32, #tpu.memory_space<vmem_shared>> -> memref<16x640xf32, #tpu.memory_space<vmem_shared>>
      tpu.wait_dma2 semaphore(%run_scoped3A_42 : memref<!tpu.dma_semaphore, #tpu.memory_space<semaphore_mem>>) src(%dma_wait3A_52 : memref<16x640xf32, #tpu.memory_space<vmem_shared>>) dst(%arg7 : memref<16x640xf32, #tpu.memory_space<vmem>>)
      tpu.yield
    }) : () -> ()
    %scan3A_32 = arith.constant 0 : i32
    %scan3A_33 = arith.constant 40 : i32
    %scan3A_34 = arith.addi %scan3A_32, %scan3A_33 : i32
    %scan3A_35 = arith.constant 1 : i32
    scf.for %scan3A_42 = %scan3A_32 to %scan3A_34 step %scan3A_35  : i32 {
      %mul3A_43 = arith.constant 1 : i32
      %mul3A_44 = arith.muli %scan3A_42, %mul3A_43 : i32
      %add3A_45 = arith.constant 0 : i32
      %add3A_46 = arith.addi %add3A_45, %mul3A_44 : i32
      %mul3A_47 = arith.constant 16 : i32
      %mul3A_48 = arith.muli %mul3A_47, %add3A_46 : i32
      %get3A = arith.constant 0 : i32
      %get3A_49 = arith.index_cast %get3A : i32 to index
      %get3A_50 = arith.index_cast %mul3A_48 : i32 to index
      %get3A_51 = tpu.vector_load %arg7[%get3A_49, %get3A_50] {strides = array<i32>} : memref<16x640xf32, #tpu.memory_space<vmem>>, vector<16xf32>,
      %mul3A_52 = arith.constant 16 : i32
      %mul3A_53 = arith.muli %mul3A_52, %add3A_46 : i32
      %get3A_54 = arith.constant 1 : i32
      %get3A_55 = arith.index_cast %get3A_54 : i32 to index
      %get3A_56 = arith.index_cast %mul3A_53 : i32 to index
      %get3A_57 = tpu.vector_load %arg7[%get3A_55, %get3A_56] {strides = array<i32>} : memref<16x640xf32, #tpu.memory_space<vmem>>, vector<16xf32>,
      %add3A_58 = arith.addf %get3A_51, %get3A_57 : vector<16xf32>
      %mul3A_59 = arith.constant 16 : i32
      %mul3A_60 = arith.muli %mul3A_59, %add3A_46 : i32
      %get3A_61 = arith.constant 2 : i32
      %get3A_62 = arith.index_cast %get3A_61 : i32 to index
      %get3A_63 = arith.index_cast %mul3A_60 : i32 to index
      %get3A_64 = tpu.vector_load %arg7[%get3A_62, %get3A_63] {strides = array<i32>} : memref<16x640xf32, #tpu.memory_space<vmem>>, vector<16xf32>,
      %add3A_65 = arith.addf %add3A_58, %get3A_64 : vector<16xf32>
      %mul3A_66 = arith.constant 16 : i32
      %mul3A_67 = arith.muli %mul3A_66, %add3A_46 : i32
      %get3A_68 = arith.constant 3 : i32
      %get3A_69 = arith.index_cast %get3A_68 : i32 to index
      %get3A_70 = arith.index_cast %mul3A_67 : i32 to index
      %get3A_71 = tpu.vector_load %arg7[%get3A_69, %get3A_70] {strides = array<i32>} : memref<16x640xf32, #tpu.memory_space<vmem>>, vector<16xf32>,
      %add3A_72 = arith.addf %add3A_65, %get3A_71 : vector<16xf32>
      %mul3A_73 = arith.constant 16 : i32
      %mul3A_74 = arith.muli %mul3A_73, %add3A_46 : i32
      %get3A_75 = arith.constant 4 : i32
      %get3A_76 = arith.index_cast %get3A_75 : i32 to index
      %get3A_77 = arith.index_cast %mul3A_74 : i32 to index
      %get3A_78 = tpu.vector_load %arg7[%get3A_76, %get3A_77] {strides = array<i32>} : memref<16x640xf32, #tpu.memory_space<vmem>>, vector<16xf32>,
      %add3A_79 = arith.addf %add3A_72, %get3A_78 : vector<16xf32>
      %mul3A_80 = arith.constant 16 : i32
      %mul3A_81 = arith.muli %mul3A_80, %add3A_46 : i32
      %get3A_82 = arith.constant 5 : i32
      %get3A_83 = arith.index_cast %get3A_82 : i32 to index
      %get3A_84 = arith.index_cast %mul3A_81 : i32 to index
      %get3A_85 = tpu.vector_load %arg7[%get3A_83, %get3A_84] {strides = array<i32>} : memref<16x640xf32, #tpu.memory_space<vmem>>, vector<16xf32>,
      %add3A_86 = arith.addf %add3A_79, %get3A_85 : vector<16xf32>
      %mul3A_87 = arith.constant 16 : i32
      %mul3A_88 = arith.muli %mul3A_87, %add3A_46 : i32
      %get3A_89 = arith.constant 6 : i32
      %get3A_90 = arith.index_cast %get3A_89 : i32 to index
      %get3A_91 = arith.index_cast %mul3A_88 : i32 to index
      %get3A_92 = tpu.vector_load %arg7[%get3A_90, %get3A_91] {strides = array<i32>} : memref<16x640xf32, #tpu.memory_space<vmem>>, vector<16xf32>,
      %add3A_93 = arith.addf %add3A_86, %get3A_92 : vector<16xf32>
      %mul3A_94 = arith.constant 16 : i32
      %mul3A_95 = arith.muli %mul3A_94, %add3A_46 : i32
      %get3A_96 = arith.constant 7 : i32
      %get3A_97 = arith.index_cast %get3A_96 : i32 to index
      %get3A_98 = arith.index_cast %mul3A_95 : i32 to index
      %get3A_99 = tpu.vector_load %arg7[%get3A_97, %get3A_98] {strides = array<i32>} : memref<16x640xf32, #tpu.memory_space<vmem>>, vector<16xf32>,
      %add3A_100 = arith.addf %add3A_93, %get3A_99 : vector<16xf32>
      %mul3A_101 = arith.constant 16 : i32
      %mul3A_102 = arith.muli %mul3A_101, %add3A_46 : i32
      %get3A_103 = arith.constant 8 : i32
      %get3A_104 = arith.index_cast %get3A_103 : i32 to index
      %get3A_105 = arith.index_cast %mul3A_102 : i32 to index
      %get3A_106 = tpu.vector_load %arg7[%get3A_104, %get3A_105] {strides = array<i32>} : memref<16x640xf32, #tpu.memory_space<vmem>>, vector<16xf32>,
      %add3A_107 = arith.addf %add3A_100, %get3A_106 : vector<16xf32>
      %mul3A_108 = arith.constant 16 : i32
      %mul3A_109 = arith.muli %mul3A_108, %add3A_46 : i32
      %get3A_110 = arith.constant 9 : i32
      %get3A_111 = arith.index_cast %get3A_110 : i32 to index
      %get3A_112 = arith.index_cast %mul3A_109 : i32 to index
      %get3A_113 = tpu.vector_load %arg7[%get3A_111, %get3A_112] {strides = array<i32>} : memref<16x640xf32, #tpu.memory_space<vmem>>, vector<16xf32>,
      %add3A_114 = arith.addf %add3A_107, %get3A_113 : vector<16xf32>
      %mul3A_115 = arith.constant 16 : i32
      %mul3A_116 = arith.muli %mul3A_115, %add3A_46 : i32
      %get3A_117 = arith.constant 10 : i32
      %get3A_118 = arith.index_cast %get3A_117 : i32 to index
      %get3A_119 = arith.index_cast %mul3A_116 : i32 to index
      %get3A_120 = tpu.vector_load %arg7[%get3A_118, %get3A_119] {strides = array<i32>} : memref<16x640xf32, #tpu.memory_space<vmem>>, vector<16xf32>,
      %add3A_121 = arith.addf %add3A_114, %get3A_120 : vector<16xf32>
      %mul3A_122 = arith.constant 16 : i32
      %mul3A_123 = arith.muli %mul3A_122, %add3A_46 : i32
      %get3A_124 = arith.constant 11 : i32
      %get3A_125 = arith.index_cast %get3A_124 : i32 to index
      %get3A_126 = arith.index_cast %mul3A_123 : i32 to index
      %get3A_127 = tpu.vector_load %arg7[%get3A_125, %get3A_126] {strides = array<i32>} : memref<16x640xf32, #tpu.memory_space<vmem>>, vector<16xf32>,
      %add3A_128 = arith.addf %add3A_121, %get3A_127 : vector<16xf32>
      %mul3A_129 = arith.constant 16 : i32
      %mul3A_130 = arith.muli %mul3A_129, %add3A_46 : i32
      %get3A_131 = arith.constant 12 : i32
      %get3A_132 = arith.index_cast %get3A_131 : i32 to index
      %get3A_133 = arith.index_cast %mul3A_130 : i32 to index
      %get3A_134 = tpu.vector_load %arg7[%get3A_132, %get3A_133] {strides = array<i32>} : memref<16x640xf32, #tpu.memory_space<vmem>>, vector<16xf32>,
      %add3A_135 = arith.addf %add3A_128, %get3A_134 : vector<16xf32>
      %mul3A_136 = arith.constant 16 : i32
      %mul3A_137 = arith.muli %mul3A_136, %add3A_46 : i32
      %get3A_138 = arith.constant 13 : i32
      %get3A_139 = arith.index_cast %get3A_138 : i32 to index
      %get3A_140 = arith.index_cast %mul3A_137 : i32 to index
      %get3A_141 = tpu.vector_load %arg7[%get3A_139, %get3A_140] {strides = array<i32>} : memref<16x640xf32, #tpu.memory_space<vmem>>, vector<16xf32>,
      %add3A_142 = arith.addf %add3A_135, %get3A_141 : vector<16xf32>
      %mul3A_143 = arith.constant 16 : i32
      %mul3A_144 = arith.muli %mul3A_143, %add3A_46 : i32
      %get3A_145 = arith.constant 14 : i32
      %get3A_146 = arith.index_cast %get3A_145 : i32 to index
      %get3A_147 = arith.index_cast %mul3A_144 : i32 to index
      %get3A_148 = tpu.vector_load %arg7[%get3A_146, %get3A_147] {strides = array<i32>} : memref<16x640xf32, #tpu.memory_space<vmem>>, vector<16xf32>,
      %add3A_149 = arith.addf %add3A_142, %get3A_148 : vector<16xf32>
      %mul3A_150 = arith.constant 16 : i32
      %mul3A_151 = arith.muli %mul3A_150, %add3A_46 : i32
      %get3A_152 = arith.constant 15 : i32
      %get3A_153 = arith.index_cast %get3A_152 : i32 to index
      %get3A_154 = arith.index_cast %mul3A_151 : i32 to index
      %get3A_155 = tpu.vector_load %arg7[%get3A_153, %get3A_154] {strides = array<i32>} : memref<16x640xf32, #tpu.memory_space<vmem>>, vector<16xf32>,
      %add3A_156 = arith.addf %add3A_149, %get3A_155 : vector<16xf32>
      %mul3A_157 = arith.constant 16 : i32
      %mul3A_158 = arith.muli %mul3A_157, %add3A_46 : i32
      %swap3A = arith.index_cast %mul3A_158 : i32 to index
      %swap3A_159 = tpu.vector_load %arg6[%swap3A] {strides = array<i32>} : memref<10240xf32, #tpu.memory_space<vmem>>, vector<16xf32>,
      tpu.vector_store %arg6[%swap3A], %add3A_156 {strides = array<i32>} : memref<10240xf32, #tpu.memory_space<vmem>>, vector<16xf32>,
    }
    %scan3A_36 = arith.constant 40 : i32
    %scan3A_37 = arith.constant 0 : i32
    %scan3A_38 = arith.constant 10 : i32
    %scan3A_39 = arith.addi %scan3A_37, %scan3A_38 : i32
    %scan3A_40 = arith.constant 1 : i32
    scf.for %scan3A_42 = %scan3A_37 to %scan3A_39 step %scan3A_40  : i32 {
      %mul3A_43 = arith.constant 1 : i32
      %mul3A_44 = arith.muli %scan3A_42, %mul3A_43 : i32
      %add3A_45 = arith.constant 0 : i32
      %add3A_46 = arith.addi %add3A_45, %mul3A_44 : i32
      %scan3A_47 = arith.constant 0 : i32
      %scan3A_48 = arith.constant 4 : i32
      %scan3A_49 = arith.addi %scan3A_47, %scan3A_48 : i32
      %scan3A_50 = arith.constant 1 : i32
      scf.for %scan3A_57 = %scan3A_47 to %scan3A_49 step %scan3A_50  : i32 {
        %mul3A_58 = arith.constant 1 : i32
        %mul3A_59 = arith.muli %scan3A_57, %mul3A_58 : i32
        %add3A_60 = arith.constant 0 : i32
        %add3A_61 = arith.addi %add3A_60, %mul3A_59 : i32
        %mul3A_62 = arith.constant 64 : i32
        %mul3A_63 = arith.muli %mul3A_62, %add3A_46 : i32
        %mul3A_64 = arith.constant 16 : i32
        %mul3A_65 = arith.muli %mul3A_64, %add3A_61 : i32
        %add3A_66 = arith.addi %mul3A_63, %mul3A_65 : i32
        %get3A = arith.index_cast %add3A_66 : i32 to index
        %get3A_67 = tpu.vector_load %arg5[%get3A] {strides = array<i32>} : memref<10240xf32, #tpu.memory_space<vmem>>, vector<16xf32>,
        %mul3A_68 = arith.constant 64 : i32
        %mul3A_69 = arith.muli %mul3A_68, %add3A_46 : i32
        %mul3A_70 = arith.constant 16 : i32
        %mul3A_71 = arith.muli %mul3A_70, %add3A_61 : i32
        %add3A_72 = arith.addi %mul3A_69, %mul3A_71 : i32
        %get3A_73 = arith.index_cast %add3A_72 : i32 to index
        %get3A_74 = tpu.vector_load %arg6[%get3A_73] {strides = array<i32>} : memref<10240xf32, #tpu.memory_space<vmem>>, vector<16xf32>,
        %mul3A_75 = arith.constant 16 : i32
        %mul3A_76 = arith.muli %mul3A_75, %add3A_61 : i32
        %add3A_77 = arith.constant 0 : i32
        %add3A_78 = arith.addi %mul3A_76, %add3A_77 : i32
        %broadcast_in_dim3A_79 = arith.constant 1.000000e+00 : f32
        %broadcast_in_dim3A_80 = vector.broadcast %broadcast_in_dim3A_79 : f32 to vector<16xf32>
        %slice3A = vector.extract_strided_slice %get3A_67 {offsets = [0], sizes = [1], strides = [1]} : vector<16xf32> to vector<1xf32>
        %squeeze3A = vector.extract %slice3A[0] : f32 from vector<1xf32>
        %mul3A_81 = vector.broadcast %squeeze3A : f32 to vector<16xf32>
        %mul3A_82 = arith.mulf %broadcast_in_dim3A_80, %mul3A_81 : vector<16xf32>
        %swap3A = arith.index_cast %add3A_78 : i32 to index
        %swap3A_83 = arith.constant 0 : index
        %swap3A_84 = tpu.vector_load %arg8[%swap3A, %swap3A_83] {strides = array<i32>} : memref<64x128xf32, #tpu.memory_space<vmem>>, vector<16xf32>,
        tpu.vector_store %arg8[%swap3A, %swap3A_83], %mul3A_82 {strides = array<i32>} : memref<64x128xf32, #tpu.memory_space<vmem>>, vector<16xf32>,
        %broadcast_in_dim3A_85 = arith.constant 1.000000e+00 : f32
        %broadcast_in_dim3A_86 = vector.broadcast %broadcast_in_dim3A_85 : f32 to vector<16xf32>
        %slice3A_87 = vector.extract_strided_slice %get3A_74 {offsets = [0], sizes = [1], strides = [1]} : vector<16xf32> to vector<1xf32>
        %squeeze3A_88 = vector.extract %slice3A_87[0] : f32 from vector<1xf32>
        %mul3A_89 = vector.broadcast %squeeze3A_88 : f32 to vector<16xf32>
        %mul3A_90 = arith.mulf %broadcast_in_dim3A_86, %mul3A_89 : vector<16xf32>
        %swap3A_91 = arith.index_cast %add3A_78 : i32 to index
        %swap3A_92 = arith.constant 64 : index
        %swap3A_93 = tpu.vector_load %arg8[%swap3A_91, %swap3A_92] {strides = array<i32>} : memref<64x128xf32, #tpu.memory_space<vmem>>, vector<16xf32>,
        tpu.vector_store %arg8[%swap3A_91, %swap3A_92], %mul3A_90 {strides = array<i32>} : memref<64x128xf32, #tpu.memory_space<vmem>>, vector<16xf32>,
        %mul3A_94 = arith.constant 16 : i32
        %mul3A_95 = arith.muli %mul3A_94, %add3A_61 : i32
        %add3A_96 = arith.constant 1 : i32
        %add3A_97 = arith.addi %mul3A_95, %add3A_96 : i32
        %broadcast_in_dim3A_98 = arith.constant 1.000000e+00 : f32
        %broadcast_in_dim3A_99 = vector.broadcast %broadcast_in_dim3A_98 : f32 to vector<16xf32>
        %slice3A_100 = vector.extract_strided_slice %get3A_67 {offsets = [1], sizes = [1], strides = [1]} : vector<16xf32> to vector<1xf32>
        %squeeze3A_101 = vector.extract %slice3A_100[0] : f32 from vector<1xf32>
        %mul3A_102 = vector.broadcast %squeeze3A_101 : f32 to vector<16xf32>
        %mul3A_103 = arith.mulf %broadcast_in_dim3A_99, %mul3A_102 : vector<16xf32>
        %swap3A_104 = arith.index_cast %add3A_97 : i32 to index
        %swap3A_105 = arith.constant 0 : index
        %swap3A_106 = tpu.vector_load %arg8[%swap3A_104, %swap3A_105] {strides = array<i32>} : memref<64x128xf32, #tpu.memory_space<vmem>>, vector<16xf32>,
        tpu.vector_store %arg8[%swap3A_104, %swap3A_105], %mul3A_103 {strides = array<i32>} : memref<64x128xf32, #tpu.memory_space<vmem>>, vector<16xf32>,
        %broadcast_in_dim3A_107 = arith.constant 1.000000e+00 : f32
        %broadcast_in_dim3A_108 = vector.broadcast %broadcast_in_dim3A_107 : f32 to vector<16xf32>
        %slice3A_109 = vector.extract_strided_slice %get3A_74 {offsets = [1], sizes = [1], strides = [1]} : vector<16xf32> to vector<1xf32>
        %squeeze3A_110 = vector.extract %slice3A_109[0] : f32 from vector<1xf32>
        %mul3A_111 = vector.broadcast %squeeze3A_110 : f32 to vector<16xf32>
        %mul3A_112 = arith.mulf %broadcast_in_dim3A_108, %mul3A_111 : vector<16xf32>
        %swap3A_113 = arith.index_cast %add3A_97 : i32 to index
        %swap3A_114 = arith.constant 64 : index
        %swap3A_115 = tpu.vector_load %arg8[%swap3A_113, %swap3A_114] {strides = array<i32>} : memref<64x128xf32, #tpu.memory_space<vmem>>, vector<16xf32>,
        tpu.vector_store %arg8[%swap3A_113, %swap3A_114], %mul3A_112 {strides = array<i32>} : memref<64x128xf32, #tpu.memory_space<vmem>>, vector<16xf32>,
        %mul3A_116 = arith.constant 16 : i32
        %mul3A_117 = arith.muli %mul3A_116, %add3A_61 : i32
        %add3A_118 = arith.constant 2 : i32
        %add3A_119 = arith.addi %mul3A_117, %add3A_118 : i32
        %broadcast_in_dim3A_120 = arith.constant 1.000000e+00 : f32
        %broadcast_in_dim3A_121 = vector.broadcast %broadcast_in_dim3A_120 : f32 to vector<16xf32>
        %slice3A_122 = vector.extract_strided_slice %get3A_67 {offsets = [2], sizes = [1], strides = [1]} : vector<16xf32> to vector<1xf32>
        %squeeze3A_123 = vector.extract %slice3A_122[0] : f32 from vector<1xf32>
        %mul3A_124 = vector.broadcast %squeeze3A_123 : f32 to vector<16xf32>
        %mul3A_125 = arith.mulf %broadcast_in_dim3A_121, %mul3A_124 : vector<16xf32>
        %swap3A_126 = arith.index_cast %add3A_119 : i32 to index
        %swap3A_127 = arith.constant 0 : index
        %swap3A_128 = tpu.vector_load %arg8[%swap3A_126, %swap3A_127] {strides = array<i32>} : memref<64x128xf32, #tpu.memory_space<vmem>>, vector<16xf32>,
        tpu.vector_store %arg8[%swap3A_126, %swap3A_127], %mul3A_125 {strides = array<i32>} : memref<64x128xf32, #tpu.memory_space<vmem>>, vector<16xf32>,
        %broadcast_in_dim3A_129 = arith.constant 1.000000e+00 : f32
        %broadcast_in_dim3A_130 = vector.broadcast %broadcast_in_dim3A_129 : f32 to vector<16xf32>
        %slice3A_131 = vector.extract_strided_slice %get3A_74 {offsets = [2], sizes = [1], strides = [1]} : vector<16xf32> to vector<1xf32>
        %squeeze3A_132 = vector.extract %slice3A_131[0] : f32 from vector<1xf32>
        %mul3A_133 = vector.broadcast %squeeze3A_132 : f32 to vector<16xf32>
        %mul3A_134 = arith.mulf %broadcast_in_dim3A_130, %mul3A_133 : vector<16xf32>
        %swap3A_135 = arith.index_cast %add3A_119 : i32 to index
        %swap3A_136 = arith.constant 64 : index
        %swap3A_137 = tpu.vector_load %arg8[%swap3A_135, %swap3A_136] {strides = array<i32>} : memref<64x128xf32, #tpu.memory_space<vmem>>, vector<16xf32>,
        tpu.vector_store %arg8[%swap3A_135, %swap3A_136], %mul3A_134 {strides = array<i32>} : memref<64x128xf32, #tpu.memory_space<vmem>>, vector<16xf32>,
        %mul3A_138 = arith.constant 16 : i32
        %mul3A_139 = arith.muli %mul3A_138, %add3A_61 : i32
        %add3A_140 = arith.constant 3 : i32
        %add3A_141 = arith.addi %mul3A_139, %add3A_140 : i32
        %broadcast_in_dim3A_142 = arith.constant 1.000000e+00 : f32
        %broadcast_in_dim3A_143 = vector.broadcast %broadcast_in_dim3A_142 : f32 to vector<16xf32>
        %slice3A_144 = vector.extract_strided_slice %get3A_67 {offsets = [3], sizes = [1], strides = [1]} : vector<16xf32> to vector<1xf32>
        %squeeze3A_145 = vector.extract %slice3A_144[0] : f32 from vector<1xf32>
        %mul3A_146 = vector.broadcast %squeeze3A_145 : f32 to vector<16xf32>
        %mul3A_147 = arith.mulf %broadcast_in_dim3A_143, %mul3A_146 : vector<16xf32>
        %swap3A_148 = arith.index_cast %add3A_141 : i32 to index
        %swap3A_149 = arith.constant 0 : index
        %swap3A_150 = tpu.vector_load %arg8[%swap3A_148, %swap3A_149] {strides = array<i32>} : memref<64x128xf32, #tpu.memory_space<vmem>>, vector<16xf32>,
        tpu.vector_store %arg8[%swap3A_148, %swap3A_149], %mul3A_147 {strides = array<i32>} : memref<64x128xf32, #tpu.memory_space<vmem>>, vector<16xf32>,
        %broadcast_in_dim3A_151 = arith.constant 1.000000e+00 : f32
        %broadcast_in_dim3A_152 = vector.broadcast %broadcast_in_dim3A_151 : f32 to vector<16xf32>
        %slice3A_153 = vector.extract_strided_slice %get3A_74 {offsets = [3], sizes = [1], strides = [1]} : vector<16xf32> to vector<1xf32>
        %squeeze3A_154 = vector.extract %slice3A_153[0] : f32 from vector<1xf32>
        %mul3A_155 = vector.broadcast %squeeze3A_154 : f32 to vector<16xf32>
        %mul3A_156 = arith.mulf %broadcast_in_dim3A_152, %mul3A_155 : vector<16xf32>
        %swap3A_157 = arith.index_cast %add3A_141 : i32 to index
        %swap3A_158 = arith.constant 64 : index
        %swap3A_159 = tpu.vector_load %arg8[%swap3A_157, %swap3A_158] {strides = array<i32>} : memref<64x128xf32, #tpu.memory_space<vmem>>, vector<16xf32>,
        tpu.vector_store %arg8[%swap3A_157, %swap3A_158], %mul3A_156 {strides = array<i32>} : memref<64x128xf32, #tpu.memory_space<vmem>>, vector<16xf32>,
        %mul3A_160 = arith.constant 16 : i32
        %mul3A_161 = arith.muli %mul3A_160, %add3A_61 : i32
        %add3A_162 = arith.constant 4 : i32
        %add3A_163 = arith.addi %mul3A_161, %add3A_162 : i32
        %broadcast_in_dim3A_164 = arith.constant 1.000000e+00 : f32
        %broadcast_in_dim3A_165 = vector.broadcast %broadcast_in_dim3A_164 : f32 to vector<16xf32>
        %slice3A_166 = vector.extract_strided_slice %get3A_67 {offsets = [4], sizes = [1], strides = [1]} : vector<16xf32> to vector<1xf32>
        %squeeze3A_167 = vector.extract %slice3A_166[0] : f32 from vector<1xf32>
        %mul3A_168 = vector.broadcast %squeeze3A_167 : f32 to vector<16xf32>
        %mul3A_169 = arith.mulf %broadcast_in_dim3A_165, %mul3A_168 : vector<16xf32>
        %swap3A_170 = arith.index_cast %add3A_163 : i32 to index
        %swap3A_171 = arith.constant 0 : index
        %swap3A_172 = tpu.vector_load %arg8[%swap3A_170, %swap3A_171] {strides = array<i32>} : memref<64x128xf32, #tpu.memory_space<vmem>>, vector<16xf32>,
        tpu.vector_store %arg8[%swap3A_170, %swap3A_171], %mul3A_169 {strides = array<i32>} : memref<64x128xf32, #tpu.memory_space<vmem>>, vector<16xf32>,
        %broadcast_in_dim3A_173 = arith.constant 1.000000e+00 : f32
        %broadcast_in_dim3A_174 = vector.broadcast %broadcast_in_dim3A_173 : f32 to vector<16xf32>
        %slice3A_175 = vector.extract_strided_slice %get3A_74 {offsets = [4], sizes = [1], strides = [1]} : vector<16xf32> to vector<1xf32>
        %squeeze3A_176 = vector.extract %slice3A_175[0] : f32 from vector<1xf32>
        %mul3A_177 = vector.broadcast %squeeze3A_176 : f32 to vector<16xf32>
        %mul3A_178 = arith.mulf %broadcast_in_dim3A_174, %mul3A_177 : vector<16xf32>
        %swap3A_179 = arith.index_cast %add3A_163 : i32 to index
        %swap3A_180 = arith.constant 64 : index
        %swap3A_181 = tpu.vector_load %arg8[%swap3A_179, %swap3A_180] {strides = array<i32>} : memref<64x128xf32, #tpu.memory_space<vmem>>, vector<16xf32>,
        tpu.vector_store %arg8[%swap3A_179, %swap3A_180], %mul3A_178 {strides = array<i32>} : memref<64x128xf32, #tpu.memory_space<vmem>>, vector<16xf32>,
        %mul3A_182 = arith.constant 16 : i32
        %mul3A_183 = arith.muli %mul3A_182, %add3A_61 : i32
        %add3A_184 = arith.constant 5 : i32
        %add3A_185 = arith.addi %mul3A_183, %add3A_184 : i32
        %broadcast_in_dim3A_186 = arith.constant 1.000000e+00 : f32
        %broadcast_in_dim3A_187 = vector.broadcast %broadcast_in_dim3A_186 : f32 to vector<16xf32>
        %slice3A_188 = vector.extract_strided_slice %get3A_67 {offsets = [5], sizes = [1], strides = [1]} : vector<16xf32> to vector<1xf32>
        %squeeze3A_189 = vector.extract %slice3A_188[0] : f32 from vector<1xf32>
        %mul3A_190 = vector.broadcast %squeeze3A_189 : f32 to vector<16xf32>
        %mul3A_191 = arith.mulf %broadcast_in_dim3A_187, %mul3A_190 : vector<16xf32>
        %swap3A_192 = arith.index_cast %add3A_185 : i32 to index
        %swap3A_193 = arith.constant 0 : index
        %swap3A_194 = tpu.vector_load %arg8[%swap3A_192, %swap3A_193] {strides = array<i32>} : memref<64x128xf32, #tpu.memory_space<vmem>>, vector<16xf32>,
        tpu.vector_store %arg8[%swap3A_192, %swap3A_193], %mul3A_191 {strides = array<i32>} : memref<64x128xf32, #tpu.memory_space<vmem>>, vector<16xf32>,
        %broadcast_in_dim3A_195 = arith.constant 1.000000e+00 : f32
        %broadcast_in_dim3A_196 = vector.broadcast %broadcast_in_dim3A_195 : f32 to vector<16xf32>
        %slice3A_197 = vector.extract_strided_slice %get3A_74 {offsets = [5], sizes = [1], strides = [1]} : vector<16xf32> to vector<1xf32>
        %squeeze3A_198 = vector.extract %slice3A_197[0] : f32 from vector<1xf32>
        %mul3A_199 = vector.broadcast %squeeze3A_198 : f32 to vector<16xf32>
        %mul3A_200 = arith.mulf %broadcast_in_dim3A_196, %mul3A_199 : vector<16xf32>
        %swap3A_201 = arith.index_cast %add3A_185 : i32 to index
        %swap3A_202 = arith.constant 64 : index
        %swap3A_203 = tpu.vector_load %arg8[%swap3A_201, %swap3A_202] {strides = array<i32>} : memref<64x128xf32, #tpu.memory_space<vmem>>, vector<16xf32>,
        tpu.vector_store %arg8[%swap3A_201, %swap3A_202], %mul3A_200 {strides = array<i32>} : memref<64x128xf32, #tpu.memory_space<vmem>>, vector<16xf32>,
        %mul3A_204 = arith.constant 16 : i32
        %mul3A_205 = arith.muli %mul3A_204, %add3A_61 : i32
        %add3A_206 = arith.constant 6 : i32
        %add3A_207 = arith.addi %mul3A_205, %add3A_206 : i32
        %broadcast_in_dim3A_208 = arith.constant 1.000000e+00 : f32
        %broadcast_in_dim3A_209 = vector.broadcast %broadcast_in_dim3A_208 : f32 to vector<16xf32>
        %slice3A_210 = vector.extract_strided_slice %get3A_67 {offsets = [6], sizes = [1], strides = [1]} : vector<16xf32> to vector<1xf32>
        %squeeze3A_211 = vector.extract %slice3A_210[0] : f32 from vector<1xf32>
        %mul3A_212 = vector.broadcast %squeeze3A_211 : f32 to vector<16xf32>
        %mul3A_213 = arith.mulf %broadcast_in_dim3A_209, %mul3A_212 : vector<16xf32>
        %swap3A_214 = arith.index_cast %add3A_207 : i32 to index
        %swap3A_215 = arith.constant 0 : index
        %swap3A_216 = tpu.vector_load %arg8[%swap3A_214, %swap3A_215] {strides = array<i32>} : memref<64x128xf32, #tpu.memory_space<vmem>>, vector<16xf32>,
        tpu.vector_store %arg8[%swap3A_214, %swap3A_215], %mul3A_213 {strides = array<i32>} : memref<64x128xf32, #tpu.memory_space<vmem>>, vector<16xf32>,
        %broadcast_in_dim3A_217 = arith.constant 1.000000e+00 : f32
        %broadcast_in_dim3A_218 = vector.broadcast %broadcast_in_dim3A_217 : f32 to vector<16xf32>
        %slice3A_219 = vector.extract_strided_slice %get3A_74 {offsets = [6], sizes = [1], strides = [1]} : vector<16xf32> to vector<1xf32>
        %squeeze3A_220 = vector.extract %slice3A_219[0] : f32 from vector<1xf32>
        %mul3A_221 = vector.broadcast %squeeze3A_220 : f32 to vector<16xf32>
        %mul3A_222 = arith.mulf %broadcast_in_dim3A_218, %mul3A_221 : vector<16xf32>
        %swap3A_223 = arith.index_cast %add3A_207 : i32 to index
        %swap3A_224 = arith.constant 64 : index
        %swap3A_225 = tpu.vector_load %arg8[%swap3A_223, %swap3A_224] {strides = array<i32>} : memref<64x128xf32, #tpu.memory_space<vmem>>, vector<16xf32>,
        tpu.vector_store %arg8[%swap3A_223, %swap3A_224], %mul3A_222 {strides = array<i32>} : memref<64x128xf32, #tpu.memory_space<vmem>>, vector<16xf32>,
        %mul3A_226 = arith.constant 16 : i32
        %mul3A_227 = arith.muli %mul3A_226, %add3A_61 : i32
        %add3A_228 = arith.constant 7 : i32
        %add3A_229 = arith.addi %mul3A_227, %add3A_228 : i32
        %broadcast_in_dim3A_230 = arith.constant 1.000000e+00 : f32
        %broadcast_in_dim3A_231 = vector.broadcast %broadcast_in_dim3A_230 : f32 to vector<16xf32>
        %slice3A_232 = vector.extract_strided_slice %get3A_67 {offsets = [7], sizes = [1], strides = [1]} : vector<16xf32> to vector<1xf32>
        %squeeze3A_233 = vector.extract %slice3A_232[0] : f32 from vector<1xf32>
        %mul3A_234 = vector.broadcast %squeeze3A_233 : f32 to vector<16xf32>
        %mul3A_235 = arith.mulf %broadcast_in_dim3A_231, %mul3A_234 : vector<16xf32>
        %swap3A_236 = arith.index_cast %add3A_229 : i32 to index
        %swap3A_237 = arith.constant 0 : index
        %swap3A_238 = tpu.vector_load %arg8[%swap3A_236, %swap3A_237] {strides = array<i32>} : memref<64x128xf32, #tpu.memory_space<vmem>>, vector<16xf32>,
        tpu.vector_store %arg8[%swap3A_236, %swap3A_237], %mul3A_235 {strides = array<i32>} : memref<64x128xf32, #tpu.memory_space<vmem>>, vector<16xf32>,
        %broadcast_in_dim3A_239 = arith.constant 1.000000e+00 : f32
        %broadcast_in_dim3A_240 = vector.broadcast %broadcast_in_dim3A_239 : f32 to vector<16xf32>
        %slice3A_241 = vector.extract_strided_slice %get3A_74 {offsets = [7], sizes = [1], strides = [1]} : vector<16xf32> to vector<1xf32>
        %squeeze3A_242 = vector.extract %slice3A_241[0] : f32 from vector<1xf32>
        %mul3A_243 = vector.broadcast %squeeze3A_242 : f32 to vector<16xf32>
        %mul3A_244 = arith.mulf %broadcast_in_dim3A_240, %mul3A_243 : vector<16xf32>
        %swap3A_245 = arith.index_cast %add3A_229 : i32 to index
        %swap3A_246 = arith.constant 64 : index
        %swap3A_247 = tpu.vector_load %arg8[%swap3A_245, %swap3A_246] {strides = array<i32>} : memref<64x128xf32, #tpu.memory_space<vmem>>, vector<16xf32>,
        tpu.vector_store %arg8[%swap3A_245, %swap3A_246], %mul3A_244 {strides = array<i32>} : memref<64x128xf32, #tpu.memory_space<vmem>>, vector<16xf32>,
        %mul3A_248 = arith.constant 16 : i32
        %mul3A_249 = arith.muli %mul3A_248, %add3A_61 : i32
        %add3A_250 = arith.constant 8 : i32
        %add3A_251 = arith.addi %mul3A_249, %add3A_250 : i32
        %broadcast_in_dim3A_252 = arith.constant 1.000000e+00 : f32
        %broadcast_in_dim3A_253 = vector.broadcast %broadcast_in_dim3A_252 : f32 to vector<16xf32>
        %slice3A_254 = vector.extract_strided_slice %get3A_67 {offsets = [8], sizes = [1], strides = [1]} : vector<16xf32> to vector<1xf32>
        %squeeze3A_255 = vector.extract %slice3A_254[0] : f32 from vector<1xf32>
        %mul3A_256 = vector.broadcast %squeeze3A_255 : f32 to vector<16xf32>
        %mul3A_257 = arith.mulf %broadcast_in_dim3A_253, %mul3A_256 : vector<16xf32>
        %swap3A_258 = arith.index_cast %add3A_251 : i32 to index
        %swap3A_259 = arith.constant 0 : index
        %swap3A_260 = tpu.vector_load %arg8[%swap3A_258, %swap3A_259] {strides = array<i32>} : memref<64x128xf32, #tpu.memory_space<vmem>>, vector<16xf32>,
        tpu.vector_store %arg8[%swap3A_258, %swap3A_259], %mul3A_257 {strides = array<i32>} : memref<64x128xf32, #tpu.memory_space<vmem>>, vector<16xf32>,
        %broadcast_in_dim3A_261 = arith.constant 1.000000e+00 : f32
        %broadcast_in_dim3A_262 = vector.broadcast %broadcast_in_dim3A_261 : f32 to vector<16xf32>
        %slice3A_263 = vector.extract_strided_slice %get3A_74 {offsets = [8], sizes = [1], strides = [1]} : vector<16xf32> to vector<1xf32>
        %squeeze3A_264 = vector.extract %slice3A_263[0] : f32 from vector<1xf32>
        %mul3A_265 = vector.broadcast %squeeze3A_264 : f32 to vector<16xf32>
        %mul3A_266 = arith.mulf %broadcast_in_dim3A_262, %mul3A_265 : vector<16xf32>
        %swap3A_267 = arith.index_cast %add3A_251 : i32 to index
        %swap3A_268 = arith.constant 64 : index
        %swap3A_269 = tpu.vector_load %arg8[%swap3A_267, %swap3A_268] {strides = array<i32>} : memref<64x128xf32, #tpu.memory_space<vmem>>, vector<16xf32>,
        tpu.vector_store %arg8[%swap3A_267, %swap3A_268], %mul3A_266 {strides = array<i32>} : memref<64x128xf32, #tpu.memory_space<vmem>>, vector<16xf32>,
        %mul3A_270 = arith.constant 16 : i32
        %mul3A_271 = arith.muli %mul3A_270, %add3A_61 : i32
        %add3A_272 = arith.constant 9 : i32
        %add3A_273 = arith.addi %mul3A_271, %add3A_272 : i32
        %broadcast_in_dim3A_274 = arith.constant 1.000000e+00 : f32
        %broadcast_in_dim3A_275 = vector.broadcast %broadcast_in_dim3A_274 : f32 to vector<16xf32>
        %slice3A_276 = vector.extract_strided_slice %get3A_67 {offsets = [9], sizes = [1], strides = [1]} : vector<16xf32> to vector<1xf32>
        %squeeze3A_277 = vector.extract %slice3A_276[0] : f32 from vector<1xf32>
        %mul3A_278 = vector.broadcast %squeeze3A_277 : f32 to vector<16xf32>
        %mul3A_279 = arith.mulf %broadcast_in_dim3A_275, %mul3A_278 : vector<16xf32>
        %swap3A_280 = arith.index_cast %add3A_273 : i32 to index
        %swap3A_281 = arith.constant 0 : index
        %swap3A_282 = tpu.vector_load %arg8[%swap3A_280, %swap3A_281] {strides = array<i32>} : memref<64x128xf32, #tpu.memory_space<vmem>>, vector<16xf32>,
        tpu.vector_store %arg8[%swap3A_280, %swap3A_281], %mul3A_279 {strides = array<i32>} : memref<64x128xf32, #tpu.memory_space<vmem>>, vector<16xf32>,
        %broadcast_in_dim3A_283 = arith.constant 1.000000e+00 : f32
        %broadcast_in_dim3A_284 = vector.broadcast %broadcast_in_dim3A_283 : f32 to vector<16xf32>
        %slice3A_285 = vector.extract_strided_slice %get3A_74 {offsets = [9], sizes = [1], strides = [1]} : vector<16xf32> to vector<1xf32>
        %squeeze3A_286 = vector.extract %slice3A_285[0] : f32 from vector<1xf32>
        %mul3A_287 = vector.broadcast %squeeze3A_286 : f32 to vector<16xf32>
        %mul3A_288 = arith.mulf %broadcast_in_dim3A_284, %mul3A_287 : vector<16xf32>
        %swap3A_289 = arith.index_cast %add3A_273 : i32 to index
        %swap3A_290 = arith.constant 64 : index
        %swap3A_291 = tpu.vector_load %arg8[%swap3A_289, %swap3A_290] {strides = array<i32>} : memref<64x128xf32, #tpu.memory_space<vmem>>, vector<16xf32>,
        tpu.vector_store %arg8[%swap3A_289, %swap3A_290], %mul3A_288 {strides = array<i32>} : memref<64x128xf32, #tpu.memory_space<vmem>>, vector<16xf32>,
        %mul3A_292 = arith.constant 16 : i32
        %mul3A_293 = arith.muli %mul3A_292, %add3A_61 : i32
        %add3A_294 = arith.constant 10 : i32
        %add3A_295 = arith.addi %mul3A_293, %add3A_294 : i32
        %broadcast_in_dim3A_296 = arith.constant 1.000000e+00 : f32
        %broadcast_in_dim3A_297 = vector.broadcast %broadcast_in_dim3A_296 : f32 to vector<16xf32>
        %slice3A_298 = vector.extract_strided_slice %get3A_67 {offsets = [10], sizes = [1], strides = [1]} : vector<16xf32> to vector<1xf32>
        %squeeze3A_299 = vector.extract %slice3A_298[0] : f32 from vector<1xf32>
        %mul3A_300 = vector.broadcast %squeeze3A_299 : f32 to vector<16xf32>
        %mul3A_301 = arith.mulf %broadcast_in_dim3A_297, %mul3A_300 : vector<16xf32>
        %swap3A_302 = arith.index_cast %add3A_295 : i32 to index
        %swap3A_303 = arith.constant 0 : index
        %swap3A_304 = tpu.vector_load %arg8[%swap3A_302, %swap3A_303] {strides = array<i32>} : memref<64x128xf32, #tpu.memory_space<vmem>>, vector<16xf32>,
        tpu.vector_store %arg8[%swap3A_302, %swap3A_303], %mul3A_301 {strides = array<i32>} : memref<64x128xf32, #tpu.memory_space<vmem>>, vector<16xf32>,
        %broadcast_in_dim3A_305 = arith.constant 1.000000e+00 : f32
        %broadcast_in_dim3A_306 = vector.broadcast %broadcast_in_dim3A_305 : f32 to vector<16xf32>
        %slice3A_307 = vector.extract_strided_slice %get3A_74 {offsets = [10], sizes = [1], strides = [1]} : vector<16xf32> to vector<1xf32>
        %squeeze3A_308 = vector.extract %slice3A_307[0] : f32 from vector<1xf32>
        %mul3A_309 = vector.broadcast %squeeze3A_308 : f32 to vector<16xf32>
        %mul3A_310 = arith.mulf %broadcast_in_dim3A_306, %mul3A_309 : vector<16xf32>
        %swap3A_311 = arith.index_cast %add3A_295 : i32 to index
        %swap3A_312 = arith.constant 64 : index
        %swap3A_313 = tpu.vector_load %arg8[%swap3A_311, %swap3A_312] {strides = array<i32>} : memref<64x128xf32, #tpu.memory_space<vmem>>, vector<16xf32>,
        tpu.vector_store %arg8[%swap3A_311, %swap3A_312], %mul3A_310 {strides = array<i32>} : memref<64x128xf32, #tpu.memory_space<vmem>>, vector<16xf32>,
        %mul3A_314 = arith.constant 16 : i32
        %mul3A_315 = arith.muli %mul3A_314, %add3A_61 : i32
        %add3A_316 = arith.constant 11 : i32
        %add3A_317 = arith.addi %mul3A_315, %add3A_316 : i32
        %broadcast_in_dim3A_318 = arith.constant 1.000000e+00 : f32
        %broadcast_in_dim3A_319 = vector.broadcast %broadcast_in_dim3A_318 : f32 to vector<16xf32>
        %slice3A_320 = vector.extract_strided_slice %get3A_67 {offsets = [11], sizes = [1], strides = [1]} : vector<16xf32> to vector<1xf32>
        %squeeze3A_321 = vector.extract %slice3A_320[0] : f32 from vector<1xf32>
        %mul3A_322 = vector.broadcast %squeeze3A_321 : f32 to vector<16xf32>
        %mul3A_323 = arith.mulf %broadcast_in_dim3A_319, %mul3A_322 : vector<16xf32>
        %swap3A_324 = arith.index_cast %add3A_317 : i32 to index
        %swap3A_325 = arith.constant 0 : index
        %swap3A_326 = tpu.vector_load %arg8[%swap3A_324, %swap3A_325] {strides = array<i32>} : memref<64x128xf32, #tpu.memory_space<vmem>>, vector<16xf32>,
        tpu.vector_store %arg8[%swap3A_324, %swap3A_325], %mul3A_323 {strides = array<i32>} : memref<64x128xf32, #tpu.memory_space<vmem>>, vector<16xf32>,
        %broadcast_in_dim3A_327 = arith.constant 1.000000e+00 : f32
        %broadcast_in_dim3A_328 = vector.broadcast %broadcast_in_dim3A_327 : f32 to vector<16xf32>
        %slice3A_329 = vector.extract_strided_slice %get3A_74 {offsets = [11], sizes = [1], strides = [1]} : vector<16xf32> to vector<1xf32>
        %squeeze3A_330 = vector.extract %slice3A_329[0] : f32 from vector<1xf32>
        %mul3A_331 = vector.broadcast %squeeze3A_330 : f32 to vector<16xf32>
        %mul3A_332 = arith.mulf %broadcast_in_dim3A_328, %mul3A_331 : vector<16xf32>
        %swap3A_333 = arith.index_cast %add3A_317 : i32 to index
        %swap3A_334 = arith.constant 64 : index
        %swap3A_335 = tpu.vector_load %arg8[%swap3A_333, %swap3A_334] {strides = array<i32>} : memref<64x128xf32, #tpu.memory_space<vmem>>, vector<16xf32>,
        tpu.vector_store %arg8[%swap3A_333, %swap3A_334], %mul3A_332 {strides = array<i32>} : memref<64x128xf32, #tpu.memory_space<vmem>>, vector<16xf32>,
        %mul3A_336 = arith.constant 16 : i32
        %mul3A_337 = arith.muli %mul3A_336, %add3A_61 : i32
        %add3A_338 = arith.constant 12 : i32
        %add3A_339 = arith.addi %mul3A_337, %add3A_338 : i32
        %broadcast_in_dim3A_340 = arith.constant 1.000000e+00 : f32
        %broadcast_in_dim3A_341 = vector.broadcast %broadcast_in_dim3A_340 : f32 to vector<16xf32>
        %slice3A_342 = vector.extract_strided_slice %get3A_67 {offsets = [12], sizes = [1], strides = [1]} : vector<16xf32> to vector<1xf32>
        %squeeze3A_343 = vector.extract %slice3A_342[0] : f32 from vector<1xf32>
        %mul3A_344 = vector.broadcast %squeeze3A_343 : f32 to vector<16xf32>
        %mul3A_345 = arith.mulf %broadcast_in_dim3A_341, %mul3A_344 : vector<16xf32>
        %swap3A_346 = arith.index_cast %add3A_339 : i32 to index
        %swap3A_347 = arith.constant 0 : index
        %swap3A_348 = tpu.vector_load %arg8[%swap3A_346, %swap3A_347] {strides = array<i32>} : memref<64x128xf32, #tpu.memory_space<vmem>>, vector<16xf32>,
        tpu.vector_store %arg8[%swap3A_346, %swap3A_347], %mul3A_345 {strides = array<i32>} : memref<64x128xf32, #tpu.memory_space<vmem>>, vector<16xf32>,
        %broadcast_in_dim3A_349 = arith.constant 1.000000e+00 : f32
        %broadcast_in_dim3A_350 = vector.broadcast %broadcast_in_dim3A_349 : f32 to vector<16xf32>
        %slice3A_351 = vector.extract_strided_slice %get3A_74 {offsets = [12], sizes = [1], strides = [1]} : vector<16xf32> to vector<1xf32>
        %squeeze3A_352 = vector.extract %slice3A_351[0] : f32 from vector<1xf32>
        %mul3A_353 = vector.broadcast %squeeze3A_352 : f32 to vector<16xf32>
        %mul3A_354 = arith.mulf %broadcast_in_dim3A_350, %mul3A_353 : vector<16xf32>
        %swap3A_355 = arith.index_cast %add3A_339 : i32 to index
        %swap3A_356 = arith.constant 64 : index
        %swap3A_357 = tpu.vector_load %arg8[%swap3A_355, %swap3A_356] {strides = array<i32>} : memref<64x128xf32, #tpu.memory_space<vmem>>, vector<16xf32>,
        tpu.vector_store %arg8[%swap3A_355, %swap3A_356], %mul3A_354 {strides = array<i32>} : memref<64x128xf32, #tpu.memory_space<vmem>>, vector<16xf32>,
        %mul3A_358 = arith.constant 16 : i32
        %mul3A_359 = arith.muli %mul3A_358, %add3A_61 : i32
        %add3A_360 = arith.constant 13 : i32
        %add3A_361 = arith.addi %mul3A_359, %add3A_360 : i32
        %broadcast_in_dim3A_362 = arith.constant 1.000000e+00 : f32
        %broadcast_in_dim3A_363 = vector.broadcast %broadcast_in_dim3A_362 : f32 to vector<16xf32>
        %slice3A_364 = vector.extract_strided_slice %get3A_67 {offsets = [13], sizes = [1], strides = [1]} : vector<16xf32> to vector<1xf32>
        %squeeze3A_365 = vector.extract %slice3A_364[0] : f32 from vector<1xf32>
        %mul3A_366 = vector.broadcast %squeeze3A_365 : f32 to vector<16xf32>
        %mul3A_367 = arith.mulf %broadcast_in_dim3A_363, %mul3A_366 : vector<16xf32>
        %swap3A_368 = arith.index_cast %add3A_361 : i32 to index
        %swap3A_369 = arith.constant 0 : index
        %swap3A_370 = tpu.vector_load %arg8[%swap3A_368, %swap3A_369] {strides = array<i32>} : memref<64x128xf32, #tpu.memory_space<vmem>>, vector<16xf32>,
        tpu.vector_store %arg8[%swap3A_368, %swap3A_369], %mul3A_367 {strides = array<i32>} : memref<64x128xf32, #tpu.memory_space<vmem>>, vector<16xf32>,
        %broadcast_in_dim3A_371 = arith.constant 1.000000e+00 : f32
        %broadcast_in_dim3A_372 = vector.broadcast %broadcast_in_dim3A_371 : f32 to vector<16xf32>
        %slice3A_373 = vector.extract_strided_slice %get3A_74 {offsets = [13], sizes = [1], strides = [1]} : vector<16xf32> to vector<1xf32>
        %squeeze3A_374 = vector.extract %slice3A_373[0] : f32 from vector<1xf32>
        %mul3A_375 = vector.broadcast %squeeze3A_374 : f32 to vector<16xf32>
        %mul3A_376 = arith.mulf %broadcast_in_dim3A_372, %mul3A_375 : vector<16xf32>
        %swap3A_377 = arith.index_cast %add3A_361 : i32 to index
        %swap3A_378 = arith.constant 64 : index
        %swap3A_379 = tpu.vector_load %arg8[%swap3A_377, %swap3A_378] {strides = array<i32>} : memref<64x128xf32, #tpu.memory_space<vmem>>, vector<16xf32>,
        tpu.vector_store %arg8[%swap3A_377, %swap3A_378], %mul3A_376 {strides = array<i32>} : memref<64x128xf32, #tpu.memory_space<vmem>>, vector<16xf32>,
        %mul3A_380 = arith.constant 16 : i32
        %mul3A_381 = arith.muli %mul3A_380, %add3A_61 : i32
        %add3A_382 = arith.constant 14 : i32
        %add3A_383 = arith.addi %mul3A_381, %add3A_382 : i32
        %broadcast_in_dim3A_384 = arith.constant 1.000000e+00 : f32
        %broadcast_in_dim3A_385 = vector.broadcast %broadcast_in_dim3A_384 : f32 to vector<16xf32>
        %slice3A_386 = vector.extract_strided_slice %get3A_67 {offsets = [14], sizes = [1], strides = [1]} : vector<16xf32> to vector<1xf32>
        %squeeze3A_387 = vector.extract %slice3A_386[0] : f32 from vector<1xf32>
        %mul3A_388 = vector.broadcast %squeeze3A_387 : f32 to vector<16xf32>
        %mul3A_389 = arith.mulf %broadcast_in_dim3A_385, %mul3A_388 : vector<16xf32>
        %swap3A_390 = arith.index_cast %add3A_383 : i32 to index
        %swap3A_391 = arith.constant 0 : index
        %swap3A_392 = tpu.vector_load %arg8[%swap3A_390, %swap3A_391] {strides = array<i32>} : memref<64x128xf32, #tpu.memory_space<vmem>>, vector<16xf32>,
        tpu.vector_store %arg8[%swap3A_390, %swap3A_391], %mul3A_389 {strides = array<i32>} : memref<64x128xf32, #tpu.memory_space<vmem>>, vector<16xf32>,
        %broadcast_in_dim3A_393 = arith.constant 1.000000e+00 : f32
        %broadcast_in_dim3A_394 = vector.broadcast %broadcast_in_dim3A_393 : f32 to vector<16xf32>
        %slice3A_395 = vector.extract_strided_slice %get3A_74 {offsets = [14], sizes = [1], strides = [1]} : vector<16xf32> to vector<1xf32>
        %squeeze3A_396 = vector.extract %slice3A_395[0] : f32 from vector<1xf32>
        %mul3A_397 = vector.broadcast %squeeze3A_396 : f32 to vector<16xf32>
        %mul3A_398 = arith.mulf %broadcast_in_dim3A_394, %mul3A_397 : vector<16xf32>
        %swap3A_399 = arith.index_cast %add3A_383 : i32 to index
        %swap3A_400 = arith.constant 64 : index
        %swap3A_401 = tpu.vector_load %arg8[%swap3A_399, %swap3A_400] {strides = array<i32>} : memref<64x128xf32, #tpu.memory_space<vmem>>, vector<16xf32>,
        tpu.vector_store %arg8[%swap3A_399, %swap3A_400], %mul3A_398 {strides = array<i32>} : memref<64x128xf32, #tpu.memory_space<vmem>>, vector<16xf32>,
        %mul3A_402 = arith.constant 16 : i32
        %mul3A_403 = arith.muli %mul3A_402, %add3A_61 : i32
        %add3A_404 = arith.constant 15 : i32
        %add3A_405 = arith.addi %mul3A_403, %add3A_404 : i32
        %broadcast_in_dim3A_406 = arith.constant 1.000000e+00 : f32
        %broadcast_in_dim3A_407 = vector.broadcast %broadcast_in_dim3A_406 : f32 to vector<16xf32>
        %slice3A_408 = vector.extract_strided_slice %get3A_67 {offsets = [15], sizes = [1], strides = [1]} : vector<16xf32> to vector<1xf32>
        %squeeze3A_409 = vector.extract %slice3A_408[0] : f32 from vector<1xf32>
        %mul3A_410 = vector.broadcast %squeeze3A_409 : f32 to vector<16xf32>
        %mul3A_411 = arith.mulf %broadcast_in_dim3A_407, %mul3A_410 : vector<16xf32>
        %swap3A_412 = arith.index_cast %add3A_405 : i32 to index
        %swap3A_413 = arith.constant 0 : index
        %swap3A_414 = tpu.vector_load %arg8[%swap3A_412, %swap3A_413] {strides = array<i32>} : memref<64x128xf32, #tpu.memory_space<vmem>>, vector<16xf32>,
        tpu.vector_store %arg8[%swap3A_412, %swap3A_413], %mul3A_411 {strides = array<i32>} : memref<64x128xf32, #tpu.memory_space<vmem>>, vector<16xf32>,
        %broadcast_in_dim3A_415 = arith.constant 1.000000e+00 : f32
        %broadcast_in_dim3A_416 = vector.broadcast %broadcast_in_dim3A_415 : f32 to vector<16xf32>
        %slice3A_417 = vector.extract_strided_slice %get3A_74 {offsets = [15], sizes = [1], strides = [1]} : vector<16xf32> to vector<1xf32>
        %squeeze3A_418 = vector.extract %slice3A_417[0] : f32 from vector<1xf32>
        %mul3A_419 = vector.broadcast %squeeze3A_418 : f32 to vector<16xf32>
        %mul3A_420 = arith.mulf %broadcast_in_dim3A_416, %mul3A_419 : vector<16xf32>
        %swap3A_421 = arith.index_cast %add3A_405 : i32 to index
        %swap3A_422 = arith.constant 64 : index
        %swap3A_423 = tpu.vector_load %arg8[%swap3A_421, %swap3A_422] {strides = array<i32>} : memref<64x128xf32, #tpu.memory_space<vmem>>, vector<16xf32>,
        tpu.vector_store %arg8[%swap3A_421, %swap3A_422], %mul3A_420 {strides = array<i32>} : memref<64x128xf32, #tpu.memory_space<vmem>>, vector<16xf32>,
      }
      %scan3A_51 = arith.constant 4 : i32
      %mul3A_52 = arith.constant 640 : i32
      %mul3A_53 = arith.muli %arg1, %mul3A_52 : i32
      %mul3A_54 = arith.constant 64 : i32
      %mul3A_55 = arith.muli %mul3A_54, %add3A_46 : i32
      %add3A_56 = arith.addi %mul3A_53, %mul3A_55 : i32
      "tpu.region"() ({
        %run_scoped3A_57 = tpu.sem_alloc : memref<!tpu.dma_semaphore, #tpu.memory_space<semaphore_mem>>
        %dma_start3A = arith.constant 0 : i32
        %dma_start3A_58 = tpu.memref_slice %arg3[%arg0, %add3A_56, %dma_start3A] : memref<2x10240x128xf32, #tpu.memory_space<hbm>> -> memref<1x64x128xf32, #tpu.memory_space<hbm>>
        %dma_start3A_59 = tpu.memref_squeeze %dma_start3A_58 : memref<1x64x128xf32, #tpu.memory_space<hbm>> -> memref<64x128xf32, #tpu.memory_space<hbm>>
        %dma_start3A_60 = arith.constant 0 : i32
        %dma_start3A_61 = tpu.memref_slice %arg3[%arg0, %add3A_56, %dma_start3A_60] : memref<2x10240x128xf32, #tpu.memory_space<hbm>> -> memref<1x64x128xf32, #tpu.memory_space<hbm>>
        %dma_start3A_62 = tpu.memref_squeeze %dma_start3A_61 : memref<1x64x128xf32, #tpu.memory_space<hbm>> -> memref<64x128xf32, #tpu.memory_space<hbm>>
        tpu.enqueue_dma source(%arg8 : memref<64x128xf32, #tpu.memory_space<vmem>>) target(%dma_start3A_62 : memref<64x128xf32, #tpu.memory_space<hbm>>) target_semaphore(%run_scoped3A_57 : memref<!tpu.dma_semaphore, #tpu.memory_space<semaphore_mem>>)
        %dma_wait3A = arith.constant 0 : i32
        %dma_wait3A_63 = tpu.memref_slice %arg3[%arg0, %add3A_56, %dma_wait3A] : memref<2x10240x128xf32, #tpu.memory_space<hbm>> -> memref<1x64x128xf32, #tpu.memory_space<hbm>>
        %dma_wait3A_64 = tpu.memref_squeeze %dma_wait3A_63 : memref<1x64x128xf32, #tpu.memory_space<hbm>> -> memref<64x128xf32, #tpu.memory_space<hbm>>
        %dma_wait3A_65 = arith.constant 0 : i32
        %dma_wait3A_66 = tpu.memref_slice %arg3[%arg0, %add3A_56, %dma_wait3A_65] : memref<2x10240x128xf32, #tpu.memory_space<hbm>> -> memref<1x64x128xf32, #tpu.memory_space<hbm>>
        %dma_wait3A_67 = tpu.memref_squeeze %dma_wait3A_66 : memref<1x64x128xf32, #tpu.memory_space<hbm>> -> memref<64x128xf32, #tpu.memory_space<hbm>>
        tpu.wait_dma2 semaphore(%run_scoped3A_57 : memref<!tpu.dma_semaphore, #tpu.memory_space<semaphore_mem>>) src(%arg8 : memref<64x128xf32, #tpu.memory_space<vmem>>) dst(%dma_wait3A_67 : memref<64x128xf32, #tpu.memory_space<hbm>>)
        tpu.yield
      }) : () -> ()
    }
    %scan3A_41 = arith.constant 10 : i32
    return
  }
}

#map = affine_map<(d0, d1) -> (0, 0)>
#map1 = affine_map<(d0, d1) -> (0, 0, 0)>
module attributes {stable_mosaic.version = 14 : i64} {
  func.func @_agg_body(%arg0: i32, %arg1: i32, %arg2: memref<10112x128xf32, #tpu.memory_space<hbm>>, %arg3: memref<32x114x88xi32, #tpu.memory_space<hbm>>, %arg4: memref<32x114x88xi32, #tpu.memory_space<hbm>>, %arg5: memref<2x10112x128xf32, #tpu.memory_space<hbm>>, %arg6: memref<64x88xi32, #tpu.memory_space<vmem>>, %arg7: memref<64x88xi32, #tpu.memory_space<vmem>>, %arg8: memref<2x88x128xf32, #tpu.memory_space<vmem>>, %arg9: memref<!tpu.dma_semaphore, #tpu.memory_space<semaphore_mem>>, %arg10: memref<10112x128xf32, #tpu.memory_space<vmem_shared>>) attributes {dimension_semantics = [#tpu.dimension_semantics<core_parallel>, #tpu.dimension_semantics<subcore_parallel>], iteration_bounds = array<i64: 2, 16>, scalar_prefetch = 0 : i64, scratch_operands = 5 : i64, tpu.core_type = #tpu.core_type<sc_vector_subcore>, window_params = [{transform_indices = #map}, {transform_indices = #map1}, {transform_indices = #map1}, {transform_indices = #map1}]} {
    %mul3A = arith.constant 2 : i32
    %mul3A_0 = arith.muli %arg1, %mul3A : i32
    %add3A = arith.addi %mul3A_0, %arg0 : i32
    %broadcast_in_dim3A = arith.constant 0.000000e+00 : f32
    %broadcast_in_dim3A_1 = vector.broadcast %broadcast_in_dim3A : f32 to vector<16xf32>
    %scan3A = arith.constant 0 : i32
    %scan3A_2 = arith.constant 0 : i32
    %scan3A_3 = arith.constant 8 : i32
    %scan3A_4 = arith.addi %scan3A_2, %scan3A_3 : i32
    %scan3A_5 = arith.constant 1 : i32
    scf.for %scan3A_107 = %scan3A_2 to %scan3A_4 step %scan3A_5  : i32 {
      %mul3A_108 = arith.constant 1 : i32
      %mul3A_109 = arith.muli %scan3A_107, %mul3A_108 : i32
      %add3A_110 = arith.constant 0 : i32
      %add3A_111 = arith.addi %add3A_110, %mul3A_109 : i32
      %swap3A = arith.constant 0 : i32
      %swap3A_112 = arith.constant 0 : i32
      %swap3A_113 = tpu.memref_slice %arg8[%scan3A, %swap3A, %swap3A_112] : memref<2x88x128xf32, #tpu.memory_space<vmem>> -> memref<1x88x128xf32, #tpu.memory_space<vmem>>
      %swap3A_114 = tpu.memref_squeeze %swap3A_113 : memref<1x88x128xf32, #tpu.memory_space<vmem>> -> memref<88x128xf32, #tpu.memory_space<vmem>>
      %swap3A_115 = arith.index_cast %add3A_111 : i32 to index
      %swap3A_116 = arith.constant 0 : index
      %swap3A_117 = tpu.vector_load %swap3A_114[%swap3A_115, %swap3A_116] {strides = array<i32>} : memref<88x128xf32, #tpu.memory_space<vmem>>, vector<1x16xf32>,
      %swap3A_118 = vector.shape_cast %swap3A_117 : vector<1x16xf32> to vector<16xf32>
      %swap3A_119 = vector.shape_cast %broadcast_in_dim3A_1 : vector<16xf32> to vector<1x16xf32>
      tpu.vector_store %swap3A_114[%swap3A_115, %swap3A_116], %swap3A_119 {strides = array<i32>} : memref<88x128xf32, #tpu.memory_space<vmem>>, vector<1x16xf32>,
    }
    %scan3A_6 = arith.constant 8 : i32
    %broadcast_in_dim3A_7 = arith.constant 0.000000e+00 : f32
    %broadcast_in_dim3A_8 = vector.broadcast %broadcast_in_dim3A_7 : f32 to vector<16xf32>
    %scan3A_9 = arith.constant 0 : i32
    %scan3A_10 = arith.constant 0 : i32
    %scan3A_11 = arith.constant 8 : i32
    %scan3A_12 = arith.addi %scan3A_10, %scan3A_11 : i32
    %scan3A_13 = arith.constant 1 : i32
    scf.for %scan3A_107 = %scan3A_10 to %scan3A_12 step %scan3A_13  : i32 {
      %mul3A_108 = arith.constant 1 : i32
      %mul3A_109 = arith.muli %scan3A_107, %mul3A_108 : i32
      %add3A_110 = arith.constant 0 : i32
      %add3A_111 = arith.addi %add3A_110, %mul3A_109 : i32
      %swap3A = arith.constant 0 : i32
      %swap3A_112 = arith.constant 0 : i32
      %swap3A_113 = tpu.memref_slice %arg8[%scan3A_9, %swap3A, %swap3A_112] : memref<2x88x128xf32, #tpu.memory_space<vmem>> -> memref<1x88x128xf32, #tpu.memory_space<vmem>>
      %swap3A_114 = tpu.memref_squeeze %swap3A_113 : memref<1x88x128xf32, #tpu.memory_space<vmem>> -> memref<88x128xf32, #tpu.memory_space<vmem>>
      %swap3A_115 = arith.index_cast %add3A_111 : i32 to index
      %swap3A_116 = arith.constant 16 : index
      %swap3A_117 = tpu.vector_load %swap3A_114[%swap3A_115, %swap3A_116] {strides = array<i32>} : memref<88x128xf32, #tpu.memory_space<vmem>>, vector<1x16xf32>,
      %swap3A_118 = vector.shape_cast %swap3A_117 : vector<1x16xf32> to vector<16xf32>
      %swap3A_119 = vector.shape_cast %broadcast_in_dim3A_8 : vector<16xf32> to vector<1x16xf32>
      tpu.vector_store %swap3A_114[%swap3A_115, %swap3A_116], %swap3A_119 {strides = array<i32>} : memref<88x128xf32, #tpu.memory_space<vmem>>, vector<1x16xf32>,
    }
    %scan3A_14 = arith.constant 8 : i32
    %broadcast_in_dim3A_15 = arith.constant 0.000000e+00 : f32
    %broadcast_in_dim3A_16 = vector.broadcast %broadcast_in_dim3A_15 : f32 to vector<16xf32>
    %scan3A_17 = arith.constant 0 : i32
    %scan3A_18 = arith.constant 0 : i32
    %scan3A_19 = arith.constant 8 : i32
    %scan3A_20 = arith.addi %scan3A_18, %scan3A_19 : i32
    %scan3A_21 = arith.constant 1 : i32
    scf.for %scan3A_107 = %scan3A_18 to %scan3A_20 step %scan3A_21  : i32 {
      %mul3A_108 = arith.constant 1 : i32
      %mul3A_109 = arith.muli %scan3A_107, %mul3A_108 : i32
      %add3A_110 = arith.constant 0 : i32
      %add3A_111 = arith.addi %add3A_110, %mul3A_109 : i32
      %swap3A = arith.constant 0 : i32
      %swap3A_112 = arith.constant 0 : i32
      %swap3A_113 = tpu.memref_slice %arg8[%scan3A_17, %swap3A, %swap3A_112] : memref<2x88x128xf32, #tpu.memory_space<vmem>> -> memref<1x88x128xf32, #tpu.memory_space<vmem>>
      %swap3A_114 = tpu.memref_squeeze %swap3A_113 : memref<1x88x128xf32, #tpu.memory_space<vmem>> -> memref<88x128xf32, #tpu.memory_space<vmem>>
      %swap3A_115 = arith.index_cast %add3A_111 : i32 to index
      %swap3A_116 = arith.constant 32 : index
      %swap3A_117 = tpu.vector_load %swap3A_114[%swap3A_115, %swap3A_116] {strides = array<i32>} : memref<88x128xf32, #tpu.memory_space<vmem>>, vector<1x16xf32>,
      %swap3A_118 = vector.shape_cast %swap3A_117 : vector<1x16xf32> to vector<16xf32>
      %swap3A_119 = vector.shape_cast %broadcast_in_dim3A_16 : vector<16xf32> to vector<1x16xf32>
      tpu.vector_store %swap3A_114[%swap3A_115, %swap3A_116], %swap3A_119 {strides = array<i32>} : memref<88x128xf32, #tpu.memory_space<vmem>>, vector<1x16xf32>,
    }
    %scan3A_22 = arith.constant 8 : i32
    %broadcast_in_dim3A_23 = arith.constant 0.000000e+00 : f32
    %broadcast_in_dim3A_24 = vector.broadcast %broadcast_in_dim3A_23 : f32 to vector<16xf32>
    %scan3A_25 = arith.constant 0 : i32
    %scan3A_26 = arith.constant 0 : i32
    %scan3A_27 = arith.constant 8 : i32
    %scan3A_28 = arith.addi %scan3A_26, %scan3A_27 : i32
    %scan3A_29 = arith.constant 1 : i32
    scf.for %scan3A_107 = %scan3A_26 to %scan3A_28 step %scan3A_29  : i32 {
      %mul3A_108 = arith.constant 1 : i32
      %mul3A_109 = arith.muli %scan3A_107, %mul3A_108 : i32
      %add3A_110 = arith.constant 0 : i32
      %add3A_111 = arith.addi %add3A_110, %mul3A_109 : i32
      %swap3A = arith.constant 0 : i32
      %swap3A_112 = arith.constant 0 : i32
      %swap3A_113 = tpu.memref_slice %arg8[%scan3A_25, %swap3A, %swap3A_112] : memref<2x88x128xf32, #tpu.memory_space<vmem>> -> memref<1x88x128xf32, #tpu.memory_space<vmem>>
      %swap3A_114 = tpu.memref_squeeze %swap3A_113 : memref<1x88x128xf32, #tpu.memory_space<vmem>> -> memref<88x128xf32, #tpu.memory_space<vmem>>
      %swap3A_115 = arith.index_cast %add3A_111 : i32 to index
      %swap3A_116 = arith.constant 48 : index
      %swap3A_117 = tpu.vector_load %swap3A_114[%swap3A_115, %swap3A_116] {strides = array<i32>} : memref<88x128xf32, #tpu.memory_space<vmem>>, vector<1x16xf32>,
      %swap3A_118 = vector.shape_cast %swap3A_117 : vector<1x16xf32> to vector<16xf32>
      %swap3A_119 = vector.shape_cast %broadcast_in_dim3A_24 : vector<16xf32> to vector<1x16xf32>
      tpu.vector_store %swap3A_114[%swap3A_115, %swap3A_116], %swap3A_119 {strides = array<i32>} : memref<88x128xf32, #tpu.memory_space<vmem>>, vector<1x16xf32>,
    }
    %scan3A_30 = arith.constant 8 : i32
    %broadcast_in_dim3A_31 = arith.constant 0.000000e+00 : f32
    %broadcast_in_dim3A_32 = vector.broadcast %broadcast_in_dim3A_31 : f32 to vector<16xf32>
    %scan3A_33 = arith.constant 0 : i32
    %scan3A_34 = arith.constant 0 : i32
    %scan3A_35 = arith.constant 8 : i32
    %scan3A_36 = arith.addi %scan3A_34, %scan3A_35 : i32
    %scan3A_37 = arith.constant 1 : i32
    scf.for %scan3A_107 = %scan3A_34 to %scan3A_36 step %scan3A_37  : i32 {
      %mul3A_108 = arith.constant 1 : i32
      %mul3A_109 = arith.muli %scan3A_107, %mul3A_108 : i32
      %add3A_110 = arith.constant 0 : i32
      %add3A_111 = arith.addi %add3A_110, %mul3A_109 : i32
      %swap3A = arith.constant 0 : i32
      %swap3A_112 = arith.constant 0 : i32
      %swap3A_113 = tpu.memref_slice %arg8[%scan3A_33, %swap3A, %swap3A_112] : memref<2x88x128xf32, #tpu.memory_space<vmem>> -> memref<1x88x128xf32, #tpu.memory_space<vmem>>
      %swap3A_114 = tpu.memref_squeeze %swap3A_113 : memref<1x88x128xf32, #tpu.memory_space<vmem>> -> memref<88x128xf32, #tpu.memory_space<vmem>>
      %swap3A_115 = arith.index_cast %add3A_111 : i32 to index
      %swap3A_116 = arith.constant 64 : index
      %swap3A_117 = tpu.vector_load %swap3A_114[%swap3A_115, %swap3A_116] {strides = array<i32>} : memref<88x128xf32, #tpu.memory_space<vmem>>, vector<1x16xf32>,
      %swap3A_118 = vector.shape_cast %swap3A_117 : vector<1x16xf32> to vector<16xf32>
      %swap3A_119 = vector.shape_cast %broadcast_in_dim3A_32 : vector<16xf32> to vector<1x16xf32>
      tpu.vector_store %swap3A_114[%swap3A_115, %swap3A_116], %swap3A_119 {strides = array<i32>} : memref<88x128xf32, #tpu.memory_space<vmem>>, vector<1x16xf32>,
    }
    %scan3A_38 = arith.constant 8 : i32
    %broadcast_in_dim3A_39 = arith.constant 0.000000e+00 : f32
    %broadcast_in_dim3A_40 = vector.broadcast %broadcast_in_dim3A_39 : f32 to vector<16xf32>
    %scan3A_41 = arith.constant 0 : i32
    %scan3A_42 = arith.constant 0 : i32
    %scan3A_43 = arith.constant 8 : i32
    %scan3A_44 = arith.addi %scan3A_42, %scan3A_43 : i32
    %scan3A_45 = arith.constant 1 : i32
    scf.for %scan3A_107 = %scan3A_42 to %scan3A_44 step %scan3A_45  : i32 {
      %mul3A_108 = arith.constant 1 : i32
      %mul3A_109 = arith.muli %scan3A_107, %mul3A_108 : i32
      %add3A_110 = arith.constant 0 : i32
      %add3A_111 = arith.addi %add3A_110, %mul3A_109 : i32
      %swap3A = arith.constant 0 : i32
      %swap3A_112 = arith.constant 0 : i32
      %swap3A_113 = tpu.memref_slice %arg8[%scan3A_41, %swap3A, %swap3A_112] : memref<2x88x128xf32, #tpu.memory_space<vmem>> -> memref<1x88x128xf32, #tpu.memory_space<vmem>>
      %swap3A_114 = tpu.memref_squeeze %swap3A_113 : memref<1x88x128xf32, #tpu.memory_space<vmem>> -> memref<88x128xf32, #tpu.memory_space<vmem>>
      %swap3A_115 = arith.index_cast %add3A_111 : i32 to index
      %swap3A_116 = arith.constant 80 : index
      %swap3A_117 = tpu.vector_load %swap3A_114[%swap3A_115, %swap3A_116] {strides = array<i32>} : memref<88x128xf32, #tpu.memory_space<vmem>>, vector<1x16xf32>,
      %swap3A_118 = vector.shape_cast %swap3A_117 : vector<1x16xf32> to vector<16xf32>
      %swap3A_119 = vector.shape_cast %broadcast_in_dim3A_40 : vector<16xf32> to vector<1x16xf32>
      tpu.vector_store %swap3A_114[%swap3A_115, %swap3A_116], %swap3A_119 {strides = array<i32>} : memref<88x128xf32, #tpu.memory_space<vmem>>, vector<1x16xf32>,
    }
    %scan3A_46 = arith.constant 8 : i32
    %broadcast_in_dim3A_47 = arith.constant 0.000000e+00 : f32
    %broadcast_in_dim3A_48 = vector.broadcast %broadcast_in_dim3A_47 : f32 to vector<16xf32>
    %scan3A_49 = arith.constant 0 : i32
    %scan3A_50 = arith.constant 0 : i32
    %scan3A_51 = arith.constant 8 : i32
    %scan3A_52 = arith.addi %scan3A_50, %scan3A_51 : i32
    %scan3A_53 = arith.constant 1 : i32
    scf.for %scan3A_107 = %scan3A_50 to %scan3A_52 step %scan3A_53  : i32 {
      %mul3A_108 = arith.constant 1 : i32
      %mul3A_109 = arith.muli %scan3A_107, %mul3A_108 : i32
      %add3A_110 = arith.constant 0 : i32
      %add3A_111 = arith.addi %add3A_110, %mul3A_109 : i32
      %swap3A = arith.constant 0 : i32
      %swap3A_112 = arith.constant 0 : i32
      %swap3A_113 = tpu.memref_slice %arg8[%scan3A_49, %swap3A, %swap3A_112] : memref<2x88x128xf32, #tpu.memory_space<vmem>> -> memref<1x88x128xf32, #tpu.memory_space<vmem>>
      %swap3A_114 = tpu.memref_squeeze %swap3A_113 : memref<1x88x128xf32, #tpu.memory_space<vmem>> -> memref<88x128xf32, #tpu.memory_space<vmem>>
      %swap3A_115 = arith.index_cast %add3A_111 : i32 to index
      %swap3A_116 = arith.constant 96 : index
      %swap3A_117 = tpu.vector_load %swap3A_114[%swap3A_115, %swap3A_116] {strides = array<i32>} : memref<88x128xf32, #tpu.memory_space<vmem>>, vector<1x16xf32>,
      %swap3A_118 = vector.shape_cast %swap3A_117 : vector<1x16xf32> to vector<16xf32>
      %swap3A_119 = vector.shape_cast %broadcast_in_dim3A_48 : vector<16xf32> to vector<1x16xf32>
      tpu.vector_store %swap3A_114[%swap3A_115, %swap3A_116], %swap3A_119 {strides = array<i32>} : memref<88x128xf32, #tpu.memory_space<vmem>>, vector<1x16xf32>,
    }
    %scan3A_54 = arith.constant 8 : i32
    %broadcast_in_dim3A_55 = arith.constant 0.000000e+00 : f32
    %broadcast_in_dim3A_56 = vector.broadcast %broadcast_in_dim3A_55 : f32 to vector<16xf32>
    %scan3A_57 = arith.constant 0 : i32
    %scan3A_58 = arith.constant 0 : i32
    %scan3A_59 = arith.constant 8 : i32
    %scan3A_60 = arith.addi %scan3A_58, %scan3A_59 : i32
    %scan3A_61 = arith.constant 1 : i32
    scf.for %scan3A_107 = %scan3A_58 to %scan3A_60 step %scan3A_61  : i32 {
      %mul3A_108 = arith.constant 1 : i32
      %mul3A_109 = arith.muli %scan3A_107, %mul3A_108 : i32
      %add3A_110 = arith.constant 0 : i32
      %add3A_111 = arith.addi %add3A_110, %mul3A_109 : i32
      %swap3A = arith.constant 0 : i32
      %swap3A_112 = arith.constant 0 : i32
      %swap3A_113 = tpu.memref_slice %arg8[%scan3A_57, %swap3A, %swap3A_112] : memref<2x88x128xf32, #tpu.memory_space<vmem>> -> memref<1x88x128xf32, #tpu.memory_space<vmem>>
      %swap3A_114 = tpu.memref_squeeze %swap3A_113 : memref<1x88x128xf32, #tpu.memory_space<vmem>> -> memref<88x128xf32, #tpu.memory_space<vmem>>
      %swap3A_115 = arith.index_cast %add3A_111 : i32 to index
      %swap3A_116 = arith.constant 112 : index
      %swap3A_117 = tpu.vector_load %swap3A_114[%swap3A_115, %swap3A_116] {strides = array<i32>} : memref<88x128xf32, #tpu.memory_space<vmem>>, vector<1x16xf32>,
      %swap3A_118 = vector.shape_cast %swap3A_117 : vector<1x16xf32> to vector<16xf32>
      %swap3A_119 = vector.shape_cast %broadcast_in_dim3A_56 : vector<16xf32> to vector<1x16xf32>
      tpu.vector_store %swap3A_114[%swap3A_115, %swap3A_116], %swap3A_119 {strides = array<i32>} : memref<88x128xf32, #tpu.memory_space<vmem>>, vector<1x16xf32>,
    }
    %scan3A_62 = arith.constant 8 : i32
    %scan3A_63 = arith.constant 0 : i32
    %scan3A_64 = arith.constant 0 : i32
    %scan3A_65 = arith.constant 79 : i32
    %scan3A_66 = arith.addi %scan3A_64, %scan3A_65 : i32
    %scan3A_67 = arith.constant 1 : i32
    scf.for %scan3A_107 = %scan3A_64 to %scan3A_66 step %scan3A_67  : i32 {
      %mul3A_108 = arith.constant 1 : i32
      %mul3A_109 = arith.muli %scan3A_107, %mul3A_108 : i32
      %add3A_110 = arith.constant 0 : i32
      %add3A_111 = arith.addi %add3A_110, %mul3A_109 : i32
      %mul3A_112 = arith.constant 632 : i32
      %mul3A_113 = arith.muli %arg1, %mul3A_112 : i32
      %mul3A_114 = arith.constant 8 : i32
      %mul3A_115 = arith.muli %mul3A_114, %add3A_111 : i32
      %add3A_116 = arith.addi %mul3A_113, %mul3A_115 : i32
      "tpu.region"() ({
        %run_scoped3A = tpu.sem_alloc : memref<!tpu.dma_semaphore, #tpu.memory_space<semaphore_mem>>
        %dma_start3A_117 = arith.constant 0 : i32
        %dma_start3A_118 = arith.constant 0 : i32
        %dma_start3A_119 = tpu.memref_slice %arg8[%scan3A_63, %dma_start3A_117, %dma_start3A_118] : memref<2x88x128xf32, #tpu.memory_space<vmem>> -> memref<1x88x128xf32, #tpu.memory_space<vmem>>
        %dma_start3A_120 = tpu.memref_squeeze %dma_start3A_119 : memref<1x88x128xf32, #tpu.memory_space<vmem>> -> memref<88x128xf32, #tpu.memory_space<vmem>>
        %dma_start3A_121 = arith.constant 0 : i32
        %dma_start3A_122 = arith.constant 0 : i32
        %dma_start3A_123 = tpu.memref_slice %dma_start3A_120[%dma_start3A_121, %dma_start3A_122] : memref<88x128xf32, #tpu.memory_space<vmem>> -> memref<8x128xf32, #tpu.memory_space<vmem>>
        %dma_start3A_124 = arith.constant 0 : i32
        %dma_start3A_125 = tpu.memref_slice %arg10[%add3A_116, %dma_start3A_124] : memref<10112x128xf32, #tpu.memory_space<vmem_shared>> -> memref<8x128xf32, #tpu.memory_space<vmem_shared>>
        %dma_start3A_126 = arith.constant 0 : i32
        %dma_start3A_127 = tpu.memref_slice %arg10[%add3A_116, %dma_start3A_126] : memref<10112x128xf32, #tpu.memory_space<vmem_shared>> -> memref<8x128xf32, #tpu.memory_space<vmem_shared>>
        %dma_start3A_128 = arith.constant 0 : i32
        %dma_start3A_129 = arith.constant 0 : i32
        %dma_start3A_130 = tpu.memref_slice %arg8[%scan3A_63, %dma_start3A_128, %dma_start3A_129] : memref<2x88x128xf32, #tpu.memory_space<vmem>> -> memref<1x88x128xf32, #tpu.memory_space<vmem>>
        %dma_start3A_131 = tpu.memref_squeeze %dma_start3A_130 : memref<1x88x128xf32, #tpu.memory_space<vmem>> -> memref<88x128xf32, #tpu.memory_space<vmem>>
        %dma_start3A_132 = arith.constant 0 : i32
        %dma_start3A_133 = arith.constant 0 : i32
        %dma_start3A_134 = tpu.memref_slice %dma_start3A_131[%dma_start3A_132, %dma_start3A_133] : memref<88x128xf32, #tpu.memory_space<vmem>> -> memref<8x128xf32, #tpu.memory_space<vmem>>
        tpu.enqueue_dma source(%dma_start3A_134 : memref<8x128xf32, #tpu.memory_space<vmem>>) target(%dma_start3A_127 : memref<8x128xf32, #tpu.memory_space<vmem_shared>>) target_semaphore(%run_scoped3A : memref<!tpu.dma_semaphore, #tpu.memory_space<semaphore_mem>>)
        %dma_wait3A = arith.constant 0 : i32
        %dma_wait3A_135 = arith.constant 0 : i32
        %dma_wait3A_136 = tpu.memref_slice %arg8[%scan3A_63, %dma_wait3A, %dma_wait3A_135] : memref<2x88x128xf32, #tpu.memory_space<vmem>> -> memref<1x88x128xf32, #tpu.memory_space<vmem>>
        %dma_wait3A_137 = tpu.memref_squeeze %dma_wait3A_136 : memref<1x88x128xf32, #tpu.memory_space<vmem>> -> memref<88x128xf32, #tpu.memory_space<vmem>>
        %dma_wait3A_138 = arith.constant 0 : i32
        %dma_wait3A_139 = arith.constant 0 : i32
        %dma_wait3A_140 = tpu.memref_slice %dma_wait3A_137[%dma_wait3A_138, %dma_wait3A_139] : memref<88x128xf32, #tpu.memory_space<vmem>> -> memref<8x128xf32, #tpu.memory_space<vmem>>
        %dma_wait3A_141 = arith.constant 0 : i32
        %dma_wait3A_142 = tpu.memref_slice %arg10[%add3A_116, %dma_wait3A_141] : memref<10112x128xf32, #tpu.memory_space<vmem_shared>> -> memref<8x128xf32, #tpu.memory_space<vmem_shared>>
        %dma_wait3A_143 = arith.constant 0 : i32
        %dma_wait3A_144 = tpu.memref_slice %arg10[%add3A_116, %dma_wait3A_143] : memref<10112x128xf32, #tpu.memory_space<vmem_shared>> -> memref<8x128xf32, #tpu.memory_space<vmem_shared>>
        %dma_wait3A_145 = arith.constant 0 : i32
        %dma_wait3A_146 = arith.constant 0 : i32
        %dma_wait3A_147 = tpu.memref_slice %arg8[%scan3A_63, %dma_wait3A_145, %dma_wait3A_146] : memref<2x88x128xf32, #tpu.memory_space<vmem>> -> memref<1x88x128xf32, #tpu.memory_space<vmem>>
        %dma_wait3A_148 = tpu.memref_squeeze %dma_wait3A_147 : memref<1x88x128xf32, #tpu.memory_space<vmem>> -> memref<88x128xf32, #tpu.memory_space<vmem>>
        %dma_wait3A_149 = arith.constant 0 : i32
        %dma_wait3A_150 = arith.constant 0 : i32
        %dma_wait3A_151 = tpu.memref_slice %dma_wait3A_148[%dma_wait3A_149, %dma_wait3A_150] : memref<88x128xf32, #tpu.memory_space<vmem>> -> memref<8x128xf32, #tpu.memory_space<vmem>>
        tpu.wait_dma2 semaphore(%run_scoped3A : memref<!tpu.dma_semaphore, #tpu.memory_space<semaphore_mem>>) src(%dma_wait3A_151 : memref<8x128xf32, #tpu.memory_space<vmem>>) dst(%dma_wait3A_144 : memref<8x128xf32, #tpu.memory_space<vmem_shared>>)
        tpu.yield
      }) : () -> ()
    }
    %scan3A_68 = arith.constant 79 : i32
    %barrier3A = arith.constant 0 : index
    tpu.barrier barrier_id(%barrier3A)
    "tpu.region"() ({
      %run_scoped3A = tpu.sem_alloc : memref<!tpu.dma_semaphore, #tpu.memory_space<semaphore_mem>>
      %dma_start3A_107 = arith.constant 0 : i32
      %dma_start3A_108 = arith.constant 0 : i32
      %dma_start3A_109 = tpu.memref_slice %arg6[%dma_start3A_107, %dma_start3A_108] : memref<64x88xi32, #tpu.memory_space<vmem>> -> memref<64x88xi32, #tpu.memory_space<vmem>>
      %dma_start3A_110 = arith.constant 0 : i32
      %dma_start3A_111 = arith.constant 0 : i32
      %dma_start3A_112 = tpu.memref_slice %arg3[%add3A, %dma_start3A_110, %dma_start3A_111] : memref<32x114x88xi32, #tpu.memory_space<hbm>> -> memref<1x64x88xi32, #tpu.memory_space<hbm>>
      %dma_start3A_113 = tpu.memref_squeeze %dma_start3A_112 : memref<1x64x88xi32, #tpu.memory_space<hbm>> -> memref<64x88xi32, #tpu.memory_space<hbm>>
      %dma_start3A_114 = arith.constant 0 : i32
      %dma_start3A_115 = arith.constant 0 : i32
      %dma_start3A_116 = tpu.memref_slice %arg6[%dma_start3A_114, %dma_start3A_115] : memref<64x88xi32, #tpu.memory_space<vmem>> -> memref<64x88xi32, #tpu.memory_space<vmem>>
      %dma_start3A_117 = arith.constant 0 : i32
      %dma_start3A_118 = arith.constant 0 : i32
      %dma_start3A_119 = tpu.memref_slice %arg3[%add3A, %dma_start3A_117, %dma_start3A_118] : memref<32x114x88xi32, #tpu.memory_space<hbm>> -> memref<1x64x88xi32, #tpu.memory_space<hbm>>
      %dma_start3A_120 = tpu.memref_squeeze %dma_start3A_119 : memref<1x64x88xi32, #tpu.memory_space<hbm>> -> memref<64x88xi32, #tpu.memory_space<hbm>>
      tpu.enqueue_dma source(%dma_start3A_120 : memref<64x88xi32, #tpu.memory_space<hbm>>) target(%dma_start3A_116 : memref<64x88xi32, #tpu.memory_space<vmem>>) target_semaphore(%run_scoped3A : memref<!tpu.dma_semaphore, #tpu.memory_space<semaphore_mem>>)
      %dma_wait3A = arith.constant 0 : i32
      %dma_wait3A_121 = arith.constant 0 : i32
      %dma_wait3A_122 = tpu.memref_slice %arg6[%dma_wait3A, %dma_wait3A_121] : memref<64x88xi32, #tpu.memory_space<vmem>> -> memref<64x88xi32, #tpu.memory_space<vmem>>
      %dma_wait3A_123 = arith.constant 0 : i32
      %dma_wait3A_124 = arith.constant 0 : i32
      %dma_wait3A_125 = tpu.memref_slice %arg3[%add3A, %dma_wait3A_123, %dma_wait3A_124] : memref<32x114x88xi32, #tpu.memory_space<hbm>> -> memref<1x64x88xi32, #tpu.memory_space<hbm>>
      %dma_wait3A_126 = tpu.memref_squeeze %dma_wait3A_125 : memref<1x64x88xi32, #tpu.memory_space<hbm>> -> memref<64x88xi32, #tpu.memory_space<hbm>>
      %dma_wait3A_127 = arith.constant 0 : i32
      %dma_wait3A_128 = arith.constant 0 : i32
      %dma_wait3A_129 = tpu.memref_slice %arg6[%dma_wait3A_127, %dma_wait3A_128] : memref<64x88xi32, #tpu.memory_space<vmem>> -> memref<64x88xi32, #tpu.memory_space<vmem>>
      %dma_wait3A_130 = arith.constant 0 : i32
      %dma_wait3A_131 = arith.constant 0 : i32
      %dma_wait3A_132 = tpu.memref_slice %arg3[%add3A, %dma_wait3A_130, %dma_wait3A_131] : memref<32x114x88xi32, #tpu.memory_space<hbm>> -> memref<1x64x88xi32, #tpu.memory_space<hbm>>
      %dma_wait3A_133 = tpu.memref_squeeze %dma_wait3A_132 : memref<1x64x88xi32, #tpu.memory_space<hbm>> -> memref<64x88xi32, #tpu.memory_space<hbm>>
      tpu.wait_dma2 semaphore(%run_scoped3A : memref<!tpu.dma_semaphore, #tpu.memory_space<semaphore_mem>>) src(%dma_wait3A_133 : memref<64x88xi32, #tpu.memory_space<hbm>>) dst(%dma_wait3A_129 : memref<64x88xi32, #tpu.memory_space<vmem>>)
      tpu.yield
    }) : () -> ()
    "tpu.region"() ({
      %run_scoped3A = tpu.sem_alloc : memref<!tpu.dma_semaphore, #tpu.memory_space<semaphore_mem>>
      %dma_start3A_107 = arith.constant 0 : i32
      %dma_start3A_108 = arith.constant 0 : i32
      %dma_start3A_109 = tpu.memref_slice %arg7[%dma_start3A_107, %dma_start3A_108] : memref<64x88xi32, #tpu.memory_space<vmem>> -> memref<64x88xi32, #tpu.memory_space<vmem>>
      %dma_start3A_110 = arith.constant 0 : i32
      %dma_start3A_111 = arith.constant 0 : i32
      %dma_start3A_112 = tpu.memref_slice %arg4[%add3A, %dma_start3A_110, %dma_start3A_111] : memref<32x114x88xi32, #tpu.memory_space<hbm>> -> memref<1x64x88xi32, #tpu.memory_space<hbm>>
      %dma_start3A_113 = tpu.memref_squeeze %dma_start3A_112 : memref<1x64x88xi32, #tpu.memory_space<hbm>> -> memref<64x88xi32, #tpu.memory_space<hbm>>
      %dma_start3A_114 = arith.constant 0 : i32
      %dma_start3A_115 = arith.constant 0 : i32
      %dma_start3A_116 = tpu.memref_slice %arg7[%dma_start3A_114, %dma_start3A_115] : memref<64x88xi32, #tpu.memory_space<vmem>> -> memref<64x88xi32, #tpu.memory_space<vmem>>
      %dma_start3A_117 = arith.constant 0 : i32
      %dma_start3A_118 = arith.constant 0 : i32
      %dma_start3A_119 = tpu.memref_slice %arg4[%add3A, %dma_start3A_117, %dma_start3A_118] : memref<32x114x88xi32, #tpu.memory_space<hbm>> -> memref<1x64x88xi32, #tpu.memory_space<hbm>>
      %dma_start3A_120 = tpu.memref_squeeze %dma_start3A_119 : memref<1x64x88xi32, #tpu.memory_space<hbm>> -> memref<64x88xi32, #tpu.memory_space<hbm>>
      tpu.enqueue_dma source(%dma_start3A_120 : memref<64x88xi32, #tpu.memory_space<hbm>>) target(%dma_start3A_116 : memref<64x88xi32, #tpu.memory_space<vmem>>) target_semaphore(%run_scoped3A : memref<!tpu.dma_semaphore, #tpu.memory_space<semaphore_mem>>)
      %dma_wait3A = arith.constant 0 : i32
      %dma_wait3A_121 = arith.constant 0 : i32
      %dma_wait3A_122 = tpu.memref_slice %arg7[%dma_wait3A, %dma_wait3A_121] : memref<64x88xi32, #tpu.memory_space<vmem>> -> memref<64x88xi32, #tpu.memory_space<vmem>>
      %dma_wait3A_123 = arith.constant 0 : i32
      %dma_wait3A_124 = arith.constant 0 : i32
      %dma_wait3A_125 = tpu.memref_slice %arg4[%add3A, %dma_wait3A_123, %dma_wait3A_124] : memref<32x114x88xi32, #tpu.memory_space<hbm>> -> memref<1x64x88xi32, #tpu.memory_space<hbm>>
      %dma_wait3A_126 = tpu.memref_squeeze %dma_wait3A_125 : memref<1x64x88xi32, #tpu.memory_space<hbm>> -> memref<64x88xi32, #tpu.memory_space<hbm>>
      %dma_wait3A_127 = arith.constant 0 : i32
      %dma_wait3A_128 = arith.constant 0 : i32
      %dma_wait3A_129 = tpu.memref_slice %arg7[%dma_wait3A_127, %dma_wait3A_128] : memref<64x88xi32, #tpu.memory_space<vmem>> -> memref<64x88xi32, #tpu.memory_space<vmem>>
      %dma_wait3A_130 = arith.constant 0 : i32
      %dma_wait3A_131 = arith.constant 0 : i32
      %dma_wait3A_132 = tpu.memref_slice %arg4[%add3A, %dma_wait3A_130, %dma_wait3A_131] : memref<32x114x88xi32, #tpu.memory_space<hbm>> -> memref<1x64x88xi32, #tpu.memory_space<hbm>>
      %dma_wait3A_133 = tpu.memref_squeeze %dma_wait3A_132 : memref<1x64x88xi32, #tpu.memory_space<hbm>> -> memref<64x88xi32, #tpu.memory_space<hbm>>
      tpu.wait_dma2 semaphore(%run_scoped3A : memref<!tpu.dma_semaphore, #tpu.memory_space<semaphore_mem>>) src(%dma_wait3A_133 : memref<64x88xi32, #tpu.memory_space<hbm>>) dst(%dma_wait3A_129 : memref<64x88xi32, #tpu.memory_space<vmem>>)
      tpu.yield
    }) : () -> ()
    %dma_start3A = arith.constant 0 : i32
    %dma_start3A_69 = arith.constant 0 : i32
    %dma_start3A_70 = arith.constant 0 : i32
    %dma_start3A_71 = arith.constant 0 : i32
    %dma_start3A_72 = tpu.memref_slice %arg8[%dma_start3A_69, %dma_start3A_70, %dma_start3A_71] : memref<2x88x128xf32, #tpu.memory_space<vmem>> -> memref<1x88x128xf32, #tpu.memory_space<vmem>>
    %dma_start3A_73 = tpu.memref_squeeze %dma_start3A_72 : memref<1x88x128xf32, #tpu.memory_space<vmem>> -> memref<88x128xf32, #tpu.memory_space<vmem>>
    %dma_start3A_74 = arith.constant 0 : i32
    %dma_start3A_75 = tpu.memref_slice %arg6[%dma_start3A, %dma_start3A_74] : memref<64x88xi32, #tpu.memory_space<vmem>> -> memref<1x88xi32, #tpu.memory_space<vmem>>
    %dma_start3A_76 = tpu.memref_squeeze %dma_start3A_75 : memref<1x88xi32, #tpu.memory_space<vmem>> -> memref<88xi32, #tpu.memory_space<vmem>>
    %dma_start3A_77 = arith.constant 0 : i32
    %dma_start3A_78 = arith.constant 0 : i32
    %dma_start3A_79 = tpu.memref_slice %arg2[%dma_start3A_77, %dma_start3A_78] : memref<10112x128xf32, #tpu.memory_space<hbm>> -> memref<10112x128xf32, #tpu.memory_space<hbm>>
    tpu.enqueue_indirect_dma source(%dma_start3A_79 : memref<10112x128xf32, #tpu.memory_space<hbm>>) target(%dma_start3A_73 : memref<88x128xf32, #tpu.memory_space<vmem>>) offsets(%dma_start3A_76 : memref<88xi32, #tpu.memory_space<vmem>>) semaphore(%arg9 : memref<!tpu.dma_semaphore, #tpu.memory_space<semaphore_mem>>)
    %scan3A_80 = arith.constant 0 : i32
    %scan3A_81 = arith.constant 32 : i32
    %scan3A_82 = arith.addi %scan3A_80, %scan3A_81 : i32
    %scan3A_83 = arith.constant 1 : i32
    scf.for %scan3A_107 = %scan3A_80 to %scan3A_82 step %scan3A_83  : i32 {
      %mul3A_108 = arith.constant 1 : i32
      %mul3A_109 = arith.muli %scan3A_107, %mul3A_108 : i32
      %add3A_110 = arith.constant 0 : i32
      %add3A_111 = arith.addi %add3A_110, %mul3A_109 : i32
      %mul3A_112 = arith.constant 2 : i32
      %mul3A_113 = arith.muli %mul3A_112, %add3A_111 : i32
      %dma_wait3A = arith.constant 0 : i32
      %dma_wait3A_114 = arith.constant 0 : i32
      %dma_wait3A_115 = arith.constant 0 : i32
      %dma_wait3A_116 = tpu.memref_slice %arg8[%dma_wait3A, %dma_wait3A_114, %dma_wait3A_115] : memref<2x88x128xf32, #tpu.memory_space<vmem>> -> memref<1x88x128xf32, #tpu.memory_space<vmem>>
      %dma_wait3A_117 = tpu.memref_squeeze %dma_wait3A_116 : memref<1x88x128xf32, #tpu.memory_space<vmem>> -> memref<88x128xf32, #tpu.memory_space<vmem>>
      %dma_wait3A_118 = arith.constant 0 : i32
      %dma_wait3A_119 = tpu.memref_slice %arg6[%mul3A_113, %dma_wait3A_118] : memref<64x88xi32, #tpu.memory_space<vmem>> -> memref<1x88xi32, #tpu.memory_space<vmem>>
      %dma_wait3A_120 = tpu.memref_squeeze %dma_wait3A_119 : memref<1x88xi32, #tpu.memory_space<vmem>> -> memref<88xi32, #tpu.memory_space<vmem>>
      %dma_wait3A_121 = arith.constant 0 : i32
      %dma_wait3A_122 = arith.constant 0 : i32
      %dma_wait3A_123 = tpu.memref_slice %arg2[%dma_wait3A_121, %dma_wait3A_122] : memref<10112x128xf32, #tpu.memory_space<hbm>> -> memref<10112x128xf32, #tpu.memory_space<hbm>>
      tpu.wait_indirect_dma semaphore(%arg9 : memref<!tpu.dma_semaphore, #tpu.memory_space<semaphore_mem>>) src(%dma_wait3A_123 : memref<10112x128xf32, #tpu.memory_space<hbm>>) dst(%dma_wait3A_117 : memref<88x128xf32, #tpu.memory_space<vmem>>)
      %add3A_124 = arith.constant 1 : i32
      %add3A_125 = arith.addi %mul3A_113, %add3A_124 : i32
      %dma_start3A_126 = arith.constant 1 : i32
      %dma_start3A_127 = arith.constant 0 : i32
      %dma_start3A_128 = arith.constant 0 : i32
      %dma_start3A_129 = tpu.memref_slice %arg8[%dma_start3A_126, %dma_start3A_127, %dma_start3A_128] : memref<2x88x128xf32, #tpu.memory_space<vmem>> -> memref<1x88x128xf32, #tpu.memory_space<vmem>>
      %dma_start3A_130 = tpu.memref_squeeze %dma_start3A_129 : memref<1x88x128xf32, #tpu.memory_space<vmem>> -> memref<88x128xf32, #tpu.memory_space<vmem>>
      %dma_start3A_131 = arith.constant 0 : i32
      %dma_start3A_132 = tpu.memref_slice %arg6[%add3A_125, %dma_start3A_131] : memref<64x88xi32, #tpu.memory_space<vmem>> -> memref<1x88xi32, #tpu.memory_space<vmem>>
      %dma_start3A_133 = tpu.memref_squeeze %dma_start3A_132 : memref<1x88xi32, #tpu.memory_space<vmem>> -> memref<88xi32, #tpu.memory_space<vmem>>
      %dma_start3A_134 = arith.constant 0 : i32
      %dma_start3A_135 = arith.constant 0 : i32
      %dma_start3A_136 = tpu.memref_slice %arg2[%dma_start3A_134, %dma_start3A_135] : memref<10112x128xf32, #tpu.memory_space<hbm>> -> memref<10112x128xf32, #tpu.memory_space<hbm>>
      tpu.enqueue_indirect_dma source(%dma_start3A_136 : memref<10112x128xf32, #tpu.memory_space<hbm>>) target(%dma_start3A_130 : memref<88x128xf32, #tpu.memory_space<vmem>>) offsets(%dma_start3A_133 : memref<88xi32, #tpu.memory_space<vmem>>) semaphore(%arg9 : memref<!tpu.dma_semaphore, #tpu.memory_space<semaphore_mem>>)
      %run_scoped3A = arith.constant 0 : i32
      "tpu.region"() ({
        %run_scoped3A_157 = tpu.sem_alloc : memref<!tpu.dma_semaphore, #tpu.memory_space<semaphore_mem>>
        %dma_start3A_158 = arith.constant 0 : i32
        %dma_start3A_159 = arith.constant 0 : i32
        %dma_start3A_160 = tpu.memref_slice %arg8[%run_scoped3A, %dma_start3A_158, %dma_start3A_159] : memref<2x88x128xf32, #tpu.memory_space<vmem>> -> memref<1x88x128xf32, #tpu.memory_space<vmem>>
        %dma_start3A_161 = tpu.memref_squeeze %dma_start3A_160 : memref<1x88x128xf32, #tpu.memory_space<vmem>> -> memref<88x128xf32, #tpu.memory_space<vmem>>
        %dma_start3A_162 = arith.constant 0 : i32
        %dma_start3A_163 = tpu.memref_slice %arg7[%mul3A_113, %dma_start3A_162] : memref<64x88xi32, #tpu.memory_space<vmem>> -> memref<1x88xi32, #tpu.memory_space<vmem>>
        %dma_start3A_164 = tpu.memref_squeeze %dma_start3A_163 : memref<1x88xi32, #tpu.memory_space<vmem>> -> memref<88xi32, #tpu.memory_space<vmem>>
        %dma_start3A_165 = arith.constant 0 : i32
        %dma_start3A_166 = arith.constant 0 : i32
        %dma_start3A_167 = tpu.memref_slice %arg10[%dma_start3A_165, %dma_start3A_166] : memref<10112x128xf32, #tpu.memory_space<vmem_shared>> -> memref<10112x128xf32, #tpu.memory_space<vmem_shared>>
        tpu.enqueue_indirect_dma source(%dma_start3A_161 : memref<88x128xf32, #tpu.memory_space<vmem>>) target(%dma_start3A_167 : memref<10112x128xf32, #tpu.memory_space<vmem_shared>>) offsets(%dma_start3A_164 : memref<88xi32, #tpu.memory_space<vmem>>) semaphore(%run_scoped3A_157 : memref<!tpu.dma_semaphore, #tpu.memory_space<semaphore_mem>>) {add = true}
        %dma_wait3A_168 = arith.constant 0 : i32
        %dma_wait3A_169 = arith.constant 0 : i32
        %dma_wait3A_170 = tpu.memref_slice %arg8[%run_scoped3A, %dma_wait3A_168, %dma_wait3A_169] : memref<2x88x128xf32, #tpu.memory_space<vmem>> -> memref<1x88x128xf32, #tpu.memory_space<vmem>>
        %dma_wait3A_171 = tpu.memref_squeeze %dma_wait3A_170 : memref<1x88x128xf32, #tpu.memory_space<vmem>> -> memref<88x128xf32, #tpu.memory_space<vmem>>
        %dma_wait3A_172 = arith.constant 0 : i32
        %dma_wait3A_173 = tpu.memref_slice %arg7[%mul3A_113, %dma_wait3A_172] : memref<64x88xi32, #tpu.memory_space<vmem>> -> memref<1x88xi32, #tpu.memory_space<vmem>>
        %dma_wait3A_174 = tpu.memref_squeeze %dma_wait3A_173 : memref<1x88xi32, #tpu.memory_space<vmem>> -> memref<88xi32, #tpu.memory_space<vmem>>
        %dma_wait3A_175 = arith.constant 0 : i32
        %dma_wait3A_176 = arith.constant 0 : i32
        %dma_wait3A_177 = tpu.memref_slice %arg10[%dma_wait3A_175, %dma_wait3A_176] : memref<10112x128xf32, #tpu.memory_space<vmem_shared>> -> memref<10112x128xf32, #tpu.memory_space<vmem_shared>>
        tpu.wait_indirect_dma semaphore(%run_scoped3A_157 : memref<!tpu.dma_semaphore, #tpu.memory_space<semaphore_mem>>) src(%dma_wait3A_171 : memref<88x128xf32, #tpu.memory_space<vmem>>) dst(%dma_wait3A_177 : memref<10112x128xf32, #tpu.memory_space<vmem_shared>>)
        tpu.yield
      }) : () -> ()
      %add3A_137 = arith.constant 1 : i32
      %add3A_138 = arith.addi %mul3A_113, %add3A_137 : i32
      %dma_wait3A_139 = arith.constant 1 : i32
      %dma_wait3A_140 = arith.constant 0 : i32
      %dma_wait3A_141 = arith.constant 0 : i32
      %dma_wait3A_142 = tpu.memref_slice %arg8[%dma_wait3A_139, %dma_wait3A_140, %dma_wait3A_141] : memref<2x88x128xf32, #tpu.memory_space<vmem>> -> memref<1x88x128xf32, #tpu.memory_space<vmem>>
      %dma_wait3A_143 = tpu.memref_squeeze %dma_wait3A_142 : memref<1x88x128xf32, #tpu.memory_space<vmem>> -> memref<88x128xf32, #tpu.memory_space<vmem>>
      %dma_wait3A_144 = arith.constant 0 : i32
      %dma_wait3A_145 = tpu.memref_slice %arg6[%add3A_138, %dma_wait3A_144] : memref<64x88xi32, #tpu.memory_space<vmem>> -> memref<1x88xi32, #tpu.memory_space<vmem>>
      %dma_wait3A_146 = tpu.memref_squeeze %dma_wait3A_145 : memref<1x88xi32, #tpu.memory_space<vmem>> -> memref<88xi32, #tpu.memory_space<vmem>>
      %dma_wait3A_147 = arith.constant 0 : i32
      %dma_wait3A_148 = arith.constant 0 : i32
      %dma_wait3A_149 = tpu.memref_slice %arg2[%dma_wait3A_147, %dma_wait3A_148] : memref<10112x128xf32, #tpu.memory_space<hbm>> -> memref<10112x128xf32, #tpu.memory_space<hbm>>
      tpu.wait_indirect_dma semaphore(%arg9 : memref<!tpu.dma_semaphore, #tpu.memory_space<semaphore_mem>>) src(%dma_wait3A_149 : memref<10112x128xf32, #tpu.memory_space<hbm>>) dst(%dma_wait3A_143 : memref<88x128xf32, #tpu.memory_space<vmem>>)
      %add3A_150 = arith.constant 2 : i32
      %add3A_151 = arith.addi %mul3A_113, %add3A_150 : i32
      %lt3A = arith.constant 64 : i32
      %lt3A_152 = arith.cmpi slt, %add3A_151, %lt3A : i32
      %convert_element_type3A = arith.extui %lt3A_152 : i1 to i32
      %cond3A = arith.constant 0 : i32
      %cond3A_153 = arith.cmpi ne, %convert_element_type3A, %cond3A : i32
      scf.if %cond3A_153 {
        %add3A_157 = arith.constant 2 : i32
        %add3A_158 = arith.addi %mul3A_113, %add3A_157 : i32
        %dma_start3A_159 = arith.constant 0 : i32
        %dma_start3A_160 = arith.constant 0 : i32
        %dma_start3A_161 = arith.constant 0 : i32
        %dma_start3A_162 = tpu.memref_slice %arg8[%dma_start3A_159, %dma_start3A_160, %dma_start3A_161] : memref<2x88x128xf32, #tpu.memory_space<vmem>> -> memref<1x88x128xf32, #tpu.memory_space<vmem>>
        %dma_start3A_163 = tpu.memref_squeeze %dma_start3A_162 : memref<1x88x128xf32, #tpu.memory_space<vmem>> -> memref<88x128xf32, #tpu.memory_space<vmem>>
        %dma_start3A_164 = arith.constant 0 : i32
        %dma_start3A_165 = tpu.memref_slice %arg6[%add3A_158, %dma_start3A_164] : memref<64x88xi32, #tpu.memory_space<vmem>> -> memref<1x88xi32, #tpu.memory_space<vmem>>
        %dma_start3A_166 = tpu.memref_squeeze %dma_start3A_165 : memref<1x88xi32, #tpu.memory_space<vmem>> -> memref<88xi32, #tpu.memory_space<vmem>>
        %dma_start3A_167 = arith.constant 0 : i32
        %dma_start3A_168 = arith.constant 0 : i32
        %dma_start3A_169 = tpu.memref_slice %arg2[%dma_start3A_167, %dma_start3A_168] : memref<10112x128xf32, #tpu.memory_space<hbm>> -> memref<10112x128xf32, #tpu.memory_space<hbm>>
        tpu.enqueue_indirect_dma source(%dma_start3A_169 : memref<10112x128xf32, #tpu.memory_space<hbm>>) target(%dma_start3A_163 : memref<88x128xf32, #tpu.memory_space<vmem>>) offsets(%dma_start3A_166 : memref<88xi32, #tpu.memory_space<vmem>>) semaphore(%arg9 : memref<!tpu.dma_semaphore, #tpu.memory_space<semaphore_mem>>)
      } else {
      }
      %add3A_154 = arith.constant 1 : i32
      %add3A_155 = arith.addi %mul3A_113, %add3A_154 : i32
      %run_scoped3A_156 = arith.constant 1 : i32
      "tpu.region"() ({
        %run_scoped3A_157 = tpu.sem_alloc : memref<!tpu.dma_semaphore, #tpu.memory_space<semaphore_mem>>
        %dma_start3A_158 = arith.constant 0 : i32
        %dma_start3A_159 = arith.constant 0 : i32
        %dma_start3A_160 = tpu.memref_slice %arg8[%run_scoped3A_156, %dma_start3A_158, %dma_start3A_159] : memref<2x88x128xf32, #tpu.memory_space<vmem>> -> memref<1x88x128xf32, #tpu.memory_space<vmem>>
        %dma_start3A_161 = tpu.memref_squeeze %dma_start3A_160 : memref<1x88x128xf32, #tpu.memory_space<vmem>> -> memref<88x128xf32, #tpu.memory_space<vmem>>
        %dma_start3A_162 = arith.constant 0 : i32
        %dma_start3A_163 = tpu.memref_slice %arg7[%add3A_155, %dma_start3A_162] : memref<64x88xi32, #tpu.memory_space<vmem>> -> memref<1x88xi32, #tpu.memory_space<vmem>>
        %dma_start3A_164 = tpu.memref_squeeze %dma_start3A_163 : memref<1x88xi32, #tpu.memory_space<vmem>> -> memref<88xi32, #tpu.memory_space<vmem>>
        %dma_start3A_165 = arith.constant 0 : i32
        %dma_start3A_166 = arith.constant 0 : i32
        %dma_start3A_167 = tpu.memref_slice %arg10[%dma_start3A_165, %dma_start3A_166] : memref<10112x128xf32, #tpu.memory_space<vmem_shared>> -> memref<10112x128xf32, #tpu.memory_space<vmem_shared>>
        tpu.enqueue_indirect_dma source(%dma_start3A_161 : memref<88x128xf32, #tpu.memory_space<vmem>>) target(%dma_start3A_167 : memref<10112x128xf32, #tpu.memory_space<vmem_shared>>) offsets(%dma_start3A_164 : memref<88xi32, #tpu.memory_space<vmem>>) semaphore(%run_scoped3A_157 : memref<!tpu.dma_semaphore, #tpu.memory_space<semaphore_mem>>) {add = true}
        %dma_wait3A_168 = arith.constant 0 : i32
        %dma_wait3A_169 = arith.constant 0 : i32
        %dma_wait3A_170 = tpu.memref_slice %arg8[%run_scoped3A_156, %dma_wait3A_168, %dma_wait3A_169] : memref<2x88x128xf32, #tpu.memory_space<vmem>> -> memref<1x88x128xf32, #tpu.memory_space<vmem>>
        %dma_wait3A_171 = tpu.memref_squeeze %dma_wait3A_170 : memref<1x88x128xf32, #tpu.memory_space<vmem>> -> memref<88x128xf32, #tpu.memory_space<vmem>>
        %dma_wait3A_172 = arith.constant 0 : i32
        %dma_wait3A_173 = tpu.memref_slice %arg7[%add3A_155, %dma_wait3A_172] : memref<64x88xi32, #tpu.memory_space<vmem>> -> memref<1x88xi32, #tpu.memory_space<vmem>>
        %dma_wait3A_174 = tpu.memref_squeeze %dma_wait3A_173 : memref<1x88xi32, #tpu.memory_space<vmem>> -> memref<88xi32, #tpu.memory_space<vmem>>
        %dma_wait3A_175 = arith.constant 0 : i32
        %dma_wait3A_176 = arith.constant 0 : i32
        %dma_wait3A_177 = tpu.memref_slice %arg10[%dma_wait3A_175, %dma_wait3A_176] : memref<10112x128xf32, #tpu.memory_space<vmem_shared>> -> memref<10112x128xf32, #tpu.memory_space<vmem_shared>>
        tpu.wait_indirect_dma semaphore(%run_scoped3A_157 : memref<!tpu.dma_semaphore, #tpu.memory_space<semaphore_mem>>) src(%dma_wait3A_171 : memref<88x128xf32, #tpu.memory_space<vmem>>) dst(%dma_wait3A_177 : memref<10112x128xf32, #tpu.memory_space<vmem_shared>>)
        tpu.yield
      }) : () -> ()
    }
    %scan3A_84 = arith.constant 32 : i32
    "tpu.region"() ({
      %run_scoped3A = tpu.sem_alloc : memref<!tpu.dma_semaphore, #tpu.memory_space<semaphore_mem>>
      %dma_start3A_107 = arith.constant 0 : i32
      %dma_start3A_108 = arith.constant 0 : i32
      %dma_start3A_109 = tpu.memref_slice %arg6[%dma_start3A_107, %dma_start3A_108] : memref<64x88xi32, #tpu.memory_space<vmem>> -> memref<50x88xi32, #tpu.memory_space<vmem>>
      %dma_start3A_110 = arith.constant 64 : i32
      %dma_start3A_111 = arith.constant 0 : i32
      %dma_start3A_112 = tpu.memref_slice %arg3[%add3A, %dma_start3A_110, %dma_start3A_111] : memref<32x114x88xi32, #tpu.memory_space<hbm>> -> memref<1x50x88xi32, #tpu.memory_space<hbm>>
      %dma_start3A_113 = tpu.memref_squeeze %dma_start3A_112 : memref<1x50x88xi32, #tpu.memory_space<hbm>> -> memref<50x88xi32, #tpu.memory_space<hbm>>
      %dma_start3A_114 = arith.constant 0 : i32
      %dma_start3A_115 = arith.constant 0 : i32
      %dma_start3A_116 = tpu.memref_slice %arg6[%dma_start3A_114, %dma_start3A_115] : memref<64x88xi32, #tpu.memory_space<vmem>> -> memref<50x88xi32, #tpu.memory_space<vmem>>
      %dma_start3A_117 = arith.constant 64 : i32
      %dma_start3A_118 = arith.constant 0 : i32
      %dma_start3A_119 = tpu.memref_slice %arg3[%add3A, %dma_start3A_117, %dma_start3A_118] : memref<32x114x88xi32, #tpu.memory_space<hbm>> -> memref<1x50x88xi32, #tpu.memory_space<hbm>>
      %dma_start3A_120 = tpu.memref_squeeze %dma_start3A_119 : memref<1x50x88xi32, #tpu.memory_space<hbm>> -> memref<50x88xi32, #tpu.memory_space<hbm>>
      tpu.enqueue_dma source(%dma_start3A_120 : memref<50x88xi32, #tpu.memory_space<hbm>>) target(%dma_start3A_116 : memref<50x88xi32, #tpu.memory_space<vmem>>) target_semaphore(%run_scoped3A : memref<!tpu.dma_semaphore, #tpu.memory_space<semaphore_mem>>)
      %dma_wait3A = arith.constant 0 : i32
      %dma_wait3A_121 = arith.constant 0 : i32
      %dma_wait3A_122 = tpu.memref_slice %arg6[%dma_wait3A, %dma_wait3A_121] : memref<64x88xi32, #tpu.memory_space<vmem>> -> memref<50x88xi32, #tpu.memory_space<vmem>>
      %dma_wait3A_123 = arith.constant 64 : i32
      %dma_wait3A_124 = arith.constant 0 : i32
      %dma_wait3A_125 = tpu.memref_slice %arg3[%add3A, %dma_wait3A_123, %dma_wait3A_124] : memref<32x114x88xi32, #tpu.memory_space<hbm>> -> memref<1x50x88xi32, #tpu.memory_space<hbm>>
      %dma_wait3A_126 = tpu.memref_squeeze %dma_wait3A_125 : memref<1x50x88xi32, #tpu.memory_space<hbm>> -> memref<50x88xi32, #tpu.memory_space<hbm>>
      %dma_wait3A_127 = arith.constant 0 : i32
      %dma_wait3A_128 = arith.constant 0 : i32
      %dma_wait3A_129 = tpu.memref_slice %arg6[%dma_wait3A_127, %dma_wait3A_128] : memref<64x88xi32, #tpu.memory_space<vmem>> -> memref<50x88xi32, #tpu.memory_space<vmem>>
      %dma_wait3A_130 = arith.constant 64 : i32
      %dma_wait3A_131 = arith.constant 0 : i32
      %dma_wait3A_132 = tpu.memref_slice %arg3[%add3A, %dma_wait3A_130, %dma_wait3A_131] : memref<32x114x88xi32, #tpu.memory_space<hbm>> -> memref<1x50x88xi32, #tpu.memory_space<hbm>>
      %dma_wait3A_133 = tpu.memref_squeeze %dma_wait3A_132 : memref<1x50x88xi32, #tpu.memory_space<hbm>> -> memref<50x88xi32, #tpu.memory_space<hbm>>
      tpu.wait_dma2 semaphore(%run_scoped3A : memref<!tpu.dma_semaphore, #tpu.memory_space<semaphore_mem>>) src(%dma_wait3A_133 : memref<50x88xi32, #tpu.memory_space<hbm>>) dst(%dma_wait3A_129 : memref<50x88xi32, #tpu.memory_space<vmem>>)
      tpu.yield
    }) : () -> ()
    "tpu.region"() ({
      %run_scoped3A = tpu.sem_alloc : memref<!tpu.dma_semaphore, #tpu.memory_space<semaphore_mem>>
      %dma_start3A_107 = arith.constant 0 : i32
      %dma_start3A_108 = arith.constant 0 : i32
      %dma_start3A_109 = tpu.memref_slice %arg7[%dma_start3A_107, %dma_start3A_108] : memref<64x88xi32, #tpu.memory_space<vmem>> -> memref<50x88xi32, #tpu.memory_space<vmem>>
      %dma_start3A_110 = arith.constant 64 : i32
      %dma_start3A_111 = arith.constant 0 : i32
      %dma_start3A_112 = tpu.memref_slice %arg4[%add3A, %dma_start3A_110, %dma_start3A_111] : memref<32x114x88xi32, #tpu.memory_space<hbm>> -> memref<1x50x88xi32, #tpu.memory_space<hbm>>
      %dma_start3A_113 = tpu.memref_squeeze %dma_start3A_112 : memref<1x50x88xi32, #tpu.memory_space<hbm>> -> memref<50x88xi32, #tpu.memory_space<hbm>>
      %dma_start3A_114 = arith.constant 0 : i32
      %dma_start3A_115 = arith.constant 0 : i32
      %dma_start3A_116 = tpu.memref_slice %arg7[%dma_start3A_114, %dma_start3A_115] : memref<64x88xi32, #tpu.memory_space<vmem>> -> memref<50x88xi32, #tpu.memory_space<vmem>>
      %dma_start3A_117 = arith.constant 64 : i32
      %dma_start3A_118 = arith.constant 0 : i32
      %dma_start3A_119 = tpu.memref_slice %arg4[%add3A, %dma_start3A_117, %dma_start3A_118] : memref<32x114x88xi32, #tpu.memory_space<hbm>> -> memref<1x50x88xi32, #tpu.memory_space<hbm>>
      %dma_start3A_120 = tpu.memref_squeeze %dma_start3A_119 : memref<1x50x88xi32, #tpu.memory_space<hbm>> -> memref<50x88xi32, #tpu.memory_space<hbm>>
      tpu.enqueue_dma source(%dma_start3A_120 : memref<50x88xi32, #tpu.memory_space<hbm>>) target(%dma_start3A_116 : memref<50x88xi32, #tpu.memory_space<vmem>>) target_semaphore(%run_scoped3A : memref<!tpu.dma_semaphore, #tpu.memory_space<semaphore_mem>>)
      %dma_wait3A = arith.constant 0 : i32
      %dma_wait3A_121 = arith.constant 0 : i32
      %dma_wait3A_122 = tpu.memref_slice %arg7[%dma_wait3A, %dma_wait3A_121] : memref<64x88xi32, #tpu.memory_space<vmem>> -> memref<50x88xi32, #tpu.memory_space<vmem>>
      %dma_wait3A_123 = arith.constant 64 : i32
      %dma_wait3A_124 = arith.constant 0 : i32
      %dma_wait3A_125 = tpu.memref_slice %arg4[%add3A, %dma_wait3A_123, %dma_wait3A_124] : memref<32x114x88xi32, #tpu.memory_space<hbm>> -> memref<1x50x88xi32, #tpu.memory_space<hbm>>
      %dma_wait3A_126 = tpu.memref_squeeze %dma_wait3A_125 : memref<1x50x88xi32, #tpu.memory_space<hbm>> -> memref<50x88xi32, #tpu.memory_space<hbm>>
      %dma_wait3A_127 = arith.constant 0 : i32
      %dma_wait3A_128 = arith.constant 0 : i32
      %dma_wait3A_129 = tpu.memref_slice %arg7[%dma_wait3A_127, %dma_wait3A_128] : memref<64x88xi32, #tpu.memory_space<vmem>> -> memref<50x88xi32, #tpu.memory_space<vmem>>
      %dma_wait3A_130 = arith.constant 64 : i32
      %dma_wait3A_131 = arith.constant 0 : i32
      %dma_wait3A_132 = tpu.memref_slice %arg4[%add3A, %dma_wait3A_130, %dma_wait3A_131] : memref<32x114x88xi32, #tpu.memory_space<hbm>> -> memref<1x50x88xi32, #tpu.memory_space<hbm>>
      %dma_wait3A_133 = tpu.memref_squeeze %dma_wait3A_132 : memref<1x50x88xi32, #tpu.memory_space<hbm>> -> memref<50x88xi32, #tpu.memory_space<hbm>>
      tpu.wait_dma2 semaphore(%run_scoped3A : memref<!tpu.dma_semaphore, #tpu.memory_space<semaphore_mem>>) src(%dma_wait3A_133 : memref<50x88xi32, #tpu.memory_space<hbm>>) dst(%dma_wait3A_129 : memref<50x88xi32, #tpu.memory_space<vmem>>)
      tpu.yield
    }) : () -> ()
    %dma_start3A_85 = arith.constant 0 : i32
    %dma_start3A_86 = arith.constant 0 : i32
    %dma_start3A_87 = arith.constant 0 : i32
    %dma_start3A_88 = arith.constant 0 : i32
    %dma_start3A_89 = tpu.memref_slice %arg8[%dma_start3A_86, %dma_start3A_87, %dma_start3A_88] : memref<2x88x128xf32, #tpu.memory_space<vmem>> -> memref<1x88x128xf32, #tpu.memory_space<vmem>>
    %dma_start3A_90 = tpu.memref_squeeze %dma_start3A_89 : memref<1x88x128xf32, #tpu.memory_space<vmem>> -> memref<88x128xf32, #tpu.memory_space<vmem>>
    %dma_start3A_91 = arith.constant 0 : i32
    %dma_start3A_92 = tpu.memref_slice %arg6[%dma_start3A_85, %dma_start3A_91] : memref<64x88xi32, #tpu.memory_space<vmem>> -> memref<1x88xi32, #tpu.memory_space<vmem>>
    %dma_start3A_93 = tpu.memref_squeeze %dma_start3A_92 : memref<1x88xi32, #tpu.memory_space<vmem>> -> memref<88xi32, #tpu.memory_space<vmem>>
    %dma_start3A_94 = arith.constant 0 : i32
    %dma_start3A_95 = arith.constant 0 : i32
    %dma_start3A_96 = tpu.memref_slice %arg2[%dma_start3A_94, %dma_start3A_95] : memref<10112x128xf32, #tpu.memory_space<hbm>> -> memref<10112x128xf32, #tpu.memory_space<hbm>>
    tpu.enqueue_indirect_dma source(%dma_start3A_96 : memref<10112x128xf32, #tpu.memory_space<hbm>>) target(%dma_start3A_90 : memref<88x128xf32, #tpu.memory_space<vmem>>) offsets(%dma_start3A_93 : memref<88xi32, #tpu.memory_space<vmem>>) semaphore(%arg9 : memref<!tpu.dma_semaphore, #tpu.memory_space<semaphore_mem>>)
    %scan3A_97 = arith.constant 0 : i32
    %scan3A_98 = arith.constant 25 : i32
    %scan3A_99 = arith.addi %scan3A_97, %scan3A_98 : i32
    %scan3A_100 = arith.constant 1 : i32
    scf.for %scan3A_107 = %scan3A_97 to %scan3A_99 step %scan3A_100  : i32 {
      %mul3A_108 = arith.constant 1 : i32
      %mul3A_109 = arith.muli %scan3A_107, %mul3A_108 : i32
      %add3A_110 = arith.constant 0 : i32
      %add3A_111 = arith.addi %add3A_110, %mul3A_109 : i32
      %mul3A_112 = arith.constant 2 : i32
      %mul3A_113 = arith.muli %mul3A_112, %add3A_111 : i32
      %dma_wait3A = arith.constant 0 : i32
      %dma_wait3A_114 = arith.constant 0 : i32
      %dma_wait3A_115 = arith.constant 0 : i32
      %dma_wait3A_116 = tpu.memref_slice %arg8[%dma_wait3A, %dma_wait3A_114, %dma_wait3A_115] : memref<2x88x128xf32, #tpu.memory_space<vmem>> -> memref<1x88x128xf32, #tpu.memory_space<vmem>>
      %dma_wait3A_117 = tpu.memref_squeeze %dma_wait3A_116 : memref<1x88x128xf32, #tpu.memory_space<vmem>> -> memref<88x128xf32, #tpu.memory_space<vmem>>
      %dma_wait3A_118 = arith.constant 0 : i32
      %dma_wait3A_119 = tpu.memref_slice %arg6[%mul3A_113, %dma_wait3A_118] : memref<64x88xi32, #tpu.memory_space<vmem>> -> memref<1x88xi32, #tpu.memory_space<vmem>>
      %dma_wait3A_120 = tpu.memref_squeeze %dma_wait3A_119 : memref<1x88xi32, #tpu.memory_space<vmem>> -> memref<88xi32, #tpu.memory_space<vmem>>
      %dma_wait3A_121 = arith.constant 0 : i32
      %dma_wait3A_122 = arith.constant 0 : i32
      %dma_wait3A_123 = tpu.memref_slice %arg2[%dma_wait3A_121, %dma_wait3A_122] : memref<10112x128xf32, #tpu.memory_space<hbm>> -> memref<10112x128xf32, #tpu.memory_space<hbm>>
      tpu.wait_indirect_dma semaphore(%arg9 : memref<!tpu.dma_semaphore, #tpu.memory_space<semaphore_mem>>) src(%dma_wait3A_123 : memref<10112x128xf32, #tpu.memory_space<hbm>>) dst(%dma_wait3A_117 : memref<88x128xf32, #tpu.memory_space<vmem>>)
      %add3A_124 = arith.constant 1 : i32
      %add3A_125 = arith.addi %mul3A_113, %add3A_124 : i32
      %dma_start3A_126 = arith.constant 1 : i32
      %dma_start3A_127 = arith.constant 0 : i32
      %dma_start3A_128 = arith.constant 0 : i32
      %dma_start3A_129 = tpu.memref_slice %arg8[%dma_start3A_126, %dma_start3A_127, %dma_start3A_128] : memref<2x88x128xf32, #tpu.memory_space<vmem>> -> memref<1x88x128xf32, #tpu.memory_space<vmem>>
      %dma_start3A_130 = tpu.memref_squeeze %dma_start3A_129 : memref<1x88x128xf32, #tpu.memory_space<vmem>> -> memref<88x128xf32, #tpu.memory_space<vmem>>
      %dma_start3A_131 = arith.constant 0 : i32
      %dma_start3A_132 = tpu.memref_slice %arg6[%add3A_125, %dma_start3A_131] : memref<64x88xi32, #tpu.memory_space<vmem>> -> memref<1x88xi32, #tpu.memory_space<vmem>>
      %dma_start3A_133 = tpu.memref_squeeze %dma_start3A_132 : memref<1x88xi32, #tpu.memory_space<vmem>> -> memref<88xi32, #tpu.memory_space<vmem>>
      %dma_start3A_134 = arith.constant 0 : i32
      %dma_start3A_135 = arith.constant 0 : i32
      %dma_start3A_136 = tpu.memref_slice %arg2[%dma_start3A_134, %dma_start3A_135] : memref<10112x128xf32, #tpu.memory_space<hbm>> -> memref<10112x128xf32, #tpu.memory_space<hbm>>
      tpu.enqueue_indirect_dma source(%dma_start3A_136 : memref<10112x128xf32, #tpu.memory_space<hbm>>) target(%dma_start3A_130 : memref<88x128xf32, #tpu.memory_space<vmem>>) offsets(%dma_start3A_133 : memref<88xi32, #tpu.memory_space<vmem>>) semaphore(%arg9 : memref<!tpu.dma_semaphore, #tpu.memory_space<semaphore_mem>>)
      %run_scoped3A = arith.constant 0 : i32
      "tpu.region"() ({
        %run_scoped3A_157 = tpu.sem_alloc : memref<!tpu.dma_semaphore, #tpu.memory_space<semaphore_mem>>
        %dma_start3A_158 = arith.constant 0 : i32
        %dma_start3A_159 = arith.constant 0 : i32
        %dma_start3A_160 = tpu.memref_slice %arg8[%run_scoped3A, %dma_start3A_158, %dma_start3A_159] : memref<2x88x128xf32, #tpu.memory_space<vmem>> -> memref<1x88x128xf32, #tpu.memory_space<vmem>>
        %dma_start3A_161 = tpu.memref_squeeze %dma_start3A_160 : memref<1x88x128xf32, #tpu.memory_space<vmem>> -> memref<88x128xf32, #tpu.memory_space<vmem>>
        %dma_start3A_162 = arith.constant 0 : i32
        %dma_start3A_163 = tpu.memref_slice %arg7[%mul3A_113, %dma_start3A_162] : memref<64x88xi32, #tpu.memory_space<vmem>> -> memref<1x88xi32, #tpu.memory_space<vmem>>
        %dma_start3A_164 = tpu.memref_squeeze %dma_start3A_163 : memref<1x88xi32, #tpu.memory_space<vmem>> -> memref<88xi32, #tpu.memory_space<vmem>>
        %dma_start3A_165 = arith.constant 0 : i32
        %dma_start3A_166 = arith.constant 0 : i32
        %dma_start3A_167 = tpu.memref_slice %arg10[%dma_start3A_165, %dma_start3A_166] : memref<10112x128xf32, #tpu.memory_space<vmem_shared>> -> memref<10112x128xf32, #tpu.memory_space<vmem_shared>>
        tpu.enqueue_indirect_dma source(%dma_start3A_161 : memref<88x128xf32, #tpu.memory_space<vmem>>) target(%dma_start3A_167 : memref<10112x128xf32, #tpu.memory_space<vmem_shared>>) offsets(%dma_start3A_164 : memref<88xi32, #tpu.memory_space<vmem>>) semaphore(%run_scoped3A_157 : memref<!tpu.dma_semaphore, #tpu.memory_space<semaphore_mem>>) {add = true}
        %dma_wait3A_168 = arith.constant 0 : i32
        %dma_wait3A_169 = arith.constant 0 : i32
        %dma_wait3A_170 = tpu.memref_slice %arg8[%run_scoped3A, %dma_wait3A_168, %dma_wait3A_169] : memref<2x88x128xf32, #tpu.memory_space<vmem>> -> memref<1x88x128xf32, #tpu.memory_space<vmem>>
        %dma_wait3A_171 = tpu.memref_squeeze %dma_wait3A_170 : memref<1x88x128xf32, #tpu.memory_space<vmem>> -> memref<88x128xf32, #tpu.memory_space<vmem>>
        %dma_wait3A_172 = arith.constant 0 : i32
        %dma_wait3A_173 = tpu.memref_slice %arg7[%mul3A_113, %dma_wait3A_172] : memref<64x88xi32, #tpu.memory_space<vmem>> -> memref<1x88xi32, #tpu.memory_space<vmem>>
        %dma_wait3A_174 = tpu.memref_squeeze %dma_wait3A_173 : memref<1x88xi32, #tpu.memory_space<vmem>> -> memref<88xi32, #tpu.memory_space<vmem>>
        %dma_wait3A_175 = arith.constant 0 : i32
        %dma_wait3A_176 = arith.constant 0 : i32
        %dma_wait3A_177 = tpu.memref_slice %arg10[%dma_wait3A_175, %dma_wait3A_176] : memref<10112x128xf32, #tpu.memory_space<vmem_shared>> -> memref<10112x128xf32, #tpu.memory_space<vmem_shared>>
        tpu.wait_indirect_dma semaphore(%run_scoped3A_157 : memref<!tpu.dma_semaphore, #tpu.memory_space<semaphore_mem>>) src(%dma_wait3A_171 : memref<88x128xf32, #tpu.memory_space<vmem>>) dst(%dma_wait3A_177 : memref<10112x128xf32, #tpu.memory_space<vmem_shared>>)
        tpu.yield
      }) : () -> ()
      %add3A_137 = arith.constant 1 : i32
      %add3A_138 = arith.addi %mul3A_113, %add3A_137 : i32
      %dma_wait3A_139 = arith.constant 1 : i32
      %dma_wait3A_140 = arith.constant 0 : i32
      %dma_wait3A_141 = arith.constant 0 : i32
      %dma_wait3A_142 = tpu.memref_slice %arg8[%dma_wait3A_139, %dma_wait3A_140, %dma_wait3A_141] : memref<2x88x128xf32, #tpu.memory_space<vmem>> -> memref<1x88x128xf32, #tpu.memory_space<vmem>>
      %dma_wait3A_143 = tpu.memref_squeeze %dma_wait3A_142 : memref<1x88x128xf32, #tpu.memory_space<vmem>> -> memref<88x128xf32, #tpu.memory_space<vmem>>
      %dma_wait3A_144 = arith.constant 0 : i32
      %dma_wait3A_145 = tpu.memref_slice %arg6[%add3A_138, %dma_wait3A_144] : memref<64x88xi32, #tpu.memory_space<vmem>> -> memref<1x88xi32, #tpu.memory_space<vmem>>
      %dma_wait3A_146 = tpu.memref_squeeze %dma_wait3A_145 : memref<1x88xi32, #tpu.memory_space<vmem>> -> memref<88xi32, #tpu.memory_space<vmem>>
      %dma_wait3A_147 = arith.constant 0 : i32
      %dma_wait3A_148 = arith.constant 0 : i32
      %dma_wait3A_149 = tpu.memref_slice %arg2[%dma_wait3A_147, %dma_wait3A_148] : memref<10112x128xf32, #tpu.memory_space<hbm>> -> memref<10112x128xf32, #tpu.memory_space<hbm>>
      tpu.wait_indirect_dma semaphore(%arg9 : memref<!tpu.dma_semaphore, #tpu.memory_space<semaphore_mem>>) src(%dma_wait3A_149 : memref<10112x128xf32, #tpu.memory_space<hbm>>) dst(%dma_wait3A_143 : memref<88x128xf32, #tpu.memory_space<vmem>>)
      %add3A_150 = arith.constant 2 : i32
      %add3A_151 = arith.addi %mul3A_113, %add3A_150 : i32
      %lt3A = arith.constant 50 : i32
      %lt3A_152 = arith.cmpi slt, %add3A_151, %lt3A : i32
      %convert_element_type3A = arith.extui %lt3A_152 : i1 to i32
      %cond3A = arith.constant 0 : i32
      %cond3A_153 = arith.cmpi ne, %convert_element_type3A, %cond3A : i32
      scf.if %cond3A_153 {
        %add3A_157 = arith.constant 2 : i32
        %add3A_158 = arith.addi %mul3A_113, %add3A_157 : i32
        %dma_start3A_159 = arith.constant 0 : i32
        %dma_start3A_160 = arith.constant 0 : i32
        %dma_start3A_161 = arith.constant 0 : i32
        %dma_start3A_162 = tpu.memref_slice %arg8[%dma_start3A_159, %dma_start3A_160, %dma_start3A_161] : memref<2x88x128xf32, #tpu.memory_space<vmem>> -> memref<1x88x128xf32, #tpu.memory_space<vmem>>
        %dma_start3A_163 = tpu.memref_squeeze %dma_start3A_162 : memref<1x88x128xf32, #tpu.memory_space<vmem>> -> memref<88x128xf32, #tpu.memory_space<vmem>>
        %dma_start3A_164 = arith.constant 0 : i32
        %dma_start3A_165 = tpu.memref_slice %arg6[%add3A_158, %dma_start3A_164] : memref<64x88xi32, #tpu.memory_space<vmem>> -> memref<1x88xi32, #tpu.memory_space<vmem>>
        %dma_start3A_166 = tpu.memref_squeeze %dma_start3A_165 : memref<1x88xi32, #tpu.memory_space<vmem>> -> memref<88xi32, #tpu.memory_space<vmem>>
        %dma_start3A_167 = arith.constant 0 : i32
        %dma_start3A_168 = arith.constant 0 : i32
        %dma_start3A_169 = tpu.memref_slice %arg2[%dma_start3A_167, %dma_start3A_168] : memref<10112x128xf32, #tpu.memory_space<hbm>> -> memref<10112x128xf32, #tpu.memory_space<hbm>>
        tpu.enqueue_indirect_dma source(%dma_start3A_169 : memref<10112x128xf32, #tpu.memory_space<hbm>>) target(%dma_start3A_163 : memref<88x128xf32, #tpu.memory_space<vmem>>) offsets(%dma_start3A_166 : memref<88xi32, #tpu.memory_space<vmem>>) semaphore(%arg9 : memref<!tpu.dma_semaphore, #tpu.memory_space<semaphore_mem>>)
      } else {
      }
      %add3A_154 = arith.constant 1 : i32
      %add3A_155 = arith.addi %mul3A_113, %add3A_154 : i32
      %run_scoped3A_156 = arith.constant 1 : i32
      "tpu.region"() ({
        %run_scoped3A_157 = tpu.sem_alloc : memref<!tpu.dma_semaphore, #tpu.memory_space<semaphore_mem>>
        %dma_start3A_158 = arith.constant 0 : i32
        %dma_start3A_159 = arith.constant 0 : i32
        %dma_start3A_160 = tpu.memref_slice %arg8[%run_scoped3A_156, %dma_start3A_158, %dma_start3A_159] : memref<2x88x128xf32, #tpu.memory_space<vmem>> -> memref<1x88x128xf32, #tpu.memory_space<vmem>>
        %dma_start3A_161 = tpu.memref_squeeze %dma_start3A_160 : memref<1x88x128xf32, #tpu.memory_space<vmem>> -> memref<88x128xf32, #tpu.memory_space<vmem>>
        %dma_start3A_162 = arith.constant 0 : i32
        %dma_start3A_163 = tpu.memref_slice %arg7[%add3A_155, %dma_start3A_162] : memref<64x88xi32, #tpu.memory_space<vmem>> -> memref<1x88xi32, #tpu.memory_space<vmem>>
        %dma_start3A_164 = tpu.memref_squeeze %dma_start3A_163 : memref<1x88xi32, #tpu.memory_space<vmem>> -> memref<88xi32, #tpu.memory_space<vmem>>
        %dma_start3A_165 = arith.constant 0 : i32
        %dma_start3A_166 = arith.constant 0 : i32
        %dma_start3A_167 = tpu.memref_slice %arg10[%dma_start3A_165, %dma_start3A_166] : memref<10112x128xf32, #tpu.memory_space<vmem_shared>> -> memref<10112x128xf32, #tpu.memory_space<vmem_shared>>
        tpu.enqueue_indirect_dma source(%dma_start3A_161 : memref<88x128xf32, #tpu.memory_space<vmem>>) target(%dma_start3A_167 : memref<10112x128xf32, #tpu.memory_space<vmem_shared>>) offsets(%dma_start3A_164 : memref<88xi32, #tpu.memory_space<vmem>>) semaphore(%run_scoped3A_157 : memref<!tpu.dma_semaphore, #tpu.memory_space<semaphore_mem>>) {add = true}
        %dma_wait3A_168 = arith.constant 0 : i32
        %dma_wait3A_169 = arith.constant 0 : i32
        %dma_wait3A_170 = tpu.memref_slice %arg8[%run_scoped3A_156, %dma_wait3A_168, %dma_wait3A_169] : memref<2x88x128xf32, #tpu.memory_space<vmem>> -> memref<1x88x128xf32, #tpu.memory_space<vmem>>
        %dma_wait3A_171 = tpu.memref_squeeze %dma_wait3A_170 : memref<1x88x128xf32, #tpu.memory_space<vmem>> -> memref<88x128xf32, #tpu.memory_space<vmem>>
        %dma_wait3A_172 = arith.constant 0 : i32
        %dma_wait3A_173 = tpu.memref_slice %arg7[%add3A_155, %dma_wait3A_172] : memref<64x88xi32, #tpu.memory_space<vmem>> -> memref<1x88xi32, #tpu.memory_space<vmem>>
        %dma_wait3A_174 = tpu.memref_squeeze %dma_wait3A_173 : memref<1x88xi32, #tpu.memory_space<vmem>> -> memref<88xi32, #tpu.memory_space<vmem>>
        %dma_wait3A_175 = arith.constant 0 : i32
        %dma_wait3A_176 = arith.constant 0 : i32
        %dma_wait3A_177 = tpu.memref_slice %arg10[%dma_wait3A_175, %dma_wait3A_176] : memref<10112x128xf32, #tpu.memory_space<vmem_shared>> -> memref<10112x128xf32, #tpu.memory_space<vmem_shared>>
        tpu.wait_indirect_dma semaphore(%run_scoped3A_157 : memref<!tpu.dma_semaphore, #tpu.memory_space<semaphore_mem>>) src(%dma_wait3A_171 : memref<88x128xf32, #tpu.memory_space<vmem>>) dst(%dma_wait3A_177 : memref<10112x128xf32, #tpu.memory_space<vmem_shared>>)
        tpu.yield
      }) : () -> ()
    }
    %scan3A_101 = arith.constant 25 : i32
    %barrier3A_102 = arith.constant 0 : index
    tpu.barrier barrier_id(%barrier3A_102)
    %mul3A_103 = arith.constant 632 : i32
    %mul3A_104 = arith.muli %arg1, %mul3A_103 : i32
    %mul3A_105 = arith.constant 632 : i32
    %mul3A_106 = arith.muli %arg1, %mul3A_105 : i32
    "tpu.region"() ({
      %run_scoped3A = tpu.sem_alloc : memref<!tpu.dma_semaphore, #tpu.memory_space<semaphore_mem>>
      %dma_start3A_107 = arith.constant 0 : i32
      %dma_start3A_108 = tpu.memref_slice %arg5[%arg0, %mul3A_106, %dma_start3A_107] : memref<2x10112x128xf32, #tpu.memory_space<hbm>> -> memref<1x632x128xf32, #tpu.memory_space<hbm>>
      %dma_start3A_109 = tpu.memref_squeeze %dma_start3A_108 : memref<1x632x128xf32, #tpu.memory_space<hbm>> -> memref<632x128xf32, #tpu.memory_space<hbm>>
      %dma_start3A_110 = arith.constant 0 : i32
      %dma_start3A_111 = tpu.memref_slice %arg10[%mul3A_104, %dma_start3A_110] : memref<10112x128xf32, #tpu.memory_space<vmem_shared>> -> memref<632x128xf32, #tpu.memory_space<vmem_shared>>
      tpu.enqueue_dma source(%dma_start3A_111 : memref<632x128xf32, #tpu.memory_space<vmem_shared>>) target(%dma_start3A_109 : memref<632x128xf32, #tpu.memory_space<hbm>>) target_semaphore(%run_scoped3A : memref<!tpu.dma_semaphore, #tpu.memory_space<semaphore_mem>>)
      %dma_wait3A = arith.constant 0 : i32
      %dma_wait3A_112 = tpu.memref_slice %arg5[%arg0, %mul3A_106, %dma_wait3A] : memref<2x10112x128xf32, #tpu.memory_space<hbm>> -> memref<1x632x128xf32, #tpu.memory_space<hbm>>
      %dma_wait3A_113 = tpu.memref_squeeze %dma_wait3A_112 : memref<1x632x128xf32, #tpu.memory_space<hbm>> -> memref<632x128xf32, #tpu.memory_space<hbm>>
      %dma_wait3A_114 = arith.constant 0 : i32
      %dma_wait3A_115 = tpu.memref_slice %arg10[%mul3A_104, %dma_wait3A_114] : memref<10112x128xf32, #tpu.memory_space<vmem_shared>> -> memref<632x128xf32, #tpu.memory_space<vmem_shared>>
      tpu.wait_dma2 semaphore(%run_scoped3A : memref<!tpu.dma_semaphore, #tpu.memory_space<semaphore_mem>>) src(%dma_wait3A_115 : memref<632x128xf32, #tpu.memory_space<vmem_shared>>) dst(%dma_wait3A_113 : memref<632x128xf32, #tpu.memory_space<hbm>>)
      tpu.yield
    }) : () -> ()
    return
  }
}

#map = affine_map<(d0, d1) -> (0, 0)>
#map1 = affine_map<(d0, d1) -> (0, 0, 0)>
module attributes {stable_mosaic.version = 14 : i64} {
  func.func @_agg_body(%arg0: i32, %arg1: i32, %arg2: memref<10112x128xf32, #tpu.memory_space<hbm>>, %arg3: memref<32x114x88xi32, #tpu.memory_space<hbm>>, %arg4: memref<32x114x88xi32, #tpu.memory_space<hbm>>, %arg5: memref<2x10112x128xf32, #tpu.memory_space<hbm>>, %arg6: memref<64x88xi32, #tpu.memory_space<vmem>>, %arg7: memref<64x88xi32, #tpu.memory_space<vmem>>, %arg8: memref<2x88x128xf32, #tpu.memory_space<vmem>>, %arg9: memref<!tpu.dma_semaphore, #tpu.memory_space<semaphore_mem>>, %arg10: memref<10112x128xf32, #tpu.memory_space<vmem_shared>>) attributes {dimension_semantics = [#tpu.dimension_semantics<core_parallel>, #tpu.dimension_semantics<subcore_parallel>], iteration_bounds = array<i64: 2, 16>, scalar_prefetch = 0 : i64, scratch_operands = 5 : i64, tpu.core_type = #tpu.core_type<sc_vector_subcore>, window_params = [{transform_indices = #map}, {transform_indices = #map1}, {transform_indices = #map1}, {transform_indices = #map1}]} {
    %mul3A = arith.constant 2 : i32
    %mul3A_0 = arith.muli %arg1, %mul3A : i32
    %add3A = arith.addi %mul3A_0, %arg0 : i32
    %broadcast_in_dim3A = arith.constant 0.000000e+00 : f32
    %broadcast_in_dim3A_1 = vector.broadcast %broadcast_in_dim3A : f32 to vector<16xf32>
    %scan3A = arith.constant 0 : i32
    %scan3A_2 = arith.constant 0 : i32
    %scan3A_3 = arith.constant 8 : i32
    %scan3A_4 = arith.addi %scan3A_2, %scan3A_3 : i32
    %scan3A_5 = arith.constant 1 : i32
    scf.for %scan3A_107 = %scan3A_2 to %scan3A_4 step %scan3A_5  : i32 {
      %mul3A_108 = arith.constant 1 : i32
      %mul3A_109 = arith.muli %scan3A_107, %mul3A_108 : i32
      %add3A_110 = arith.constant 0 : i32
      %add3A_111 = arith.addi %add3A_110, %mul3A_109 : i32
      %swap3A = arith.constant 0 : i32
      %swap3A_112 = arith.constant 0 : i32
      %swap3A_113 = tpu.memref_slice %arg8[%scan3A, %swap3A, %swap3A_112] : memref<2x88x128xf32, #tpu.memory_space<vmem>> -> memref<1x88x128xf32, #tpu.memory_space<vmem>>
      %swap3A_114 = tpu.memref_squeeze %swap3A_113 : memref<1x88x128xf32, #tpu.memory_space<vmem>> -> memref<88x128xf32, #tpu.memory_space<vmem>>
      %swap3A_115 = arith.index_cast %add3A_111 : i32 to index
      %swap3A_116 = arith.constant 0 : index
      %swap3A_117 = tpu.vector_load %swap3A_114[%swap3A_115, %swap3A_116] {strides = array<i32>} : memref<88x128xf32, #tpu.memory_space<vmem>>, vector<1x16xf32>,
      %swap3A_118 = vector.shape_cast %swap3A_117 : vector<1x16xf32> to vector<16xf32>
      %swap3A_119 = vector.shape_cast %broadcast_in_dim3A_1 : vector<16xf32> to vector<1x16xf32>
      tpu.vector_store %swap3A_114[%swap3A_115, %swap3A_116], %swap3A_119 {strides = array<i32>} : memref<88x128xf32, #tpu.memory_space<vmem>>, vector<1x16xf32>,
    }
    %scan3A_6 = arith.constant 8 : i32
    %broadcast_in_dim3A_7 = arith.constant 0.000000e+00 : f32
    %broadcast_in_dim3A_8 = vector.broadcast %broadcast_in_dim3A_7 : f32 to vector<16xf32>
    %scan3A_9 = arith.constant 0 : i32
    %scan3A_10 = arith.constant 0 : i32
    %scan3A_11 = arith.constant 8 : i32
    %scan3A_12 = arith.addi %scan3A_10, %scan3A_11 : i32
    %scan3A_13 = arith.constant 1 : i32
    scf.for %scan3A_107 = %scan3A_10 to %scan3A_12 step %scan3A_13  : i32 {
      %mul3A_108 = arith.constant 1 : i32
      %mul3A_109 = arith.muli %scan3A_107, %mul3A_108 : i32
      %add3A_110 = arith.constant 0 : i32
      %add3A_111 = arith.addi %add3A_110, %mul3A_109 : i32
      %swap3A = arith.constant 0 : i32
      %swap3A_112 = arith.constant 0 : i32
      %swap3A_113 = tpu.memref_slice %arg8[%scan3A_9, %swap3A, %swap3A_112] : memref<2x88x128xf32, #tpu.memory_space<vmem>> -> memref<1x88x128xf32, #tpu.memory_space<vmem>>
      %swap3A_114 = tpu.memref_squeeze %swap3A_113 : memref<1x88x128xf32, #tpu.memory_space<vmem>> -> memref<88x128xf32, #tpu.memory_space<vmem>>
      %swap3A_115 = arith.index_cast %add3A_111 : i32 to index
      %swap3A_116 = arith.constant 16 : index
      %swap3A_117 = tpu.vector_load %swap3A_114[%swap3A_115, %swap3A_116] {strides = array<i32>} : memref<88x128xf32, #tpu.memory_space<vmem>>, vector<1x16xf32>,
      %swap3A_118 = vector.shape_cast %swap3A_117 : vector<1x16xf32> to vector<16xf32>
      %swap3A_119 = vector.shape_cast %broadcast_in_dim3A_8 : vector<16xf32> to vector<1x16xf32>
      tpu.vector_store %swap3A_114[%swap3A_115, %swap3A_116], %swap3A_119 {strides = array<i32>} : memref<88x128xf32, #tpu.memory_space<vmem>>, vector<1x16xf32>,
    }
    %scan3A_14 = arith.constant 8 : i32
    %broadcast_in_dim3A_15 = arith.constant 0.000000e+00 : f32
    %broadcast_in_dim3A_16 = vector.broadcast %broadcast_in_dim3A_15 : f32 to vector<16xf32>
    %scan3A_17 = arith.constant 0 : i32
    %scan3A_18 = arith.constant 0 : i32
    %scan3A_19 = arith.constant 8 : i32
    %scan3A_20 = arith.addi %scan3A_18, %scan3A_19 : i32
    %scan3A_21 = arith.constant 1 : i32
    scf.for %scan3A_107 = %scan3A_18 to %scan3A_20 step %scan3A_21  : i32 {
      %mul3A_108 = arith.constant 1 : i32
      %mul3A_109 = arith.muli %scan3A_107, %mul3A_108 : i32
      %add3A_110 = arith.constant 0 : i32
      %add3A_111 = arith.addi %add3A_110, %mul3A_109 : i32
      %swap3A = arith.constant 0 : i32
      %swap3A_112 = arith.constant 0 : i32
      %swap3A_113 = tpu.memref_slice %arg8[%scan3A_17, %swap3A, %swap3A_112] : memref<2x88x128xf32, #tpu.memory_space<vmem>> -> memref<1x88x128xf32, #tpu.memory_space<vmem>>
      %swap3A_114 = tpu.memref_squeeze %swap3A_113 : memref<1x88x128xf32, #tpu.memory_space<vmem>> -> memref<88x128xf32, #tpu.memory_space<vmem>>
      %swap3A_115 = arith.index_cast %add3A_111 : i32 to index
      %swap3A_116 = arith.constant 32 : index
      %swap3A_117 = tpu.vector_load %swap3A_114[%swap3A_115, %swap3A_116] {strides = array<i32>} : memref<88x128xf32, #tpu.memory_space<vmem>>, vector<1x16xf32>,
      %swap3A_118 = vector.shape_cast %swap3A_117 : vector<1x16xf32> to vector<16xf32>
      %swap3A_119 = vector.shape_cast %broadcast_in_dim3A_16 : vector<16xf32> to vector<1x16xf32>
      tpu.vector_store %swap3A_114[%swap3A_115, %swap3A_116], %swap3A_119 {strides = array<i32>} : memref<88x128xf32, #tpu.memory_space<vmem>>, vector<1x16xf32>,
    }
    %scan3A_22 = arith.constant 8 : i32
    %broadcast_in_dim3A_23 = arith.constant 0.000000e+00 : f32
    %broadcast_in_dim3A_24 = vector.broadcast %broadcast_in_dim3A_23 : f32 to vector<16xf32>
    %scan3A_25 = arith.constant 0 : i32
    %scan3A_26 = arith.constant 0 : i32
    %scan3A_27 = arith.constant 8 : i32
    %scan3A_28 = arith.addi %scan3A_26, %scan3A_27 : i32
    %scan3A_29 = arith.constant 1 : i32
    scf.for %scan3A_107 = %scan3A_26 to %scan3A_28 step %scan3A_29  : i32 {
      %mul3A_108 = arith.constant 1 : i32
      %mul3A_109 = arith.muli %scan3A_107, %mul3A_108 : i32
      %add3A_110 = arith.constant 0 : i32
      %add3A_111 = arith.addi %add3A_110, %mul3A_109 : i32
      %swap3A = arith.constant 0 : i32
      %swap3A_112 = arith.constant 0 : i32
      %swap3A_113 = tpu.memref_slice %arg8[%scan3A_25, %swap3A, %swap3A_112] : memref<2x88x128xf32, #tpu.memory_space<vmem>> -> memref<1x88x128xf32, #tpu.memory_space<vmem>>
      %swap3A_114 = tpu.memref_squeeze %swap3A_113 : memref<1x88x128xf32, #tpu.memory_space<vmem>> -> memref<88x128xf32, #tpu.memory_space<vmem>>
      %swap3A_115 = arith.index_cast %add3A_111 : i32 to index
      %swap3A_116 = arith.constant 48 : index
      %swap3A_117 = tpu.vector_load %swap3A_114[%swap3A_115, %swap3A_116] {strides = array<i32>} : memref<88x128xf32, #tpu.memory_space<vmem>>, vector<1x16xf32>,
      %swap3A_118 = vector.shape_cast %swap3A_117 : vector<1x16xf32> to vector<16xf32>
      %swap3A_119 = vector.shape_cast %broadcast_in_dim3A_24 : vector<16xf32> to vector<1x16xf32>
      tpu.vector_store %swap3A_114[%swap3A_115, %swap3A_116], %swap3A_119 {strides = array<i32>} : memref<88x128xf32, #tpu.memory_space<vmem>>, vector<1x16xf32>,
    }
    %scan3A_30 = arith.constant 8 : i32
    %broadcast_in_dim3A_31 = arith.constant 0.000000e+00 : f32
    %broadcast_in_dim3A_32 = vector.broadcast %broadcast_in_dim3A_31 : f32 to vector<16xf32>
    %scan3A_33 = arith.constant 0 : i32
    %scan3A_34 = arith.constant 0 : i32
    %scan3A_35 = arith.constant 8 : i32
    %scan3A_36 = arith.addi %scan3A_34, %scan3A_35 : i32
    %scan3A_37 = arith.constant 1 : i32
    scf.for %scan3A_107 = %scan3A_34 to %scan3A_36 step %scan3A_37  : i32 {
      %mul3A_108 = arith.constant 1 : i32
      %mul3A_109 = arith.muli %scan3A_107, %mul3A_108 : i32
      %add3A_110 = arith.constant 0 : i32
      %add3A_111 = arith.addi %add3A_110, %mul3A_109 : i32
      %swap3A = arith.constant 0 : i32
      %swap3A_112 = arith.constant 0 : i32
      %swap3A_113 = tpu.memref_slice %arg8[%scan3A_33, %swap3A, %swap3A_112] : memref<2x88x128xf32, #tpu.memory_space<vmem>> -> memref<1x88x128xf32, #tpu.memory_space<vmem>>
      %swap3A_114 = tpu.memref_squeeze %swap3A_113 : memref<1x88x128xf32, #tpu.memory_space<vmem>> -> memref<88x128xf32, #tpu.memory_space<vmem>>
      %swap3A_115 = arith.index_cast %add3A_111 : i32 to index
      %swap3A_116 = arith.constant 64 : index
      %swap3A_117 = tpu.vector_load %swap3A_114[%swap3A_115, %swap3A_116] {strides = array<i32>} : memref<88x128xf32, #tpu.memory_space<vmem>>, vector<1x16xf32>,
      %swap3A_118 = vector.shape_cast %swap3A_117 : vector<1x16xf32> to vector<16xf32>
      %swap3A_119 = vector.shape_cast %broadcast_in_dim3A_32 : vector<16xf32> to vector<1x16xf32>
      tpu.vector_store %swap3A_114[%swap3A_115, %swap3A_116], %swap3A_119 {strides = array<i32>} : memref<88x128xf32, #tpu.memory_space<vmem>>, vector<1x16xf32>,
    }
    %scan3A_38 = arith.constant 8 : i32
    %broadcast_in_dim3A_39 = arith.constant 0.000000e+00 : f32
    %broadcast_in_dim3A_40 = vector.broadcast %broadcast_in_dim3A_39 : f32 to vector<16xf32>
    %scan3A_41 = arith.constant 0 : i32
    %scan3A_42 = arith.constant 0 : i32
    %scan3A_43 = arith.constant 8 : i32
    %scan3A_44 = arith.addi %scan3A_42, %scan3A_43 : i32
    %scan3A_45 = arith.constant 1 : i32
    scf.for %scan3A_107 = %scan3A_42 to %scan3A_44 step %scan3A_45  : i32 {
      %mul3A_108 = arith.constant 1 : i32
      %mul3A_109 = arith.muli %scan3A_107, %mul3A_108 : i32
      %add3A_110 = arith.constant 0 : i32
      %add3A_111 = arith.addi %add3A_110, %mul3A_109 : i32
      %swap3A = arith.constant 0 : i32
      %swap3A_112 = arith.constant 0 : i32
      %swap3A_113 = tpu.memref_slice %arg8[%scan3A_41, %swap3A, %swap3A_112] : memref<2x88x128xf32, #tpu.memory_space<vmem>> -> memref<1x88x128xf32, #tpu.memory_space<vmem>>
      %swap3A_114 = tpu.memref_squeeze %swap3A_113 : memref<1x88x128xf32, #tpu.memory_space<vmem>> -> memref<88x128xf32, #tpu.memory_space<vmem>>
      %swap3A_115 = arith.index_cast %add3A_111 : i32 to index
      %swap3A_116 = arith.constant 80 : index
      %swap3A_117 = tpu.vector_load %swap3A_114[%swap3A_115, %swap3A_116] {strides = array<i32>} : memref<88x128xf32, #tpu.memory_space<vmem>>, vector<1x16xf32>,
      %swap3A_118 = vector.shape_cast %swap3A_117 : vector<1x16xf32> to vector<16xf32>
      %swap3A_119 = vector.shape_cast %broadcast_in_dim3A_40 : vector<16xf32> to vector<1x16xf32>
      tpu.vector_store %swap3A_114[%swap3A_115, %swap3A_116], %swap3A_119 {strides = array<i32>} : memref<88x128xf32, #tpu.memory_space<vmem>>, vector<1x16xf32>,
    }
    %scan3A_46 = arith.constant 8 : i32
    %broadcast_in_dim3A_47 = arith.constant 0.000000e+00 : f32
    %broadcast_in_dim3A_48 = vector.broadcast %broadcast_in_dim3A_47 : f32 to vector<16xf32>
    %scan3A_49 = arith.constant 0 : i32
    %scan3A_50 = arith.constant 0 : i32
    %scan3A_51 = arith.constant 8 : i32
    %scan3A_52 = arith.addi %scan3A_50, %scan3A_51 : i32
    %scan3A_53 = arith.constant 1 : i32
    scf.for %scan3A_107 = %scan3A_50 to %scan3A_52 step %scan3A_53  : i32 {
      %mul3A_108 = arith.constant 1 : i32
      %mul3A_109 = arith.muli %scan3A_107, %mul3A_108 : i32
      %add3A_110 = arith.constant 0 : i32
      %add3A_111 = arith.addi %add3A_110, %mul3A_109 : i32
      %swap3A = arith.constant 0 : i32
      %swap3A_112 = arith.constant 0 : i32
      %swap3A_113 = tpu.memref_slice %arg8[%scan3A_49, %swap3A, %swap3A_112] : memref<2x88x128xf32, #tpu.memory_space<vmem>> -> memref<1x88x128xf32, #tpu.memory_space<vmem>>
      %swap3A_114 = tpu.memref_squeeze %swap3A_113 : memref<1x88x128xf32, #tpu.memory_space<vmem>> -> memref<88x128xf32, #tpu.memory_space<vmem>>
      %swap3A_115 = arith.index_cast %add3A_111 : i32 to index
      %swap3A_116 = arith.constant 96 : index
      %swap3A_117 = tpu.vector_load %swap3A_114[%swap3A_115, %swap3A_116] {strides = array<i32>} : memref<88x128xf32, #tpu.memory_space<vmem>>, vector<1x16xf32>,
      %swap3A_118 = vector.shape_cast %swap3A_117 : vector<1x16xf32> to vector<16xf32>
      %swap3A_119 = vector.shape_cast %broadcast_in_dim3A_48 : vector<16xf32> to vector<1x16xf32>
      tpu.vector_store %swap3A_114[%swap3A_115, %swap3A_116], %swap3A_119 {strides = array<i32>} : memref<88x128xf32, #tpu.memory_space<vmem>>, vector<1x16xf32>,
    }
    %scan3A_54 = arith.constant 8 : i32
    %broadcast_in_dim3A_55 = arith.constant 0.000000e+00 : f32
    %broadcast_in_dim3A_56 = vector.broadcast %broadcast_in_dim3A_55 : f32 to vector<16xf32>
    %scan3A_57 = arith.constant 0 : i32
    %scan3A_58 = arith.constant 0 : i32
    %scan3A_59 = arith.constant 8 : i32
    %scan3A_60 = arith.addi %scan3A_58, %scan3A_59 : i32
    %scan3A_61 = arith.constant 1 : i32
    scf.for %scan3A_107 = %scan3A_58 to %scan3A_60 step %scan3A_61  : i32 {
      %mul3A_108 = arith.constant 1 : i32
      %mul3A_109 = arith.muli %scan3A_107, %mul3A_108 : i32
      %add3A_110 = arith.constant 0 : i32
      %add3A_111 = arith.addi %add3A_110, %mul3A_109 : i32
      %swap3A = arith.constant 0 : i32
      %swap3A_112 = arith.constant 0 : i32
      %swap3A_113 = tpu.memref_slice %arg8[%scan3A_57, %swap3A, %swap3A_112] : memref<2x88x128xf32, #tpu.memory_space<vmem>> -> memref<1x88x128xf32, #tpu.memory_space<vmem>>
      %swap3A_114 = tpu.memref_squeeze %swap3A_113 : memref<1x88x128xf32, #tpu.memory_space<vmem>> -> memref<88x128xf32, #tpu.memory_space<vmem>>
      %swap3A_115 = arith.index_cast %add3A_111 : i32 to index
      %swap3A_116 = arith.constant 112 : index
      %swap3A_117 = tpu.vector_load %swap3A_114[%swap3A_115, %swap3A_116] {strides = array<i32>} : memref<88x128xf32, #tpu.memory_space<vmem>>, vector<1x16xf32>,
      %swap3A_118 = vector.shape_cast %swap3A_117 : vector<1x16xf32> to vector<16xf32>
      %swap3A_119 = vector.shape_cast %broadcast_in_dim3A_56 : vector<16xf32> to vector<1x16xf32>
      tpu.vector_store %swap3A_114[%swap3A_115, %swap3A_116], %swap3A_119 {strides = array<i32>} : memref<88x128xf32, #tpu.memory_space<vmem>>, vector<1x16xf32>,
    }
    %scan3A_62 = arith.constant 8 : i32
    %scan3A_63 = arith.constant 0 : i32
    %scan3A_64 = arith.constant 0 : i32
    %scan3A_65 = arith.constant 79 : i32
    %scan3A_66 = arith.addi %scan3A_64, %scan3A_65 : i32
    %scan3A_67 = arith.constant 1 : i32
    scf.for %scan3A_107 = %scan3A_64 to %scan3A_66 step %scan3A_67  : i32 {
      %mul3A_108 = arith.constant 1 : i32
      %mul3A_109 = arith.muli %scan3A_107, %mul3A_108 : i32
      %add3A_110 = arith.constant 0 : i32
      %add3A_111 = arith.addi %add3A_110, %mul3A_109 : i32
      %mul3A_112 = arith.constant 632 : i32
      %mul3A_113 = arith.muli %arg1, %mul3A_112 : i32
      %mul3A_114 = arith.constant 8 : i32
      %mul3A_115 = arith.muli %mul3A_114, %add3A_111 : i32
      %add3A_116 = arith.addi %mul3A_113, %mul3A_115 : i32
      "tpu.region"() ({
        %run_scoped3A = tpu.sem_alloc : memref<!tpu.dma_semaphore, #tpu.memory_space<semaphore_mem>>
        %dma_start3A_117 = arith.constant 0 : i32
        %dma_start3A_118 = arith.constant 0 : i32
        %dma_start3A_119 = tpu.memref_slice %arg8[%scan3A_63, %dma_start3A_117, %dma_start3A_118] : memref<2x88x128xf32, #tpu.memory_space<vmem>> -> memref<1x88x128xf32, #tpu.memory_space<vmem>>
        %dma_start3A_120 = tpu.memref_squeeze %dma_start3A_119 : memref<1x88x128xf32, #tpu.memory_space<vmem>> -> memref<88x128xf32, #tpu.memory_space<vmem>>
        %dma_start3A_121 = arith.constant 0 : i32
        %dma_start3A_122 = arith.constant 0 : i32
        %dma_start3A_123 = tpu.memref_slice %dma_start3A_120[%dma_start3A_121, %dma_start3A_122] : memref<88x128xf32, #tpu.memory_space<vmem>> -> memref<8x128xf32, #tpu.memory_space<vmem>>
        %dma_start3A_124 = arith.constant 0 : i32
        %dma_start3A_125 = tpu.memref_slice %arg10[%add3A_116, %dma_start3A_124] : memref<10112x128xf32, #tpu.memory_space<vmem_shared>> -> memref<8x128xf32, #tpu.memory_space<vmem_shared>>
        %dma_start3A_126 = arith.constant 0 : i32
        %dma_start3A_127 = tpu.memref_slice %arg10[%add3A_116, %dma_start3A_126] : memref<10112x128xf32, #tpu.memory_space<vmem_shared>> -> memref<8x128xf32, #tpu.memory_space<vmem_shared>>
        %dma_start3A_128 = arith.constant 0 : i32
        %dma_start3A_129 = arith.constant 0 : i32
        %dma_start3A_130 = tpu.memref_slice %arg8[%scan3A_63, %dma_start3A_128, %dma_start3A_129] : memref<2x88x128xf32, #tpu.memory_space<vmem>> -> memref<1x88x128xf32, #tpu.memory_space<vmem>>
        %dma_start3A_131 = tpu.memref_squeeze %dma_start3A_130 : memref<1x88x128xf32, #tpu.memory_space<vmem>> -> memref<88x128xf32, #tpu.memory_space<vmem>>
        %dma_start3A_132 = arith.constant 0 : i32
        %dma_start3A_133 = arith.constant 0 : i32
        %dma_start3A_134 = tpu.memref_slice %dma_start3A_131[%dma_start3A_132, %dma_start3A_133] : memref<88x128xf32, #tpu.memory_space<vmem>> -> memref<8x128xf32, #tpu.memory_space<vmem>>
        tpu.enqueue_dma source(%dma_start3A_134 : memref<8x128xf32, #tpu.memory_space<vmem>>) target(%dma_start3A_127 : memref<8x128xf32, #tpu.memory_space<vmem_shared>>) target_semaphore(%run_scoped3A : memref<!tpu.dma_semaphore, #tpu.memory_space<semaphore_mem>>)
        %dma_wait3A = arith.constant 0 : i32
        %dma_wait3A_135 = arith.constant 0 : i32
        %dma_wait3A_136 = tpu.memref_slice %arg8[%scan3A_63, %dma_wait3A, %dma_wait3A_135] : memref<2x88x128xf32, #tpu.memory_space<vmem>> -> memref<1x88x128xf32, #tpu.memory_space<vmem>>
        %dma_wait3A_137 = tpu.memref_squeeze %dma_wait3A_136 : memref<1x88x128xf32, #tpu.memory_space<vmem>> -> memref<88x128xf32, #tpu.memory_space<vmem>>
        %dma_wait3A_138 = arith.constant 0 : i32
        %dma_wait3A_139 = arith.constant 0 : i32
        %dma_wait3A_140 = tpu.memref_slice %dma_wait3A_137[%dma_wait3A_138, %dma_wait3A_139] : memref<88x128xf32, #tpu.memory_space<vmem>> -> memref<8x128xf32, #tpu.memory_space<vmem>>
        %dma_wait3A_141 = arith.constant 0 : i32
        %dma_wait3A_142 = tpu.memref_slice %arg10[%add3A_116, %dma_wait3A_141] : memref<10112x128xf32, #tpu.memory_space<vmem_shared>> -> memref<8x128xf32, #tpu.memory_space<vmem_shared>>
        %dma_wait3A_143 = arith.constant 0 : i32
        %dma_wait3A_144 = tpu.memref_slice %arg10[%add3A_116, %dma_wait3A_143] : memref<10112x128xf32, #tpu.memory_space<vmem_shared>> -> memref<8x128xf32, #tpu.memory_space<vmem_shared>>
        %dma_wait3A_145 = arith.constant 0 : i32
        %dma_wait3A_146 = arith.constant 0 : i32
        %dma_wait3A_147 = tpu.memref_slice %arg8[%scan3A_63, %dma_wait3A_145, %dma_wait3A_146] : memref<2x88x128xf32, #tpu.memory_space<vmem>> -> memref<1x88x128xf32, #tpu.memory_space<vmem>>
        %dma_wait3A_148 = tpu.memref_squeeze %dma_wait3A_147 : memref<1x88x128xf32, #tpu.memory_space<vmem>> -> memref<88x128xf32, #tpu.memory_space<vmem>>
        %dma_wait3A_149 = arith.constant 0 : i32
        %dma_wait3A_150 = arith.constant 0 : i32
        %dma_wait3A_151 = tpu.memref_slice %dma_wait3A_148[%dma_wait3A_149, %dma_wait3A_150] : memref<88x128xf32, #tpu.memory_space<vmem>> -> memref<8x128xf32, #tpu.memory_space<vmem>>
        tpu.wait_dma2 semaphore(%run_scoped3A : memref<!tpu.dma_semaphore, #tpu.memory_space<semaphore_mem>>) src(%dma_wait3A_151 : memref<8x128xf32, #tpu.memory_space<vmem>>) dst(%dma_wait3A_144 : memref<8x128xf32, #tpu.memory_space<vmem_shared>>)
        tpu.yield
      }) : () -> ()
    }
    %scan3A_68 = arith.constant 79 : i32
    %barrier3A = arith.constant 0 : index
    tpu.barrier barrier_id(%barrier3A)
    "tpu.region"() ({
      %run_scoped3A = tpu.sem_alloc : memref<!tpu.dma_semaphore, #tpu.memory_space<semaphore_mem>>
      %dma_start3A_107 = arith.constant 0 : i32
      %dma_start3A_108 = arith.constant 0 : i32
      %dma_start3A_109 = tpu.memref_slice %arg6[%dma_start3A_107, %dma_start3A_108] : memref<64x88xi32, #tpu.memory_space<vmem>> -> memref<64x88xi32, #tpu.memory_space<vmem>>
      %dma_start3A_110 = arith.constant 0 : i32
      %dma_start3A_111 = arith.constant 0 : i32
      %dma_start3A_112 = tpu.memref_slice %arg3[%add3A, %dma_start3A_110, %dma_start3A_111] : memref<32x114x88xi32, #tpu.memory_space<hbm>> -> memref<1x64x88xi32, #tpu.memory_space<hbm>>
      %dma_start3A_113 = tpu.memref_squeeze %dma_start3A_112 : memref<1x64x88xi32, #tpu.memory_space<hbm>> -> memref<64x88xi32, #tpu.memory_space<hbm>>
      %dma_start3A_114 = arith.constant 0 : i32
      %dma_start3A_115 = arith.constant 0 : i32
      %dma_start3A_116 = tpu.memref_slice %arg6[%dma_start3A_114, %dma_start3A_115] : memref<64x88xi32, #tpu.memory_space<vmem>> -> memref<64x88xi32, #tpu.memory_space<vmem>>
      %dma_start3A_117 = arith.constant 0 : i32
      %dma_start3A_118 = arith.constant 0 : i32
      %dma_start3A_119 = tpu.memref_slice %arg3[%add3A, %dma_start3A_117, %dma_start3A_118] : memref<32x114x88xi32, #tpu.memory_space<hbm>> -> memref<1x64x88xi32, #tpu.memory_space<hbm>>
      %dma_start3A_120 = tpu.memref_squeeze %dma_start3A_119 : memref<1x64x88xi32, #tpu.memory_space<hbm>> -> memref<64x88xi32, #tpu.memory_space<hbm>>
      tpu.enqueue_dma source(%dma_start3A_120 : memref<64x88xi32, #tpu.memory_space<hbm>>) target(%dma_start3A_116 : memref<64x88xi32, #tpu.memory_space<vmem>>) target_semaphore(%run_scoped3A : memref<!tpu.dma_semaphore, #tpu.memory_space<semaphore_mem>>)
      %dma_wait3A = arith.constant 0 : i32
      %dma_wait3A_121 = arith.constant 0 : i32
      %dma_wait3A_122 = tpu.memref_slice %arg6[%dma_wait3A, %dma_wait3A_121] : memref<64x88xi32, #tpu.memory_space<vmem>> -> memref<64x88xi32, #tpu.memory_space<vmem>>
      %dma_wait3A_123 = arith.constant 0 : i32
      %dma_wait3A_124 = arith.constant 0 : i32
      %dma_wait3A_125 = tpu.memref_slice %arg3[%add3A, %dma_wait3A_123, %dma_wait3A_124] : memref<32x114x88xi32, #tpu.memory_space<hbm>> -> memref<1x64x88xi32, #tpu.memory_space<hbm>>
      %dma_wait3A_126 = tpu.memref_squeeze %dma_wait3A_125 : memref<1x64x88xi32, #tpu.memory_space<hbm>> -> memref<64x88xi32, #tpu.memory_space<hbm>>
      %dma_wait3A_127 = arith.constant 0 : i32
      %dma_wait3A_128 = arith.constant 0 : i32
      %dma_wait3A_129 = tpu.memref_slice %arg6[%dma_wait3A_127, %dma_wait3A_128] : memref<64x88xi32, #tpu.memory_space<vmem>> -> memref<64x88xi32, #tpu.memory_space<vmem>>
      %dma_wait3A_130 = arith.constant 0 : i32
      %dma_wait3A_131 = arith.constant 0 : i32
      %dma_wait3A_132 = tpu.memref_slice %arg3[%add3A, %dma_wait3A_130, %dma_wait3A_131] : memref<32x114x88xi32, #tpu.memory_space<hbm>> -> memref<1x64x88xi32, #tpu.memory_space<hbm>>
      %dma_wait3A_133 = tpu.memref_squeeze %dma_wait3A_132 : memref<1x64x88xi32, #tpu.memory_space<hbm>> -> memref<64x88xi32, #tpu.memory_space<hbm>>
      tpu.wait_dma2 semaphore(%run_scoped3A : memref<!tpu.dma_semaphore, #tpu.memory_space<semaphore_mem>>) src(%dma_wait3A_133 : memref<64x88xi32, #tpu.memory_space<hbm>>) dst(%dma_wait3A_129 : memref<64x88xi32, #tpu.memory_space<vmem>>)
      tpu.yield
    }) : () -> ()
    "tpu.region"() ({
      %run_scoped3A = tpu.sem_alloc : memref<!tpu.dma_semaphore, #tpu.memory_space<semaphore_mem>>
      %dma_start3A_107 = arith.constant 0 : i32
      %dma_start3A_108 = arith.constant 0 : i32
      %dma_start3A_109 = tpu.memref_slice %arg7[%dma_start3A_107, %dma_start3A_108] : memref<64x88xi32, #tpu.memory_space<vmem>> -> memref<64x88xi32, #tpu.memory_space<vmem>>
      %dma_start3A_110 = arith.constant 0 : i32
      %dma_start3A_111 = arith.constant 0 : i32
      %dma_start3A_112 = tpu.memref_slice %arg4[%add3A, %dma_start3A_110, %dma_start3A_111] : memref<32x114x88xi32, #tpu.memory_space<hbm>> -> memref<1x64x88xi32, #tpu.memory_space<hbm>>
      %dma_start3A_113 = tpu.memref_squeeze %dma_start3A_112 : memref<1x64x88xi32, #tpu.memory_space<hbm>> -> memref<64x88xi32, #tpu.memory_space<hbm>>
      %dma_start3A_114 = arith.constant 0 : i32
      %dma_start3A_115 = arith.constant 0 : i32
      %dma_start3A_116 = tpu.memref_slice %arg7[%dma_start3A_114, %dma_start3A_115] : memref<64x88xi32, #tpu.memory_space<vmem>> -> memref<64x88xi32, #tpu.memory_space<vmem>>
      %dma_start3A_117 = arith.constant 0 : i32
      %dma_start3A_118 = arith.constant 0 : i32
      %dma_start3A_119 = tpu.memref_slice %arg4[%add3A, %dma_start3A_117, %dma_start3A_118] : memref<32x114x88xi32, #tpu.memory_space<hbm>> -> memref<1x64x88xi32, #tpu.memory_space<hbm>>
      %dma_start3A_120 = tpu.memref_squeeze %dma_start3A_119 : memref<1x64x88xi32, #tpu.memory_space<hbm>> -> memref<64x88xi32, #tpu.memory_space<hbm>>
      tpu.enqueue_dma source(%dma_start3A_120 : memref<64x88xi32, #tpu.memory_space<hbm>>) target(%dma_start3A_116 : memref<64x88xi32, #tpu.memory_space<vmem>>) target_semaphore(%run_scoped3A : memref<!tpu.dma_semaphore, #tpu.memory_space<semaphore_mem>>)
      %dma_wait3A = arith.constant 0 : i32
      %dma_wait3A_121 = arith.constant 0 : i32
      %dma_wait3A_122 = tpu.memref_slice %arg7[%dma_wait3A, %dma_wait3A_121] : memref<64x88xi32, #tpu.memory_space<vmem>> -> memref<64x88xi32, #tpu.memory_space<vmem>>
      %dma_wait3A_123 = arith.constant 0 : i32
      %dma_wait3A_124 = arith.constant 0 : i32
      %dma_wait3A_125 = tpu.memref_slice %arg4[%add3A, %dma_wait3A_123, %dma_wait3A_124] : memref<32x114x88xi32, #tpu.memory_space<hbm>> -> memref<1x64x88xi32, #tpu.memory_space<hbm>>
      %dma_wait3A_126 = tpu.memref_squeeze %dma_wait3A_125 : memref<1x64x88xi32, #tpu.memory_space<hbm>> -> memref<64x88xi32, #tpu.memory_space<hbm>>
      %dma_wait3A_127 = arith.constant 0 : i32
      %dma_wait3A_128 = arith.constant 0 : i32
      %dma_wait3A_129 = tpu.memref_slice %arg7[%dma_wait3A_127, %dma_wait3A_128] : memref<64x88xi32, #tpu.memory_space<vmem>> -> memref<64x88xi32, #tpu.memory_space<vmem>>
      %dma_wait3A_130 = arith.constant 0 : i32
      %dma_wait3A_131 = arith.constant 0 : i32
      %dma_wait3A_132 = tpu.memref_slice %arg4[%add3A, %dma_wait3A_130, %dma_wait3A_131] : memref<32x114x88xi32, #tpu.memory_space<hbm>> -> memref<1x64x88xi32, #tpu.memory_space<hbm>>
      %dma_wait3A_133 = tpu.memref_squeeze %dma_wait3A_132 : memref<1x64x88xi32, #tpu.memory_space<hbm>> -> memref<64x88xi32, #tpu.memory_space<hbm>>
      tpu.wait_dma2 semaphore(%run_scoped3A : memref<!tpu.dma_semaphore, #tpu.memory_space<semaphore_mem>>) src(%dma_wait3A_133 : memref<64x88xi32, #tpu.memory_space<hbm>>) dst(%dma_wait3A_129 : memref<64x88xi32, #tpu.memory_space<vmem>>)
      tpu.yield
    }) : () -> ()
    %dma_start3A = arith.constant 0 : i32
    %dma_start3A_69 = arith.constant 0 : i32
    %dma_start3A_70 = arith.constant 0 : i32
    %dma_start3A_71 = arith.constant 0 : i32
    %dma_start3A_72 = tpu.memref_slice %arg8[%dma_start3A_69, %dma_start3A_70, %dma_start3A_71] : memref<2x88x128xf32, #tpu.memory_space<vmem>> -> memref<1x88x128xf32, #tpu.memory_space<vmem>>
    %dma_start3A_73 = tpu.memref_squeeze %dma_start3A_72 : memref<1x88x128xf32, #tpu.memory_space<vmem>> -> memref<88x128xf32, #tpu.memory_space<vmem>>
    %dma_start3A_74 = arith.constant 0 : i32
    %dma_start3A_75 = tpu.memref_slice %arg6[%dma_start3A, %dma_start3A_74] : memref<64x88xi32, #tpu.memory_space<vmem>> -> memref<1x88xi32, #tpu.memory_space<vmem>>
    %dma_start3A_76 = tpu.memref_squeeze %dma_start3A_75 : memref<1x88xi32, #tpu.memory_space<vmem>> -> memref<88xi32, #tpu.memory_space<vmem>>
    %dma_start3A_77 = arith.constant 0 : i32
    %dma_start3A_78 = arith.constant 0 : i32
    %dma_start3A_79 = tpu.memref_slice %arg2[%dma_start3A_77, %dma_start3A_78] : memref<10112x128xf32, #tpu.memory_space<hbm>> -> memref<10112x128xf32, #tpu.memory_space<hbm>>
    tpu.enqueue_indirect_dma source(%dma_start3A_79 : memref<10112x128xf32, #tpu.memory_space<hbm>>) target(%dma_start3A_73 : memref<88x128xf32, #tpu.memory_space<vmem>>) offsets(%dma_start3A_76 : memref<88xi32, #tpu.memory_space<vmem>>) semaphore(%arg9 : memref<!tpu.dma_semaphore, #tpu.memory_space<semaphore_mem>>)
    %scan3A_80 = arith.constant 0 : i32
    %scan3A_81 = arith.constant 32 : i32
    %scan3A_82 = arith.addi %scan3A_80, %scan3A_81 : i32
    %scan3A_83 = arith.constant 1 : i32
    scf.for %scan3A_107 = %scan3A_80 to %scan3A_82 step %scan3A_83  : i32 {
      %mul3A_108 = arith.constant 1 : i32
      %mul3A_109 = arith.muli %scan3A_107, %mul3A_108 : i32
      %add3A_110 = arith.constant 0 : i32
      %add3A_111 = arith.addi %add3A_110, %mul3A_109 : i32
      %mul3A_112 = arith.constant 2 : i32
      %mul3A_113 = arith.muli %mul3A_112, %add3A_111 : i32
      %dma_wait3A = arith.constant 0 : i32
      %dma_wait3A_114 = arith.constant 0 : i32
      %dma_wait3A_115 = arith.constant 0 : i32
      %dma_wait3A_116 = tpu.memref_slice %arg8[%dma_wait3A, %dma_wait3A_114, %dma_wait3A_115] : memref<2x88x128xf32, #tpu.memory_space<vmem>> -> memref<1x88x128xf32, #tpu.memory_space<vmem>>
      %dma_wait3A_117 = tpu.memref_squeeze %dma_wait3A_116 : memref<1x88x128xf32, #tpu.memory_space<vmem>> -> memref<88x128xf32, #tpu.memory_space<vmem>>
      %dma_wait3A_118 = arith.constant 0 : i32
      %dma_wait3A_119 = tpu.memref_slice %arg6[%mul3A_113, %dma_wait3A_118] : memref<64x88xi32, #tpu.memory_space<vmem>> -> memref<1x88xi32, #tpu.memory_space<vmem>>
      %dma_wait3A_120 = tpu.memref_squeeze %dma_wait3A_119 : memref<1x88xi32, #tpu.memory_space<vmem>> -> memref<88xi32, #tpu.memory_space<vmem>>
      %dma_wait3A_121 = arith.constant 0 : i32
      %dma_wait3A_122 = arith.constant 0 : i32
      %dma_wait3A_123 = tpu.memref_slice %arg2[%dma_wait3A_121, %dma_wait3A_122] : memref<10112x128xf32, #tpu.memory_space<hbm>> -> memref<10112x128xf32, #tpu.memory_space<hbm>>
      tpu.wait_indirect_dma semaphore(%arg9 : memref<!tpu.dma_semaphore, #tpu.memory_space<semaphore_mem>>) src(%dma_wait3A_123 : memref<10112x128xf32, #tpu.memory_space<hbm>>) dst(%dma_wait3A_117 : memref<88x128xf32, #tpu.memory_space<vmem>>)
      %add3A_124 = arith.constant 1 : i32
      %add3A_125 = arith.addi %mul3A_113, %add3A_124 : i32
      %dma_start3A_126 = arith.constant 1 : i32
      %dma_start3A_127 = arith.constant 0 : i32
      %dma_start3A_128 = arith.constant 0 : i32
      %dma_start3A_129 = tpu.memref_slice %arg8[%dma_start3A_126, %dma_start3A_127, %dma_start3A_128] : memref<2x88x128xf32, #tpu.memory_space<vmem>> -> memref<1x88x128xf32, #tpu.memory_space<vmem>>
      %dma_start3A_130 = tpu.memref_squeeze %dma_start3A_129 : memref<1x88x128xf32, #tpu.memory_space<vmem>> -> memref<88x128xf32, #tpu.memory_space<vmem>>
      %dma_start3A_131 = arith.constant 0 : i32
      %dma_start3A_132 = tpu.memref_slice %arg6[%add3A_125, %dma_start3A_131] : memref<64x88xi32, #tpu.memory_space<vmem>> -> memref<1x88xi32, #tpu.memory_space<vmem>>
      %dma_start3A_133 = tpu.memref_squeeze %dma_start3A_132 : memref<1x88xi32, #tpu.memory_space<vmem>> -> memref<88xi32, #tpu.memory_space<vmem>>
      %dma_start3A_134 = arith.constant 0 : i32
      %dma_start3A_135 = arith.constant 0 : i32
      %dma_start3A_136 = tpu.memref_slice %arg2[%dma_start3A_134, %dma_start3A_135] : memref<10112x128xf32, #tpu.memory_space<hbm>> -> memref<10112x128xf32, #tpu.memory_space<hbm>>
      tpu.enqueue_indirect_dma source(%dma_start3A_136 : memref<10112x128xf32, #tpu.memory_space<hbm>>) target(%dma_start3A_130 : memref<88x128xf32, #tpu.memory_space<vmem>>) offsets(%dma_start3A_133 : memref<88xi32, #tpu.memory_space<vmem>>) semaphore(%arg9 : memref<!tpu.dma_semaphore, #tpu.memory_space<semaphore_mem>>)
      %run_scoped3A = arith.constant 0 : i32
      "tpu.region"() ({
        %run_scoped3A_157 = tpu.sem_alloc : memref<!tpu.dma_semaphore, #tpu.memory_space<semaphore_mem>>
        %dma_start3A_158 = arith.constant 0 : i32
        %dma_start3A_159 = arith.constant 0 : i32
        %dma_start3A_160 = tpu.memref_slice %arg8[%run_scoped3A, %dma_start3A_158, %dma_start3A_159] : memref<2x88x128xf32, #tpu.memory_space<vmem>> -> memref<1x88x128xf32, #tpu.memory_space<vmem>>
        %dma_start3A_161 = tpu.memref_squeeze %dma_start3A_160 : memref<1x88x128xf32, #tpu.memory_space<vmem>> -> memref<88x128xf32, #tpu.memory_space<vmem>>
        %dma_start3A_162 = arith.constant 0 : i32
        %dma_start3A_163 = tpu.memref_slice %arg7[%mul3A_113, %dma_start3A_162] : memref<64x88xi32, #tpu.memory_space<vmem>> -> memref<1x88xi32, #tpu.memory_space<vmem>>
        %dma_start3A_164 = tpu.memref_squeeze %dma_start3A_163 : memref<1x88xi32, #tpu.memory_space<vmem>> -> memref<88xi32, #tpu.memory_space<vmem>>
        %dma_start3A_165 = arith.constant 0 : i32
        %dma_start3A_166 = arith.constant 0 : i32
        %dma_start3A_167 = tpu.memref_slice %arg10[%dma_start3A_165, %dma_start3A_166] : memref<10112x128xf32, #tpu.memory_space<vmem_shared>> -> memref<10112x128xf32, #tpu.memory_space<vmem_shared>>
        tpu.enqueue_indirect_dma source(%dma_start3A_161 : memref<88x128xf32, #tpu.memory_space<vmem>>) target(%dma_start3A_167 : memref<10112x128xf32, #tpu.memory_space<vmem_shared>>) offsets(%dma_start3A_164 : memref<88xi32, #tpu.memory_space<vmem>>) semaphore(%run_scoped3A_157 : memref<!tpu.dma_semaphore, #tpu.memory_space<semaphore_mem>>) {add = true}
        %dma_wait3A_168 = arith.constant 0 : i32
        %dma_wait3A_169 = arith.constant 0 : i32
        %dma_wait3A_170 = tpu.memref_slice %arg8[%run_scoped3A, %dma_wait3A_168, %dma_wait3A_169] : memref<2x88x128xf32, #tpu.memory_space<vmem>> -> memref<1x88x128xf32, #tpu.memory_space<vmem>>
        %dma_wait3A_171 = tpu.memref_squeeze %dma_wait3A_170 : memref<1x88x128xf32, #tpu.memory_space<vmem>> -> memref<88x128xf32, #tpu.memory_space<vmem>>
        %dma_wait3A_172 = arith.constant 0 : i32
        %dma_wait3A_173 = tpu.memref_slice %arg7[%mul3A_113, %dma_wait3A_172] : memref<64x88xi32, #tpu.memory_space<vmem>> -> memref<1x88xi32, #tpu.memory_space<vmem>>
        %dma_wait3A_174 = tpu.memref_squeeze %dma_wait3A_173 : memref<1x88xi32, #tpu.memory_space<vmem>> -> memref<88xi32, #tpu.memory_space<vmem>>
        %dma_wait3A_175 = arith.constant 0 : i32
        %dma_wait3A_176 = arith.constant 0 : i32
        %dma_wait3A_177 = tpu.memref_slice %arg10[%dma_wait3A_175, %dma_wait3A_176] : memref<10112x128xf32, #tpu.memory_space<vmem_shared>> -> memref<10112x128xf32, #tpu.memory_space<vmem_shared>>
        tpu.wait_indirect_dma semaphore(%run_scoped3A_157 : memref<!tpu.dma_semaphore, #tpu.memory_space<semaphore_mem>>) src(%dma_wait3A_171 : memref<88x128xf32, #tpu.memory_space<vmem>>) dst(%dma_wait3A_177 : memref<10112x128xf32, #tpu.memory_space<vmem_shared>>)
        tpu.yield
      }) : () -> ()
      %add3A_137 = arith.constant 1 : i32
      %add3A_138 = arith.addi %mul3A_113, %add3A_137 : i32
      %dma_wait3A_139 = arith.constant 1 : i32
      %dma_wait3A_140 = arith.constant 0 : i32
      %dma_wait3A_141 = arith.constant 0 : i32
      %dma_wait3A_142 = tpu.memref_slice %arg8[%dma_wait3A_139, %dma_wait3A_140, %dma_wait3A_141] : memref<2x88x128xf32, #tpu.memory_space<vmem>> -> memref<1x88x128xf32, #tpu.memory_space<vmem>>
      %dma_wait3A_143 = tpu.memref_squeeze %dma_wait3A_142 : memref<1x88x128xf32, #tpu.memory_space<vmem>> -> memref<88x128xf32, #tpu.memory_space<vmem>>
      %dma_wait3A_144 = arith.constant 0 : i32
      %dma_wait3A_145 = tpu.memref_slice %arg6[%add3A_138, %dma_wait3A_144] : memref<64x88xi32, #tpu.memory_space<vmem>> -> memref<1x88xi32, #tpu.memory_space<vmem>>
      %dma_wait3A_146 = tpu.memref_squeeze %dma_wait3A_145 : memref<1x88xi32, #tpu.memory_space<vmem>> -> memref<88xi32, #tpu.memory_space<vmem>>
      %dma_wait3A_147 = arith.constant 0 : i32
      %dma_wait3A_148 = arith.constant 0 : i32
      %dma_wait3A_149 = tpu.memref_slice %arg2[%dma_wait3A_147, %dma_wait3A_148] : memref<10112x128xf32, #tpu.memory_space<hbm>> -> memref<10112x128xf32, #tpu.memory_space<hbm>>
      tpu.wait_indirect_dma semaphore(%arg9 : memref<!tpu.dma_semaphore, #tpu.memory_space<semaphore_mem>>) src(%dma_wait3A_149 : memref<10112x128xf32, #tpu.memory_space<hbm>>) dst(%dma_wait3A_143 : memref<88x128xf32, #tpu.memory_space<vmem>>)
      %add3A_150 = arith.constant 2 : i32
      %add3A_151 = arith.addi %mul3A_113, %add3A_150 : i32
      %lt3A = arith.constant 64 : i32
      %lt3A_152 = arith.cmpi slt, %add3A_151, %lt3A : i32
      %convert_element_type3A = arith.extui %lt3A_152 : i1 to i32
      %cond3A = arith.constant 0 : i32
      %cond3A_153 = arith.cmpi ne, %convert_element_type3A, %cond3A : i32
      scf.if %cond3A_153 {
        %add3A_157 = arith.constant 2 : i32
        %add3A_158 = arith.addi %mul3A_113, %add3A_157 : i32
        %dma_start3A_159 = arith.constant 0 : i32
        %dma_start3A_160 = arith.constant 0 : i32
        %dma_start3A_161 = arith.constant 0 : i32
        %dma_start3A_162 = tpu.memref_slice %arg8[%dma_start3A_159, %dma_start3A_160, %dma_start3A_161] : memref<2x88x128xf32, #tpu.memory_space<vmem>> -> memref<1x88x128xf32, #tpu.memory_space<vmem>>
        %dma_start3A_163 = tpu.memref_squeeze %dma_start3A_162 : memref<1x88x128xf32, #tpu.memory_space<vmem>> -> memref<88x128xf32, #tpu.memory_space<vmem>>
        %dma_start3A_164 = arith.constant 0 : i32
        %dma_start3A_165 = tpu.memref_slice %arg6[%add3A_158, %dma_start3A_164] : memref<64x88xi32, #tpu.memory_space<vmem>> -> memref<1x88xi32, #tpu.memory_space<vmem>>
        %dma_start3A_166 = tpu.memref_squeeze %dma_start3A_165 : memref<1x88xi32, #tpu.memory_space<vmem>> -> memref<88xi32, #tpu.memory_space<vmem>>
        %dma_start3A_167 = arith.constant 0 : i32
        %dma_start3A_168 = arith.constant 0 : i32
        %dma_start3A_169 = tpu.memref_slice %arg2[%dma_start3A_167, %dma_start3A_168] : memref<10112x128xf32, #tpu.memory_space<hbm>> -> memref<10112x128xf32, #tpu.memory_space<hbm>>
        tpu.enqueue_indirect_dma source(%dma_start3A_169 : memref<10112x128xf32, #tpu.memory_space<hbm>>) target(%dma_start3A_163 : memref<88x128xf32, #tpu.memory_space<vmem>>) offsets(%dma_start3A_166 : memref<88xi32, #tpu.memory_space<vmem>>) semaphore(%arg9 : memref<!tpu.dma_semaphore, #tpu.memory_space<semaphore_mem>>)
      } else {
      }
      %add3A_154 = arith.constant 1 : i32
      %add3A_155 = arith.addi %mul3A_113, %add3A_154 : i32
      %run_scoped3A_156 = arith.constant 1 : i32
      "tpu.region"() ({
        %run_scoped3A_157 = tpu.sem_alloc : memref<!tpu.dma_semaphore, #tpu.memory_space<semaphore_mem>>
        %dma_start3A_158 = arith.constant 0 : i32
        %dma_start3A_159 = arith.constant 0 : i32
        %dma_start3A_160 = tpu.memref_slice %arg8[%run_scoped3A_156, %dma_start3A_158, %dma_start3A_159] : memref<2x88x128xf32, #tpu.memory_space<vmem>> -> memref<1x88x128xf32, #tpu.memory_space<vmem>>
        %dma_start3A_161 = tpu.memref_squeeze %dma_start3A_160 : memref<1x88x128xf32, #tpu.memory_space<vmem>> -> memref<88x128xf32, #tpu.memory_space<vmem>>
        %dma_start3A_162 = arith.constant 0 : i32
        %dma_start3A_163 = tpu.memref_slice %arg7[%add3A_155, %dma_start3A_162] : memref<64x88xi32, #tpu.memory_space<vmem>> -> memref<1x88xi32, #tpu.memory_space<vmem>>
        %dma_start3A_164 = tpu.memref_squeeze %dma_start3A_163 : memref<1x88xi32, #tpu.memory_space<vmem>> -> memref<88xi32, #tpu.memory_space<vmem>>
        %dma_start3A_165 = arith.constant 0 : i32
        %dma_start3A_166 = arith.constant 0 : i32
        %dma_start3A_167 = tpu.memref_slice %arg10[%dma_start3A_165, %dma_start3A_166] : memref<10112x128xf32, #tpu.memory_space<vmem_shared>> -> memref<10112x128xf32, #tpu.memory_space<vmem_shared>>
        tpu.enqueue_indirect_dma source(%dma_start3A_161 : memref<88x128xf32, #tpu.memory_space<vmem>>) target(%dma_start3A_167 : memref<10112x128xf32, #tpu.memory_space<vmem_shared>>) offsets(%dma_start3A_164 : memref<88xi32, #tpu.memory_space<vmem>>) semaphore(%run_scoped3A_157 : memref<!tpu.dma_semaphore, #tpu.memory_space<semaphore_mem>>) {add = true}
        %dma_wait3A_168 = arith.constant 0 : i32
        %dma_wait3A_169 = arith.constant 0 : i32
        %dma_wait3A_170 = tpu.memref_slice %arg8[%run_scoped3A_156, %dma_wait3A_168, %dma_wait3A_169] : memref<2x88x128xf32, #tpu.memory_space<vmem>> -> memref<1x88x128xf32, #tpu.memory_space<vmem>>
        %dma_wait3A_171 = tpu.memref_squeeze %dma_wait3A_170 : memref<1x88x128xf32, #tpu.memory_space<vmem>> -> memref<88x128xf32, #tpu.memory_space<vmem>>
        %dma_wait3A_172 = arith.constant 0 : i32
        %dma_wait3A_173 = tpu.memref_slice %arg7[%add3A_155, %dma_wait3A_172] : memref<64x88xi32, #tpu.memory_space<vmem>> -> memref<1x88xi32, #tpu.memory_space<vmem>>
        %dma_wait3A_174 = tpu.memref_squeeze %dma_wait3A_173 : memref<1x88xi32, #tpu.memory_space<vmem>> -> memref<88xi32, #tpu.memory_space<vmem>>
        %dma_wait3A_175 = arith.constant 0 : i32
        %dma_wait3A_176 = arith.constant 0 : i32
        %dma_wait3A_177 = tpu.memref_slice %arg10[%dma_wait3A_175, %dma_wait3A_176] : memref<10112x128xf32, #tpu.memory_space<vmem_shared>> -> memref<10112x128xf32, #tpu.memory_space<vmem_shared>>
        tpu.wait_indirect_dma semaphore(%run_scoped3A_157 : memref<!tpu.dma_semaphore, #tpu.memory_space<semaphore_mem>>) src(%dma_wait3A_171 : memref<88x128xf32, #tpu.memory_space<vmem>>) dst(%dma_wait3A_177 : memref<10112x128xf32, #tpu.memory_space<vmem_shared>>)
        tpu.yield
      }) : () -> ()
    }
    %scan3A_84 = arith.constant 32 : i32
    "tpu.region"() ({
      %run_scoped3A = tpu.sem_alloc : memref<!tpu.dma_semaphore, #tpu.memory_space<semaphore_mem>>
      %dma_start3A_107 = arith.constant 0 : i32
      %dma_start3A_108 = arith.constant 0 : i32
      %dma_start3A_109 = tpu.memref_slice %arg6[%dma_start3A_107, %dma_start3A_108] : memref<64x88xi32, #tpu.memory_space<vmem>> -> memref<50x88xi32, #tpu.memory_space<vmem>>
      %dma_start3A_110 = arith.constant 64 : i32
      %dma_start3A_111 = arith.constant 0 : i32
      %dma_start3A_112 = tpu.memref_slice %arg3[%add3A, %dma_start3A_110, %dma_start3A_111] : memref<32x114x88xi32, #tpu.memory_space<hbm>> -> memref<1x50x88xi32, #tpu.memory_space<hbm>>
      %dma_start3A_113 = tpu.memref_squeeze %dma_start3A_112 : memref<1x50x88xi32, #tpu.memory_space<hbm>> -> memref<50x88xi32, #tpu.memory_space<hbm>>
      %dma_start3A_114 = arith.constant 0 : i32
      %dma_start3A_115 = arith.constant 0 : i32
      %dma_start3A_116 = tpu.memref_slice %arg6[%dma_start3A_114, %dma_start3A_115] : memref<64x88xi32, #tpu.memory_space<vmem>> -> memref<50x88xi32, #tpu.memory_space<vmem>>
      %dma_start3A_117 = arith.constant 64 : i32
      %dma_start3A_118 = arith.constant 0 : i32
      %dma_start3A_119 = tpu.memref_slice %arg3[%add3A, %dma_start3A_117, %dma_start3A_118] : memref<32x114x88xi32, #tpu.memory_space<hbm>> -> memref<1x50x88xi32, #tpu.memory_space<hbm>>
      %dma_start3A_120 = tpu.memref_squeeze %dma_start3A_119 : memref<1x50x88xi32, #tpu.memory_space<hbm>> -> memref<50x88xi32, #tpu.memory_space<hbm>>
      tpu.enqueue_dma source(%dma_start3A_120 : memref<50x88xi32, #tpu.memory_space<hbm>>) target(%dma_start3A_116 : memref<50x88xi32, #tpu.memory_space<vmem>>) target_semaphore(%run_scoped3A : memref<!tpu.dma_semaphore, #tpu.memory_space<semaphore_mem>>)
      %dma_wait3A = arith.constant 0 : i32
      %dma_wait3A_121 = arith.constant 0 : i32
      %dma_wait3A_122 = tpu.memref_slice %arg6[%dma_wait3A, %dma_wait3A_121] : memref<64x88xi32, #tpu.memory_space<vmem>> -> memref<50x88xi32, #tpu.memory_space<vmem>>
      %dma_wait3A_123 = arith.constant 64 : i32
      %dma_wait3A_124 = arith.constant 0 : i32
      %dma_wait3A_125 = tpu.memref_slice %arg3[%add3A, %dma_wait3A_123, %dma_wait3A_124] : memref<32x114x88xi32, #tpu.memory_space<hbm>> -> memref<1x50x88xi32, #tpu.memory_space<hbm>>
      %dma_wait3A_126 = tpu.memref_squeeze %dma_wait3A_125 : memref<1x50x88xi32, #tpu.memory_space<hbm>> -> memref<50x88xi32, #tpu.memory_space<hbm>>
      %dma_wait3A_127 = arith.constant 0 : i32
      %dma_wait3A_128 = arith.constant 0 : i32
      %dma_wait3A_129 = tpu.memref_slice %arg6[%dma_wait3A_127, %dma_wait3A_128] : memref<64x88xi32, #tpu.memory_space<vmem>> -> memref<50x88xi32, #tpu.memory_space<vmem>>
      %dma_wait3A_130 = arith.constant 64 : i32
      %dma_wait3A_131 = arith.constant 0 : i32
      %dma_wait3A_132 = tpu.memref_slice %arg3[%add3A, %dma_wait3A_130, %dma_wait3A_131] : memref<32x114x88xi32, #tpu.memory_space<hbm>> -> memref<1x50x88xi32, #tpu.memory_space<hbm>>
      %dma_wait3A_133 = tpu.memref_squeeze %dma_wait3A_132 : memref<1x50x88xi32, #tpu.memory_space<hbm>> -> memref<50x88xi32, #tpu.memory_space<hbm>>
      tpu.wait_dma2 semaphore(%run_scoped3A : memref<!tpu.dma_semaphore, #tpu.memory_space<semaphore_mem>>) src(%dma_wait3A_133 : memref<50x88xi32, #tpu.memory_space<hbm>>) dst(%dma_wait3A_129 : memref<50x88xi32, #tpu.memory_space<vmem>>)
      tpu.yield
    }) : () -> ()
    "tpu.region"() ({
      %run_scoped3A = tpu.sem_alloc : memref<!tpu.dma_semaphore, #tpu.memory_space<semaphore_mem>>
      %dma_start3A_107 = arith.constant 0 : i32
      %dma_start3A_108 = arith.constant 0 : i32
      %dma_start3A_109 = tpu.memref_slice %arg7[%dma_start3A_107, %dma_start3A_108] : memref<64x88xi32, #tpu.memory_space<vmem>> -> memref<50x88xi32, #tpu.memory_space<vmem>>
      %dma_start3A_110 = arith.constant 64 : i32
      %dma_start3A_111 = arith.constant 0 : i32
      %dma_start3A_112 = tpu.memref_slice %arg4[%add3A, %dma_start3A_110, %dma_start3A_111] : memref<32x114x88xi32, #tpu.memory_space<hbm>> -> memref<1x50x88xi32, #tpu.memory_space<hbm>>
      %dma_start3A_113 = tpu.memref_squeeze %dma_start3A_112 : memref<1x50x88xi32, #tpu.memory_space<hbm>> -> memref<50x88xi32, #tpu.memory_space<hbm>>
      %dma_start3A_114 = arith.constant 0 : i32
      %dma_start3A_115 = arith.constant 0 : i32
      %dma_start3A_116 = tpu.memref_slice %arg7[%dma_start3A_114, %dma_start3A_115] : memref<64x88xi32, #tpu.memory_space<vmem>> -> memref<50x88xi32, #tpu.memory_space<vmem>>
      %dma_start3A_117 = arith.constant 64 : i32
      %dma_start3A_118 = arith.constant 0 : i32
      %dma_start3A_119 = tpu.memref_slice %arg4[%add3A, %dma_start3A_117, %dma_start3A_118] : memref<32x114x88xi32, #tpu.memory_space<hbm>> -> memref<1x50x88xi32, #tpu.memory_space<hbm>>
      %dma_start3A_120 = tpu.memref_squeeze %dma_start3A_119 : memref<1x50x88xi32, #tpu.memory_space<hbm>> -> memref<50x88xi32, #tpu.memory_space<hbm>>
      tpu.enqueue_dma source(%dma_start3A_120 : memref<50x88xi32, #tpu.memory_space<hbm>>) target(%dma_start3A_116 : memref<50x88xi32, #tpu.memory_space<vmem>>) target_semaphore(%run_scoped3A : memref<!tpu.dma_semaphore, #tpu.memory_space<semaphore_mem>>)
      %dma_wait3A = arith.constant 0 : i32
      %dma_wait3A_121 = arith.constant 0 : i32
      %dma_wait3A_122 = tpu.memref_slice %arg7[%dma_wait3A, %dma_wait3A_121] : memref<64x88xi32, #tpu.memory_space<vmem>> -> memref<50x88xi32, #tpu.memory_space<vmem>>
      %dma_wait3A_123 = arith.constant 64 : i32
      %dma_wait3A_124 = arith.constant 0 : i32
      %dma_wait3A_125 = tpu.memref_slice %arg4[%add3A, %dma_wait3A_123, %dma_wait3A_124] : memref<32x114x88xi32, #tpu.memory_space<hbm>> -> memref<1x50x88xi32, #tpu.memory_space<hbm>>
      %dma_wait3A_126 = tpu.memref_squeeze %dma_wait3A_125 : memref<1x50x88xi32, #tpu.memory_space<hbm>> -> memref<50x88xi32, #tpu.memory_space<hbm>>
      %dma_wait3A_127 = arith.constant 0 : i32
      %dma_wait3A_128 = arith.constant 0 : i32
      %dma_wait3A_129 = tpu.memref_slice %arg7[%dma_wait3A_127, %dma_wait3A_128] : memref<64x88xi32, #tpu.memory_space<vmem>> -> memref<50x88xi32, #tpu.memory_space<vmem>>
      %dma_wait3A_130 = arith.constant 64 : i32
      %dma_wait3A_131 = arith.constant 0 : i32
      %dma_wait3A_132 = tpu.memref_slice %arg4[%add3A, %dma_wait3A_130, %dma_wait3A_131] : memref<32x114x88xi32, #tpu.memory_space<hbm>> -> memref<1x50x88xi32, #tpu.memory_space<hbm>>
      %dma_wait3A_133 = tpu.memref_squeeze %dma_wait3A_132 : memref<1x50x88xi32, #tpu.memory_space<hbm>> -> memref<50x88xi32, #tpu.memory_space<hbm>>
      tpu.wait_dma2 semaphore(%run_scoped3A : memref<!tpu.dma_semaphore, #tpu.memory_space<semaphore_mem>>) src(%dma_wait3A_133 : memref<50x88xi32, #tpu.memory_space<hbm>>) dst(%dma_wait3A_129 : memref<50x88xi32, #tpu.memory_space<vmem>>)
      tpu.yield
    }) : () -> ()
    %dma_start3A_85 = arith.constant 0 : i32
    %dma_start3A_86 = arith.constant 0 : i32
    %dma_start3A_87 = arith.constant 0 : i32
    %dma_start3A_88 = arith.constant 0 : i32
    %dma_start3A_89 = tpu.memref_slice %arg8[%dma_start3A_86, %dma_start3A_87, %dma_start3A_88] : memref<2x88x128xf32, #tpu.memory_space<vmem>> -> memref<1x88x128xf32, #tpu.memory_space<vmem>>
    %dma_start3A_90 = tpu.memref_squeeze %dma_start3A_89 : memref<1x88x128xf32, #tpu.memory_space<vmem>> -> memref<88x128xf32, #tpu.memory_space<vmem>>
    %dma_start3A_91 = arith.constant 0 : i32
    %dma_start3A_92 = tpu.memref_slice %arg6[%dma_start3A_85, %dma_start3A_91] : memref<64x88xi32, #tpu.memory_space<vmem>> -> memref<1x88xi32, #tpu.memory_space<vmem>>
    %dma_start3A_93 = tpu.memref_squeeze %dma_start3A_92 : memref<1x88xi32, #tpu.memory_space<vmem>> -> memref<88xi32, #tpu.memory_space<vmem>>
    %dma_start3A_94 = arith.constant 0 : i32
    %dma_start3A_95 = arith.constant 0 : i32
    %dma_start3A_96 = tpu.memref_slice %arg2[%dma_start3A_94, %dma_start3A_95] : memref<10112x128xf32, #tpu.memory_space<hbm>> -> memref<10112x128xf32, #tpu.memory_space<hbm>>
    tpu.enqueue_indirect_dma source(%dma_start3A_96 : memref<10112x128xf32, #tpu.memory_space<hbm>>) target(%dma_start3A_90 : memref<88x128xf32, #tpu.memory_space<vmem>>) offsets(%dma_start3A_93 : memref<88xi32, #tpu.memory_space<vmem>>) semaphore(%arg9 : memref<!tpu.dma_semaphore, #tpu.memory_space<semaphore_mem>>)
    %scan3A_97 = arith.constant 0 : i32
    %scan3A_98 = arith.constant 25 : i32
    %scan3A_99 = arith.addi %scan3A_97, %scan3A_98 : i32
    %scan3A_100 = arith.constant 1 : i32
    scf.for %scan3A_107 = %scan3A_97 to %scan3A_99 step %scan3A_100  : i32 {
      %mul3A_108 = arith.constant 1 : i32
      %mul3A_109 = arith.muli %scan3A_107, %mul3A_108 : i32
      %add3A_110 = arith.constant 0 : i32
      %add3A_111 = arith.addi %add3A_110, %mul3A_109 : i32
      %mul3A_112 = arith.constant 2 : i32
      %mul3A_113 = arith.muli %mul3A_112, %add3A_111 : i32
      %dma_wait3A = arith.constant 0 : i32
      %dma_wait3A_114 = arith.constant 0 : i32
      %dma_wait3A_115 = arith.constant 0 : i32
      %dma_wait3A_116 = tpu.memref_slice %arg8[%dma_wait3A, %dma_wait3A_114, %dma_wait3A_115] : memref<2x88x128xf32, #tpu.memory_space<vmem>> -> memref<1x88x128xf32, #tpu.memory_space<vmem>>
      %dma_wait3A_117 = tpu.memref_squeeze %dma_wait3A_116 : memref<1x88x128xf32, #tpu.memory_space<vmem>> -> memref<88x128xf32, #tpu.memory_space<vmem>>
      %dma_wait3A_118 = arith.constant 0 : i32
      %dma_wait3A_119 = tpu.memref_slice %arg6[%mul3A_113, %dma_wait3A_118] : memref<64x88xi32, #tpu.memory_space<vmem>> -> memref<1x88xi32, #tpu.memory_space<vmem>>
      %dma_wait3A_120 = tpu.memref_squeeze %dma_wait3A_119 : memref<1x88xi32, #tpu.memory_space<vmem>> -> memref<88xi32, #tpu.memory_space<vmem>>
      %dma_wait3A_121 = arith.constant 0 : i32
      %dma_wait3A_122 = arith.constant 0 : i32
      %dma_wait3A_123 = tpu.memref_slice %arg2[%dma_wait3A_121, %dma_wait3A_122] : memref<10112x128xf32, #tpu.memory_space<hbm>> -> memref<10112x128xf32, #tpu.memory_space<hbm>>
      tpu.wait_indirect_dma semaphore(%arg9 : memref<!tpu.dma_semaphore, #tpu.memory_space<semaphore_mem>>) src(%dma_wait3A_123 : memref<10112x128xf32, #tpu.memory_space<hbm>>) dst(%dma_wait3A_117 : memref<88x128xf32, #tpu.memory_space<vmem>>)
      %add3A_124 = arith.constant 1 : i32
      %add3A_125 = arith.addi %mul3A_113, %add3A_124 : i32
      %dma_start3A_126 = arith.constant 1 : i32
      %dma_start3A_127 = arith.constant 0 : i32
      %dma_start3A_128 = arith.constant 0 : i32
      %dma_start3A_129 = tpu.memref_slice %arg8[%dma_start3A_126, %dma_start3A_127, %dma_start3A_128] : memref<2x88x128xf32, #tpu.memory_space<vmem>> -> memref<1x88x128xf32, #tpu.memory_space<vmem>>
      %dma_start3A_130 = tpu.memref_squeeze %dma_start3A_129 : memref<1x88x128xf32, #tpu.memory_space<vmem>> -> memref<88x128xf32, #tpu.memory_space<vmem>>
      %dma_start3A_131 = arith.constant 0 : i32
      %dma_start3A_132 = tpu.memref_slice %arg6[%add3A_125, %dma_start3A_131] : memref<64x88xi32, #tpu.memory_space<vmem>> -> memref<1x88xi32, #tpu.memory_space<vmem>>
      %dma_start3A_133 = tpu.memref_squeeze %dma_start3A_132 : memref<1x88xi32, #tpu.memory_space<vmem>> -> memref<88xi32, #tpu.memory_space<vmem>>
      %dma_start3A_134 = arith.constant 0 : i32
      %dma_start3A_135 = arith.constant 0 : i32
      %dma_start3A_136 = tpu.memref_slice %arg2[%dma_start3A_134, %dma_start3A_135] : memref<10112x128xf32, #tpu.memory_space<hbm>> -> memref<10112x128xf32, #tpu.memory_space<hbm>>
      tpu.enqueue_indirect_dma source(%dma_start3A_136 : memref<10112x128xf32, #tpu.memory_space<hbm>>) target(%dma_start3A_130 : memref<88x128xf32, #tpu.memory_space<vmem>>) offsets(%dma_start3A_133 : memref<88xi32, #tpu.memory_space<vmem>>) semaphore(%arg9 : memref<!tpu.dma_semaphore, #tpu.memory_space<semaphore_mem>>)
      %run_scoped3A = arith.constant 0 : i32
      "tpu.region"() ({
        %run_scoped3A_157 = tpu.sem_alloc : memref<!tpu.dma_semaphore, #tpu.memory_space<semaphore_mem>>
        %dma_start3A_158 = arith.constant 0 : i32
        %dma_start3A_159 = arith.constant 0 : i32
        %dma_start3A_160 = tpu.memref_slice %arg8[%run_scoped3A, %dma_start3A_158, %dma_start3A_159] : memref<2x88x128xf32, #tpu.memory_space<vmem>> -> memref<1x88x128xf32, #tpu.memory_space<vmem>>
        %dma_start3A_161 = tpu.memref_squeeze %dma_start3A_160 : memref<1x88x128xf32, #tpu.memory_space<vmem>> -> memref<88x128xf32, #tpu.memory_space<vmem>>
        %dma_start3A_162 = arith.constant 0 : i32
        %dma_start3A_163 = tpu.memref_slice %arg7[%mul3A_113, %dma_start3A_162] : memref<64x88xi32, #tpu.memory_space<vmem>> -> memref<1x88xi32, #tpu.memory_space<vmem>>
        %dma_start3A_164 = tpu.memref_squeeze %dma_start3A_163 : memref<1x88xi32, #tpu.memory_space<vmem>> -> memref<88xi32, #tpu.memory_space<vmem>>
        %dma_start3A_165 = arith.constant 0 : i32
        %dma_start3A_166 = arith.constant 0 : i32
        %dma_start3A_167 = tpu.memref_slice %arg10[%dma_start3A_165, %dma_start3A_166] : memref<10112x128xf32, #tpu.memory_space<vmem_shared>> -> memref<10112x128xf32, #tpu.memory_space<vmem_shared>>
        tpu.enqueue_indirect_dma source(%dma_start3A_161 : memref<88x128xf32, #tpu.memory_space<vmem>>) target(%dma_start3A_167 : memref<10112x128xf32, #tpu.memory_space<vmem_shared>>) offsets(%dma_start3A_164 : memref<88xi32, #tpu.memory_space<vmem>>) semaphore(%run_scoped3A_157 : memref<!tpu.dma_semaphore, #tpu.memory_space<semaphore_mem>>) {add = true}
        %dma_wait3A_168 = arith.constant 0 : i32
        %dma_wait3A_169 = arith.constant 0 : i32
        %dma_wait3A_170 = tpu.memref_slice %arg8[%run_scoped3A, %dma_wait3A_168, %dma_wait3A_169] : memref<2x88x128xf32, #tpu.memory_space<vmem>> -> memref<1x88x128xf32, #tpu.memory_space<vmem>>
        %dma_wait3A_171 = tpu.memref_squeeze %dma_wait3A_170 : memref<1x88x128xf32, #tpu.memory_space<vmem>> -> memref<88x128xf32, #tpu.memory_space<vmem>>
        %dma_wait3A_172 = arith.constant 0 : i32
        %dma_wait3A_173 = tpu.memref_slice %arg7[%mul3A_113, %dma_wait3A_172] : memref<64x88xi32, #tpu.memory_space<vmem>> -> memref<1x88xi32, #tpu.memory_space<vmem>>
        %dma_wait3A_174 = tpu.memref_squeeze %dma_wait3A_173 : memref<1x88xi32, #tpu.memory_space<vmem>> -> memref<88xi32, #tpu.memory_space<vmem>>
        %dma_wait3A_175 = arith.constant 0 : i32
        %dma_wait3A_176 = arith.constant 0 : i32
        %dma_wait3A_177 = tpu.memref_slice %arg10[%dma_wait3A_175, %dma_wait3A_176] : memref<10112x128xf32, #tpu.memory_space<vmem_shared>> -> memref<10112x128xf32, #tpu.memory_space<vmem_shared>>
        tpu.wait_indirect_dma semaphore(%run_scoped3A_157 : memref<!tpu.dma_semaphore, #tpu.memory_space<semaphore_mem>>) src(%dma_wait3A_171 : memref<88x128xf32, #tpu.memory_space<vmem>>) dst(%dma_wait3A_177 : memref<10112x128xf32, #tpu.memory_space<vmem_shared>>)
        tpu.yield
      }) : () -> ()
      %add3A_137 = arith.constant 1 : i32
      %add3A_138 = arith.addi %mul3A_113, %add3A_137 : i32
      %dma_wait3A_139 = arith.constant 1 : i32
      %dma_wait3A_140 = arith.constant 0 : i32
      %dma_wait3A_141 = arith.constant 0 : i32
      %dma_wait3A_142 = tpu.memref_slice %arg8[%dma_wait3A_139, %dma_wait3A_140, %dma_wait3A_141] : memref<2x88x128xf32, #tpu.memory_space<vmem>> -> memref<1x88x128xf32, #tpu.memory_space<vmem>>
      %dma_wait3A_143 = tpu.memref_squeeze %dma_wait3A_142 : memref<1x88x128xf32, #tpu.memory_space<vmem>> -> memref<88x128xf32, #tpu.memory_space<vmem>>
      %dma_wait3A_144 = arith.constant 0 : i32
      %dma_wait3A_145 = tpu.memref_slice %arg6[%add3A_138, %dma_wait3A_144] : memref<64x88xi32, #tpu.memory_space<vmem>> -> memref<1x88xi32, #tpu.memory_space<vmem>>
      %dma_wait3A_146 = tpu.memref_squeeze %dma_wait3A_145 : memref<1x88xi32, #tpu.memory_space<vmem>> -> memref<88xi32, #tpu.memory_space<vmem>>
      %dma_wait3A_147 = arith.constant 0 : i32
      %dma_wait3A_148 = arith.constant 0 : i32
      %dma_wait3A_149 = tpu.memref_slice %arg2[%dma_wait3A_147, %dma_wait3A_148] : memref<10112x128xf32, #tpu.memory_space<hbm>> -> memref<10112x128xf32, #tpu.memory_space<hbm>>
      tpu.wait_indirect_dma semaphore(%arg9 : memref<!tpu.dma_semaphore, #tpu.memory_space<semaphore_mem>>) src(%dma_wait3A_149 : memref<10112x128xf32, #tpu.memory_space<hbm>>) dst(%dma_wait3A_143 : memref<88x128xf32, #tpu.memory_space<vmem>>)
      %add3A_150 = arith.constant 2 : i32
      %add3A_151 = arith.addi %mul3A_113, %add3A_150 : i32
      %lt3A = arith.constant 50 : i32
      %lt3A_152 = arith.cmpi slt, %add3A_151, %lt3A : i32
      %convert_element_type3A = arith.extui %lt3A_152 : i1 to i32
      %cond3A = arith.constant 0 : i32
      %cond3A_153 = arith.cmpi ne, %convert_element_type3A, %cond3A : i32
      scf.if %cond3A_153 {
        %add3A_157 = arith.constant 2 : i32
        %add3A_158 = arith.addi %mul3A_113, %add3A_157 : i32
        %dma_start3A_159 = arith.constant 0 : i32
        %dma_start3A_160 = arith.constant 0 : i32
        %dma_start3A_161 = arith.constant 0 : i32
        %dma_start3A_162 = tpu.memref_slice %arg8[%dma_start3A_159, %dma_start3A_160, %dma_start3A_161] : memref<2x88x128xf32, #tpu.memory_space<vmem>> -> memref<1x88x128xf32, #tpu.memory_space<vmem>>
        %dma_start3A_163 = tpu.memref_squeeze %dma_start3A_162 : memref<1x88x128xf32, #tpu.memory_space<vmem>> -> memref<88x128xf32, #tpu.memory_space<vmem>>
        %dma_start3A_164 = arith.constant 0 : i32
        %dma_start3A_165 = tpu.memref_slice %arg6[%add3A_158, %dma_start3A_164] : memref<64x88xi32, #tpu.memory_space<vmem>> -> memref<1x88xi32, #tpu.memory_space<vmem>>
        %dma_start3A_166 = tpu.memref_squeeze %dma_start3A_165 : memref<1x88xi32, #tpu.memory_space<vmem>> -> memref<88xi32, #tpu.memory_space<vmem>>
        %dma_start3A_167 = arith.constant 0 : i32
        %dma_start3A_168 = arith.constant 0 : i32
        %dma_start3A_169 = tpu.memref_slice %arg2[%dma_start3A_167, %dma_start3A_168] : memref<10112x128xf32, #tpu.memory_space<hbm>> -> memref<10112x128xf32, #tpu.memory_space<hbm>>
        tpu.enqueue_indirect_dma source(%dma_start3A_169 : memref<10112x128xf32, #tpu.memory_space<hbm>>) target(%dma_start3A_163 : memref<88x128xf32, #tpu.memory_space<vmem>>) offsets(%dma_start3A_166 : memref<88xi32, #tpu.memory_space<vmem>>) semaphore(%arg9 : memref<!tpu.dma_semaphore, #tpu.memory_space<semaphore_mem>>)
      } else {
      }
      %add3A_154 = arith.constant 1 : i32
      %add3A_155 = arith.addi %mul3A_113, %add3A_154 : i32
      %run_scoped3A_156 = arith.constant 1 : i32
      "tpu.region"() ({
        %run_scoped3A_157 = tpu.sem_alloc : memref<!tpu.dma_semaphore, #tpu.memory_space<semaphore_mem>>
        %dma_start3A_158 = arith.constant 0 : i32
        %dma_start3A_159 = arith.constant 0 : i32
        %dma_start3A_160 = tpu.memref_slice %arg8[%run_scoped3A_156, %dma_start3A_158, %dma_start3A_159] : memref<2x88x128xf32, #tpu.memory_space<vmem>> -> memref<1x88x128xf32, #tpu.memory_space<vmem>>
        %dma_start3A_161 = tpu.memref_squeeze %dma_start3A_160 : memref<1x88x128xf32, #tpu.memory_space<vmem>> -> memref<88x128xf32, #tpu.memory_space<vmem>>
        %dma_start3A_162 = arith.constant 0 : i32
        %dma_start3A_163 = tpu.memref_slice %arg7[%add3A_155, %dma_start3A_162] : memref<64x88xi32, #tpu.memory_space<vmem>> -> memref<1x88xi32, #tpu.memory_space<vmem>>
        %dma_start3A_164 = tpu.memref_squeeze %dma_start3A_163 : memref<1x88xi32, #tpu.memory_space<vmem>> -> memref<88xi32, #tpu.memory_space<vmem>>
        %dma_start3A_165 = arith.constant 0 : i32
        %dma_start3A_166 = arith.constant 0 : i32
        %dma_start3A_167 = tpu.memref_slice %arg10[%dma_start3A_165, %dma_start3A_166] : memref<10112x128xf32, #tpu.memory_space<vmem_shared>> -> memref<10112x128xf32, #tpu.memory_space<vmem_shared>>
        tpu.enqueue_indirect_dma source(%dma_start3A_161 : memref<88x128xf32, #tpu.memory_space<vmem>>) target(%dma_start3A_167 : memref<10112x128xf32, #tpu.memory_space<vmem_shared>>) offsets(%dma_start3A_164 : memref<88xi32, #tpu.memory_space<vmem>>) semaphore(%run_scoped3A_157 : memref<!tpu.dma_semaphore, #tpu.memory_space<semaphore_mem>>) {add = true}
        %dma_wait3A_168 = arith.constant 0 : i32
        %dma_wait3A_169 = arith.constant 0 : i32
        %dma_wait3A_170 = tpu.memref_slice %arg8[%run_scoped3A_156, %dma_wait3A_168, %dma_wait3A_169] : memref<2x88x128xf32, #tpu.memory_space<vmem>> -> memref<1x88x128xf32, #tpu.memory_space<vmem>>
        %dma_wait3A_171 = tpu.memref_squeeze %dma_wait3A_170 : memref<1x88x128xf32, #tpu.memory_space<vmem>> -> memref<88x128xf32, #tpu.memory_space<vmem>>
        %dma_wait3A_172 = arith.constant 0 : i32
        %dma_wait3A_173 = tpu.memref_slice %arg7[%add3A_155, %dma_wait3A_172] : memref<64x88xi32, #tpu.memory_space<vmem>> -> memref<1x88xi32, #tpu.memory_space<vmem>>
        %dma_wait3A_174 = tpu.memref_squeeze %dma_wait3A_173 : memref<1x88xi32, #tpu.memory_space<vmem>> -> memref<88xi32, #tpu.memory_space<vmem>>
        %dma_wait3A_175 = arith.constant 0 : i32
        %dma_wait3A_176 = arith.constant 0 : i32
        %dma_wait3A_177 = tpu.memref_slice %arg10[%dma_wait3A_175, %dma_wait3A_176] : memref<10112x128xf32, #tpu.memory_space<vmem_shared>> -> memref<10112x128xf32, #tpu.memory_space<vmem_shared>>
        tpu.wait_indirect_dma semaphore(%run_scoped3A_157 : memref<!tpu.dma_semaphore, #tpu.memory_space<semaphore_mem>>) src(%dma_wait3A_171 : memref<88x128xf32, #tpu.memory_space<vmem>>) dst(%dma_wait3A_177 : memref<10112x128xf32, #tpu.memory_space<vmem_shared>>)
        tpu.yield
      }) : () -> ()
    }
    %scan3A_101 = arith.constant 25 : i32
    %barrier3A_102 = arith.constant 0 : index
    tpu.barrier barrier_id(%barrier3A_102)
    %mul3A_103 = arith.constant 632 : i32
    %mul3A_104 = arith.muli %arg1, %mul3A_103 : i32
    %mul3A_105 = arith.constant 632 : i32
    %mul3A_106 = arith.muli %arg1, %mul3A_105 : i32
    "tpu.region"() ({
      %run_scoped3A = tpu.sem_alloc : memref<!tpu.dma_semaphore, #tpu.memory_space<semaphore_mem>>
      %dma_start3A_107 = arith.constant 0 : i32
      %dma_start3A_108 = tpu.memref_slice %arg5[%arg0, %mul3A_106, %dma_start3A_107] : memref<2x10112x128xf32, #tpu.memory_space<hbm>> -> memref<1x632x128xf32, #tpu.memory_space<hbm>>
      %dma_start3A_109 = tpu.memref_squeeze %dma_start3A_108 : memref<1x632x128xf32, #tpu.memory_space<hbm>> -> memref<632x128xf32, #tpu.memory_space<hbm>>
      %dma_start3A_110 = arith.constant 0 : i32
      %dma_start3A_111 = tpu.memref_slice %arg10[%mul3A_104, %dma_start3A_110] : memref<10112x128xf32, #tpu.memory_space<vmem_shared>> -> memref<632x128xf32, #tpu.memory_space<vmem_shared>>
      tpu.enqueue_dma source(%dma_start3A_111 : memref<632x128xf32, #tpu.memory_space<vmem_shared>>) target(%dma_start3A_109 : memref<632x128xf32, #tpu.memory_space<hbm>>) target_semaphore(%run_scoped3A : memref<!tpu.dma_semaphore, #tpu.memory_space<semaphore_mem>>)
      %dma_wait3A = arith.constant 0 : i32
      %dma_wait3A_112 = tpu.memref_slice %arg5[%arg0, %mul3A_106, %dma_wait3A] : memref<2x10112x128xf32, #tpu.memory_space<hbm>> -> memref<1x632x128xf32, #tpu.memory_space<hbm>>
      %dma_wait3A_113 = tpu.memref_squeeze %dma_wait3A_112 : memref<1x632x128xf32, #tpu.memory_space<hbm>> -> memref<632x128xf32, #tpu.memory_space<hbm>>
      %dma_wait3A_114 = arith.constant 0 : i32
      %dma_wait3A_115 = tpu.memref_slice %arg10[%mul3A_104, %dma_wait3A_114] : memref<10112x128xf32, #tpu.memory_space<vmem_shared>> -> memref<632x128xf32, #tpu.memory_space<vmem_shared>>
      tpu.wait_dma2 semaphore(%run_scoped3A : memref<!tpu.dma_semaphore, #tpu.memory_space<semaphore_mem>>) src(%dma_wait3A_115 : memref<632x128xf32, #tpu.memory_space<vmem_shared>>) dst(%dma_wait3A_113 : memref<632x128xf32, #tpu.memory_space<hbm>>)
      tpu.yield
    }) : () -> ()
    return
  }
}

module attributes {stable_mosaic.version = 14 : i64} {
  func.func @_scale_body(%arg0: i32, %arg1: memref<1000x128xf32, #tpu.memory_space<vmem>>, %arg2: memref<2x1000x128xf32, #tpu.memory_space<vmem>>, %arg3: memref<1000x128xf32, #tpu.memory_space<vmem>>) attributes {dimension_semantics = [#tpu.dimension_semantics<arbitrary>], iteration_bounds = array<i64: 10>, scalar_prefetch = 0 : i64, scratch_operands = 0 : i64, tpu.core_type = #tpu.core_type<tc>, window_params = [{transform_indices = @transform_0, window_bounds = array<i64: 1000, 128>}, {transform_indices = @transform_1, window_bounds = array<i64: 2, 1000, 128>}, {transform_indices = @transform_2, window_bounds = array<i64: 1000, 128>}]} {
    %get3A = arith.constant 0 : index
    %get3A_0 = arith.constant 0 : index
    %get3A_1 = vector.load %arg1[%get3A, %get3A_0] : memref<1000x128xf32, #tpu.memory_space<vmem>>, vector<1000x128xf32>
    %get3A_2 = arith.constant 0 : index
    %get3A_3 = arith.constant 0 : index
    %get3A_4 = arith.constant 0 : index
    %get3A_5 = vector.load %arg2[%get3A_2, %get3A_3, %get3A_4] : memref<2x1000x128xf32, #tpu.memory_space<vmem>>, vector<1x1000x1xf32>
    %get3A_6 = vector.shape_cast %get3A_5 : vector<1x1000x1xf32> to vector<1000xf32>
    %get3A_7 = arith.constant 1 : index
    %get3A_8 = arith.constant 0 : index
    %get3A_9 = arith.constant 0 : index
    %get3A_10 = vector.load %arg2[%get3A_7, %get3A_8, %get3A_9] : memref<2x1000x128xf32, #tpu.memory_space<vmem>>, vector<1x1000x1xf32>
    %get3A_11 = vector.shape_cast %get3A_10 : vector<1x1000x1xf32> to vector<1000xf32>
    %add3A = arith.addf %get3A_6, %get3A_11 : vector<1000xf32>
    %max3A = arith.constant 1.000000e+00 : f32
    %max3A_12 = vector.broadcast %max3A : f32 to vector<1000xf32>
    %max3A_13 = arith.maximumf %add3A, %max3A_12 : vector<1000xf32>
    %rsqrt3A = math.rsqrt %max3A_13 : vector<1000xf32>
    %broadcast_in_dim3A = vector.shape_cast %rsqrt3A : vector<1000xf32> to vector<1000x1xf32>
    %mul3A = vector.broadcast %broadcast_in_dim3A : vector<1000x1xf32> to vector<1000x128xf32>
    %mul3A_14 = arith.mulf %get3A_1, %mul3A : vector<1000x128xf32>
    %swap3A = arith.constant 0 : index
    %swap3A_15 = arith.constant 0 : index
    %swap3A_16 = vector.load %arg3[%swap3A, %swap3A_15] : memref<1000x128xf32, #tpu.memory_space<vmem>>, vector<1000x128xf32>
    tpu.vector_store %arg3[%swap3A, %swap3A_15], %mul3A_14 {strides = array<i32>} : memref<1000x128xf32, #tpu.memory_space<vmem>>, vector<1000x128xf32>,
    return
  }
  func.func @transform_0(%arg0: i32) -> (i32, i32) {
    %c0_i32 = arith.constant 0 : i32
    %c0_i32_0 = arith.constant 0 : i32
    return %arg0, %c0_i32 : i32, i32
  }
  func.func @transform_1(%arg0: i32) -> (i32, i32, i32) {
    %c0_i32 = arith.constant 0 : i32
    %c0_i32_0 = arith.constant 0 : i32
    %c0_i32_1 = arith.constant 0 : i32
    return %c0_i32, %arg0, %c0_i32_0 : i32, i32, i32
  }
  func.func @transform_2(%arg0: i32) -> (i32, i32) {
    %c0_i32 = arith.constant 0 : i32
    %c0_i32_0 = arith.constant 0 : i32
    return %arg0, %c0_i32 : i32, i32
  }
}

module attributes {stable_mosaic.version = 14 : i64} {
  func.func @_mid_body(%arg0: i32, %arg1: memref<2x1000x128xf32, #tpu.memory_space<vmem>>, %arg2: memref<2x1000x128xf32, #tpu.memory_space<vmem>>, %arg3: memref<128x128xf32, #tpu.memory_space<vmem>>, %arg4: memref<1x128xf32, #tpu.memory_space<vmem>>, %arg5: memref<1000x128xf32, #tpu.memory_space<vmem>>) attributes {dimension_semantics = [#tpu.dimension_semantics<arbitrary>], iteration_bounds = array<i64: 10>, scalar_prefetch = 0 : i64, scratch_operands = 0 : i64, tpu.core_type = #tpu.core_type<tc>, window_params = [{transform_indices = @transform_0, window_bounds = array<i64: 2, 1000, 128>}, {transform_indices = @transform_1, window_bounds = array<i64: 2, 1000, 128>}, {pipeline_mode = #tpu.pipeline_mode<synchronous>, transform_indices = @transform_2, window_bounds = array<i64: 128, 128>}, {pipeline_mode = #tpu.pipeline_mode<synchronous>, transform_indices = @transform_3, window_bounds = array<i64: 1, 128>}, {transform_indices = @transform_4, window_bounds = array<i64: 1000, 128>}]} {
    %get3A = arith.constant 0 : index
    %get3A_0 = arith.constant 0 : index
    %get3A_1 = arith.constant 0 : index
    %get3A_2 = vector.load %arg1[%get3A, %get3A_0, %get3A_1] : memref<2x1000x128xf32, #tpu.memory_space<vmem>>, vector<1x1000x128xf32>
    %get3A_3 = vector.shape_cast %get3A_2 : vector<1x1000x128xf32> to vector<1000x128xf32>
    %get3A_4 = arith.constant 1 : index
    %get3A_5 = arith.constant 0 : index
    %get3A_6 = arith.constant 0 : index
    %get3A_7 = vector.load %arg1[%get3A_4, %get3A_5, %get3A_6] : memref<2x1000x128xf32, #tpu.memory_space<vmem>>, vector<1x1000x128xf32>
    %get3A_8 = vector.shape_cast %get3A_7 : vector<1x1000x128xf32> to vector<1000x128xf32>
    %add3A = arith.addf %get3A_3, %get3A_8 : vector<1000x128xf32>
    %get3A_9 = arith.constant 0 : index
    %get3A_10 = arith.constant 0 : index
    %get3A_11 = arith.constant 64 : index
    %get3A_12 = vector.load %arg2[%get3A_9, %get3A_10, %get3A_11] : memref<2x1000x128xf32, #tpu.memory_space<vmem>>, vector<1x1000x1xf32>
    %get3A_13 = vector.shape_cast %get3A_12 : vector<1x1000x1xf32> to vector<1000xf32>
    %get3A_14 = arith.constant 1 : index
    %get3A_15 = arith.constant 0 : index
    %get3A_16 = arith.constant 64 : index
    %get3A_17 = vector.load %arg2[%get3A_14, %get3A_15, %get3A_16] : memref<2x1000x128xf32, #tpu.memory_space<vmem>>, vector<1x1000x1xf32>
    %get3A_18 = vector.shape_cast %get3A_17 : vector<1x1000x1xf32> to vector<1000xf32>
    %add3A_19 = arith.addf %get3A_13, %get3A_18 : vector<1000xf32>
    %max3A = arith.constant 1.000000e+00 : f32
    %max3A_20 = vector.broadcast %max3A : f32 to vector<1000xf32>
    %max3A_21 = arith.maximumf %add3A_19, %max3A_20 : vector<1000xf32>
    %rsqrt3A = math.rsqrt %max3A_21 : vector<1000xf32>
    %broadcast_in_dim3A = vector.shape_cast %rsqrt3A : vector<1000xf32> to vector<1000x1xf32>
    %mul3A = vector.broadcast %broadcast_in_dim3A : vector<1000x1xf32> to vector<1000x128xf32>
    %mul3A_22 = arith.mulf %add3A, %mul3A : vector<1000x128xf32>
    %get3A_23 = arith.constant 0 : index
    %get3A_24 = arith.constant 0 : index
    %get3A_25 = vector.load %arg3[%get3A_23, %get3A_24] : memref<128x128xf32, #tpu.memory_space<vmem>>, vector<128x128xf32>
    %dot_general3A = arith.constant dense<0.000000e+00> : vector<1000x128xf32>
    %dot_general3A_26 = tpu.matmul %mul3A_22, %get3A_25, %dot_general3A {dimension_numbers = #tpu.dot_dimension_numbers<[1], [0], [0], [1], [0, 0, 1, 1], [], []>, precision = #tpu.contract_precision<fp32>, transpose_lhs_hint = false} : vector<1000x128xf32>, vector<128x128xf32>, vector<1000x128xf32> -> vector<1000x128xf32>
    %get3A_27 = arith.constant 0 : index
    %get3A_28 = arith.constant 0 : index
    %get3A_29 = vector.load %arg4[%get3A_27, %get3A_28] : memref<1x128xf32, #tpu.memory_space<vmem>>, vector<1x128xf32>
    %add3A_30 = vector.broadcast %get3A_29 : vector<1x128xf32> to vector<1000x128xf32>
    %add3A_31 = arith.addf %dot_general3A_26, %add3A_30 : vector<1000x128xf32>
    %max3A_32 = arith.constant 0.000000e+00 : f32
    %max3A_33 = vector.broadcast %max3A_32 : f32 to vector<1000x128xf32>
    %max3A_34 = arith.maximumf %add3A_31, %max3A_33 : vector<1000x128xf32>
    %get3A_35 = arith.constant 0 : index
    %get3A_36 = arith.constant 0 : index
    %get3A_37 = arith.constant 0 : index
    %get3A_38 = vector.load %arg2[%get3A_35, %get3A_36, %get3A_37] : memref<2x1000x128xf32, #tpu.memory_space<vmem>>, vector<1x1000x1xf32>
    %get3A_39 = vector.shape_cast %get3A_38 : vector<1x1000x1xf32> to vector<1000xf32>
    %get3A_40 = arith.constant 1 : index
    %get3A_41 = arith.constant 0 : index
    %get3A_42 = arith.constant 0 : index
    %get3A_43 = vector.load %arg2[%get3A_40, %get3A_41, %get3A_42] : memref<2x1000x128xf32, #tpu.memory_space<vmem>>, vector<1x1000x1xf32>
    %get3A_44 = vector.shape_cast %get3A_43 : vector<1x1000x1xf32> to vector<1000xf32>
    %add3A_45 = arith.addf %get3A_39, %get3A_44 : vector<1000xf32>
    %max3A_46 = arith.constant 1.000000e+00 : f32
    %max3A_47 = vector.broadcast %max3A_46 : f32 to vector<1000xf32>
    %max3A_48 = arith.maximumf %add3A_45, %max3A_47 : vector<1000xf32>
    %rsqrt3A_49 = math.rsqrt %max3A_48 : vector<1000xf32>
    %broadcast_in_dim3A_50 = vector.shape_cast %rsqrt3A_49 : vector<1000xf32> to vector<1000x1xf32>
    %mul3A_51 = vector.broadcast %broadcast_in_dim3A_50 : vector<1000x1xf32> to vector<1000x128xf32>
    %mul3A_52 = arith.mulf %max3A_34, %mul3A_51 : vector<1000x128xf32>
    %swap3A = arith.constant 0 : index
    %swap3A_53 = arith.constant 0 : index
    %swap3A_54 = vector.load %arg5[%swap3A, %swap3A_53] : memref<1000x128xf32, #tpu.memory_space<vmem>>, vector<1000x128xf32>
    tpu.vector_store %arg5[%swap3A, %swap3A_53], %mul3A_52 {strides = array<i32>} : memref<1000x128xf32, #tpu.memory_space<vmem>>, vector<1000x128xf32>,
    return
  }
  func.func @transform_0(%arg0: i32) -> (i32, i32, i32) {
    %c0_i32 = arith.constant 0 : i32
    %c0_i32_0 = arith.constant 0 : i32
    %c0_i32_1 = arith.constant 0 : i32
    return %c0_i32, %arg0, %c0_i32_0 : i32, i32, i32
  }
  func.func @transform_1(%arg0: i32) -> (i32, i32, i32) {
    %c0_i32 = arith.constant 0 : i32
    %c0_i32_0 = arith.constant 0 : i32
    %c0_i32_1 = arith.constant 0 : i32
    return %c0_i32, %arg0, %c0_i32_0 : i32, i32, i32
  }
  func.func @transform_2(%arg0: i32) -> (i32, i32) {
    %c0_i32 = arith.constant 0 : i32
    %c0_i32_0 = arith.constant 0 : i32
    %c0_i32_1 = arith.constant 0 : i32
    return %c0_i32, %c0_i32_0 : i32, i32
  }
  func.func @transform_3(%arg0: i32) -> (i32, i32) {
    %c0_i32 = arith.constant 0 : i32
    %c0_i32_0 = arith.constant 0 : i32
    %c0_i32_1 = arith.constant 0 : i32
    return %c0_i32, %c0_i32_0 : i32, i32
  }
  func.func @transform_4(%arg0: i32) -> (i32, i32) {
    %c0_i32 = arith.constant 0 : i32
    %c0_i32_0 = arith.constant 0 : i32
    return %arg0, %c0_i32 : i32, i32
  }
}

module attributes {stable_mosaic.version = 14 : i64} {
  func.func @_head_body(%arg0: i32, %arg1: memref<2x1000x128xf32, #tpu.memory_space<vmem>>, %arg2: memref<2x1000x128xf32, #tpu.memory_space<vmem>>, %arg3: memref<128x128xf32, #tpu.memory_space<vmem>>, %arg4: memref<1x128xf32, #tpu.memory_space<vmem>>, %arg5: memref<128x10xf32, #tpu.memory_space<vmem>>, %arg6: memref<1x10xf32, #tpu.memory_space<vmem>>, %arg7: memref<1x10xf32, #tpu.memory_space<vmem>>, %arg8: memref<8x128xf32, #tpu.memory_space<vmem>>) attributes {dimension_semantics = [#tpu.dimension_semantics<arbitrary>], iteration_bounds = array<i64: 10>, scalar_prefetch = 0 : i64, scratch_operands = 1 : i64, tpu.core_type = #tpu.core_type<tc>, window_params = [{transform_indices = @transform_0, window_bounds = array<i64: 2, 1000, 128>}, {transform_indices = @transform_1, window_bounds = array<i64: 2, 1000, 128>}, {pipeline_mode = #tpu.pipeline_mode<synchronous>, transform_indices = @transform_2, window_bounds = array<i64: 128, 128>}, {pipeline_mode = #tpu.pipeline_mode<synchronous>, transform_indices = @transform_3, window_bounds = array<i64: 1, 128>}, {pipeline_mode = #tpu.pipeline_mode<synchronous>, transform_indices = @transform_4, window_bounds = array<i64: 128, 10>}, {pipeline_mode = #tpu.pipeline_mode<synchronous>, transform_indices = @transform_5, window_bounds = array<i64: 1, 10>}, {pipeline_mode = #tpu.pipeline_mode<synchronous>, transform_indices = @transform_6, window_bounds = array<i64: 1, 10>}]} {
    %get3A = arith.constant 0 : index
    %get3A_0 = arith.constant 0 : index
    %get3A_1 = arith.constant 0 : index
    %get3A_2 = vector.load %arg1[%get3A, %get3A_0, %get3A_1] : memref<2x1000x128xf32, #tpu.memory_space<vmem>>, vector<1x1000x128xf32>
    %get3A_3 = vector.shape_cast %get3A_2 : vector<1x1000x128xf32> to vector<1000x128xf32>
    %get3A_4 = arith.constant 1 : index
    %get3A_5 = arith.constant 0 : index
    %get3A_6 = arith.constant 0 : index
    %get3A_7 = vector.load %arg1[%get3A_4, %get3A_5, %get3A_6] : memref<2x1000x128xf32, #tpu.memory_space<vmem>>, vector<1x1000x128xf32>
    %get3A_8 = vector.shape_cast %get3A_7 : vector<1x1000x128xf32> to vector<1000x128xf32>
    %add3A = arith.addf %get3A_3, %get3A_8 : vector<1000x128xf32>
    %get3A_9 = arith.constant 0 : index
    %get3A_10 = arith.constant 0 : index
    %get3A_11 = arith.constant 64 : index
    %get3A_12 = vector.load %arg2[%get3A_9, %get3A_10, %get3A_11] : memref<2x1000x128xf32, #tpu.memory_space<vmem>>, vector<1x1000x1xf32>
    %get3A_13 = vector.shape_cast %get3A_12 : vector<1x1000x1xf32> to vector<1000xf32>
    %get3A_14 = arith.constant 1 : index
    %get3A_15 = arith.constant 0 : index
    %get3A_16 = arith.constant 64 : index
    %get3A_17 = vector.load %arg2[%get3A_14, %get3A_15, %get3A_16] : memref<2x1000x128xf32, #tpu.memory_space<vmem>>, vector<1x1000x1xf32>
    %get3A_18 = vector.shape_cast %get3A_17 : vector<1x1000x1xf32> to vector<1000xf32>
    %add3A_19 = arith.addf %get3A_13, %get3A_18 : vector<1000xf32>
    %max3A = arith.constant 1.000000e+00 : f32
    %max3A_20 = vector.broadcast %max3A : f32 to vector<1000xf32>
    %max3A_21 = arith.maximumf %add3A_19, %max3A_20 : vector<1000xf32>
    %rsqrt3A = math.rsqrt %max3A_21 : vector<1000xf32>
    %broadcast_in_dim3A = vector.shape_cast %rsqrt3A : vector<1000xf32> to vector<1000x1xf32>
    %mul3A = vector.broadcast %broadcast_in_dim3A : vector<1000x1xf32> to vector<1000x128xf32>
    %mul3A_22 = arith.mulf %add3A, %mul3A : vector<1000x128xf32>
    %get3A_23 = arith.constant 0 : index
    %get3A_24 = arith.constant 0 : index
    %get3A_25 = vector.load %arg3[%get3A_23, %get3A_24] : memref<128x128xf32, #tpu.memory_space<vmem>>, vector<128x128xf32>
    %dot_general3A = arith.constant dense<0.000000e+00> : vector<1000x128xf32>
    %dot_general3A_26 = tpu.matmul %mul3A_22, %get3A_25, %dot_general3A {dimension_numbers = #tpu.dot_dimension_numbers<[1], [0], [0], [1], [0, 0, 1, 1], [], []>, precision = #tpu.contract_precision<fp32>, transpose_lhs_hint = false} : vector<1000x128xf32>, vector<128x128xf32>, vector<1000x128xf32> -> vector<1000x128xf32>
    %get3A_27 = arith.constant 0 : index
    %get3A_28 = arith.constant 0 : index
    %get3A_29 = vector.load %arg4[%get3A_27, %get3A_28] : memref<1x128xf32, #tpu.memory_space<vmem>>, vector<1x128xf32>
    %add3A_30 = vector.broadcast %get3A_29 : vector<1x128xf32> to vector<1000x128xf32>
    %add3A_31 = arith.addf %dot_general3A_26, %add3A_30 : vector<1000x128xf32>
    %max3A_32 = arith.constant 0.000000e+00 : f32
    %max3A_33 = vector.broadcast %max3A_32 : f32 to vector<1000x128xf32>
    %max3A_34 = arith.maximumf %add3A_31, %max3A_33 : vector<1000x128xf32>
    %reduce_sum3A = arith.constant dense<0.000000e+00> : vector<128xf32>
    %reduce_sum3A_35 = vector.multi_reduction <add>, %max3A_34, %reduce_sum3A [0] : vector<1000x128xf32> to vector<128xf32>
    %broadcast_in_dim3A_36 = vector.shape_cast %reduce_sum3A_35 : vector<128xf32> to vector<1x128xf32>
    %eq3A = arith.constant 0 : i32
    %eq3A_37 = arith.cmpi eq, %arg0, %eq3A : i32
    %convert_element_type3A = arith.extui %eq3A_37 : i1 to i32
    %cond3A = arith.constant 0 : i32
    %cond3A_38 = arith.cmpi ne, %convert_element_type3A, %cond3A : i32
    scf.if %cond3A_38 {
      %broadcast_in_dim3A_50 = arith.constant 0.000000e+00 : f32
      %broadcast_in_dim3A_51 = vector.broadcast %broadcast_in_dim3A_50 : f32 to vector<8x128xf32>
      %swap3A_52 = arith.constant 0 : index
      %swap3A_53 = arith.constant 0 : index
      %swap3A_54 = vector.load %arg8[%swap3A_52, %swap3A_53] : memref<8x128xf32, #tpu.memory_space<vmem>>, vector<8x128xf32>
      tpu.vector_store %arg8[%swap3A_52, %swap3A_53], %broadcast_in_dim3A_51 {strides = array<i32>} : memref<8x128xf32, #tpu.memory_space<vmem>>, vector<8x128xf32>,
    } else {
    }
    %get3A_39 = arith.constant 0 : index
    %get3A_40 = arith.constant 0 : index
    %get3A_41 = vector.load %arg8[%get3A_39, %get3A_40] : memref<8x128xf32, #tpu.memory_space<vmem>>, vector<1x128xf32>
    %add3A_42 = arith.addf %get3A_41, %broadcast_in_dim3A_36 : vector<1x128xf32>
    %swap3A = arith.constant 0 : index
    %swap3A_43 = arith.constant 0 : index
    %swap3A_44 = vector.load %arg8[%swap3A, %swap3A_43] : memref<8x128xf32, #tpu.memory_space<vmem>>, vector<1x128xf32>
    tpu.vector_store %arg8[%swap3A, %swap3A_43], %add3A_42 {strides = array<i32>} : memref<8x128xf32, #tpu.memory_space<vmem>>, vector<1x128xf32>,
    %eq3A_45 = arith.constant 9 : i32
    %eq3A_46 = arith.cmpi eq, %arg0, %eq3A_45 : i32
    %convert_element_type3A_47 = arith.extui %eq3A_46 : i1 to i32
    %cond3A_48 = arith.constant 0 : i32
    %cond3A_49 = arith.cmpi ne, %convert_element_type3A_47, %cond3A_48 : i32
    scf.if %cond3A_49 {
      %get3A_50 = arith.constant 0 : index
      %get3A_51 = arith.constant 0 : index
      %get3A_52 = vector.load %arg8[%get3A_50, %get3A_51] : memref<8x128xf32, #tpu.memory_space<vmem>>, vector<1x128xf32>
      %mul3A_53 = arith.constant 9.99999974E-5 : f32
      %mul3A_54 = vector.broadcast %mul3A_53 : f32 to vector<1x128xf32>
      %mul3A_55 = arith.mulf %get3A_52, %mul3A_54 : vector<1x128xf32>
      %get3A_56 = arith.constant 0 : index
      %get3A_57 = arith.constant 0 : index
      %get3A_58 = vector.load %arg5[%get3A_56, %get3A_57] : memref<128x10xf32, #tpu.memory_space<vmem>>, vector<128x10xf32>
      %dot_general3A_59 = arith.constant dense<0.000000e+00> : vector<1x10xf32>
      %dot_general3A_60 = tpu.matmul %mul3A_55, %get3A_58, %dot_general3A_59 {dimension_numbers = #tpu.dot_dimension_numbers<[1], [0], [0], [1], [0, 0, 1, 1], [], []>, precision = #tpu.contract_precision<fp32>, transpose_lhs_hint = false} : vector<1x128xf32>, vector<128x10xf32>, vector<1x10xf32> -> vector<1x10xf32>
      %get3A_61 = arith.constant 0 : index
      %get3A_62 = arith.constant 0 : index
      %get3A_63 = vector.load %arg6[%get3A_61, %get3A_62] : memref<1x10xf32, #tpu.memory_space<vmem>>, vector<1x10xf32>
      %add3A_64 = arith.addf %dot_general3A_60, %get3A_63 : vector<1x10xf32>
      %swap3A_65 = arith.constant 0 : index
      %swap3A_66 = arith.constant 0 : index
      %swap3A_67 = vector.load %arg7[%swap3A_65, %swap3A_66] : memref<1x10xf32, #tpu.memory_space<vmem>>, vector<1x10xf32>
      tpu.vector_store %arg7[%swap3A_65, %swap3A_66], %add3A_64 {strides = array<i32>} : memref<1x10xf32, #tpu.memory_space<vmem>>, vector<1x10xf32>,
    } else {
    }
    return
  }
  func.func @transform_0(%arg0: i32) -> (i32, i32, i32) {
    %c0_i32 = arith.constant 0 : i32
    %c0_i32_0 = arith.constant 0 : i32
    %c0_i32_1 = arith.constant 0 : i32
    return %c0_i32, %arg0, %c0_i32_0 : i32, i32, i32
  }
  func.func @transform_1(%arg0: i32) -> (i32, i32, i32) {
    %c0_i32 = arith.constant 0 : i32
    %c0_i32_0 = arith.constant 0 : i32
    %c0_i32_1 = arith.constant 0 : i32
    return %c0_i32, %arg0, %c0_i32_0 : i32, i32, i32
  }
  func.func @transform_2(%arg0: i32) -> (i32, i32) {
    %c0_i32 = arith.constant 0 : i32
    %c0_i32_0 = arith.constant 0 : i32
    %c0_i32_1 = arith.constant 0 : i32
    return %c0_i32, %c0_i32_0 : i32, i32
  }
  func.func @transform_3(%arg0: i32) -> (i32, i32) {
    %c0_i32 = arith.constant 0 : i32
    %c0_i32_0 = arith.constant 0 : i32
    %c0_i32_1 = arith.constant 0 : i32
    return %c0_i32, %c0_i32_0 : i32, i32
  }
  func.func @transform_4(%arg0: i32) -> (i32, i32) {
    %c0_i32 = arith.constant 0 : i32
    %c0_i32_0 = arith.constant 0 : i32
    %c0_i32_1 = arith.constant 0 : i32
    return %c0_i32, %c0_i32_0 : i32, i32
  }
  func.func @transform_5(%arg0: i32) -> (i32, i32) {
    %c0_i32 = arith.constant 0 : i32
    %c0_i32_0 = arith.constant 0 : i32
    %c0_i32_1 = arith.constant 0 : i32
    return %c0_i32, %c0_i32_0 : i32, i32
  }
  func.func @transform_6(%arg0: i32) -> (i32, i32) {
    %c0_i32 = arith.constant 0 : i32
    %c0_i32_0 = arith.constant 0 : i32
    %c0_i32_1 = arith.constant 0 : i32
    return %c0_i32, %c0_i32_0 : i32, i32
  }
}

</mosaic_0001>

<sc_bundles>
// kernel: kernel.11.cloned.1.call-start
scs
__scs_entry_jumppad:
0x0: {  	(pc) =	sbr.rel $0x88, $3  }
0x1: {  	(tag) =	ssettag $0x0;
	lr =	simm.s32 $0x1  }
0x2: {  	[smem:$0x3F99] =	sst lr;
	_ =	strace $0xD0000000  }
0x3: {  	_ = 	snop  }
0x4: {  	_ = 	snop  }
0x5: {  	_ = 	snop  }
0x6: {  	_ = 	snop  }
0x7: {  	_ = 	snop  }
__scs_overlays_trampoline_lowered:
0x8: {  	[smem:$0x3FA8] =	sst s0  }
0x9: {  	[smem:$0x3FA9] =	sst s1  }
0xa: {  	[smem:$0x3FAA] =	sst s2  }
0xb: {  	[smem:$0x3FAB] =	sst s3  }
0xc: {  	[smem:$0x3FAC] =	sst s4  }
0xd: {  	[smem:$0x3FAD] =	sst s5  }
0xe: {  	[smem:$0x3FAE] =	sst s6  }
0xf: {  	[smem:$0x3FAF] =	sst s7  }
0x10: {  	[smem:$0x3FB0] =	sst s8  }
0x11: {  	[smem:$0x3FB1] =	sst s9;
	s0 =	simm.s32 @!p0 $0x0  }
0x12: {  	s1 =	sld [smem:$0x3F97];
	s0 =	simm.s32 @p0 $0x1  }
0x13: {  	[smem:$0x3FB2] =	sst s0;
	s0 =	simm.s32 @!p1 $0x0  }
0x14: {  	s2 =	sld [smem:$0x3F96];
	s0 =	simm.s32 @p1 $0x1  }
0x15: {  	[smem:$0x3FB3] =	sst s0;
	s0 =	simm.s32 @!p2 $0x0  }
0x16: {  	s3 =	sld [smem:$0x3FDB];
	s0 =	simm.s32 @p2 $0x1  }
0x17: {  	s4 =	simm.s32 $0x1BF5;
	[smem:$0x3FB5] =	sst s0  }
0x18: {  	s0 =	sld [smem:$0x3F98];
	_ =	swait.ge [sflag:s4], $0x0  }
0x19: {  	s7 =	sld [smem:$0x3F99]  }
0x1a: {  	s8 =	sadd.s32 $0xFFFFE003, lr  }
0x1b: {  	s9 =	sadd.s32 $0xFFFFFEF7, lr;
	s5 =	simm.s32 $0xFFFFFFFF;
	p2 =	slt.u32 s8, $0xFFFFF086  }
0x1c: {  	p1 =	slt.u32 s9, $0xF7A;
	s5 =	simm.s32 @!p2 $0x0  }
0x1d: {  	s5 =	simm.s32 @p1 $0x1;
	p0 =	seq.s32 s7, s2  }
0x1e: {  	s7 =	smul.u32 @!p0 $0xF7A, s2;
	p2 =	seq.s32 @!p0 s5, $0x0  }
0x1f: {  	s9 =	smul.u32 $0xF7A, s1;
	s8 =	simm.s32 @!p0 $0x1BF5;
	p2 =	por !p2, p0  }
0x20: {  	[sflag:s8] =	ssyncset.s32 @!p0 $0xFFFFF086;
	s6 =	sadd.s32 @!p0 s3, s7;
	s7 =	simm.s32 @!p0 $0x108  }
0x21: {  	s3 =	sadd.s32 s3, s9;
	s6 =	sadd.s32 @!p0 $0x88, s6;
	s7 =	simm.s32 @p2 $0x1082  }
0x22: {  	[simem:s7], [sflag:s8] =	dma.local @!p0 [hbm:s6], $0xF7A  }
0x23: {  	s9 =	sor.u32 $0xD0000000, s2;
	s6 =	simm.s32 $0x108;
	_ =	swait.ge @!p0 [sflag:s8], $0x0  }
0x24: {  	s3 =	sadd.s32 $0x88, s3;
	s6 =	simm.s32 @!p1 $0x1082;
	[sflag:s4] =	ssyncset.s32 $0xFFFFF086  }
0x25: {  	[simem:s6], [sflag:s4] =	dma.local [hbm:s3], $0xF7A  }
0x26: {  	[smem:$0x3F99] =	sst s1;
	(tag) =	ssettag s2;
	_ =	strace s9  }
0x27: {  	s1 =	sld [smem:$0x3FA9]  }
0x28: {  	s2 =	sld [smem:$0x3FAA]  }
0x29: {  	s4 =	sld [smem:$0x3FAC]  }
0x2a: {  	p0 =	seq.s32 s5, $0x0;
	s5 =	sld [smem:$0x3FAD]  }
0x2b: {  	s6 =	sld [smem:$0x3FAE]  }
0x2c: {  	s7 =	sld [smem:$0x3FAF]  }
0x2d: {  	s3 =	simm.s32 $0x108;
	s8 =	sld [smem:$0x3FB0]  }
0x2e: {  	s3 =	simm.s32 @!p0 $0x1082;
	s9 =	sld [smem:$0x3FB1]  }
0x2f: {  	lr =	sadd.s32 s0, s3;
	s0 =	sld [smem:$0x3FA8]  }
0x30: {  	s3 =	sld [smem:$0x3FAB]  }
0x31: {  	[smem:$0x3FB4] =	sst s10  }
0x32: {  	s10 =	sld [smem:$0x3FB2];
	_ =	sdelay $0x3  }
0x33: {  	p0 =	seq.s32 s10, $0x1;
	s10 =	sld [smem:$0x3FB4];
	_ =	sdelay $0x3  }
0x34: {  	[smem:$0x3FB4] =	sst s10  }
0x35: {  	s10 =	sld [smem:$0x3FB3];
	_ =	sdelay $0x3  }
0x36: {  	p1 =	seq.s32 s10, $0x1;
	s10 =	sld [smem:$0x3FB4];
	_ =	sdelay $0x3  }
0x37: {  	[smem:$0x3FB4] =	sst s10  }
0x38: {  	s10 =	sld [smem:$0x3FB5]  }
0x39: {  	_ = 	snop;
	(pc) =	sbr.ind lr, $3  }
0x3a: {  	_ = 	snop  }
0x3b: {  	_ = 	snop  }
0x3c: {  	p2 =	seq.s32 s10, $0x1;
	s10 =	sld [smem:$0x3FB4]  }
0x3d: {  	_ =	shalt  }
0x3e: {  	_ =	shalt  }
0x3f: {  	_ =	shalt  }
0x40: {  	_ =	shalt  }
0x41: {  	_ =	shalt  }
0x42: {  	_ =	shalt  }
0x43: {  	_ =	shalt  }
0x44: {  	_ =	shalt  }
0x45: {  	_ =	shalt  }
0x46: {  	_ =	shalt  }
0x47: {  	_ =	shalt  }
0x48: {  	_ =	shalt  }
0x49: {  	_ =	shalt  }
0x4a: {  	_ =	shalt  }
0x4b: {  	_ =	shalt  }
0x4c: {  	_ =	shalt  }
0x4d: {  	_ =	shalt  }
0x4e: {  	_ =	shalt  }
0x4f: {  	_ =	shalt  }
0x50: {  	_ =	shalt  }
0x51: {  	_ =	shalt  }
0x52: {  	_ =	shalt  }
0x53: {  	_ =	shalt  }
0x54: {  	_ =	shalt  }
0x55: {  	_ =	shalt  }
0x56: {  	_ =	shalt  }
0x57: {  	_ =	shalt  }
0x58: {  	_ =	shalt  }
0x59: {  	_ =	shalt  }
0x5a: {  	_ =	shalt  }
0x5b: {  	_ =	shalt  }
0x5c: {  	_ =	shalt  }
0x5d: {  	_ =	shalt  }
0x5e: {  	_ =	shalt  }
0x5f: {  	_ =	shalt  }
0x60: {  	_ =	shalt  }
0x61: {  	_ =	shalt  }
0x62: {  	_ =	shalt  }
0x63: {  	_ =	shalt  }
0x64: {  	_ =	shalt  }
0x65: {  	_ =	shalt  }
0x66: {  	_ =	shalt  }
0x67: {  	_ =	shalt  }
0x68: {  	_ =	shalt  }
0x69: {  	_ =	shalt  }
0x6a: {  	_ =	shalt  }
0x6b: {  	_ =	shalt  }
0x6c: {  	_ =	shalt  }
0x6d: {  	_ =	shalt  }
0x6e: {  	_ =	shalt  }
0x6f: {  	_ =	shalt  }
0x70: {  	_ =	shalt  }
0x71: {  	_ =	shalt  }
0x72: {  	_ =	shalt  }
0x73: {  	_ =	shalt  }
0x74: {  	_ =	shalt  }
0x75: {  	_ =	shalt  }
0x76: {  	_ =	shalt  }
0x77: {  	_ =	shalt  }
0x78: {  	_ =	shalt  }
0x79: {  	_ =	shalt  }
0x7a: {  	_ =	shalt  }
0x7b: {  	_ =	shalt  }
0x7c: {  	_ =	shalt  }
0x7d: {  	_ =	shalt  }
0x7e: {  	_ =	shalt  }
0x7f: {  	_ =	shalt  }
0x80: {  	_ =	shalt  }
0x81: {  	_ =	shalt  }
0x82: {  	_ =	shalt  }
0x83: {  	_ =	shalt  }
0x84: {  	_ =	shalt  }
0x85: {  	_ =	shalt  }
0x86: {  	_ =	shalt  }
0x87: {  	_ =	shalt  }
.Lfunc_end0:
.L_simem_size_0:
called_computation.1_lowered:
.L_overlay_start_0:
0x88: {  	s2 =	sld [smem:$0x3FD9]  }
0x89: {  	s3 =	sld [smem:$0x3FFE];
	_ =	sdelay $0x1  }
0x8a: {  	s1 =	srdreg.scid  }
0x8b: {  	s0 =	sand.u32 $0x1, s1  }
0x8c: {  	s16 =	sshll.u32 s0, $0xA;
	s2 =	sadd.s32 s3, s2  }
0x8d: {  	s2 =	sadd.s32 s2, s16  }
0x8e: {  	[smem:$0x3FC0] =	sst s2  }
0x8f: {  	_ = 	snop  }
0x90: {  	(tm) =	ssettm $0x1  }
0x91: {  	s17 =	sld [smem:$0x3FFB];
	_ =	sdelay $0x3  }
0x92: {  	_ =	strace s17  }
0x93: {  	s2 =	sld [smem:$0x3FFC];
	_ =	sdelay $0x3  }
0x94: {  	_ =	strace s2  }
0x95: {  	s2 =	sld [smem:$0x3FFD];
	_ =	sdelay $0x3  }
0x96: {  	_ =	strace s2  }
0x97: {  	_ =	strace $0x8FFFFFFF  }
0x98: {  	s18 =	sld [smem:$0x3FDB];
	_ =	sdelay $0x1  }
0x99: {  	s19 =	simm.s32 $_scs_section_size  }
0x9a: {  	s4 =	simm.s32 $_size__tile_overlayer_lowered;
	s5 =	simm.s32 $_tile_overlayer_lowered  }
0x9b: {  	s22 =	simm.s32 $0x1BFF;
	s21 =	sshll.u32 s5, $0x1;
	s2 =	sadd.s32 s19, s18  }
0x9c: {  	s6 =	simm.s32 $0x0;
	s20 =	sshll.u32 s4, $0x1;
	s4 =	sadd.s32 s21, s2  }
0x9d: {  	[timem:s6], [sflag:s22] =	dma.local [hbm:s4], s20  }
0x9e: {  	_ =	swait.ge [sflag:s22], s20  }
0x9f: {  	s3 =	ssub.s32 $0x0, s20;
	[sflag:s22] =	ssyncset.done $0x0  }
0xa0: {  	[sflag:s22] =	ssyncadd.s32 s3;
	_ =	sdelay $0x1  }
0xa1: {  	s23 =	simm.s32 $0x1B8B  }
0xa2: {  	_ =	swait.ge [sflag:s23], $0x1  }
0xa3: {  	[sflag:s23] =	ssyncset.done $0x0  }
0xa4: {  	s25 =	simm.s32 $0x1B8E;
	s24 =	sld [smem:$0x3FFE];
	[sflag:s23] =	ssyncadd.s32 $0xFFFFFFFF  }
0xa5: {  	s26 =	simm.s32 $execute0_lowered;
	[smem:$0x3FD2] =	sst s25  }
0xa6: {  	s4 =	sshll.u32 s26, $0x1;
	_ =	strace $0x80000049;
	[dreg:$0x1] =	wrdreg $0xFFFFFFFF  }
0xa7: {  	s28 =	simm.s32 $_size_execute0_lowered;
	s2 =	sadd.s32 s2, s4;
	[dreg:$0x0] =	wrdreg $0x0  }
0xa8: {  	s4 =	sshll.u32 s28, $0x1;
	[dreg:$0x2] =	wrdreg s2  }
0xa9: {  	[dreg:$0x3] =	wrdreg s4  }
0xaa: {  	[dreg:$0x4] =	wrdreg $0xC0  }
0xab: {  	_ =	task [dreg:s6], $0x5FFFF  }
0xac: {  	[dreg:$0x1] =	wrdreg $0xFFFFFFFF  }
0xad: {  	[dreg:$0x0] =	wrdreg $0x60  }
0xae: {  	[dreg:$0x2] =	wrdreg s24  }
0xaf: {  	[dreg:$0x3] =	wrdreg $0x98000  }
0xb0: {  	[dreg:$0x4] =	wrdreg $0x9  }
0xb1: {  	_ =	task.clear_ibuf [dreg:s6], $0x5FFFF;
	_ =	strace $0x90000049  }
0xb2: {  	s29 =	simm.s32 $0x9;
	_ =	strace $0x8000004B  }
0xb3: {  	_ =	swait.ge [sflag:s29], $0x1  }
0xb4: {  	[sflag:s29] =	ssyncadd.s32 $0xFFFFFFFF  }
0xb5: {  	_ =	strace $0x9000004B  }
0xb6: {  	_ =	sfence  }
0xb7: {  	s30 =	sld [smem:$0x0];
	_ =	sdelay $0x2  }
0xb8: {  	s31 =	sshll.u32 s1, $0xD;
	s1 =	sshrl.u32 s1, $0x2  }
0xb9: {  	s3 =	sand.u32 $0x4000, s31;
	s1 =	sadd.s32 s1, s30  }
0xba: {  	s0 =	sor.u32 s3, s0;
	s1 =	sshll.u32 s1, $0x11  }
0xbb: {  	s0 =	sor.u32 s1, s0  }
0xbc: {  	s0 =	sadd.s32 $0x8F2B, s0  }
0xbd: {  	[sflag:s0] =	ssyncadd.remote.s32 $0x1  }
0xbe: {  	_ =	sfence.sel $0xFFFF  }
0xbf: {  	[dreg:$0x0] =	wrdreg $0xFFFFFFFF;
	(pc) =	sbr.abs _section_cstart, $3  }
0xc0: {  	[dreg:$0x1] =	wrdreg $0xFFFFFFFF  }
0xc1: {  	_ =	task.clear_ibuf [dreg:s6], $0x2FFFF;
	_ =	strace $0x9FFFFFFF  }
0xc2: {  	(tm) =	ssettm $0x7FFFFFFF  }
0xc3: {  	_ =	shalt  }
tec
execute0_lowered:
.L_overlay_start_1:
0x0: {  	(tag) =	ssettag $0x1  }
0x1: {  	s5 =	rddreg [dreg:$0x0]  }
0x2: {  	s1 =	rddreg [dreg:$0x1]  }
0x3: {  	s2 =	srdreg.scid;
	s0 =	rddreg [dreg:$0x2]  }
0x4: {  	s3 =	simm.s32 $0x0;
	s14 =	simm.s32 $0x2000;
	s15 =	simm.s32 $0x58  }
0x5: {  	s16 =	simm.s32 $0x1;
	s17 =	simm.s32 $0x6C00;
	s18 =	simm.s32 $0x1F80  }
0x6: {  	s19 =	simm.s32 $0x3F00;
	s20 =	simm.s32 $0x3F80;
	s21 =	simm.s32 $0x1880  }
0x7: {  	s22 =	simm.s32 $0x3800;
	s23 =	simm.s32 $0x3880;
	s6 =	sand.u32 $0x1, s2  }
0x8: {  	s2 =	stileid.u32;
	[smem:$0x7FF] =	sst s3;
	s4 =	sadd.s32 $0x85400, s5  }
0x9: {  	s10 =	sadd.s32 $0x67400, s5;
	s11 =	sadd.s32 $0x76400, s5;
	s7 =	smul.u32 $0x13C000, s6  }
0xa: {  	s8 =	smul.u32 $0x13C00, s2;
	_ =	strace $0x8000004A;
	s9 =	sshll.u32 s2, $0x1  }
0xb: {  	s28 =	smul.u32 $0x4F000, s2;
	s29 =	ssub.s32 $0x2, s6;
	s26 =	sor.u32 s6, s9  }
0xc: {  	s6 =	sshrl.u32 s29, $0x1;
	s7 =	sadd.s32 s8, s7;
	s8 =	smul.u32 $0x3C00, s26  }
0xd: {  	s30 =	sshrl.u32 s28, $0x2;
	s13 =	ssub.s32 s29, s6;
	s7 =	sshrl.u32 s7, $0x3  }
0xe: {  	s12 =	sadd.s32 s7, s5;
	s8 =	sshrl.u32 s8, $0x3;
	s5 =	sadd.s32 s30, s1  }
0xf: {  	s31 =	sadd.s32 $0x400, s8;
	s6 =	sadd.s32 s10, s8;
	s7 =	sadd.s32 s11, s8  }
0x10: {  	s8 =	sadd.s32 s10, s31;
	s9 =	sadd.s32 s11, s31;
	s10 =	sadd.s32 $0xACC00, s12  }
0x11: {  	v0 =	vimm.f32 $0.0e+00;
	s11 =	smax.u32 s13, $0x1;
	s12 =	simm.s32 $0x4000;
	s13 =	simm.s32 $0x2  }
.LBB2_1:
0x12: {  	[tilespmem:$0x4000] =	vst v0  }
0x13: {  	[tilespmem:$0x4080] =	vst v0  }
0x14: {  	[tilespmem:$0x4100] =	vst v0  }
0x15: {  	[tilespmem:$0x4180] =	vst v0  }
0x16: {  	[tilespmem:$0x4200] =	vst v0  }
0x17: {  	[tilespmem:$0x4280] =	vst v0  }
0x18: {  	[tilespmem:$0x4300] =	vst v0  }
0x19: {  	[tilespmem:$0x4380] =	vst v0  }
0x1a: {  	[tilespmem:$0x4010] =	vst v0  }
0x1b: {  	[tilespmem:$0x4090] =	vst v0  }
0x1c: {  	[tilespmem:$0x4110] =	vst v0  }
0x1d: {  	[tilespmem:$0x4190] =	vst v0  }
0x1e: {  	[tilespmem:$0x4210] =	vst v0  }
0x1f: {  	[tilespmem:$0x4290] =	vst v0  }
0x20: {  	[tilespmem:$0x4310] =	vst v0  }
0x21: {  	[tilespmem:$0x4390] =	vst v0  }
0x22: {  	[tilespmem:$0x4020] =	vst v0  }
0x23: {  	[tilespmem:$0x40A0] =	vst v0  }
0x24: {  	[tilespmem:$0x4120] =	vst v0  }
0x25: {  	[tilespmem:$0x41A0] =	vst v0  }
0x26: {  	[tilespmem:$0x4220] =	vst v0  }
0x27: {  	[tilespmem:$0x42A0] =	vst v0  }
0x28: {  	[tilespmem:$0x4320] =	vst v0  }
0x29: {  	[tilespmem:$0x43A0] =	vst v0  }
0x2a: {  	[tilespmem:$0x4030] =	vst v0  }
0x2b: {  	[tilespmem:$0x40B0] =	vst v0  }
0x2c: {  	[tilespmem:$0x4130] =	vst v0  }
0x2d: {  	[tilespmem:$0x41B0] =	vst v0  }
0x2e: {  	[tilespmem:$0x4230] =	vst v0  }
0x2f: {  	[tilespmem:$0x42B0] =	vst v0  }
0x30: {  	[tilespmem:$0x4330] =	vst v0  }
0x31: {  	[tilespmem:$0x43B0] =	vst v0  }
0x32: {  	[tilespmem:$0x4040] =	vst v0  }
0x33: {  	[tilespmem:$0x40C0] =	vst v0  }
0x34: {  	[tilespmem:$0x4140] =	vst v0  }
0x35: {  	[tilespmem:$0x41C0] =	vst v0  }
0x36: {  	[tilespmem:$0x4240] =	vst v0  }
0x37: {  	[tilespmem:$0x42C0] =	vst v0  }
0x38: {  	[tilespmem:$0x4340] =	vst v0  }
0x39: {  	[tilespmem:$0x43C0] =	vst v0  }
0x3a: {  	[tilespmem:$0x4050] =	vst v0  }
0x3b: {  	[tilespmem:$0x40D0] =	vst v0  }
0x3c: {  	[tilespmem:$0x4150] =	vst v0  }
0x3d: {  	[tilespmem:$0x41D0] =	vst v0  }
0x3e: {  	[tilespmem:$0x4250] =	vst v0  }
0x3f: {  	[tilespmem:$0x42D0] =	vst v0  }
0x40: {  	[tilespmem:$0x4350] =	vst v0  }
0x41: {  	[tilespmem:$0x43D0] =	vst v0  }
0x42: {  	[tilespmem:$0x4060] =	vst v0  }
0x43: {  	[tilespmem:$0x40E0] =	vst v0  }
0x44: {  	[tilespmem:$0x4160] =	vst v0  }
0x45: {  	[tilespmem:$0x41E0] =	vst v0  }
0x46: {  	[tilespmem:$0x4260] =	vst v0  }
0x47: {  	[tilespmem:$0x42E0] =	vst v0  }
0x48: {  	[tilespmem:$0x4360] =	vst v0  }
0x49: {  	[tilespmem:$0x43E0] =	vst v0  }
0x4a: {  	[tilespmem:$0x4070] =	vst v0  }
0x4b: {  	[tilespmem:$0x40F0] =	vst v0  }
0x4c: {  	[tilespmem:$0x4170] =	vst v0  }
0x4d: {  	[tilespmem:$0x41F0] =	vst v0  }
0x4e: {  	[tilespmem:$0x4270] =	vst v0  }
0x4f: {  	[tilespmem:$0x42F0] =	vst v0  }
0x50: {  	[tilespmem:$0x4370] =	vst v0  }
0x51: {  	[tilespmem:$0x43F0] =	vst v0;
	s24 =	sadd.s32 $0x0, s5  }
0x52: {  	[spmem:s24] =	stream.linear.scatter [tilespmem:s12], [sflag:$0x2], $0x400, $0x38;
	[tilespmem:$0x1D400] =	vst v63  }
0x53: {  	s24 =	simm.s32 $0x1000;
	_ =	swait.ge [sflag:s13], $0x400  }
.LBB2_2:
0x54: {  	s25 =	sshra.s32 s24, $0x2;
	[sflag:s13] =	ssyncset.done $0x0;
	p0 =	sne.s32 s24, $0x4E000  }
.Ltmp0:
0x55: {  	s25 =	sadd.s32 s25, s5;
	[sflag:s13] =	ssyncadd.s32 $0xFFFFFC00;
	(pc) =	sbr.rel @p0 .LBB2_2-.Ltmp0, $3  }
0x56: {  	[spmem:s25] =	stream.linear.scatter [tilespmem:s12], [sflag:$0x2], $0x400, $0x38;
	[tilespmem:$0x1D400] =	vst v63  }
0x57: {  	s24 =	sadd.s32 $0x1000, s24;
	_ =	sdelay $0x1  }
0x58: {  	_ =	swait.ge [sflag:s13], $0x400  }
0x59: {  	[sflag:s13] =	ssyncset.done $0x0  }
0x5a: {  	[sflag:s13] =	ssyncadd.s32 $0xFFFFFC00  }
0x5b: {  	s24 =	simm.s32 $0x0;
	[bflag:$0x0] =	sbarrier.arrive $0xFFFF  }
0x5c: {  	[tilespmem:s24], [sflag:$0x2] =	stream.linear.gather [hbm4b:s6+s24], $0x2000, $0x38;
	[tilespmem:$0x1D400] =	vst v63  }
0x5d: {  	_ =	swait.ge [sflag:s13], $0x2000  }
0x5e: {  	[sflag:s13] =	ssyncset.done $0x0  }
0x5f: {  	[sflag:s13] =	ssyncadd.s32 $0xFFFFE000  }
0x60: {  	[tilespmem:s14], [sflag:$0x2] =	stream.linear.gather [hbm4b:s7+s24], $0x2000, $0x38;
	[tilespmem:$0x1D400] =	vst v63  }
0x61: {  	_ =	swait.ge [sflag:s13], $0x2000  }
0x62: {  	[sflag:s13] =	ssyncset.done $0x0  }
0x63: {  	[sflag:s13] =	ssyncadd.s32 $0xFFFFE000  }
0x64: {  	[tilespmem:s12], [sflag:$0x1] =	stream.indirect.gather [hbm4b:s4+s15], $0x80, s24, s15, $0xb8;
	[tilespmem:$0x1D400] =	vst v63  }
0x65: {  	_ =	swait.ge [sflag:s16], $0x2C00  }
0x66: {  	[sflag:s16] =	ssyncset.done $0x0  }
0x67: {  	s28 =	simm.s32 $0x80;
	[sflag:s16] =	ssyncadd.s32 $0xFFFFD400  }
0x68: {  	[tilespmem:s17], [sflag:$0x1] =	stream.indirect.gather [hbm4b:s4+s15], $0x80, s28, s15, $0xb8;
	[tilespmem:$0x1D400] =	vst v63  }
0x69: {  	s29 =	simm.s32 $0x2000  }
0x6a: {  	[spmem:s1] =	stream.indirect.scatter.add.f32 [tilespmem:s12], [sflag:$0x2], $0x80, s29, s15, $0xb8;
	[tilespmem:$0x1D400] =	vst v63  }
0x6b: {  	_ =	swait.ge [sflag:s13], $0x2C00  }
0x6c: {  	[sflag:s13] =	ssyncset.done $0x0  }
0x6d: {  	[sflag:s13] =	ssyncadd.s32 $0xFFFFD400  }
0x6e: {  	_ =	swait.ge [sflag:s16], $0x2C00  }
0x6f: {  	[sflag:s16] =	ssyncset.done $0x0  }
0x70: {  	s30 =	simm.s32 $0x100;
	[sflag:s16] =	ssyncadd.s32 $0xFFFFD400  }
0x71: {  	[tilespmem:s12], [sflag:$0x1] =	stream.indirect.gather [hbm4b:s4+s15], $0x80, s30, s15, $0xb8;
	[tilespmem:$0x1D400] =	vst v63  }
0x72: {  	s31 =	simm.s32 $0x2080  }
0x73: {  	[spmem:s1] =	stream.indirect.scatter.add.f32 [tilespmem:s17], [sflag:$0x2], $0x80, s31, s15, $0xb8;
	[tilespmem:$0x1D400] =	vst v63  }
0x74: {  	_ =	swait.ge [sflag:s13], $0x2C00  }
0x75: {  	s24 =	simm.s32 $0x400;
	[sflag:s13] =	ssyncset.done $0x0  }
.LBB2_4:
0x76: {  	p0 =	sne.s32 s24, $0x7800  }
0x77: {  	[sflag:s13] =	ssyncadd.s32 $0xFFFFD400;
	s25 =	smov.u32 s24;
	s24 =	sadd.s32 $0x400, s24  }
0x78: {  	_ = 	snop  }
0x79: {  	_ =	swait.ge [sflag:s16], $0x2C00  }
0x7a: {  	s25 =	sshra.s32 s25, $0x2;
	[sflag:s16] =	ssyncset.done $0x0  }
0x7b: {  	s26 =	sadd.s32 $0x80, s25;
	[sflag:s16] =	ssyncadd.s32 $0xFFFFD400  }
0x7c: {  	[tilespmem:s17], [sflag:$0x1] =	stream.indirect.gather [hbm4b:s4+s15], $0x80, s26, s15, $0xb8;
	[tilespmem:$0x1D400] =	vst v63  }
0x7d: {  	s26 =	sadd.s32 $0x2000, s25  }
0x7e: {  	[spmem:s1] =	stream.indirect.scatter.add.f32 [tilespmem:s12], [sflag:$0x2], $0x80, s26, s15, $0xb8;
	[tilespmem:$0x1D400] =	vst v63  }
0x7f: {  	_ =	swait.ge [sflag:s13], $0x2C00  }
0x80: {  	[sflag:s13] =	ssyncset.done $0x0  }
0x81: {  	[sflag:s13] =	ssyncadd.s32 $0xFFFFD400  }
0x82: {  	_ =	swait.ge [sflag:s16], $0x2C00  }
0x83: {  	[sflag:s16] =	ssyncset.done $0x0  }
0x84: {  	s26 =	sadd.s32 $0x100, s25;
	[sflag:s16] =	ssyncadd.s32 $0xFFFFD400  }
0x85: {  	[tilespmem:s12], [sflag:$0x1] =	stream.indirect.gather [hbm4b:s4+s15], $0x80, s26, s15, $0xb8;
	[tilespmem:$0x1D400] =	vst v63  }
.Ltmp1:
0x86: {  	_ = 	snop;
	(pc) =	sbr.rel @p0 .LBB2_4-.Ltmp1, $4  }
0x87: {  	s25 =	sadd.s32 $0x2080, s25  }
0x88: {  	[spmem:s1] =	stream.indirect.scatter.add.f32 [tilespmem:s17], [sflag:$0x2], $0x80, s25, s15, $0xb8;
	[tilespmem:$0x1D400] =	vst v63  }
0x89: {  	_ =	swait.ge [sflag:s13], $0x2C00  }
0x8a: {  	[sflag:s13] =	ssyncset.done $0x0  }
0x8b: {  	[sflag:s13] =	ssyncadd.s32 $0xFFFFD400  }
0x8c: {  	_ =	swait.ge [sflag:s16], $0x2C00  }
0x8d: {  	[sflag:s16] =	ssyncset.done $0x0  }
0x8e: {  	[sflag:s16] =	ssyncadd.s32 $0xFFFFD400  }
0x8f: {  	[tilespmem:s17], [sflag:$0x1] =	stream.indirect.gather [hbm4b:s4+s15], $0x80, s18, s15, $0xb8;
	[tilespmem:$0x1D400] =	vst v63  }
0x90: {  	_ = 	snop  }
0x91: {  	[spmem:s1] =	stream.indirect.scatter.add.f32 [tilespmem:s12], [sflag:$0x2], $0x80, s19, s15, $0xb8;
	[tilespmem:$0x1D400] =	vst v63  }
0x92: {  	_ =	swait.ge [sflag:s13], $0x2C00  }
0x93: {  	[sflag:s13] =	ssyncset.done $0x0  }
0x94: {  	[sflag:s13] =	ssyncadd.s32 $0xFFFFD400  }
0x95: {  	_ =	swait.ge [sflag:s16], $0x2C00  }
0x96: {  	[sflag:s16] =	ssyncset.done $0x0  }
0x97: {  	[sflag:s16] =	ssyncadd.s32 $0xFFFFD400  }
0x98: {  	[spmem:s1] =	stream.indirect.scatter.add.f32 [tilespmem:s17], [sflag:$0x2], $0x80, s20, s15, $0xb8;
	[tilespmem:$0x1D400] =	vst v63  }
0x99: {  	_ =	swait.ge [sflag:s13], $0x2C00  }
0x9a: {  	[sflag:s13] =	ssyncset.done $0x0  }
0x9b: {  	s24 =	simm.s32 $0x0;
	[sflag:s13] =	ssyncadd.s32 $0xFFFFD400  }
0x9c: {  	[tilespmem:s24], [sflag:$0x2] =	stream.linear.gather [hbm4b:s8+s24], $0x1900, $0x38;
	[tilespmem:$0x1D400] =	vst v63  }
0x9d: {  	_ =	swait.ge [sflag:s13], $0x1900  }
0x9e: {  	[sflag:s13] =	ssyncset.done $0x0  }
0x9f: {  	[sflag:s13] =	ssyncadd.s32 $0xFFFFE700  }
0xa0: {  	[tilespmem:s14], [sflag:$0x2] =	stream.linear.gather [hbm4b:s9+s24], $0x1900, $0x38;
	[tilespmem:$0x1D400] =	vst v63  }
0xa1: {  	_ =	swait.ge [sflag:s13], $0x1900  }
0xa2: {  	[sflag:s13] =	ssyncset.done $0x0  }
0xa3: {  	[sflag:s13] =	ssyncadd.s32 $0xFFFFE700  }
0xa4: {  	[tilespmem:s12], [sflag:$0x1] =	stream.indirect.gather [hbm4b:s4+s15], $0x80, s24, s15, $0xb8;
	[tilespmem:$0x1D400] =	vst v63  }
0xa5: {  	_ =	swait.ge [sflag:s16], $0x2C00  }
0xa6: {  	[sflag:s16] =	ssyncset.done $0x0  }
0xa7: {  	s28 =	simm.s32 $0x80;
	[sflag:s16] =	ssyncadd.s32 $0xFFFFD400  }
0xa8: {  	[tilespmem:s17], [sflag:$0x1] =	stream.indirect.gather [hbm4b:s4+s15], $0x80, s28, s15, $0xb8;
	[tilespmem:$0x1D400] =	vst v63  }
0xa9: {  	s29 =	simm.s32 $0x2000  }
0xaa: {  	[spmem:s1] =	stream.indirect.scatter.add.f32 [tilespmem:s12], [sflag:$0x2], $0x80, s29, s15, $0xb8;
	[tilespmem:$0x1D400] =	vst v63  }
0xab: {  	_ =	swait.ge [sflag:s13], $0x2C00  }
0xac: {  	[sflag:s13] =	ssyncset.done $0x0  }
0xad: {  	[sflag:s13] =	ssyncadd.s32 $0xFFFFD400  }
0xae: {  	_ =	swait.ge [sflag:s16], $0x2C00  }
0xaf: {  	[sflag:s16] =	ssyncset.done $0x0  }
0xb0: {  	s30 =	simm.s32 $0x100;
	[sflag:s16] =	ssyncadd.s32 $0xFFFFD400  }
0xb1: {  	[tilespmem:s12], [sflag:$0x1] =	stream.indirect.gather [hbm4b:s4+s15], $0x80, s30, s15, $0xb8;
	[tilespmem:$0x1D400] =	vst v63  }
0xb2: {  	s31 =	simm.s32 $0x2080  }
0xb3: {  	[spmem:s1] =	stream.indirect.scatter.add.f32 [tilespmem:s17], [sflag:$0x2], $0x80, s31, s15, $0xb8;
	[tilespmem:$0x1D400] =	vst v63  }
0xb4: {  	_ =	swait.ge [sflag:s13], $0x2C00  }
0xb5: {  	s24 =	simm.s32 $0x400;
	[sflag:s13] =	ssyncset.done $0x0  }
.LBB2_6:
0xb6: {  	p0 =	sne.s32 s24, $0x5C00  }
0xb7: {  	[sflag:s13] =	ssyncadd.s32 $0xFFFFD400;
	s25 =	smov.u32 s24;
	s24 =	sadd.s32 $0x400, s24  }
0xb8: {  	_ = 	snop  }
0xb9: {  	_ =	swait.ge [sflag:s16], $0x2C00  }
0xba: {  	s25 =	sshra.s32 s25, $0x2;
	[sflag:s16] =	ssyncset.done $0x0  }
0xbb: {  	s26 =	sadd.s32 $0x80, s25;
	[sflag:s16] =	ssyncadd.s32 $0xFFFFD400  }
0xbc: {  	[tilespmem:s17], [sflag:$0x1] =	stream.indirect.gather [hbm4b:s4+s15], $0x80, s26, s15, $0xb8;
	[tilespmem:$0x1D400] =	vst v63  }
0xbd: {  	s26 =	sadd.s32 $0x2000, s25  }
0xbe: {  	[spmem:s1] =	stream.indirect.scatter.add.f32 [tilespmem:s12], [sflag:$0x2], $0x80, s26, s15, $0xb8;
	[tilespmem:$0x1D400] =	vst v63  }
0xbf: {  	_ =	swait.ge [sflag:s13], $0x2C00  }
0xc0: {  	[sflag:s13] =	ssyncset.done $0x0  }
0xc1: {  	[sflag:s13] =	ssyncadd.s32 $0xFFFFD400  }
0xc2: {  	_ =	swait.ge [sflag:s16], $0x2C00  }
0xc3: {  	[sflag:s16] =	ssyncset.done $0x0  }
0xc4: {  	s26 =	sadd.s32 $0x100, s25;
	[sflag:s16] =	ssyncadd.s32 $0xFFFFD400  }
0xc5: {  	[tilespmem:s12], [sflag:$0x1] =	stream.indirect.gather [hbm4b:s4+s15], $0x80, s26, s15, $0xb8;
	[tilespmem:$0x1D400] =	vst v63  }
.Ltmp2:
0xc6: {  	_ = 	snop;
	(pc) =	sbr.rel @p0 .LBB2_6-.Ltmp2, $4  }
0xc7: {  	s25 =	sadd.s32 $0x2080, s25  }
0xc8: {  	[spmem:s1] =	stream.indirect.scatter.add.f32 [tilespmem:s17], [sflag:$0x2], $0x80, s25, s15, $0xb8;
	[tilespmem:$0x1D400] =	vst v63  }
0xc9: {  	_ =	swait.ge [sflag:s13], $0x2C00  }
0xca: {  	[sflag:s13] =	ssyncset.done $0x0  }
0xcb: {  	[sflag:s13] =	ssyncadd.s32 $0xFFFFD400  }
0xcc: {  	_ =	swait.ge [sflag:s16], $0x2C00  }
0xcd: {  	[sflag:s16] =	ssyncset.done $0x0  }
0xce: {  	[sflag:s16] =	ssyncadd.s32 $0xFFFFD400  }
0xcf: {  	[tilespmem:s17], [sflag:$0x1] =	stream.indirect.gather [hbm4b:s4+s15], $0x80, s21, s15, $0xb8;
	[tilespmem:$0x1D400] =	vst v63  }
0xd0: {  	_ = 	snop  }
0xd1: {  	[spmem:s1] =	stream.indirect.scatter.add.f32 [tilespmem:s12], [sflag:$0x2], $0x80, s22, s15, $0xb8;
	[tilespmem:$0x1D400] =	vst v63  }
0xd2: {  	_ =	swait.ge [sflag:s13], $0x2C00  }
0xd3: {  	[sflag:s13] =	ssyncset.done $0x0  }
0xd4: {  	[sflag:s13] =	ssyncadd.s32 $0xFFFFD400  }
0xd5: {  	_ =	swait.ge [sflag:s16], $0x2C00  }
0xd6: {  	[sflag:s16] =	ssyncset.done $0x0  }
0xd7: {  	[sflag:s16] =	ssyncadd.s32 $0xFFFFD400  }
0xd8: {  	[spmem:s1] =	stream.indirect.scatter.add.f32 [tilespmem:s17], [sflag:$0x2], $0x80, s23, s15, $0xb8;
	[tilespmem:$0x1D400] =	vst v63  }
0xd9: {  	_ =	swait.ge [sflag:s13], $0x2C00  }
0xda: {  	s24 =	sshll.u32 s2, $0x6;
	s3 =	sadd.s32 $0x1, s3;
	[sflag:s13] =	ssyncset.done $0x0  }
0xdb: {  	s25 =	sshrl.u32 s5, $0x3;
	p0 =	sne.s32 s3, s11;
	[sflag:s13] =	ssyncadd.s32 $0xFFFFD400  }
.Ltmp3:
0xdc: {  	s24 =	sor.u32 $0x1C02, s24;
	[bflag:$0x0] =	sbarrier.arrive $0xFFFF;
	(pc) =	sbr.rel @p0 .LBB2_1-.Ltmp3, $4  }
0xdd: {  	[hbm:s10], [sflag:s24] =	dma.local [spmem:s25], $0x2780  }
0xde: {  	_ =	swait.ge [sflag:s13], $0x2780  }
0xdf: {  	[sflag:s13] =	ssyncset.done $0x0  }
0xe0: {  	[sflag:s13] =	ssyncadd.s32 $0xFFFFD880  }
0xe1: {  	_ =	sfence.sel $0x180000  }
0xe2: {  	[bflag:$0x0] =	sbarrier.arrive $0xFFFF  }
0xe3: {  	p0 =	sne.s32 s2, $0x0;
	_ =	strace $0x9000004A  }
0xe4: {  	s0 =	sadd.s32 @!p0 $0x100000, s0;
	[bflag:$0x2] =	sbarrier.arrive $0xFFFF  }
0xe5: {  	[sflag:s0] =	ssyncadd.tile.s32 @!p0 $0x1;
	_ =	shalt  }
.Lfunc_end2:
_tile_overlayer_lowered:
.L_overlay_start_2:
0xe6: {  	(tag) =	ssettag $0x2  }
0xe7: {  	s0 =	rddreg [dreg:$0x0];
	s2 =	stileid.u32  }
0xe8: {  	s1 =	rddreg [dreg:$0x1];
	p0 =	sne.s32 s2, $0x0  }
0xe9: {  	s3 =	rddreg [dreg:$0x2];
	[bflag:$0x3] =	sbarrier.arrive $0xFFFF;
	s2 =	simm.s32 @!p0 $0x1C02  }
0xea: {  	[timem:s3], [sflag:s2] =	dma.local @!p0 [hbm:s0], s1  }
0xeb: {  	s0 =	simm.s32 @!p0 $0x2  }
0xec: {  	_ =	swait.ge @!p0 [sflag:s0], s1  }
0xed: {  	s1 =	ssub.s32 @!p0 $0x0, s1;
	[sflag:s0] =	ssyncset.done @!p0 $0x0  }
0xee: {  	[sflag:s0] =	ssyncadd.s32 @!p0 s1  }
0xef: {  	[bflag:$0x3] =	sbarrier.arrive $0xFFFF  }
0xf0: {  	_ =	shalt  }

// kernel: kernel.14.cloned.1.call-start
scs
__scs_entry_jumppad:
0x0: {  	(pc) =	sbr.rel $0x88, $3  }
0x1: {  	(tag) =	ssettag $0x0;
	lr =	simm.s32 $0x1  }
0x2: {  	[smem:$0x3F99] =	sst lr;
	_ =	strace $0xD0000000  }
0x3: {  	_ = 	snop  }
0x4: {  	_ = 	snop  }
0x5: {  	_ = 	snop  }
0x6: {  	_ = 	snop  }
0x7: {  	_ = 	snop  }
__scs_overlays_trampoline_lowered:
0x8: {  	[smem:$0x3FA8] =	sst s0  }
0x9: {  	[smem:$0x3FA9] =	sst s1  }
0xa: {  	[smem:$0x3FAA] =	sst s2  }
0xb: {  	[smem:$0x3FAB] =	sst s3  }
0xc: {  	[smem:$0x3FAC] =	sst s4  }
0xd: {  	[smem:$0x3FAD] =	sst s5  }
0xe: {  	[smem:$0x3FAE] =	sst s6  }
0xf: {  	[smem:$0x3FAF] =	sst s7  }
0x10: {  	[smem:$0x3FB0] =	sst s8  }
0x11: {  	[smem:$0x3FB1] =	sst s9;
	s0 =	simm.s32 @!p0 $0x0  }
0x12: {  	s1 =	sld [smem:$0x3F97];
	s0 =	simm.s32 @p0 $0x1  }
0x13: {  	[smem:$0x3FB2] =	sst s0;
	s0 =	simm.s32 @!p1 $0x0  }
0x14: {  	s2 =	sld [smem:$0x3F96];
	s0 =	simm.s32 @p1 $0x1  }
0x15: {  	[smem:$0x3FB3] =	sst s0;
	s0 =	simm.s32 @!p2 $0x0  }
0x16: {  	s3 =	sld [smem:$0x3FDB];
	s0 =	simm.s32 @p2 $0x1  }
0x17: {  	s4 =	simm.s32 $0x1BF5;
	[smem:$0x3FB5] =	sst s0  }
0x18: {  	s0 =	sld [smem:$0x3F98];
	_ =	swait.ge [sflag:s4], $0x0  }
0x19: {  	s7 =	sld [smem:$0x3F99]  }
0x1a: {  	s8 =	sadd.s32 $0xFFFFE003, lr  }
0x1b: {  	s9 =	sadd.s32 $0xFFFFFEF7, lr;
	s5 =	simm.s32 $0xFFFFFFFF;
	p2 =	slt.u32 s8, $0xFFFFF086  }
0x1c: {  	p1 =	slt.u32 s9, $0xF7A;
	s5 =	simm.s32 @!p2 $0x0  }
0x1d: {  	s5 =	simm.s32 @p1 $0x1;
	p0 =	seq.s32 s7, s2  }
0x1e: {  	s7 =	smul.u32 @!p0 $0xF7A, s2;
	p2 =	seq.s32 @!p0 s5, $0x0  }
0x1f: {  	s9 =	smul.u32 $0xF7A, s1;
	s8 =	simm.s32 @!p0 $0x1BF5;
	p2 =	por !p2, p0  }
0x20: {  	[sflag:s8] =	ssyncset.s32 @!p0 $0xFFFFF086;
	s6 =	sadd.s32 @!p0 s3, s7;
	s7 =	simm.s32 @!p0 $0x108  }
0x21: {  	s3 =	sadd.s32 s3, s9;
	s6 =	sadd.s32 @!p0 $0x88, s6;
	s7 =	simm.s32 @p2 $0x1082  }
0x22: {  	[simem:s7], [sflag:s8] =	dma.local @!p0 [hbm:s6], $0xF7A  }
0x23: {  	s9 =	sor.u32 $0xD0000000, s2;
	s6 =	simm.s32 $0x108;
	_ =	swait.ge @!p0 [sflag:s8], $0x0  }
0x24: {  	s3 =	sadd.s32 $0x88, s3;
	s6 =	simm.s32 @!p1 $0x1082;
	[sflag:s4] =	ssyncset.s32 $0xFFFFF086  }
0x25: {  	[simem:s6], [sflag:s4] =	dma.local [hbm:s3], $0xF7A  }
0x26: {  	[smem:$0x3F99] =	sst s1;
	(tag) =	ssettag s2;
	_ =	strace s9  }
0x27: {  	s1 =	sld [smem:$0x3FA9]  }
0x28: {  	s2 =	sld [smem:$0x3FAA]  }
0x29: {  	s4 =	sld [smem:$0x3FAC]  }
0x2a: {  	p0 =	seq.s32 s5, $0x0;
	s5 =	sld [smem:$0x3FAD]  }
0x2b: {  	s6 =	sld [smem:$0x3FAE]  }
0x2c: {  	s7 =	sld [smem:$0x3FAF]  }
0x2d: {  	s3 =	simm.s32 $0x108;
	s8 =	sld [smem:$0x3FB0]  }
0x2e: {  	s3 =	simm.s32 @!p0 $0x1082;
	s9 =	sld [smem:$0x3FB1]  }
0x2f: {  	lr =	sadd.s32 s0, s3;
	s0 =	sld [smem:$0x3FA8]  }
0x30: {  	s3 =	sld [smem:$0x3FAB]  }
0x31: {  	[smem:$0x3FB4] =	sst s10  }
0x32: {  	s10 =	sld [smem:$0x3FB2];
	_ =	sdelay $0x3  }
0x33: {  	p0 =	seq.s32 s10, $0x1;
	s10 =	sld [smem:$0x3FB4];
	_ =	sdelay $0x3  }
0x34: {  	[smem:$0x3FB4] =	sst s10  }
0x35: {  	s10 =	sld [smem:$0x3FB3];
	_ =	sdelay $0x3  }
0x36: {  	p1 =	seq.s32 s10, $0x1;
	s10 =	sld [smem:$0x3FB4];
	_ =	sdelay $0x3  }
0x37: {  	[smem:$0x3FB4] =	sst s10  }
0x38: {  	s10 =	sld [smem:$0x3FB5]  }
0x39: {  	_ = 	snop;
	(pc) =	sbr.ind lr, $3  }
0x3a: {  	_ = 	snop  }
0x3b: {  	_ = 	snop  }
0x3c: {  	p2 =	seq.s32 s10, $0x1;
	s10 =	sld [smem:$0x3FB4]  }
0x3d: {  	_ =	shalt  }
0x3e: {  	_ =	shalt  }
0x3f: {  	_ =	shalt  }
0x40: {  	_ =	shalt  }
0x41: {  	_ =	shalt  }
0x42: {  	_ =	shalt  }
0x43: {  	_ =	shalt  }
0x44: {  	_ =	shalt  }
0x45: {  	_ =	shalt  }
0x46: {  	_ =	shalt  }
0x47: {  	_ =	shalt  }
0x48: {  	_ =	shalt  }
0x49: {  	_ =	shalt  }
0x4a: {  	_ =	shalt  }
0x4b: {  	_ =	shalt  }
0x4c: {  	_ =	shalt  }
0x4d: {  	_ =	shalt  }
0x4e: {  	_ =	shalt  }
0x4f: {  	_ =	shalt  }
0x50: {  	_ =	shalt  }
0x51: {  	_ =	shalt  }
0x52: {  	_ =	shalt  }
0x53: {  	_ =	shalt  }
0x54: {  	_ =	shalt  }
0x55: {  	_ =	shalt  }
0x56: {  	_ =	shalt  }
0x57: {  	_ =	shalt  }
0x58: {  	_ =	shalt  }
0x59: {  	_ =	shalt  }
0x5a: {  	_ =	shalt  }
0x5b: {  	_ =	shalt  }
0x5c: {  	_ =	shalt  }
0x5d: {  	_ =	shalt  }
0x5e: {  	_ =	shalt  }
0x5f: {  	_ =	shalt  }
0x60: {  	_ =	shalt  }
0x61: {  	_ =	shalt  }
0x62: {  	_ =	shalt  }
0x63: {  	_ =	shalt  }
0x64: {  	_ =	shalt  }
0x65: {  	_ =	shalt  }
0x66: {  	_ =	shalt  }
0x67: {  	_ =	shalt  }
0x68: {  	_ =	shalt  }
0x69: {  	_ =	shalt  }
0x6a: {  	_ =	shalt  }
0x6b: {  	_ =	shalt  }
0x6c: {  	_ =	shalt  }
0x6d: {  	_ =	shalt  }
0x6e: {  	_ =	shalt  }
0x6f: {  	_ =	shalt  }
0x70: {  	_ =	shalt  }
0x71: {  	_ =	shalt  }
0x72: {  	_ =	shalt  }
0x73: {  	_ =	shalt  }
0x74: {  	_ =	shalt  }
0x75: {  	_ =	shalt  }
0x76: {  	_ =	shalt  }
0x77: {  	_ =	shalt  }
0x78: {  	_ =	shalt  }
0x79: {  	_ =	shalt  }
0x7a: {  	_ =	shalt  }
0x7b: {  	_ =	shalt  }
0x7c: {  	_ =	shalt  }
0x7d: {  	_ =	shalt  }
0x7e: {  	_ =	shalt  }
0x7f: {  	_ =	shalt  }
0x80: {  	_ =	shalt  }
0x81: {  	_ =	shalt  }
0x82: {  	_ =	shalt  }
0x83: {  	_ =	shalt  }
0x84: {  	_ =	shalt  }
0x85: {  	_ =	shalt  }
0x86: {  	_ =	shalt  }
0x87: {  	_ =	shalt  }
.Lfunc_end0:
.L_simem_size_0:
called_computation.2_lowered:
.L_overlay_start_0:
0x88: {  	s2 =	sld [smem:$0x3FD9]  }
0x89: {  	s3 =	sld [smem:$0x3FFE];
	_ =	sdelay $0x1  }
0x8a: {  	s1 =	srdreg.scid  }
0x8b: {  	s0 =	sand.u32 $0x1, s1  }
0x8c: {  	s16 =	sshll.u32 s0, $0xA;
	s2 =	sadd.s32 s3, s2  }
0x8d: {  	s2 =	sadd.s32 s2, s16  }
0x8e: {  	[smem:$0x3FC0] =	sst s2  }
0x8f: {  	_ = 	snop  }
0x90: {  	(tm) =	ssettm $0x1  }
0x91: {  	s17 =	sld [smem:$0x3FFB];
	_ =	sdelay $0x3  }
0x92: {  	_ =	strace s17  }
0x93: {  	s2 =	sld [smem:$0x3FFC];
	_ =	sdelay $0x3  }
0x94: {  	_ =	strace s2  }
0x95: {  	s2 =	sld [smem:$0x3FFD];
	_ =	sdelay $0x3  }
0x96: {  	_ =	strace s2  }
0x97: {  	_ =	strace $0x8FFFFFFF  }
0x98: {  	s18 =	sld [smem:$0x3FDB];
	_ =	sdelay $0x1  }
0x99: {  	s19 =	simm.s32 $_scs_section_size  }
0x9a: {  	s4 =	simm.s32 $_size__tile_overlayer_lowered;
	s5 =	simm.s32 $_tile_overlayer_lowered  }
0x9b: {  	s22 =	simm.s32 $0x1BFF;
	s21 =	sshll.u32 s5, $0x1;
	s2 =	sadd.s32 s19, s18  }
0x9c: {  	s6 =	simm.s32 $0x0;
	s20 =	sshll.u32 s4, $0x1;
	s4 =	sadd.s32 s21, s2  }
0x9d: {  	[timem:s6], [sflag:s22] =	dma.local [hbm:s4], s20  }
0x9e: {  	_ =	swait.ge [sflag:s22], s20  }
0x9f: {  	s3 =	ssub.s32 $0x0, s20;
	[sflag:s22] =	ssyncset.done $0x0  }
0xa0: {  	[sflag:s22] =	ssyncadd.s32 s3;
	_ =	sdelay $0x1  }
0xa1: {  	s23 =	simm.s32 $0x1B8B  }
0xa2: {  	_ =	swait.ge [sflag:s23], $0x1  }
0xa3: {  	[sflag:s23] =	ssyncset.done $0x0  }
0xa4: {  	s25 =	simm.s32 $0x1B8E;
	s24 =	sld [smem:$0x3FFE];
	[sflag:s23] =	ssyncadd.s32 $0xFFFFFFFF  }
0xa5: {  	s26 =	simm.s32 $execute0_lowered;
	[smem:$0x3FD2] =	sst s25  }
0xa6: {  	s4 =	sshll.u32 s26, $0x1;
	_ =	strace $0x8000004C;
	[dreg:$0x1] =	wrdreg $0xFFFFFFFF  }
0xa7: {  	s28 =	simm.s32 $_size_execute0_lowered;
	s2 =	sadd.s32 s2, s4;
	[dreg:$0x0] =	wrdreg $0x0  }
0xa8: {  	s4 =	sshll.u32 s28, $0x1;
	[dreg:$0x2] =	wrdreg s2  }
0xa9: {  	[dreg:$0x3] =	wrdreg s4  }
0xaa: {  	[dreg:$0x4] =	wrdreg $0xC0  }
0xab: {  	_ =	task [dreg:s6], $0x5FFFF  }
0xac: {  	[dreg:$0x1] =	wrdreg $0xFFFFFFFF  }
0xad: {  	[dreg:$0x0] =	wrdreg $0x60  }
0xae: {  	[dreg:$0x2] =	wrdreg s24  }
0xaf: {  	[dreg:$0x3] =	wrdreg $0x98000  }
0xb0: {  	[dreg:$0x4] =	wrdreg $0x9  }
0xb1: {  	_ =	task.clear_ibuf [dreg:s6], $0x5FFFF;
	_ =	strace $0x9000004C  }
0xb2: {  	s29 =	simm.s32 $0x9;
	_ =	strace $0x8000004E  }
0xb3: {  	_ =	swait.ge [sflag:s29], $0x1  }
0xb4: {  	[sflag:s29] =	ssyncadd.s32 $0xFFFFFFFF  }
0xb5: {  	_ =	strace $0x9000004E  }
0xb6: {  	_ =	sfence  }
0xb7: {  	s30 =	sld [smem:$0x0];
	_ =	sdelay $0x2  }
0xb8: {  	s31 =	sshll.u32 s1, $0xD;
	s1 =	sshrl.u32 s1, $0x2  }
0xb9: {  	s3 =	sand.u32 $0x4000, s31;
	s1 =	sadd.s32 s1, s30  }
0xba: {  	s0 =	sor.u32 s3, s0;
	s1 =	sshll.u32 s1, $0x11  }
0xbb: {  	s0 =	sor.u32 s1, s0  }
0xbc: {  	s0 =	sadd.s32 $0x8F2B, s0  }
0xbd: {  	[sflag:s0] =	ssyncadd.remote.s32 $0x1  }
0xbe: {  	_ =	sfence.sel $0xFFFF  }
0xbf: {  	[dreg:$0x0] =	wrdreg $0xFFFFFFFF;
	(pc) =	sbr.abs _section_cstart, $3  }
0xc0: {  	[dreg:$0x1] =	wrdreg $0xFFFFFFFF  }
0xc1: {  	_ =	task.clear_ibuf [dreg:s6], $0x2FFFF;
	_ =	strace $0x9FFFFFFF  }
0xc2: {  	(tm) =	ssettm $0x7FFFFFFF  }
0xc3: {  	_ =	shalt  }
tec
execute0_lowered:
.L_overlay_start_1:
0x0: {  	(tag) =	ssettag $0x1  }
0x1: {  	s5 =	rddreg [dreg:$0x0]  }
0x2: {  	s1 =	rddreg [dreg:$0x1]  }
0x3: {  	s2 =	srdreg.scid;
	s0 =	rddreg [dreg:$0x2]  }
0x4: {  	s3 =	simm.s32 $0x0;
	s14 =	simm.s32 $0x2000;
	s15 =	simm.s32 $0x58  }
0x5: {  	s16 =	simm.s32 $0x1;
	s17 =	simm.s32 $0x6C00;
	s18 =	simm.s32 $0x1F80  }
0x6: {  	s19 =	simm.s32 $0x3F00;
	s20 =	simm.s32 $0x3F80;
	s21 =	simm.s32 $0x1880  }
0x7: {  	s22 =	simm.s32 $0x3800;
	s23 =	simm.s32 $0x3880;
	s6 =	sand.u32 $0x1, s2  }
0x8: {  	s2 =	stileid.u32;
	[smem:$0x7FF] =	sst s3;
	s4 =	sadd.s32 $0x85400, s5  }
0x9: {  	s10 =	sadd.s32 $0x67400, s5;
	s11 =	sadd.s32 $0x76400, s5;
	s7 =	smul.u32 $0x13C000, s6  }
0xa: {  	s8 =	smul.u32 $0x13C00, s2;
	_ =	strace $0x8000004D;
	s9 =	sshll.u32 s2, $0x1  }
0xb: {  	s28 =	smul.u32 $0x4F000, s2;
	s29 =	ssub.s32 $0x2, s6;
	s26 =	sor.u32 s6, s9  }
0xc: {  	s6 =	sshrl.u32 s29, $0x1;
	s7 =	sadd.s32 s8, s7;
	s8 =	smul.u32 $0x3C00, s26  }
0xd: {  	s30 =	sshrl.u32 s28, $0x2;
	s13 =	ssub.s32 s29, s6;
	s7 =	sshrl.u32 s7, $0x3  }
0xe: {  	s12 =	sadd.s32 s7, s5;
	s8 =	sshrl.u32 s8, $0x3;
	s5 =	sadd.s32 s30, s1  }
0xf: {  	s31 =	sadd.s32 $0x400, s8;
	s6 =	sadd.s32 s10, s8;
	s7 =	sadd.s32 s11, s8  }
0x10: {  	s8 =	sadd.s32 s10, s31;
	s9 =	sadd.s32 s11, s31;
	s10 =	sadd.s32 $0xACC00, s12  }
0x11: {  	v0 =	vimm.f32 $0.0e+00;
	s11 =	smax.u32 s13, $0x1;
	s12 =	simm.s32 $0x4000;
	s13 =	simm.s32 $0x2  }
.LBB2_1:
0x12: {  	[tilespmem:$0x4000] =	vst v0  }
0x13: {  	[tilespmem:$0x4080] =	vst v0  }
0x14: {  	[tilespmem:$0x4100] =	vst v0  }
0x15: {  	[tilespmem:$0x4180] =	vst v0  }
0x16: {  	[tilespmem:$0x4200] =	vst v0  }
0x17: {  	[tilespmem:$0x4280] =	vst v0  }
0x18: {  	[tilespmem:$0x4300] =	vst v0  }
0x19: {  	[tilespmem:$0x4380] =	vst v0  }
0x1a: {  	[tilespmem:$0x4010] =	vst v0  }
0x1b: {  	[tilespmem:$0x4090] =	vst v0  }
0x1c: {  	[tilespmem:$0x4110] =	vst v0  }
0x1d: {  	[tilespmem:$0x4190] =	vst v0  }
0x1e: {  	[tilespmem:$0x4210] =	vst v0  }
0x1f: {  	[tilespmem:$0x4290] =	vst v0  }
0x20: {  	[tilespmem:$0x4310] =	vst v0  }
0x21: {  	[tilespmem:$0x4390] =	vst v0  }
0x22: {  	[tilespmem:$0x4020] =	vst v0  }
0x23: {  	[tilespmem:$0x40A0] =	vst v0  }
0x24: {  	[tilespmem:$0x4120] =	vst v0  }
0x25: {  	[tilespmem:$0x41A0] =	vst v0  }
0x26: {  	[tilespmem:$0x4220] =	vst v0  }
0x27: {  	[tilespmem:$0x42A0] =	vst v0  }
0x28: {  	[tilespmem:$0x4320] =	vst v0  }
0x29: {  	[tilespmem:$0x43A0] =	vst v0  }
0x2a: {  	[tilespmem:$0x4030] =	vst v0  }
0x2b: {  	[tilespmem:$0x40B0] =	vst v0  }
0x2c: {  	[tilespmem:$0x4130] =	vst v0  }
0x2d: {  	[tilespmem:$0x41B0] =	vst v0  }
0x2e: {  	[tilespmem:$0x4230] =	vst v0  }
0x2f: {  	[tilespmem:$0x42B0] =	vst v0  }
0x30: {  	[tilespmem:$0x4330] =	vst v0  }
0x31: {  	[tilespmem:$0x43B0] =	vst v0  }
0x32: {  	[tilespmem:$0x4040] =	vst v0  }
0x33: {  	[tilespmem:$0x40C0] =	vst v0  }
0x34: {  	[tilespmem:$0x4140] =	vst v0  }
0x35: {  	[tilespmem:$0x41C0] =	vst v0  }
0x36: {  	[tilespmem:$0x4240] =	vst v0  }
0x37: {  	[tilespmem:$0x42C0] =	vst v0  }
0x38: {  	[tilespmem:$0x4340] =	vst v0  }
0x39: {  	[tilespmem:$0x43C0] =	vst v0  }
0x3a: {  	[tilespmem:$0x4050] =	vst v0  }
0x3b: {  	[tilespmem:$0x40D0] =	vst v0  }
0x3c: {  	[tilespmem:$0x4150] =	vst v0  }
0x3d: {  	[tilespmem:$0x41D0] =	vst v0  }
0x3e: {  	[tilespmem:$0x4250] =	vst v0  }
0x3f: {  	[tilespmem:$0x42D0] =	vst v0  }
0x40: {  	[tilespmem:$0x4350] =	vst v0  }
0x41: {  	[tilespmem:$0x43D0] =	vst v0  }
0x42: {  	[tilespmem:$0x4060] =	vst v0  }
0x43: {  	[tilespmem:$0x40E0] =	vst v0  }
0x44: {  	[tilespmem:$0x4160] =	vst v0  }
0x45: {  	[tilespmem:$0x41E0] =	vst v0  }
0x46: {  	[tilespmem:$0x4260] =	vst v0  }
0x47: {  	[tilespmem:$0x42E0] =	vst v0  }
0x48: {  	[tilespmem:$0x4360] =	vst v0  }
0x49: {  	[tilespmem:$0x43E0] =	vst v0  }
0x4a: {  	[tilespmem:$0x4070] =	vst v0  }
0x4b: {  	[tilespmem:$0x40F0] =	vst v0  }
0x4c: {  	[tilespmem:$0x4170] =	vst v0  }
0x4d: {  	[tilespmem:$0x41F0] =	vst v0  }
0x4e: {  	[tilespmem:$0x4270] =	vst v0  }
0x4f: {  	[tilespmem:$0x42F0] =	vst v0  }
0x50: {  	[tilespmem:$0x4370] =	vst v0  }
0x51: {  	[tilespmem:$0x43F0] =	vst v0;
	s24 =	sadd.s32 $0x0, s5  }
0x52: {  	[spmem:s24] =	stream.linear.scatter [tilespmem:s12], [sflag:$0x2], $0x400, $0x38;
	[tilespmem:$0x1D400] =	vst v63  }
0x53: {  	s24 =	simm.s32 $0x1000;
	_ =	swait.ge [sflag:s13], $0x400  }
.LBB2_2:
0x54: {  	s25 =	sshra.s32 s24, $0x2;
	[sflag:s13] =	ssyncset.done $0x0;
	p0 =	sne.s32 s24, $0x4E000  }
.Ltmp0:
0x55: {  	s25 =	sadd.s32 s25, s5;
	[sflag:s13] =	ssyncadd.s32 $0xFFFFFC00;
	(pc) =	sbr.rel @p0 .LBB2_2-.Ltmp0, $3  }
0x56: {  	[spmem:s25] =	stream.linear.scatter [tilespmem:s12], [sflag:$0x2], $0x400, $0x38;
	[tilespmem:$0x1D400] =	vst v63  }
0x57: {  	s24 =	sadd.s32 $0x1000, s24;
	_ =	sdelay $0x1  }
0x58: {  	_ =	swait.ge [sflag:s13], $0x400  }
0x59: {  	[sflag:s13] =	ssyncset.done $0x0  }
0x5a: {  	[sflag:s13] =	ssyncadd.s32 $0xFFFFFC00  }
0x5b: {  	s24 =	simm.s32 $0x0;
	[bflag:$0x0] =	sbarrier.arrive $0xFFFF  }
0x5c: {  	[tilespmem:s24], [sflag:$0x2] =	stream.linear.gather [hbm4b:s6+s24], $0x2000, $0x38;
	[tilespmem:$0x1D400] =	vst v63  }
0x5d: {  	_ =	swait.ge [sflag:s13], $0x2000  }
0x5e: {  	[sflag:s13] =	ssyncset.done $0x0  }
0x5f: {  	[sflag:s13] =	ssyncadd.s32 $0xFFFFE000  }
0x60: {  	[tilespmem:s14], [sflag:$0x2] =	stream.linear.gather [hbm4b:s7+s24], $0x2000, $0x38;
	[tilespmem:$0x1D400] =	vst v63  }
0x61: {  	_ =	swait.ge [sflag:s13], $0x2000  }
0x62: {  	[sflag:s13] =	ssyncset.done $0x0  }
0x63: {  	[sflag:s13] =	ssyncadd.s32 $0xFFFFE000  }
0x64: {  	[tilespmem:s12], [sflag:$0x1] =	stream.indirect.gather [hbm4b:s4+s15], $0x80, s24, s15, $0xb8;
	[tilespmem:$0x1D400] =	vst v63  }
0x65: {  	_ =	swait.ge [sflag:s16], $0x2C00  }
0x66: {  	[sflag:s16] =	ssyncset.done $0x0  }
0x67: {  	s28 =	simm.s32 $0x80;
	[sflag:s16] =	ssyncadd.s32 $0xFFFFD400  }
0x68: {  	[tilespmem:s17], [sflag:$0x1] =	stream.indirect.gather [hbm4b:s4+s15], $0x80, s28, s15, $0xb8;
	[tilespmem:$0x1D400] =	vst v63  }
0x69: {  	s29 =	simm.s32 $0x2000  }
0x6a: {  	[spmem:s1] =	stream.indirect.scatter.add.f32 [tilespmem:s12], [sflag:$0x2], $0x80, s29, s15, $0xb8;
	[tilespmem:$0x1D400] =	vst v63  }
0x6b: {  	_ =	swait.ge [sflag:s13], $0x2C00  }
0x6c: {  	[sflag:s13] =	ssyncset.done $0x0  }
0x6d: {  	[sflag:s13] =	ssyncadd.s32 $0xFFFFD400  }
0x6e: {  	_ =	swait.ge [sflag:s16], $0x2C00  }
0x6f: {  	[sflag:s16] =	ssyncset.done $0x0  }
0x70: {  	s30 =	simm.s32 $0x100;
	[sflag:s16] =	ssyncadd.s32 $0xFFFFD400  }
0x71: {  	[tilespmem:s12], [sflag:$0x1] =	stream.indirect.gather [hbm4b:s4+s15], $0x80, s30, s15, $0xb8;
	[tilespmem:$0x1D400] =	vst v63  }
0x72: {  	s31 =	simm.s32 $0x2080  }
0x73: {  	[spmem:s1] =	stream.indirect.scatter.add.f32 [tilespmem:s17], [sflag:$0x2], $0x80, s31, s15, $0xb8;
	[tilespmem:$0x1D400] =	vst v63  }
0x74: {  	_ =	swait.ge [sflag:s13], $0x2C00  }
0x75: {  	s24 =	simm.s32 $0x400;
	[sflag:s13] =	ssyncset.done $0x0  }
.LBB2_4:
0x76: {  	p0 =	sne.s32 s24, $0x7800  }
0x77: {  	[sflag:s13] =	ssyncadd.s32 $0xFFFFD400;
	s25 =	smov.u32 s24;
	s24 =	sadd.s32 $0x400, s24  }
0x78: {  	_ = 	snop  }
0x79: {  	_ =	swait.ge [sflag:s16], $0x2C00  }
0x7a: {  	s25 =	sshra.s32 s25, $0x2;
	[sflag:s16] =	ssyncset.done $0x0  }
0x7b: {  	s26 =	sadd.s32 $0x80, s25;
	[sflag:s16] =	ssyncadd.s32 $0xFFFFD400  }
0x7c: {  	[tilespmem:s17], [sflag:$0x1] =	stream.indirect.gather [hbm4b:s4+s15], $0x80, s26, s15, $0xb8;
	[tilespmem:$0x1D400] =	vst v63  }
0x7d: {  	s26 =	sadd.s32 $0x2000, s25  }
0x7e: {  	[spmem:s1] =	stream.indirect.scatter.add.f32 [tilespmem:s12], [sflag:$0x2], $0x80, s26, s15, $0xb8;
	[tilespmem:$0x1D400] =	vst v63  }
0x7f: {  	_ =	swait.ge [sflag:s13], $0x2C00  }
0x80: {  	[sflag:s13] =	ssyncset.done $0x0  }
0x81: {  	[sflag:s13] =	ssyncadd.s32 $0xFFFFD400  }
0x82: {  	_ =	swait.ge [sflag:s16], $0x2C00  }
0x83: {  	[sflag:s16] =	ssyncset.done $0x0  }
0x84: {  	s26 =	sadd.s32 $0x100, s25;
	[sflag:s16] =	ssyncadd.s32 $0xFFFFD400  }
0x85: {  	[tilespmem:s12], [sflag:$0x1] =	stream.indirect.gather [hbm4b:s4+s15], $0x80, s26, s15, $0xb8;
	[tilespmem:$0x1D400] =	vst v63  }
.Ltmp1:
0x86: {  	_ = 	snop;
	(pc) =	sbr.rel @p0 .LBB2_4-.Ltmp1, $4  }
0x87: {  	s25 =	sadd.s32 $0x2080, s25  }
0x88: {  	[spmem:s1] =	stream.indirect.scatter.add.f32 [tilespmem:s17], [sflag:$0x2], $0x80, s25, s15, $0xb8;
	[tilespmem:$0x1D400] =	vst v63  }
0x89: {  	_ =	swait.ge [sflag:s13], $0x2C00  }
0x8a: {  	[sflag:s13] =	ssyncset.done $0x0  }
0x8b: {  	[sflag:s13] =	ssyncadd.s32 $0xFFFFD400  }
0x8c: {  	_ =	swait.ge [sflag:s16], $0x2C00  }
0x8d: {  	[sflag:s16] =	ssyncset.done $0x0  }
0x8e: {  	[sflag:s16] =	ssyncadd.s32 $0xFFFFD400  }
0x8f: {  	[tilespmem:s17], [sflag:$0x1] =	stream.indirect.gather [hbm4b:s4+s15], $0x80, s18, s15, $0xb8;
	[tilespmem:$0x1D400] =	vst v63  }
0x90: {  	_ = 	snop  }
0x91: {  	[spmem:s1] =	stream.indirect.scatter.add.f32 [tilespmem:s12], [sflag:$0x2], $0x80, s19, s15, $0xb8;
	[tilespmem:$0x1D400] =	vst v63  }
0x92: {  	_ =	swait.ge [sflag:s13], $0x2C00  }
0x93: {  	[sflag:s13] =	ssyncset.done $0x0  }
0x94: {  	[sflag:s13] =	ssyncadd.s32 $0xFFFFD400  }
0x95: {  	_ =	swait.ge [sflag:s16], $0x2C00  }
0x96: {  	[sflag:s16] =	ssyncset.done $0x0  }
0x97: {  	[sflag:s16] =	ssyncadd.s32 $0xFFFFD400  }
0x98: {  	[spmem:s1] =	stream.indirect.scatter.add.f32 [tilespmem:s17], [sflag:$0x2], $0x80, s20, s15, $0xb8;
	[tilespmem:$0x1D400] =	vst v63  }
0x99: {  	_ =	swait.ge [sflag:s13], $0x2C00  }
0x9a: {  	[sflag:s13] =	ssyncset.done $0x0  }
0x9b: {  	s24 =	simm.s32 $0x0;
	[sflag:s13] =	ssyncadd.s32 $0xFFFFD400  }
0x9c: {  	[tilespmem:s24], [sflag:$0x2] =	stream.linear.gather [hbm4b:s8+s24], $0x1900, $0x38;
	[tilespmem:$0x1D400] =	vst v63  }
0x9d: {  	_ =	swait.ge [sflag:s13], $0x1900  }
0x9e: {  	[sflag:s13] =	ssyncset.done $0x0  }
0x9f: {  	[sflag:s13] =	ssyncadd.s32 $0xFFFFE700  }
0xa0: {  	[tilespmem:s14], [sflag:$0x2] =	stream.linear.gather [hbm4b:s9+s24], $0x1900, $0x38;
	[tilespmem:$0x1D400] =	vst v63  }
0xa1: {  	_ =	swait.ge [sflag:s13], $0x1900  }
0xa2: {  	[sflag:s13] =	ssyncset.done $0x0  }
0xa3: {  	[sflag:s13] =	ssyncadd.s32 $0xFFFFE700  }
0xa4: {  	[tilespmem:s12], [sflag:$0x1] =	stream.indirect.gather [hbm4b:s4+s15], $0x80, s24, s15, $0xb8;
	[tilespmem:$0x1D400] =	vst v63  }
0xa5: {  	_ =	swait.ge [sflag:s16], $0x2C00  }
0xa6: {  	[sflag:s16] =	ssyncset.done $0x0  }
0xa7: {  	s28 =	simm.s32 $0x80;
	[sflag:s16] =	ssyncadd.s32 $0xFFFFD400  }
0xa8: {  	[tilespmem:s17], [sflag:$0x1] =	stream.indirect.gather [hbm4b:s4+s15], $0x80, s28, s15, $0xb8;
	[tilespmem:$0x1D400] =	vst v63  }
0xa9: {  	s29 =	simm.s32 $0x2000  }
0xaa: {  	[spmem:s1] =	stream.indirect.scatter.add.f32 [tilespmem:s12], [sflag:$0x2], $0x80, s29, s15, $0xb8;
	[tilespmem:$0x1D400] =	vst v63  }
0xab: {  	_ =	swait.ge [sflag:s13], $0x2C00  }
0xac: {  	[sflag:s13] =	ssyncset.done $0x0  }
0xad: {  	[sflag:s13] =	ssyncadd.s32 $0xFFFFD400  }
0xae: {  	_ =	swait.ge [sflag:s16], $0x2C00  }
0xaf: {  	[sflag:s16] =	ssyncset.done $0x0  }
0xb0: {  	s30 =	simm.s32 $0x100;
	[sflag:s16] =	ssyncadd.s32 $0xFFFFD400  }
0xb1: {  	[tilespmem:s12], [sflag:$0x1] =	stream.indirect.gather [hbm4b:s4+s15], $0x80, s30, s15, $0xb8;
	[tilespmem:$0x1D400] =	vst v63  }
0xb2: {  	s31 =	simm.s32 $0x2080  }
0xb3: {  	[spmem:s1] =	stream.indirect.scatter.add.f32 [tilespmem:s17], [sflag:$0x2], $0x80, s31, s15, $0xb8;
	[tilespmem:$0x1D400] =	vst v63  }
0xb4: {  	_ =	swait.ge [sflag:s13], $0x2C00  }
0xb5: {  	s24 =	simm.s32 $0x400;
	[sflag:s13] =	ssyncset.done $0x0  }
.LBB2_6:
0xb6: {  	p0 =	sne.s32 s24, $0x5C00  }
0xb7: {  	[sflag:s13] =	ssyncadd.s32 $0xFFFFD400;
	s25 =	smov.u32 s24;
	s24 =	sadd.s32 $0x400, s24  }
0xb8: {  	_ = 	snop  }
0xb9: {  	_ =	swait.ge [sflag:s16], $0x2C00  }
0xba: {  	s25 =	sshra.s32 s25, $0x2;
	[sflag:s16] =	ssyncset.done $0x0  }
0xbb: {  	s26 =	sadd.s32 $0x80, s25;
	[sflag:s16] =	ssyncadd.s32 $0xFFFFD400  }
0xbc: {  	[tilespmem:s17], [sflag:$0x1] =	stream.indirect.gather [hbm4b:s4+s15], $0x80, s26, s15, $0xb8;
	[tilespmem:$0x1D400] =	vst v63  }
0xbd: {  	s26 =	sadd.s32 $0x2000, s25  }
0xbe: {  	[spmem:s1] =	stream.indirect.scatter.add.f32 [tilespmem:s12], [sflag:$0x2], $0x80, s26, s15, $0xb8;
	[tilespmem:$0x1D400] =	vst v63  }
0xbf: {  	_ =	swait.ge [sflag:s13], $0x2C00  }
0xc0: {  	[sflag:s13] =	ssyncset.done $0x0  }
0xc1: {  	[sflag:s13] =	ssyncadd.s32 $0xFFFFD400  }
0xc2: {  	_ =	swait.ge [sflag:s16], $0x2C00  }
0xc3: {  	[sflag:s16] =	ssyncset.done $0x0  }
0xc4: {  	s26 =	sadd.s32 $0x100, s25;
	[sflag:s16] =	ssyncadd.s32 $0xFFFFD400  }
0xc5: {  	[tilespmem:s12], [sflag:$0x1] =	stream.indirect.gather [hbm4b:s4+s15], $0x80, s26, s15, $0xb8;
	[tilespmem:$0x1D400] =	vst v63  }
.Ltmp2:
0xc6: {  	_ = 	snop;
	(pc) =	sbr.rel @p0 .LBB2_6-.Ltmp2, $4  }
0xc7: {  	s25 =	sadd.s32 $0x2080, s25  }
0xc8: {  	[spmem:s1] =	stream.indirect.scatter.add.f32 [tilespmem:s17], [sflag:$0x2], $0x80, s25, s15, $0xb8;
	[tilespmem:$0x1D400] =	vst v63  }
0xc9: {  	_ =	swait.ge [sflag:s13], $0x2C00  }
0xca: {  	[sflag:s13] =	ssyncset.done $0x0  }
0xcb: {  	[sflag:s13] =	ssyncadd.s32 $0xFFFFD400  }
0xcc: {  	_ =	swait.ge [sflag:s16], $0x2C00  }
0xcd: {  	[sflag:s16] =	ssyncset.done $0x0  }
0xce: {  	[sflag:s16] =	ssyncadd.s32 $0xFFFFD400  }
0xcf: {  	[tilespmem:s17], [sflag:$0x1] =	stream.indirect.gather [hbm4b:s4+s15], $0x80, s21, s15, $0xb8;
	[tilespmem:$0x1D400] =	vst v63  }
0xd0: {  	_ = 	snop  }
0xd1: {  	[spmem:s1] =	stream.indirect.scatter.add.f32 [tilespmem:s12], [sflag:$0x2], $0x80, s22, s15, $0xb8;
	[tilespmem:$0x1D400] =	vst v63  }
0xd2: {  	_ =	swait.ge [sflag:s13], $0x2C00  }
0xd3: {  	[sflag:s13] =	ssyncset.done $0x0  }
0xd4: {  	[sflag:s13] =	ssyncadd.s32 $0xFFFFD400  }
0xd5: {  	_ =	swait.ge [sflag:s16], $0x2C00  }
0xd6: {  	[sflag:s16] =	ssyncset.done $0x0  }
0xd7: {  	[sflag:s16] =	ssyncadd.s32 $0xFFFFD400  }
0xd8: {  	[spmem:s1] =	stream.indirect.scatter.add.f32 [tilespmem:s17], [sflag:$0x2], $0x80, s23, s15, $0xb8;
	[tilespmem:$0x1D400] =	vst v63  }
0xd9: {  	_ =	swait.ge [sflag:s13], $0x2C00  }
0xda: {  	s24 =	sshll.u32 s2, $0x6;
	s3 =	sadd.s32 $0x1, s3;
	[sflag:s13] =	ssyncset.done $0x0  }
0xdb: {  	s25 =	sshrl.u32 s5, $0x3;
	p0 =	sne.s32 s3, s11;
	[sflag:s13] =	ssyncadd.s32 $0xFFFFD400  }
.Ltmp3:
0xdc: {  	s24 =	sor.u32 $0x1C02, s24;
	[bflag:$0x0] =	sbarrier.arrive $0xFFFF;
	(pc) =	sbr.rel @p0 .LBB2_1-.Ltmp3, $4  }
0xdd: {  	[hbm:s10], [sflag:s24] =	dma.local [spmem:s25], $0x2780  }
0xde: {  	_ =	swait.ge [sflag:s13], $0x2780  }
0xdf: {  	[sflag:s13] =	ssyncset.done $0x0  }
0xe0: {  	[sflag:s13] =	ssyncadd.s32 $0xFFFFD880  }
0xe1: {  	_ =	sfence.sel $0x180000  }
0xe2: {  	[bflag:$0x0] =	sbarrier.arrive $0xFFFF  }
0xe3: {  	p0 =	sne.s32 s2, $0x0;
	_ =	strace $0x9000004D  }
0xe4: {  	s0 =	sadd.s32 @!p0 $0x100000, s0;
	[bflag:$0x2] =	sbarrier.arrive $0xFFFF  }
0xe5: {  	[sflag:s0] =	ssyncadd.tile.s32 @!p0 $0x1;
	_ =	shalt  }
.Lfunc_end2:
_tile_overlayer_lowered:
.L_overlay_start_2:
0xe6: {  	(tag) =	ssettag $0x2  }
0xe7: {  	s0 =	rddreg [dreg:$0x0];
	s2 =	stileid.u32  }
0xe8: {  	s1 =	rddreg [dreg:$0x1];
	p0 =	sne.s32 s2, $0x0  }
0xe9: {  	s3 =	rddreg [dreg:$0x2];
	[bflag:$0x3] =	sbarrier.arrive $0xFFFF;
	s2 =	simm.s32 @!p0 $0x1C02  }
0xea: {  	[timem:s3], [sflag:s2] =	dma.local @!p0 [hbm:s0], s1  }
0xeb: {  	s0 =	simm.s32 @!p0 $0x2  }
0xec: {  	_ =	swait.ge @!p0 [sflag:s0], s1  }
0xed: {  	s1 =	ssub.s32 @!p0 $0x0, s1;
	[sflag:s0] =	ssyncset.done @!p0 $0x0  }
0xee: {  	[sflag:s0] =	ssyncadd.s32 @!p0 s1  }
0xef: {  	[bflag:$0x3] =	sbarrier.arrive $0xFFFF  }
0xf0: {  	_ =	shalt  }

// kernel: kernel.8.cloned.1.call-start
scs
__scs_entry_jumppad:
0x0: {  	(pc) =	sbr.rel $0x88, $3  }
0x1: {  	(tag) =	ssettag $0x0;
	lr =	simm.s32 $0x1  }
0x2: {  	[smem:$0x3F99] =	sst lr;
	_ =	strace $0xD0000000  }
0x3: {  	_ = 	snop  }
0x4: {  	_ = 	snop  }
0x5: {  	_ = 	snop  }
0x6: {  	_ = 	snop  }
0x7: {  	_ = 	snop  }
__scs_overlays_trampoline_lowered:
0x8: {  	[smem:$0x3FA8] =	sst s0  }
0x9: {  	[smem:$0x3FA9] =	sst s1  }
0xa: {  	[smem:$0x3FAA] =	sst s2  }
0xb: {  	[smem:$0x3FAB] =	sst s3  }
0xc: {  	[smem:$0x3FAC] =	sst s4  }
0xd: {  	[smem:$0x3FAD] =	sst s5  }
0xe: {  	[smem:$0x3FAE] =	sst s6  }
0xf: {  	[smem:$0x3FAF] =	sst s7  }
0x10: {  	[smem:$0x3FB0] =	sst s8  }
0x11: {  	[smem:$0x3FB1] =	sst s9;
	s0 =	simm.s32 @!p0 $0x0  }
0x12: {  	s1 =	sld [smem:$0x3F97];
	s0 =	simm.s32 @p0 $0x1  }
0x13: {  	[smem:$0x3FB2] =	sst s0;
	s0 =	simm.s32 @!p1 $0x0  }
0x14: {  	s2 =	sld [smem:$0x3F96];
	s0 =	simm.s32 @p1 $0x1  }
0x15: {  	[smem:$0x3FB3] =	sst s0;
	s0 =	simm.s32 @!p2 $0x0  }
0x16: {  	s3 =	sld [smem:$0x3FDB];
	s0 =	simm.s32 @p2 $0x1  }
0x17: {  	s4 =	simm.s32 $0x1BF5;
	[smem:$0x3FB5] =	sst s0  }
0x18: {  	s0 =	sld [smem:$0x3F98];
	_ =	swait.ge [sflag:s4], $0x0  }
0x19: {  	s7 =	sld [smem:$0x3F99]  }
0x1a: {  	s8 =	sadd.s32 $0xFFFFE003, lr  }
0x1b: {  	s9 =	sadd.s32 $0xFFFFFEF7, lr;
	s5 =	simm.s32 $0xFFFFFFFF;
	p2 =	slt.u32 s8, $0xFFFFF086  }
0x1c: {  	p1 =	slt.u32 s9, $0xF7A;
	s5 =	simm.s32 @!p2 $0x0  }
0x1d: {  	s5 =	simm.s32 @p1 $0x1;
	p0 =	seq.s32 s7, s2  }
0x1e: {  	s7 =	smul.u32 @!p0 $0xF7A, s2;
	p2 =	seq.s32 @!p0 s5, $0x0  }
0x1f: {  	s9 =	smul.u32 $0xF7A, s1;
	s8 =	simm.s32 @!p0 $0x1BF5;
	p2 =	por !p2, p0  }
0x20: {  	[sflag:s8] =	ssyncset.s32 @!p0 $0xFFFFF086;
	s6 =	sadd.s32 @!p0 s3, s7;
	s7 =	simm.s32 @!p0 $0x108  }
0x21: {  	s3 =	sadd.s32 s3, s9;
	s6 =	sadd.s32 @!p0 $0x88, s6;
	s7 =	simm.s32 @p2 $0x1082  }
0x22: {  	[simem:s7], [sflag:s8] =	dma.local @!p0 [hbm:s6], $0xF7A  }
0x23: {  	s9 =	sor.u32 $0xD0000000, s2;
	s6 =	simm.s32 $0x108;
	_ =	swait.ge @!p0 [sflag:s8], $0x0  }
0x24: {  	s3 =	sadd.s32 $0x88, s3;
	s6 =	simm.s32 @!p1 $0x1082;
	[sflag:s4] =	ssyncset.s32 $0xFFFFF086  }
0x25: {  	[simem:s6], [sflag:s4] =	dma.local [hbm:s3], $0xF7A  }
0x26: {  	[smem:$0x3F99] =	sst s1;
	(tag) =	ssettag s2;
	_ =	strace s9  }
0x27: {  	s1 =	sld [smem:$0x3FA9]  }
0x28: {  	s2 =	sld [smem:$0x3FAA]  }
0x29: {  	s4 =	sld [smem:$0x3FAC]  }
0x2a: {  	p0 =	seq.s32 s5, $0x0;
	s5 =	sld [smem:$0x3FAD]  }
0x2b: {  	s6 =	sld [smem:$0x3FAE]  }
0x2c: {  	s7 =	sld [smem:$0x3FAF]  }
0x2d: {  	s3 =	simm.s32 $0x108;
	s8 =	sld [smem:$0x3FB0]  }
0x2e: {  	s3 =	simm.s32 @!p0 $0x1082;
	s9 =	sld [smem:$0x3FB1]  }
0x2f: {  	lr =	sadd.s32 s0, s3;
	s0 =	sld [smem:$0x3FA8]  }
0x30: {  	s3 =	sld [smem:$0x3FAB]  }
0x31: {  	[smem:$0x3FB4] =	sst s10  }
0x32: {  	s10 =	sld [smem:$0x3FB2];
	_ =	sdelay $0x3  }
0x33: {  	p0 =	seq.s32 s10, $0x1;
	s10 =	sld [smem:$0x3FB4];
	_ =	sdelay $0x3  }
0x34: {  	[smem:$0x3FB4] =	sst s10  }
0x35: {  	s10 =	sld [smem:$0x3FB3];
	_ =	sdelay $0x3  }
0x36: {  	p1 =	seq.s32 s10, $0x1;
	s10 =	sld [smem:$0x3FB4];
	_ =	sdelay $0x3  }
0x37: {  	[smem:$0x3FB4] =	sst s10  }
0x38: {  	s10 =	sld [smem:$0x3FB5]  }
0x39: {  	_ = 	snop;
	(pc) =	sbr.ind lr, $3  }
0x3a: {  	_ = 	snop  }
0x3b: {  	_ = 	snop  }
0x3c: {  	p2 =	seq.s32 s10, $0x1;
	s10 =	sld [smem:$0x3FB4]  }
0x3d: {  	_ =	shalt  }
0x3e: {  	_ =	shalt  }
0x3f: {  	_ =	shalt  }
0x40: {  	_ =	shalt  }
0x41: {  	_ =	shalt  }
0x42: {  	_ =	shalt  }
0x43: {  	_ =	shalt  }
0x44: {  	_ =	shalt  }
0x45: {  	_ =	shalt  }
0x46: {  	_ =	shalt  }
0x47: {  	_ =	shalt  }
0x48: {  	_ =	shalt  }
0x49: {  	_ =	shalt  }
0x4a: {  	_ =	shalt  }
0x4b: {  	_ =	shalt  }
0x4c: {  	_ =	shalt  }
0x4d: {  	_ =	shalt  }
0x4e: {  	_ =	shalt  }
0x4f: {  	_ =	shalt  }
0x50: {  	_ =	shalt  }
0x51: {  	_ =	shalt  }
0x52: {  	_ =	shalt  }
0x53: {  	_ =	shalt  }
0x54: {  	_ =	shalt  }
0x55: {  	_ =	shalt  }
0x56: {  	_ =	shalt  }
0x57: {  	_ =	shalt  }
0x58: {  	_ =	shalt  }
0x59: {  	_ =	shalt  }
0x5a: {  	_ =	shalt  }
0x5b: {  	_ =	shalt  }
0x5c: {  	_ =	shalt  }
0x5d: {  	_ =	shalt  }
0x5e: {  	_ =	shalt  }
0x5f: {  	_ =	shalt  }
0x60: {  	_ =	shalt  }
0x61: {  	_ =	shalt  }
0x62: {  	_ =	shalt  }
0x63: {  	_ =	shalt  }
0x64: {  	_ =	shalt  }
0x65: {  	_ =	shalt  }
0x66: {  	_ =	shalt  }
0x67: {  	_ =	shalt  }
0x68: {  	_ =	shalt  }
0x69: {  	_ =	shalt  }
0x6a: {  	_ =	shalt  }
0x6b: {  	_ =	shalt  }
0x6c: {  	_ =	shalt  }
0x6d: {  	_ =	shalt  }
0x6e: {  	_ =	shalt  }
0x6f: {  	_ =	shalt  }
0x70: {  	_ =	shalt  }
0x71: {  	_ =	shalt  }
0x72: {  	_ =	shalt  }
0x73: {  	_ =	shalt  }
0x74: {  	_ =	shalt  }
0x75: {  	_ =	shalt  }
0x76: {  	_ =	shalt  }
0x77: {  	_ =	shalt  }
0x78: {  	_ =	shalt  }
0x79: {  	_ =	shalt  }
0x7a: {  	_ =	shalt  }
0x7b: {  	_ =	shalt  }
0x7c: {  	_ =	shalt  }
0x7d: {  	_ =	shalt  }
0x7e: {  	_ =	shalt  }
0x7f: {  	_ =	shalt  }
0x80: {  	_ =	shalt  }
0x81: {  	_ =	shalt  }
0x82: {  	_ =	shalt  }
0x83: {  	_ =	shalt  }
0x84: {  	_ =	shalt  }
0x85: {  	_ =	shalt  }
0x86: {  	_ =	shalt  }
0x87: {  	_ =	shalt  }
.Lfunc_end0:
.L_simem_size_0:
called_computation_lowered:
.L_overlay_start_0:
0x88: {  	s2 =	sld [smem:$0x3FD9]  }
0x89: {  	s3 =	sld [smem:$0x3FFE];
	_ =	sdelay $0x1  }
0x8a: {  	s1 =	srdreg.scid  }
0x8b: {  	s0 =	sand.u32 $0x1, s1  }
0x8c: {  	s16 =	sshll.u32 s0, $0xA;
	s2 =	sadd.s32 s3, s2  }
0x8d: {  	s2 =	sadd.s32 s2, s16  }
0x8e: {  	[smem:$0x3FC0] =	sst s2  }
0x8f: {  	_ = 	snop  }
0x90: {  	(tm) =	ssettm $0x1  }
0x91: {  	s17 =	sld [smem:$0x3FFB];
	_ =	sdelay $0x3  }
0x92: {  	_ =	strace s17  }
0x93: {  	s2 =	sld [smem:$0x3FFC];
	_ =	sdelay $0x3  }
0x94: {  	_ =	strace s2  }
0x95: {  	s2 =	sld [smem:$0x3FFD];
	_ =	sdelay $0x3  }
0x96: {  	_ =	strace s2  }
0x97: {  	_ =	strace $0x8FFFFFFF  }
0x98: {  	s18 =	sld [smem:$0x3FDB];
	_ =	sdelay $0x1  }
0x99: {  	s19 =	simm.s32 $_scs_section_size  }
0x9a: {  	s4 =	simm.s32 $_size__tile_overlayer_lowered;
	s5 =	simm.s32 $_tile_overlayer_lowered  }
0x9b: {  	s22 =	simm.s32 $0x1BFF;
	s21 =	sshll.u32 s5, $0x1;
	s2 =	sadd.s32 s19, s18  }
0x9c: {  	s6 =	simm.s32 $0x0;
	s20 =	sshll.u32 s4, $0x1;
	s4 =	sadd.s32 s21, s2  }
0x9d: {  	[timem:s6], [sflag:s22] =	dma.local [hbm:s4], s20  }
0x9e: {  	_ =	swait.ge [sflag:s22], s20  }
0x9f: {  	s3 =	ssub.s32 $0x0, s20;
	[sflag:s22] =	ssyncset.done $0x0  }
0xa0: {  	[sflag:s22] =	ssyncadd.s32 s3;
	_ =	sdelay $0x1  }
0xa1: {  	s23 =	simm.s32 $0x1B8B  }
0xa2: {  	_ =	swait.ge [sflag:s23], $0x1  }
0xa3: {  	[sflag:s23] =	ssyncset.done $0x0  }
0xa4: {  	s25 =	simm.s32 $0x1B8E;
	s24 =	sld [smem:$0x3FFE];
	[sflag:s23] =	ssyncadd.s32 $0xFFFFFFFF  }
0xa5: {  	s26 =	simm.s32 $execute0_lowered;
	[smem:$0x3FD2] =	sst s25  }
0xa6: {  	s4 =	sshll.u32 s26, $0x1;
	_ =	strace $0x80000046;
	[dreg:$0x1] =	wrdreg $0xFFFFFFFF  }
0xa7: {  	s28 =	simm.s32 $_size_execute0_lowered;
	s2 =	sadd.s32 s2, s4;
	[dreg:$0x0] =	wrdreg $0x0  }
0xa8: {  	s4 =	sshll.u32 s28, $0x1;
	[dreg:$0x2] =	wrdreg s2  }
0xa9: {  	[dreg:$0x3] =	wrdreg s4  }
0xaa: {  	[dreg:$0x4] =	wrdreg $0xC0  }
0xab: {  	_ =	task [dreg:s6], $0x5FFFF  }
0xac: {  	[dreg:$0x1] =	wrdreg $0xFFFFFFFF  }
0xad: {  	[dreg:$0x0] =	wrdreg $0x60  }
0xae: {  	[dreg:$0x2] =	wrdreg s24  }
0xaf: {  	[dreg:$0x3] =	wrdreg $0xBF800  }
0xb0: {  	[dreg:$0x4] =	wrdreg $0x9  }
0xb1: {  	_ =	task.clear_ibuf [dreg:s6], $0x5FFFF;
	_ =	strace $0x90000046  }
0xb2: {  	s29 =	simm.s32 $0x9;
	_ =	strace $0x80000048  }
0xb3: {  	_ =	swait.ge [sflag:s29], $0x1  }
0xb4: {  	[sflag:s29] =	ssyncadd.s32 $0xFFFFFFFF  }
0xb5: {  	_ =	strace $0x90000048  }
0xb6: {  	_ =	sfence  }
0xb7: {  	s30 =	sld [smem:$0x0];
	_ =	sdelay $0x2  }
0xb8: {  	s31 =	sshll.u32 s1, $0xD;
	s1 =	sshrl.u32 s1, $0x2  }
0xb9: {  	s3 =	sand.u32 $0x4000, s31;
	s1 =	sadd.s32 s1, s30  }
0xba: {  	s0 =	sor.u32 s3, s0;
	s1 =	sshll.u32 s1, $0x11  }
0xbb: {  	s0 =	sor.u32 s1, s0  }
0xbc: {  	s0 =	sadd.s32 $0x8F2B, s0  }
0xbd: {  	[sflag:s0] =	ssyncadd.remote.s32 $0x1  }
0xbe: {  	_ =	sfence.sel $0xFFFF  }
0xbf: {  	[dreg:$0x0] =	wrdreg $0xFFFFFFFF;
	(pc) =	sbr.abs _section_cstart, $3  }
0xc0: {  	[dreg:$0x1] =	wrdreg $0xFFFFFFFF  }
0xc1: {  	_ =	task.clear_ibuf [dreg:s6], $0x2FFFF;
	_ =	strace $0x9FFFFFFF  }
0xc2: {  	(tm) =	ssettm $0x7FFFFFFF  }
0xc3: {  	_ =	shalt  }
tec
execute0_lowered:
.L_overlay_start_1:
0x0: {  	(tag) =	ssettag $0x1  }
0x1: {  	s0 =	rddreg [dreg:$0x0]  }
0x2: {  	s1 =	rddreg [dreg:$0x1]  }
0x3: {  	s2 =	simm.s32 $0x0;
	s3 =	srdreg.scid;
	s10 =	stileid.u32  }
0x4: {  	s31 =	simm.s32 $0x80;
	[smem:$0x7FF] =	sst s2;
	s4 =	sand.u32 $0x1, s3  }
0x5: {  	s19 =	sshrl.u32 s10, $0x2;
	s5 =	sshll.u32 s10, $0x8;
	s22 =	smul.u32 $0x14000, s10  }
0x6: {  	s8 =	sadd.s32 $0x3800, s0;
	s3 =	sadd.s32 $0x17400, s0;
	s10 =	smul.u32 $0x1400, s10  }
0x7: {  	s6 =	smul.u32 $0x13C00, s19;
	s7 =	sshll.u32 s4, $0x7;
	s5 =	sand.u32 $0x300, s5  }
0x8: {  	s21 =	ssub.s32 $0x2, s4;
	s20 =	sor.u32 s7, s5;
	s26 =	sshrl.u32 s10, $0x2  }
0x9: {  	s23 =	sshrl.u32 s21, $0x1;
	s0 =	sor.u32 s6, s20;
	s6 =	sadd.s32 s26, s1  }
0xa: {  	_ =	strace $0x80000047;
	s11 =	ssub.s32 s21, s23;
	s10 =	sadd.s32 $0x80, s6  }
0xb: {  	s4 =	smul.u32 $0x140000, s4;
	s11 =	smax.u32 s11, $0x1;
	[dreg:$0x6] =	wrdreg s10  }
0xc: {  	s25 =	sshrl.u32 s22, $0x2;
	s12 =	sadd.s32 $0x100, s6;
	[dreg:$0x7] =	wrdreg s11  }
0xd: {  	s7 =	simm.s32 $0x4F80;
	s13 =	sadd.s32 $0x200, s6;
	[dreg:$0x8] =	wrdreg s12  }
0xe: {  	s5 =	sadd.s32 s25, s1;
	s14 =	sadd.s32 $0x300, s6;
	[dreg:$0x9] =	wrdreg s13  }
0xf: {  	s1 =	simm.s32 $0x1;
	s15 =	sadd.s32 $0x400, s6;
	[dreg:$0xa] =	wrdreg s14  }
0x10: {  	s9 =	sshrl.u32 s0, $0x3;
	s16 =	sadd.s32 $0x28000, s6;
	[dreg:$0xb] =	wrdreg s15  }
0x11: {  	s0 =	sadd.s32 $0x4F000, s0;
	s17 =	sadd.s32 $0x28100, s6;
	[dreg:$0xc] =	wrdreg s16  }
0x12: {  	s18 =	sadd.s32 $0x28200, s6;
	s19 =	sadd.s32 $0x28300, s6;
	[dreg:$0xd] =	wrdreg s17  }
0x13: {  	s20 =	sadd.s32 $0x28400, s6;
	s21 =	sadd.s32 $0x180, s6;
	[dreg:$0xe] =	wrdreg s18  }
0x14: {  	s23 =	sadd.s32 $0x380, s6;
	s25 =	sadd.s32 $0x28080, s6;
	[dreg:$0xf] =	wrdreg s19  }
0x15: {  	s26 =	sadd.s32 $0x28180, s6;
	s28 =	sadd.s32 $0x28280, s6;
	[dreg:$0x10] =	wrdreg s20  }
0x16: {  	s29 =	sadd.s32 $0x28380, s6;
	s30 =	sadd.s32 $0x28480, s6;
	[dreg:$0x11] =	wrdreg s21  }
0x17: {  	s24 =	sadd.s32 s8, s9;
	s0 =	sshrl.u32 s0, $0x3;
	[dreg:$0x13] =	wrdreg s23  }
0x18: {  	s9 =	sadd.s32 $0x80, s5;
	s10 =	sadd.s32 s22, s4;
	[dreg:$0x15] =	wrdreg s25  }
0x19: {  	s22 =	sadd.s32 $0x280, s6;
	[dreg:$0x16] =	wrdreg s26;
	s23 =	simm.s32 $0x400  }
0x1a: {  	s4 =	simm.s32 $0x2780;
	s25 =	simm.s32 $0x7780;
	s12 =	simm.s32 $0x7B80  }
0x1b: {  	s13 =	simm.s32 $0x7F80;
	s14 =	simm.s32 $0x8380;
	s15 =	simm.s32 $0x8780  }
0x1c: {  	s16 =	simm.s32 $0x8B80;
	s17 =	simm.s32 $0x8F80;
	[dreg:$0x3] =	wrdreg s24  }
0x1d: {  	s18 =	simm.s32 $0x9380;
	s19 =	simm.s32 $0x9780;
	[dreg:$0x5] =	wrdreg s9  }
0x1e: {  	s20 =	simm.s32 $0x9F80;
	s0 =	sadd.s32 s8, s0;
	[dreg:$0x12] =	wrdreg s22  }
0x1f: {  	s21 =	simm.s32 $0x0;
	s24 =	sadd.s32 $0x480, s6;
	[dreg:$0x4] =	wrdreg s0  }
0x20: {  	v0 =	vimm.f32 $0.0e+00;
	v1 =	vimm.f32 $1.000000000e+00;
	s9 =	simm.s32 $0x5000;
	[dreg:$0x14] =	wrdreg s24;
	s0 =	simm.s32 $0x9B80  }
.LBB2_1:
0x21: {  	s8 =	simm.s32 $0x40;
	s11 =	simm.s32 $0x0  }
.LBB2_2:
0x22: {  	p0 =	sne.s32 s8, $0x9FC0;
	[tilespmem:s11+$0x2780] =	vst v0;
	s22 =	smov.u32 s8;
	s8 =	sadd.s32 $0x40, s8  }
.Ltmp0:
0x23: {  	[tilespmem:s11+$0x4F80] =	vst v0;
	(pc) =	sbr.rel @p0 .LBB2_2-.Ltmp0, $2  }
0x24: {  	_ =	sdelay $0x2  }
0x25: {  	s11 =	sshra.s32 s22, $0x2  }
0x26: {  	[tilespmem:s11+$0x2780] =	vst v0  }
0x27: {  	[tilespmem:s11+$0x4F80] =	vst v0;
	s8 =	simm.s32 $0x0;
	s26 =	rddreg [dreg:$0x3]  }
0x28: {  	[tilespmem:s8], [sflag:$0x1] =	stream.strided.gather [hbm4b:s26+s31], $0x2780, s23, s31, $0x38;
	[tilespmem:$0x10F80] =	vst v63  }
0x29: {  	_ =	swait.ge [sflag:s1], $0x2780  }
0x2a: {  	[sflag:s1] =	ssyncset.done $0x0  }
0x2b: {  	s11 =	simm.s32 $0x0;
	s8 =	simm.s32 $0x40;
	[sflag:s1] =	ssyncadd.s32 $0xFFFFD880  }
.LBB2_4:
0x2c: {  	p0 =	sne.s32 s8, $0x9C00;
	v2 =	vld [tilespmem:s11+$0x0];
	_ =	sdelay $0x3  }
.Ltmp1:
0x2d: {  	(pc) =	sbr.rel @p0 .LBB2_4-.Ltmp1, $2  }
0x2e: {  	_ =	sdelay $0x2  }
0x2f: {  	s11 =	sshra.s32 s8, $0x2;
	s8 =	sadd.s32 $0x40, s8;
	[tilespmem:v2+s4+$0x0] =	vst.idx.add.f32.msk $0xffff, v1  }
0x30: {  	v2 =	vld [tilespmem:s11+$0x0];
	_ =	sdelay $0x7  }
0x31: {  	s8 =	simm.s32 $0x0;
	s26 =	rddreg [dreg:$0x4];
	[tilespmem:v2+s4+$0x0] =	vst.idx.add.f32.msk $0xffff, v1  }
0x32: {  	[tilespmem:s8], [sflag:$0x1] =	stream.strided.gather [hbm4b:s26+s31], $0x2780, s23, s31, $0x38;
	[tilespmem:$0x10F80] =	vst v63  }
0x33: {  	_ =	swait.ge [sflag:s1], $0x2780  }
0x34: {  	[sflag:s1] =	ssyncset.done $0x0  }
0x35: {  	s11 =	simm.s32 $0x0;
	s8 =	simm.s32 $0x40;
	[sflag:s1] =	ssyncadd.s32 $0xFFFFD880  }
.LBB2_6:
0x36: {  	p0 =	sne.s32 s8, $0x9C00;
	v2 =	vld [tilespmem:s11+$0x0];
	_ =	sdelay $0x3  }
.Ltmp2:
0x37: {  	(pc) =	sbr.rel @p0 .LBB2_6-.Ltmp2, $2  }
0x38: {  	_ =	sdelay $0x2  }
0x39: {  	s11 =	sshra.s32 s8, $0x2;
	s8 =	sadd.s32 $0x40, s8;
	[tilespmem:v2+s7+$0x0] =	vst.idx.add.f32.msk $0xffff, v1  }
0x3a: {  	v2 =	vld [tilespmem:s11+$0x0];
	_ =	sdelay $0x7  }
0x3b: {  	s8 =	simm.s32 $0x2780;
	s22 =	simm.s32 $0x100;
	[tilespmem:v2+s7+$0x0] =	vst.idx.add.f32.msk $0xffff, v1  }
0x3c: {  	[spmem:s5] =	stream.strided.scatter [tilespmem:s8], [sflag:$0x1], $0x2800, s22, s31, $0x38;
	[tilespmem:$0x10F80] =	vst v63  }
0x3d: {  	_ =	swait.ge [sflag:s1], $0x2800  }
0x3e: {  	[sflag:s1] =	ssyncset.done $0x0  }
0x3f: {  	s24 =	rddreg [dreg:$0x5];
	[sflag:s1] =	ssyncadd.s32 $0xFFFFD800  }
0x40: {  	[spmem:s24] =	stream.strided.scatter [tilespmem:s7], [sflag:$0x1], $0x2800, s22, s31, $0x38;
	[tilespmem:$0x10F80] =	vst v63  }
0x41: {  	_ =	swait.ge [sflag:s1], $0x2800  }
0x42: {  	[sflag:s1] =	ssyncset.done $0x0  }
0x43: {  	[sflag:s1] =	ssyncadd.s32 $0xFFFFD800  }
0x44: {  	[bflag:$0x0] =	sbarrier.arrive $0xFFFF  }
0x45: {  	[tilespmem:s25], [sflag:$0x1] =	stream.strided.gather [spmem:s6], $0x400, s9, s31, $0x38;
	[tilespmem:$0x10F80] =	vst v63  }
0x46: {  	s26 =	rddreg [dreg:$0x8]  }
0x47: {  	[tilespmem:s12], [sflag:$0x1] =	stream.strided.gather [spmem:s26], $0x400, s9, s31, $0x38;
	[tilespmem:$0x10F80] =	vst v63  }
0x48: {  	s22 =	rddreg [dreg:$0x9]  }
0x49: {  	[tilespmem:s13], [sflag:$0x1] =	stream.strided.gather [spmem:s22], $0x400, s9, s31, $0x38;
	[tilespmem:$0x10F80] =	vst v63  }
0x4a: {  	s23 =	rddreg [dreg:$0xa]  }
0x4b: {  	[tilespmem:s14], [sflag:$0x1] =	stream.strided.gather [spmem:s23], $0x400, s9, s31, $0x38;
	[tilespmem:$0x10F80] =	vst v63  }
0x4c: {  	s24 =	rddreg [dreg:$0xb]  }
0x4d: {  	[tilespmem:s15], [sflag:$0x1] =	stream.strided.gather [spmem:s24], $0x400, s9, s31, $0x38;
	[tilespmem:$0x10F80] =	vst v63  }
0x4e: {  	s26 =	rddreg [dreg:$0xc]  }
0x4f: {  	[tilespmem:s16], [sflag:$0x1] =	stream.strided.gather [spmem:s26], $0x400, s9, s31, $0x38;
	[tilespmem:$0x10F80] =	vst v63  }
0x50: {  	s22 =	rddreg [dreg:$0xd]  }
0x51: {  	[tilespmem:s17], [sflag:$0x1] =	stream.strided.gather [spmem:s22], $0x400, s9, s31, $0x38;
	[tilespmem:$0x10F80] =	vst v63  }
0x52: {  	s23 =	rddreg [dreg:$0xe]  }
0x53: {  	[tilespmem:s18], [sflag:$0x1] =	stream.strided.gather [spmem:s23], $0x400, s9, s31, $0x38;
	[tilespmem:$0x10F80] =	vst v63  }
0x54: {  	s24 =	rddreg [dreg:$0xf]  }
0x55: {  	[tilespmem:s19], [sflag:$0x1] =	stream.strided.gather [spmem:s24], $0x400, s9, s31, $0x38;
	[tilespmem:$0x10F80] =	vst v63  }
0x56: {  	s26 =	rddreg [dreg:$0x10]  }
0x57: {  	[tilespmem:s0], [sflag:$0x1] =	stream.strided.gather [spmem:s26], $0x400, s9, s31, $0x38;
	[tilespmem:$0x10F80] =	vst v63  }
0x58: {  	s22 =	simm.s32 $0x0;
	_ =	swait.ge [sflag:s1], $0x2800  }
0x59: {  	s11 =	sand.u32 $0x1C00, s22;
	s23 =	sand.u32 $0x70, s22;
	[sflag:s1] =	ssyncset.done $0x0  }
0x5a: {  	s11 =	sor.u32 s23, s11;
	[sflag:s1] =	ssyncadd.s32 $0xFFFFD800  }
0x5b: {  	v2 =	vld [tilespmem:s11+$0x7800]  }
0x5c: {  	v3 =	vld [tilespmem:s11+$0x7780];
	_ =	sdelay $0x1  }
0x5d: {  	v4 =	vld [tilespmem:s11+$0x7880];
	_ =	sdelay $0x1  }
0x5e: {  	v5 =	vld [tilespmem:s11+$0x7900]  }
0x5f: {  	v2 =	vadd.f32 v2, v3  }
0x60: {  	v3 =	vld [tilespmem:s11+$0x7980]  }
0x61: {  	v2 =	vadd.f32 v4, v2  }
0x62: {  	v56 =	vld [tilespmem:s11+$0x7A00]  }
0x63: {  	v2 =	vadd.f32 v5, v2  }
0x64: {  	v57 =	vld [tilespmem:s11+$0x7A80]  }
0x65: {  	v2 =	vadd.f32 v3, v2  }
0x66: {  	v3 =	vld [tilespmem:s11+$0x7B00]  }
0x67: {  	v2 =	vadd.f32 v56, v2  }
0x68: {  	v58 =	vld [tilespmem:s11+$0x8B80]  }
0x69: {  	v2 =	vadd.f32 v57, v2  }
0x6a: {  	v59 =	vld [tilespmem:s11+$0x8C00]  }
0x6b: {  	v2 =	vadd.f32 v3, v2  }
0x6c: {  	v3 =	vld [tilespmem:s11+$0x8C80]  }
0x6d: {  	v2 =	vadd.f32 v58, v2  }
0x6e: {  	v60 =	vld [tilespmem:s11+$0x8D00]  }
0x6f: {  	v2 =	vadd.f32 v59, v2  }
0x70: {  	v61 =	vld [tilespmem:s11+$0x8D80]  }
0x71: {  	v2 =	vadd.f32 v3, v2  }
0x72: {  	v3 =	vld [tilespmem:s11+$0x8E00]  }
0x73: {  	v2 =	vadd.f32 v60, v2  }
0x74: {  	v62 =	vld [tilespmem:s11+$0x8E80]  }
0x75: {  	v2 =	vadd.f32 v61, v2  }
0x76: {  	v63 =	vld [tilespmem:s11+$0x8F00]  }
0x77: {  	v2 =	vadd.f32 v3, v2;
	_ =	sdelay $0x1  }
0x78: {  	v2 =	vadd.f32 v62, v2;
	_ =	sdelay $0x1  }
0x79: {  	s23 =	simm.s32 $0x80;
	s24 =	simm.s32 $0x10;
	v2 =	vadd.f32 v63, v2  }
0x7a: {  	s26 =	sand.u32 $0x1C00, s23;
	s11 =	sand.u32 $0x70, s24  }
0x7b: {  	s24 =	simm.s32 $0x20;
	s22 =	sor.u32 s11, s26;
	[tilespmem:s8+$0x0] =	vst v2  }
.LBB2_8:
0x7c: {  	p0 =	sne.s32 s24, $0x270;
	v2 =	vld [tilespmem:s22+$0x7800]  }
0x7d: {  	v3 =	vld [tilespmem:s22+$0x7780];
	_ =	sdelay $0x1  }
0x7e: {  	v4 =	vld [tilespmem:s22+$0x7880];
	_ =	sdelay $0x1  }
0x7f: {  	v5 =	vld [tilespmem:s22+$0x7900]  }
0x80: {  	v2 =	vadd.f32 v2, v3  }
0x81: {  	v3 =	vld [tilespmem:s22+$0x7980]  }
0x82: {  	v2 =	vadd.f32 v4, v2  }
0x83: {  	v4 =	vld [tilespmem:s22+$0x7A00]  }
0x84: {  	v2 =	vadd.f32 v5, v2  }
0x85: {  	v5 =	vld [tilespmem:s22+$0x7A80]  }
0x86: {  	v2 =	vadd.f32 v3, v2  }
0x87: {  	v3 =	vld [tilespmem:s22+$0x7B00]  }
0x88: {  	v2 =	vadd.f32 v4, v2  }
0x89: {  	v4 =	vld [tilespmem:s22+$0x8B80]  }
0x8a: {  	v2 =	vadd.f32 v5, v2  }
0x8b: {  	v5 =	vld [tilespmem:s22+$0x8C00]  }
0x8c: {  	v2 =	vadd.f32 v3, v2  }
0x8d: {  	v3 =	vld [tilespmem:s22+$0x8C80]  }
0x8e: {  	v2 =	vadd.f32 v4, v2  }
0x8f: {  	v4 =	vld [tilespmem:s22+$0x8D00]  }
0x90: {  	v2 =	vadd.f32 v5, v2  }
0x91: {  	v5 =	vld [tilespmem:s22+$0x8D80]  }
0x92: {  	v2 =	vadd.f32 v3, v2  }
0x93: {  	v3 =	vld [tilespmem:s22+$0x8E00]  }
0x94: {  	v2 =	vadd.f32 v4, v2  }
0x95: {  	v4 =	vld [tilespmem:s22+$0x8E80]  }
0x96: {  	v2 =	vadd.f32 v5, v2  }
0x97: {  	v5 =	vld [tilespmem:s22+$0x8F00]  }
0x98: {  	v2 =	vadd.f32 v3, v2;
	_ =	sdelay $0x1  }
.Ltmp3:
0x99: {  	v2 =	vadd.f32 v4, v2;
	(pc) =	sbr.rel @p0 .LBB2_8-.Ltmp3, $4  }
0x9a: {  	_ = 	snop  }
0x9b: {  	s23 =	sadd.s32 $0x80, s23;
	v2 =	vadd.f32 v5, v2  }
0x9c: {  	s11 =	sand.u32 $0x70, s24;
	s8 =	sadd.s32 $0x10, s8;
	s22 =	sand.u32 $0x1C00, s23  }
0x9d: {  	s24 =	sadd.s32 $0x10, s24;
	s22 =	sor.u32 s11, s22;
	[tilespmem:s8+$0x0] =	vst v2  }
0x9e: {  	v2 =	vld [tilespmem:s22+$0x7800]  }
0x9f: {  	v3 =	vld [tilespmem:s22+$0x7780];
	_ =	sdelay $0x1  }
0xa0: {  	v4 =	vld [tilespmem:s22+$0x7880];
	_ =	sdelay $0x1  }
0xa1: {  	v5 =	vld [tilespmem:s22+$0x7900]  }
0xa2: {  	v2 =	vadd.f32 v2, v3  }
0xa3: {  	v3 =	vld [tilespmem:s22+$0x7980]  }
0xa4: {  	v2 =	vadd.f32 v4, v2  }
0xa5: {  	v46 =	vld [tilespmem:s22+$0x7A00]  }
0xa6: {  	v2 =	vadd.f32 v5, v2  }
0xa7: {  	v47 =	vld [tilespmem:s22+$0x7A80]  }
0xa8: {  	v2 =	vadd.f32 v3, v2  }
0xa9: {  	v3 =	vld [tilespmem:s22+$0x7B00]  }
0xaa: {  	v2 =	vadd.f32 v46, v2  }
0xab: {  	v48 =	vld [tilespmem:s22+$0x8B80]  }
0xac: {  	v2 =	vadd.f32 v47, v2  }
0xad: {  	v49 =	vld [tilespmem:s22+$0x8C00]  }
0xae: {  	v2 =	vadd.f32 v3, v2  }
0xaf: {  	v3 =	vld [tilespmem:s22+$0x8C80]  }
0xb0: {  	v2 =	vadd.f32 v48, v2  }
0xb1: {  	v50 =	vld [tilespmem:s22+$0x8D00]  }
0xb2: {  	v2 =	vadd.f32 v49, v2  }
0xb3: {  	v51 =	vld [tilespmem:s22+$0x8D80]  }
0xb4: {  	v2 =	vadd.f32 v3, v2  }
0xb5: {  	v3 =	vld [tilespmem:s22+$0x8E00]  }
0xb6: {  	v2 =	vadd.f32 v50, v2  }
0xb7: {  	v52 =	vld [tilespmem:s22+$0x8E80]  }
0xb8: {  	v2 =	vadd.f32 v51, v2  }
0xb9: {  	v53 =	vld [tilespmem:s22+$0x8F00]  }
0xba: {  	v2 =	vadd.f32 v3, v2;
	_ =	sdelay $0x1  }
0xbb: {  	v2 =	vadd.f32 v52, v2;
	_ =	sdelay $0x1  }
0xbc: {  	v2 =	vadd.f32 v53, v2  }
0xbd: {  	s8 =	sadd.s32 $0x10, s8  }
0xbe: {  	s22 =	rddreg [dreg:$0x6];
	[tilespmem:s8+$0x0] =	vst v2  }
0xbf: {  	[tilespmem:s25], [sflag:$0x1] =	stream.strided.gather [spmem:s22], $0x400, s9, s31, $0x38;
	[tilespmem:$0x10F80] =	vst v63  }
0xc0: {  	s23 =	rddreg [dreg:$0x11]  }
0xc1: {  	[tilespmem:s12], [sflag:$0x1] =	stream.strided.gather [spmem:s23], $0x400, s9, s31, $0x38;
	[tilespmem:$0x10F80] =	vst v63  }
0xc2: {  	s24 =	rddreg [dreg:$0x12]  }
0xc3: {  	[tilespmem:s13], [sflag:$0x1] =	stream.strided.gather [spmem:s24], $0x400, s9, s31, $0x38;
	[tilespmem:$0x10F80] =	vst v63  }
0xc4: {  	s25 =	rddreg [dreg:$0x13]  }
0xc5: {  	[tilespmem:s14], [sflag:$0x1] =	stream.strided.gather [spmem:s25], $0x400, s9, s31, $0x38;
	[tilespmem:$0x10F80] =	vst v63  }
0xc6: {  	s26 =	rddreg [dreg:$0x14]  }
0xc7: {  	[tilespmem:s15], [sflag:$0x1] =	stream.strided.gather [spmem:s26], $0x400, s9, s31, $0x38;
	[tilespmem:$0x10F80] =	vst v63  }
0xc8: {  	s11 =	rddreg [dreg:$0x15]  }
0xc9: {  	[tilespmem:s16], [sflag:$0x1] =	stream.strided.gather [spmem:s11], $0x400, s9, s31, $0x38;
	[tilespmem:$0x10F80] =	vst v63  }
0xca: {  	s22 =	rddreg [dreg:$0x16]  }
0xcb: {  	[tilespmem:s17], [sflag:$0x1] =	stream.strided.gather [spmem:s22], $0x400, s9, s31, $0x38;
	[tilespmem:$0x10F80] =	vst v63  }
0xcc: {  	_ = 	snop  }
0xcd: {  	[tilespmem:s18], [sflag:$0x1] =	stream.strided.gather [spmem:s28], $0x400, s9, s31, $0x38;
	[tilespmem:$0x10F80] =	vst v63  }
0xce: {  	_ = 	snop  }
0xcf: {  	[tilespmem:s19], [sflag:$0x1] =	stream.strided.gather [spmem:s29], $0x400, s9, s31, $0x38;
	[tilespmem:$0x10F80] =	vst v63  }
0xd0: {  	_ = 	snop  }
0xd1: {  	[tilespmem:s0], [sflag:$0x1] =	stream.strided.gather [spmem:s30], $0x400, s9, s31, $0x38;
	[tilespmem:$0x10F80] =	vst v63  }
0xd2: {  	s22 =	simm.s32 $0x0;
	_ =	swait.ge [sflag:s1], $0x2800  }
0xd3: {  	s23 =	sand.u32 $0x70, s22;
	s11 =	sand.u32 $0x1C00, s22;
	[sflag:s1] =	ssyncset.done $0x0  }
0xd4: {  	s8 =	sor.u32 s23, s11;
	[sflag:s1] =	ssyncadd.s32 $0xFFFFD800  }
0xd5: {  	v2 =	vld [tilespmem:s8+$0x7800]  }
0xd6: {  	v3 =	vld [tilespmem:s8+$0x7780];
	_ =	sdelay $0x1  }
0xd7: {  	v54 =	vld [tilespmem:s8+$0x7880];
	_ =	sdelay $0x1  }
0xd8: {  	v55 =	vld [tilespmem:s8+$0x7900]  }
0xd9: {  	v2 =	vadd.f32 v2, v3  }
0xda: {  	v3 =	vld [tilespmem:s8+$0x7980]  }
0xdb: {  	v2 =	vadd.f32 v54, v2  }
0xdc: {  	v56 =	vld [tilespmem:s8+$0x7A00]  }
0xdd: {  	v2 =	vadd.f32 v55, v2  }
0xde: {  	v57 =	vld [tilespmem:s8+$0x7A80]  }
0xdf: {  	v2 =	vadd.f32 v3, v2  }
0xe0: {  	v3 =	vld [tilespmem:s8+$0x7B00]  }
0xe1: {  	v2 =	vadd.f32 v56, v2  }
0xe2: {  	v58 =	vld [tilespmem:s8+$0x8B80]  }
0xe3: {  	v2 =	vadd.f32 v57, v2  }
0xe4: {  	v59 =	vld [tilespmem:s8+$0x8C00]  }
0xe5: {  	v2 =	vadd.f32 v3, v2  }
0xe6: {  	v3 =	vld [tilespmem:s8+$0x8C80]  }
0xe7: {  	v2 =	vadd.f32 v58, v2  }
0xe8: {  	v60 =	vld [tilespmem:s8+$0x8D00]  }
0xe9: {  	v2 =	vadd.f32 v59, v2  }
0xea: {  	v61 =	vld [tilespmem:s8+$0x8D80]  }
0xeb: {  	v2 =	vadd.f32 v3, v2  }
0xec: {  	v3 =	vld [tilespmem:s8+$0x8E00]  }
0xed: {  	v2 =	vadd.f32 v60, v2  }
0xee: {  	v62 =	vld [tilespmem:s8+$0x8E80]  }
0xef: {  	v2 =	vadd.f32 v61, v2  }
0xf0: {  	v63 =	vld [tilespmem:s8+$0x8F00]  }
0xf1: {  	v2 =	vadd.f32 v3, v2;
	_ =	sdelay $0x1  }
0xf2: {  	v2 =	vadd.f32 v62, v2;
	_ =	sdelay $0x1  }
0xf3: {  	s24 =	simm.s32 $0x10;
	s25 =	simm.s32 $0x80;
	v2 =	vadd.f32 v63, v2  }
0xf4: {  	s26 =	sand.u32 $0x1C00, s25;
	s23 =	simm.s32 $0x4F80;
	s8 =	sand.u32 $0x70, s24  }
0xf5: {  	s11 =	simm.s32 $0x20;
	s24 =	sor.u32 s8, s26;
	s8 =	simm.s32 $0x4F80;
	[tilespmem:s23+$0x0] =	vst v2  }
.LBB2_10:
0xf6: {  	p0 =	sne.s32 s11, $0x270;
	v2 =	vld [tilespmem:s24+$0x7800]  }
0xf7: {  	v3 =	vld [tilespmem:s24+$0x7780];
	_ =	sdelay $0x1  }
0xf8: {  	v4 =	vld [tilespmem:s24+$0x7880];
	_ =	sdelay $0x1  }
0xf9: {  	v5 =	vld [tilespmem:s24+$0x7900]  }
0xfa: {  	v2 =	vadd.f32 v2, v3  }
0xfb: {  	v3 =	vld [tilespmem:s24+$0x7980]  }
0xfc: {  	v2 =	vadd.f32 v4, v2  }
0xfd: {  	v4 =	vld [tilespmem:s24+$0x7A00]  }
0xfe: {  	v2 =	vadd.f32 v5, v2  }
0xff: {  	v5 =	vld [tilespmem:s24+$0x7A80]  }
0x100: {  	v2 =	vadd.f32 v3, v2  }
0x101: {  	v3 =	vld [tilespmem:s24+$0x7B00]  }
0x102: {  	v2 =	vadd.f32 v4, v2  }
0x103: {  	v4 =	vld [tilespmem:s24+$0x8B80]  }
0x104: {  	v2 =	vadd.f32 v5, v2  }
0x105: {  	v5 =	vld [tilespmem:s24+$0x8C00]  }
0x106: {  	v2 =	vadd.f32 v3, v2  }
0x107: {  	v3 =	vld [tilespmem:s24+$0x8C80]  }
0x108: {  	v2 =	vadd.f32 v4, v2  }
0x109: {  	v4 =	vld [tilespmem:s24+$0x8D00]  }
0x10a: {  	v2 =	vadd.f32 v5, v2  }
0x10b: {  	v5 =	vld [tilespmem:s24+$0x8D80]  }
0x10c: {  	v2 =	vadd.f32 v3, v2  }
0x10d: {  	v3 =	vld [tilespmem:s24+$0x8E00]  }
0x10e: {  	v2 =	vadd.f32 v4, v2  }
0x10f: {  	v4 =	vld [tilespmem:s24+$0x8E80]  }
0x110: {  	v2 =	vadd.f32 v5, v2  }
0x111: {  	v5 =	vld [tilespmem:s24+$0x8F00]  }
0x112: {  	v2 =	vadd.f32 v3, v2;
	_ =	sdelay $0x1  }
.Ltmp4:
0x113: {  	v2 =	vadd.f32 v4, v2;
	(pc) =	sbr.rel @p0 .LBB2_10-.Ltmp4, $4  }
0x114: {  	_ = 	snop  }
0x115: {  	s25 =	sadd.s32 $0x80, s25;
	v2 =	vadd.f32 v5, v2  }
0x116: {  	s8 =	sadd.s32 $0x10, s8;
	s26 =	sand.u32 $0x1C00, s25;
	s24 =	sand.u32 $0x70, s11  }
0x117: {  	s11 =	sadd.s32 $0x10, s11;
	s24 =	sor.u32 s24, s26;
	[tilespmem:s8+$0x0] =	vst v2  }
0x118: {  	v2 =	vld [tilespmem:s24+$0x7800]  }
0x119: {  	v3 =	vld [tilespmem:s24+$0x7780];
	_ =	sdelay $0x1  }
0x11a: {  	v4 =	vld [tilespmem:s24+$0x7880];
	_ =	sdelay $0x1  }
0x11b: {  	v5 =	vld [tilespmem:s24+$0x7900]  }
0x11c: {  	v2 =	vadd.f32 v2, v3  }
0x11d: {  	v3 =	vld [tilespmem:s24+$0x7980]  }
0x11e: {  	v2 =	vadd.f32 v4, v2  }
0x11f: {  	v56 =	vld [tilespmem:s24+$0x7A00]  }
0x120: {  	v2 =	vadd.f32 v5, v2  }
0x121: {  	v57 =	vld [tilespmem:s24+$0x7A80]  }
0x122: {  	v2 =	vadd.f32 v3, v2  }
0x123: {  	v3 =	vld [tilespmem:s24+$0x7B00]  }
0x124: {  	v2 =	vadd.f32 v56, v2  }
0x125: {  	v58 =	vld [tilespmem:s24+$0x8B80]  }
0x126: {  	v2 =	vadd.f32 v57, v2  }
0x127: {  	v59 =	vld [tilespmem:s24+$0x8C00]  }
0x128: {  	v2 =	vadd.f32 v3, v2  }
0x129: {  	v3 =	vld [tilespmem:s24+$0x8C80]  }
0x12a: {  	v2 =	vadd.f32 v58, v2  }
0x12b: {  	v60 =	vld [tilespmem:s24+$0x8D00]  }
0x12c: {  	v2 =	vadd.f32 v59, v2  }
0x12d: {  	v61 =	vld [tilespmem:s24+$0x8D80]  }
0x12e: {  	v2 =	vadd.f32 v3, v2  }
0x12f: {  	v3 =	vld [tilespmem:s24+$0x8E00]  }
0x130: {  	v2 =	vadd.f32 v60, v2  }
0x131: {  	v62 =	vld [tilespmem:s24+$0x8E80]  }
0x132: {  	v2 =	vadd.f32 v61, v2  }
0x133: {  	v63 =	vld [tilespmem:s24+$0x8F00]  }
0x134: {  	v2 =	vadd.f32 v3, v2;
	_ =	sdelay $0x1  }
0x135: {  	v2 =	vadd.f32 v62, v2;
	_ =	sdelay $0x1  }
0x136: {  	v2 =	vadd.f32 v63, v2  }
0x137: {  	s8 =	sadd.s32 $0x10, s8  }
0x138: {  	[tilespmem:s8+$0x0] =	vst v2;
	s8 =	simm.s32 $0x2780  }
.LBB2_12:
0x139: {  	v3 =	vmov s8;
	_ =	sdelay $0x3  }
0x13a: {  	s11 =	simm.s32 $0x0  }
0x13b: {  	v4 =	vld.idx.msk [tilespmem:v3+s11+$0x0 ss:$0x1], $0xffff  }
0x13c: {  	v2 =	vmov s23;
	_ =	sdelay $0x3  }
0x13d: {  	v5 =	vbroadcast v4, $0xB  }
0x13e: {  	s24 =	simm.s32 $0xA380;
	v7 =	vld.idx.msk [tilespmem:v2+s11+$0x0 ss:$0x1], $0xffff;
	v6 =	vbroadcast v4, $0xA  }
0x13f: {  	v8 =	vbroadcast v4, $0x9;
	[tilespmem:s24+$0x180] =	vst v5  }
0x140: {  	v46 =	vbroadcast v4, $0x7;
	[tilespmem:s24+$0x100] =	vst v6  }
0x141: {  	v47 =	vbroadcast v4, $0x6;
	[tilespmem:s24+$0x80] =	vst v8  }
0x142: {  	v48 =	vbroadcast v4, $0x4;
	[tilespmem:s24+$0xFFFFFF80] =	vst v46  }
0x143: {  	v49 =	vbroadcast v7, $0x3;
	[tilespmem:s24+$0xFFFFFF00] =	vst v47  }
0x144: {  	v50 =	vbroadcast v7, $0x1;
	[tilespmem:s24+$0xFFFFFE00] =	vst v48  }
0x145: {  	v51 =	vbroadcast v7, $0x0;
	[tilespmem:s24+$0xFFFFFDC0] =	vst v49  }
0x146: {  	v52 =	vbroadcast v7, $0xA;
	[tilespmem:s24+$0xFFFFFCC0] =	vst v50  }
0x147: {  	v53 =	vbroadcast v7, $0x9;
	[tilespmem:s24+$0xFFFFFC40] =	vst v51  }
0x148: {  	v54 =	vbroadcast v7, $0x7;
	[tilespmem:s24+$0x140] =	vst v52  }
0x149: {  	v55 =	vbroadcast v7, $0x6;
	[tilespmem:s24+$0xC0] =	vst v53  }
0x14a: {  	v5 =	vbroadcast v4, $0x8;
	[tilespmem:s24+$0xFFFFFFC0] =	vst v54  }
0x14b: {  	v56 =	vbroadcast v7, $0x4;
	[tilespmem:s24+$0xFFFFFF40] =	vst v55  }
0x14c: {  	[tilespmem:s24+$0x0] =	vst v5;
	v5 =	vbroadcast v4, $0x5  }
0x14d: {  	v57 =	vbroadcast v4, $0x3;
	[tilespmem:s24+$0xFFFFFE40] =	vst v56  }
0x14e: {  	[tilespmem:s24+$0xFFFFFE80] =	vst v5;
	v5 =	vbroadcast v7, $0x2  }
0x14f: {  	v58 =	vbroadcast v4, $0x1;
	[tilespmem:s24+$0xFFFFFD80] =	vst v57  }
0x150: {  	[tilespmem:s24+$0xFFFFFD40] =	vst v5;
	v5 =	vbroadcast v7, $0xB  }
0x151: {  	v59 =	vbroadcast v4, $0x0;
	[tilespmem:s24+$0xFFFFFC80] =	vst v58  }
0x152: {  	[tilespmem:s24+$0x1C0] =	vst v5;
	v5 =	vbroadcast v7, $0x8  }
0x153: {  	v60 =	vbroadcast v7, $0xC;
	[tilespmem:s24+$0xFFFFFC00] =	vst v59  }
0x154: {  	[tilespmem:s24+$0x40] =	vst v5;
	v5 =	vbroadcast v7, $0x5  }
0x155: {  	v61 =	vbroadcast v4, $0xD;
	[tilespmem:s24+$0x240] =	vst v60  }
0x156: {  	[tilespmem:s24+$0xFFFFFEC0] =	vst v5;
	v5 =	vbroadcast v4, $0x2  }
0x157: {  	v62 =	vbroadcast v4, $0xE;
	[tilespmem:s24+$0x280] =	vst v61  }
0x158: {  	[tilespmem:s24+$0xFFFFFD00] =	vst v5;
	v5 =	vbroadcast v4, $0xC  }
0x159: {  	v63 =	vbroadcast v7, $0xE;
	[tilespmem:s24+$0x300] =	vst v62  }
0x15a: {  	[tilespmem:s24+$0x200] =	vst v5;
	v5 =	vbroadcast v7, $0xD  }
0x15b: {  	[tilespmem:s24+$0x340] =	vst v63;
	v4 =	vbroadcast v4, $0xF  }
0x15c: {  	[tilespmem:s24+$0x2C0] =	vst v5;
	v5 =	vbroadcast v7, $0xF  }
0x15d: {  	[tilespmem:s24+$0x380] =	vst v4  }
0x15e: {  	s26 =	simm.s32 $0x10;
	s25 =	simm.s32 $0x80;
	[tilespmem:s24+$0x3C0] =	vst v5  }
.LBB2_13:
0x15f: {  	p0 =	sne.s32 s25, $0xC0;
	v4 =	vld.idx.msk [tilespmem:v3+s26+$0x0 ss:$0x1], $0xffff;
	_ =	sdelay $0x5  }
0x160: {  	v5 =	vbroadcast v4, $0xA;
	v6 =	vbroadcast v4, $0xB  }
0x161: {  	s24 =	sadd.s32 $0x800, s24;
	v7 =	vbroadcast v4, $0x8;
	v8 =	vbroadcast v4, $0x9  }
0x162: {  	v10 =	vbroadcast v4, $0x6;
	v11 =	vbroadcast v4, $0x7;
	v9 =	vld.idx.msk [tilespmem:v2+s26+$0x0 ss:$0x1], $0xffff;
	[tilespmem:s24+$0x180] =	vst v6  }
0x163: {  	v12 =	vbroadcast v4, $0x5;
	v6 =	vbroadcast v4, $0x4;
	[tilespmem:s24+$0x100] =	vst v5  }
0x164: {  	v13 =	vbroadcast v4, $0x3;
	v5 =	vbroadcast v4, $0x2;
	[tilespmem:s24+$0x80] =	vst v8  }
0x165: {  	v14 =	vbroadcast v4, $0x1;
	v8 =	vbroadcast v4, $0x0;
	[tilespmem:s24+$0x0] =	vst v7  }
0x166: {  	v7 =	vbroadcast v4, $0xC;
	[tilespmem:s24+$0xFFFFFF80] =	vst v11;
	v11 =	vbroadcast v4, $0xD  }
0x167: {  	[tilespmem:s24+$0xFFFFFF00] =	vst v10;
	v10 =	vbroadcast v4, $0xE;
	v4 =	vbroadcast v4, $0xF  }
0x168: {  	v15 =	vbroadcast v9, $0x2;
	v16 =	vbroadcast v9, $0x3;
	[tilespmem:s24+$0xFFFFFE80] =	vst v12  }
0x169: {  	v17 =	vbroadcast v9, $0x1;
	v12 =	vbroadcast v9, $0x0;
	[tilespmem:s24+$0xFFFFFE00] =	vst v6  }
0x16a: {  	v6 =	vbroadcast v9, $0xA;
	[tilespmem:s24+$0xFFFFFDC0] =	vst v16;
	v16 =	vbroadcast v9, $0xB  }
0x16b: {  	v18 =	vbroadcast v9, $0x9;
	[tilespmem:s24+$0xFFFFFD40] =	vst v15;
	v15 =	vbroadcast v9, $0x8  }
0x16c: {  	v19 =	vbroadcast v9, $0x7;
	[tilespmem:s24+$0xFFFFFCC0] =	vst v17;
	v17 =	vbroadcast v9, $0x6  }
0x16d: {  	v20 =	vbroadcast v9, $0x5;
	[tilespmem:s24+$0xFFFFFC40] =	vst v12;
	v12 =	vbroadcast v9, $0x4  }
0x16e: {  	v21 =	vbroadcast v9, $0xD;
	[tilespmem:s24+$0x1C0] =	vst v16;
	v16 =	vbroadcast v9, $0xC  }
0x16f: {  	[tilespmem:s24+$0x140] =	vst v6;
	v6 =	vbroadcast v9, $0xE;
	v9 =	vbroadcast v9, $0xF  }
0x170: {  	[tilespmem:s24+$0xC0] =	vst v18  }
0x171: {  	[tilespmem:s24+$0x40] =	vst v15  }
0x172: {  	[tilespmem:s24+$0xFFFFFFC0] =	vst v19  }
0x173: {  	[tilespmem:s24+$0xFFFFFF40] =	vst v17  }
0x174: {  	[tilespmem:s24+$0xFFFFFEC0] =	vst v20  }
0x175: {  	[tilespmem:s24+$0xFFFFFE40] =	vst v12  }
0x176: {  	[tilespmem:s24+$0xFFFFFD80] =	vst v13  }
0x177: {  	[tilespmem:s24+$0xFFFFFD00] =	vst v5  }
0x178: {  	[tilespmem:s24+$0xFFFFFC80] =	vst v14  }
0x179: {  	[tilespmem:s24+$0xFFFFFC00] =	vst v8  }
0x17a: {  	[tilespmem:s24+$0x200] =	vst v7  }
0x17b: {  	[tilespmem:s24+$0x240] =	vst v16  }
0x17c: {  	[tilespmem:s24+$0x280] =	vst v11  }
.Ltmp5:
0x17d: {  	[tilespmem:s24+$0x2C0] =	vst v21;
	(pc) =	sbr.rel @p0 .LBB2_13-.Ltmp5, $4  }
0x17e: {  	[tilespmem:s24+$0x300] =	vst v10  }
0x17f: {  	[tilespmem:s24+$0x340] =	vst v6  }
0x180: {  	[tilespmem:s24+$0x380] =	vst v4  }
0x181: {  	s26 =	sshra.s32 s25, $0x2;
	s25 =	sadd.s32 $0x40, s25;
	[tilespmem:s24+$0x3C0] =	vst v9  }
0x182: {  	_ =	sdelay $0x3  }
0x183: {  	v3 =	vld.idx.msk [tilespmem:v3+s26+$0x0 ss:$0x1], $0xffff;
	_ =	sdelay $0x4  }
0x184: {  	v4 =	vbroadcast v3, $0xB  }
0x185: {  	s11 =	sadd.s32 $0x800, s24;
	v5 =	vbroadcast v3, $0xA  }
0x186: {  	v2 =	vld.idx.msk [tilespmem:v2+s26+$0x0 ss:$0x1], $0xffff;
	v6 =	vbroadcast v3, $0x9;
	[tilespmem:s11+$0x180] =	vst v4  }
0x187: {  	v37 =	vbroadcast v3, $0x8;
	[tilespmem:s11+$0x100] =	vst v5  }
0x188: {  	v38 =	vbroadcast v3, $0x7;
	[tilespmem:s11+$0x80] =	vst v6  }
0x189: {  	v39 =	vbroadcast v3, $0x6;
	[tilespmem:s11+$0x0] =	vst v37  }
0x18a: {  	v40 =	vbroadcast v3, $0x5;
	[tilespmem:s11+$0xFFFFFF80] =	vst v38  }
0x18b: {  	v41 =	vbroadcast v3, $0x4;
	[tilespmem:s11+$0xFFFFFF00] =	vst v39  }
0x18c: {  	v42 =	vbroadcast v2, $0x3;
	[tilespmem:s11+$0xFFFFFE80] =	vst v40  }
0x18d: {  	v43 =	vbroadcast v2, $0x2;
	[tilespmem:s11+$0xFFFFFE00] =	vst v41  }
0x18e: {  	v44 =	vbroadcast v2, $0x1;
	[tilespmem:s11+$0xFFFFFDC0] =	vst v42  }
0x18f: {  	v45 =	vbroadcast v2, $0x0;
	[tilespmem:s11+$0xFFFFFD40] =	vst v43  }
0x190: {  	v46 =	vbroadcast v2, $0xB;
	[tilespmem:s11+$0xFFFFFCC0] =	vst v44  }
0x191: {  	v47 =	vbroadcast v2, $0xA;
	[tilespmem:s11+$0xFFFFFC40] =	vst v45  }
0x192: {  	v48 =	vbroadcast v2, $0x9;
	[tilespmem:s11+$0x1C0] =	vst v46  }
0x193: {  	v49 =	vbroadcast v2, $0x8;
	[tilespmem:s11+$0x140] =	vst v47  }
0x194: {  	v50 =	vbroadcast v2, $0x7;
	[tilespmem:s11+$0xC0] =	vst v48  }
0x195: {  	v51 =	vbroadcast v2, $0x6;
	[tilespmem:s11+$0x40] =	vst v49  }
0x196: {  	v52 =	vbroadcast v2, $0x5;
	[tilespmem:s11+$0xFFFFFFC0] =	vst v50  }
0x197: {  	v53 =	vbroadcast v2, $0x4;
	[tilespmem:s11+$0xFFFFFF40] =	vst v51  }
0x198: {  	v54 =	vbroadcast v3, $0x3;
	[tilespmem:s11+$0xFFFFFEC0] =	vst v52  }
0x199: {  	v55 =	vbroadcast v3, $0x2;
	[tilespmem:s11+$0xFFFFFE40] =	vst v53  }
0x19a: {  	v56 =	vbroadcast v3, $0x1;
	[tilespmem:s11+$0xFFFFFD80] =	vst v54  }
0x19b: {  	v57 =	vbroadcast v3, $0x0;
	[tilespmem:s11+$0xFFFFFD00] =	vst v55  }
0x19c: {  	v58 =	vbroadcast v3, $0xC;
	[tilespmem:s11+$0xFFFFFC80] =	vst v56  }
0x19d: {  	v59 =	vbroadcast v2, $0xC;
	[tilespmem:s11+$0xFFFFFC00] =	vst v57  }
0x19e: {  	v60 =	vbroadcast v3, $0xD;
	[tilespmem:s11+$0x200] =	vst v58  }
0x19f: {  	v61 =	vbroadcast v2, $0xD;
	[tilespmem:s11+$0x240] =	vst v59  }
0x1a0: {  	v62 =	vbroadcast v3, $0xE;
	[tilespmem:s11+$0x280] =	vst v60  }
0x1a1: {  	v63 =	vbroadcast v2, $0xE;
	[tilespmem:s11+$0x2C0] =	vst v61  }
0x1a2: {  	s25 =	sshll.u32 s22, $0xD;
	v3 =	vbroadcast v3, $0xF;
	[tilespmem:s11+$0x300] =	vst v62  }
0x1a3: {  	s22 =	sadd.s32 $0x1, s22;
	s24 =	sadd.s32 s25, s10;
	v2 =	vbroadcast v2, $0xF;
	[tilespmem:s11+$0x340] =	vst v63  }
0x1a4: {  	p0 =	sne.s32 s22, $0xA;
	s24 =	sshrl.u32 s24, $0x3;
	[tilespmem:s11+$0x380] =	vst v3  }
.Ltmp6:
0x1a5: {  	s26 =	sadd.s32 s3, s24;
	[tilespmem:s11+$0x3C0] =	vst v2;
	(pc) =	sbr.rel @p0 .LBB2_12-.Ltmp6, $4  }
0x1a6: {  	[hbm4b:s26+s2] =	stream.linear.scatter [tilespmem:s20], [sflag:$0x1], $0x2000, $0x38;
	[tilespmem:$0x10F80] =	vst v63  }
0x1a7: {  	_ =	swait.ge [sflag:s1], $0x2000  }
0x1a8: {  	[sflag:s1] =	ssyncset.done $0x0  }
0x1a9: {  	s8 =	sadd.s32 $0x40, s8;
	s23 =	sadd.s32 $0x40, s23;
	[sflag:s1] =	ssyncadd.s32 $0xFFFFE000  }
0x1aa: {  	s21 =	sadd.s32 $0x1, s21;
	s8 =	rddreg [dreg:$0x7]  }
0x1ab: {  	p0 =	sne.s32 s21, s8  }
.Ltmp7:
0x1ac: {  	_ = 	snop;
	(pc) =	sbr.rel @p0 .LBB2_1-.Ltmp7, $2  }
0x1ad: {  	_ =	sdelay $0x2  }
0x1ae: {  	s23 =	simm.s32 $0x400;
	s25 =	simm.s32 $0x7780  }
0x1af: {  	_ =	sfence.sel $0x180000  }
0x1b0: {  	[bflag:$0x0] =	sbarrier.arrive $0xFFFF  }
0x1b1: {  	_ =	strace $0x90000047  }
0x1b2: {  	s0 =	stileid.u32;
	[bflag:$0x2] =	sbarrier.arrive $0xFFFF  }
0x1b3: {  	p0 =	sne.s32 s0, $0x0;
	s0 =	rddreg [dreg:$0x2]  }
0x1b4: {  	s0 =	sadd.s32 @!p0 $0x100000, s0  }
0x1b5: {  	[sflag:s0] =	ssyncadd.tile.s32 @!p0 $0x1;
	_ =	shalt  }
.Lfunc_end2:
_tile_overlayer_lowered:
.L_overlay_start_2:
0x1b6: {  	(tag) =	ssettag $0x2  }
0x1b7: {  	s0 =	rddreg [dreg:$0x0];
	s2 =	stileid.u32  }
0x1b8: {  	s1 =	rddreg [dreg:$0x1];
	p0 =	sne.s32 s2, $0x0  }
0x1b9: {  	s3 =	rddreg [dreg:$0x2];
	[bflag:$0x3] =	sbarrier.arrive $0xFFFF;
	s2 =	simm.s32 @!p0 $0x1C01  }
0x1ba: {  	[timem:s3], [sflag:s2] =	dma.local @!p0 [hbm:s0], s1  }
0x1bb: {  	s0 =	simm.s32 @!p0 $0x1  }
0x1bc: {  	_ =	swait.ge @!p0 [sflag:s0], s1  }
0x1bd: {  	s1 =	ssub.s32 @!p0 $0x0, s1;
	[sflag:s0] =	ssyncset.done @!p0 $0x0  }
0x1be: {  	[sflag:s0] =	ssyncadd.s32 @!p0 s1  }
0x1bf: {  	[bflag:$0x3] =	sbarrier.arrive $0xFFFF  }
0x1c0: {  	_ =	shalt  }

</sc_bundles>
